<compile_context>
chip_gen: v7x
topology: tpu7x:2x2x1
jax: 0.10.2.dev20260603
libtpu: 0.0.44.dev20260713+nightly
codegen_flags: <defaults>
</compile_context>

<pallas_src>
import functools

import jax
import jax.numpy as jnp
from jax import lax
from jax.experimental import pallas as pl
from jax.experimental.pallas import tpu as pltpu
from jax.experimental.pallas import tpu_sc as plsc

N = 100000
E = 400000
DEG = 8

GRAVITY = 9.81
ICE_DENSITY = 917.0
WATER_DENSITY = 1000.0

NC = 2
NS = 16
NW = NC * NS
L = 16


def _pad_to_workers(n, mult):
    per = -(-n // NW)
    per = -(-per // mult) * mult
    return per * NW, per


N_PAD, CN = _pad_to_workers(N, L)
EW = E // 4
CHB = 1600
NCHB = E // CHB
KB = -(-NCHB // NW)
S = 784
NB = CN // S

_MESH = plsc.VectorSubcoreMesh(core_axis_name="c", subcore_axis_name="s")
_PARAMS = pltpu.CompilerParams(needs_layout_passes=False)


def _wid():
    return lax.axis_index("s") * NC + lax.axis_index("c")


@functools.partial(
    pl.kernel,
    out_type=(
        jax.ShapeDtypeStruct((N_PAD,), jnp.float32),
        jax.ShapeDtypeStruct((N_PAD,), jnp.float32),
        jax.ShapeDtypeStruct((N_PAD,), jnp.float32),
    ),
    mesh=_MESH,
    compiler_params=_PARAMS,
    scratch_types=(
        [pltpu.VMEM((N_PAD,), jnp.float32)]
        + [pltpu.VMEM((CN,), jnp.float32) for _ in range(5)]
        + [pltpu.VMEM((DEG * S,), jnp.int32) for _ in range(2)]
        + [pltpu.SemaphoreType.DMA for _ in range(4)]
    ),
)
def _node_fields(ice_hbm, bed_hbm, adj_hbm, op_hbm, comb_hbm, gate_hbm,
                 bed_tab, ice_v, bed_v, op_v, comb_v, min_v, adj_v0, adj_v1,
                 tab_sem, chunk_sem, adj_sem0, adj_sem1):
    w = _wid()
    base = w * CN
    adjs = [adj_v0, adj_v1]
    adj_sems = [adj_sem0, adj_sem1]

    tab_cpy = pltpu.async_copy(bed_hbm, bed_tab, tab_sem)
    ice_cpy = pltpu.async_copy(ice_hbm.at[pl.ds(base, CN)], ice_v, chunk_sem)
    bed_cpy = pltpu.async_copy(bed_hbm.at[pl.ds(base, CN)], bed_v, chunk_sem)

    def stage(b):
        s = b % 2
        return pltpu.async_copy(
            adj_hbm.at[pl.ds((w * NB + b) * (DEG * S), DEG * S)],
            adjs[s], adj_sems[s])

    adj_pending = {0: stage(0)}
    ice_cpy.wait()
    bed_cpy.wait()

    def nf_body(i, carry):
        sl = pl.ds(i * L, L)
        op = ice_v[sl] * (ICE_DENSITY * GRAVITY)
        op_v[sl] = op
        comb_v[sl] = op + (WATER_DENSITY * GRAVITY) * bed_v[sl]
        return carry

    lax.fori_loop(0, CN // L, nf_body, 0)
    out_op = pltpu.async_copy(op_v, op_hbm.at[pl.ds(base, CN)], chunk_sem)
    out_comb = pltpu.async_copy(comb_v, comb_hbm.at[pl.ds(base, CN)], chunk_sem)

    tab_cpy.wait()
    for b in range(NB):
        s = b % 2
        if b + 1 < NB:
            adj_pending[b + 1] = stage(b + 1)
        adj_pending.pop(b).wait()
        av = adjs[s]

        def min_body(i, carry, av=av, b=b):
            m = plsc.load_gather(bed_tab, [av[pl.ds(i * L, L)]])
            for d in range(1, DEG):
                m = jnp.minimum(
                    m, plsc.load_gather(bed_tab, [av[pl.ds(d * S + i * L, L)]]))
            min_v[pl.ds(b * S + i * L, L)] = m
            return carry

        lax.fori_loop(0, S // L, min_body, 0)

    def gate_body(i, carry):
        sl = pl.ds(i * L, L)
        bed = bed_v[sl]
        ok = (bed < min_v[sl]) & (ice_v[sl] + bed < 1000.0)
        min_v[sl] = jnp.where(ok, 1.0, 0.0)
        return carry

    lax.fori_loop(0, CN // L, gate_body, 0)
    out_gate = pltpu.async_copy(min_v, gate_hbm.at[pl.ds(base, CN)], chunk_sem)
    out_op.wait()
    out_comb.wait()
    out_gate.wait()


@functools.partial(
    pl.kernel,
    out_type=(
        jax.ShapeDtypeStruct((E,), jnp.float32),
        jax.ShapeDtypeStruct((EW,), jnp.int32),
    ),
    mesh=_MESH,
    compiler_params=_PARAMS,
    scratch_types=(
        [pltpu.VMEM((N_PAD,), jnp.float32)]
        + [pltpu.VMEM((CHB,), jnp.int32) for _ in range(3)]
        + [pltpu.VMEM((CHB,), jnp.int32) for _ in range(3)]
        + [pltpu.VMEM((CHB,), jnp.float32) for _ in range(3)]
        + [pltpu.VMEM((CHB,), jnp.int32) for _ in range(3)]
        + [pltpu.VMEM((CHB,), jnp.float32) for _ in range(3)]
        + [pltpu.VMEM((CHB // 4,), jnp.int32) for _ in range(3)]
        + [pltpu.SemaphoreType.DMA for _ in range(7)]
    ),
)
def _edge_gradient(comb_hbm, head_hbm, tail_hbm, len_hbm, stat_hbm,
                   grad_hbm, signw_hbm,
                   tab_v, head_v0, head_v1, head_v2, tail_v0, tail_v1, tail_v2,
                   len_v0, len_v1, len_v2, stat_v0, stat_v1, stat_v2,
                   g_v0, g_v1, g_v2, sw_v0, sw_v1, sw_v2,
                   tab_sem, in_sem0, in_sem1, in_sem2,
                   out_sem0, out_sem1, out_sem2):
    w = _wid()
    heads = [head_v0, head_v1, head_v2]
    tails = [tail_v0, tail_v1, tail_v2]
    lens = [len_v0, len_v1, len_v2]
    stats = [stat_v0, stat_v1, stat_v2]
    gs = [g_v0, g_v1, g_v2]
    sws = [sw_v0, sw_v1, sw_v2]
    in_sems = [in_sem0, in_sem1, in_sem2]
    out_sems = [out_sem0, out_sem1, out_sem2]

    tab_cpy = pltpu.async_copy(comb_hbm, tab_v, tab_sem)

    def cid(k):
        c = w + k * NW
        return jnp.where(c < NCHB, c, w)

    def stage(k):
        s = k % 3
        off = pl.ds(cid(k) * CHB, CHB)
        return [pltpu.async_copy(head_hbm.at[off], heads[s], in_sems[s]),
                pltpu.async_copy(tail_hbm.at[off], tails[s], in_sems[s]),
                pltpu.async_copy(len_hbm.at[off], lens[s], in_sems[s]),
                pltpu.async_copy(stat_hbm.at[off], stats[s], in_sems[s])]

    pending = {0: stage(0), 1: stage(1)}
    out_pending = {}
    tab_cpy.wait()
    for k in range(KB):
        s = k % 3
        if k + 2 < KB:
            pending[k + 2] = stage(k + 2)
        for cp in pending.pop(k):
            cp.wait()
        if k - 3 in out_pending:
            for cp in out_pending.pop(k - 3):
                cp.wait()
        hv, tv, lv, sv, gv, swv = (heads[s], tails[s], lens[s], stats[s],
                                   gs[s], sws[s])

        def body(j, carry):
            word = jnp.zeros((L,), jnp.int32)
            for q in range(4):
                sl = pl.ds(j * 64 + q * L, L)
                gh = plsc.load_gather(tab_v, [hv[sl]])
                gt = plsc.load_gather(tab_v, [tv[sl]])
                g = (gt - gh) / lv[sl]
                g = jnp.where(sv[sl] != 0, 0.0, g)
                gv[sl] = g
                sgn = jnp.where(g > 0.0, 2, jnp.where(g < 0.0, 1, 0))
                word = word | (sgn << (8 * q))
            swv[pl.ds(j * L, L)] = word
            return carry

        lax.fori_loop(0, CHB // 64, body, 0)
        out_pending[k] = [
            pltpu.async_copy(gv, grad_hbm.at[pl.ds(cid(k) * CHB, CHB)],
                             out_sems[s]),
            pltpu.async_copy(swv,
                             signw_hbm.at[pl.ds(cid(k) * (CHB // 4),
                                                CHB // 4)],
                             out_sems[s]),
        ]
    for cps in out_pending.values():
        for cp in cps:
            cp.wait()


@functools.partial(
    pl.kernel,
    out_type=jax.ShapeDtypeStruct((N_PAD,), jnp.float32),
    mesh=_MESH,
    compiler_params=_PARAMS,
    scratch_types=(
        [pltpu.VMEM((EW,), jnp.int32)]
        + [pltpu.VMEM((DEG * S,), jnp.int32) for _ in range(2)]
        + [pltpu.VMEM((CN,), jnp.float32) for _ in range(2)]
        + [pltpu.SemaphoreType.DMA for _ in range(4)]
    ),
)
def _boundaries(signw_hbm, enc_hbm, gate_hbm, out_hbm,
                sign_tab, enc_v0, enc_v1, any_v, gate_v,
                tab_sem, gate_sem, in_sem0, in_sem1):
    w = _wid()
    base = w * CN
    encs = [enc_v0, enc_v1]
    in_sems = [in_sem0, in_sem1]

    tab_cpy = pltpu.async_copy(signw_hbm, sign_tab, tab_sem)
    gate_cpy = pltpu.async_copy(gate_hbm.at[pl.ds(base, CN)], gate_v, gate_sem)

    def stage(b):
        s = b % 2
        return pltpu.async_copy(
            enc_hbm.at[pl.ds((w * NB + b) * (DEG * S), DEG * S)],
            encs[s], in_sems[s])

    pending = {0: stage(0)}
    tab_cpy.wait()
    gate_cpy.wait()
    for b in range(NB):
        s = b % 2
        if b + 1 < NB:
            pending[b + 1] = stage(b + 1)
        pending.pop(b).wait()
        ev = encs[s]

        def any_body(i, carry, ev=ev, b=b):
            acc = jnp.zeros((L,), jnp.int32)
            for d in range(DEG):
                e = ev[pl.ds(d * S + i * L, L)]
                wd = plsc.load_gather(sign_tab, [e & 0x1FFFF])
                acc = acc | ((wd >> (e >> 17)) & 1)
            sl = pl.ds(b * S + i * L, L)
            any_v[sl] = jnp.where(acc != 0, gate_v[sl], 0.0)
            return carry

        lax.fori_loop(0, S // L, any_body, 0)

    pltpu.sync_copy(any_v, out_hbm.at[pl.ds(base, CN)])


def kernel(ice_thickness, bedrock_elevation, length_of_link,
           node_at_link_head, node_at_link_tail, links_at_node,
           link_dirs_at_node, active_adjacent_nodes_at_node,
           status_at_link):
    npad = N_PAD - N
    ice = jnp.pad(ice_thickness, (0, npad))
    bed = jnp.pad(bedrock_elevation, (0, npad))

    def blocked(a2d):
        ap = jnp.pad(a2d, ((0, npad), (0, 0)))
        return ap.reshape(N_PAD // S, S, DEG).transpose(0, 2, 1).reshape(-1)

    v = links_at_node
    dirn = link_dirs_at_node
    widx = ((v >> 6) << 4) | (v & 15)
    samt = jnp.where(dirn == 0, 31,
                     ((v >> 4) & 3) * 8 + (dirn == 1).astype(jnp.int32))
    enc_blk = blocked(widx | (samt << 17))
    adj_blk = blocked(active_adjacent_nodes_at_node)

    overburden, combined, gate = _node_fields(ice, bed, adj_blk)
    grad, signw = _edge_gradient(combined, node_at_link_head,
                                 node_at_link_tail, length_of_link,
                                 status_at_link)
    bnd = _boundaries(signw, enc_blk, gate)

    return (grad, overburden[:N], bnd[:N].astype(jnp.bool_))

# --- scband reference (transcript-rebuilt; emitter-appended) ---
"""Pipeline reference for scband-glacier-77876347011667 (READ-ONLY COPY).

The authoritative reference and input builder live on the scoring server;
editing this copy changes nothing except your own understanding.
"""

import jax, jax.numpy as jnp
import numpy as np

N = 100000
E = 400000
DEG = 8

GRAVITY = 9.81
ICE_DENSITY = 917.0
WATER_DENSITY = 1000.0


def setup_inputs(seed: int = 0) -> dict:
    key = jax.random.key(seed)
    ks = jax.random.split(key, 9)
    ice_thickness = jax.random.uniform(ks[0], (N,), jnp.float32) * 500.0
    bedrock_elevation = jax.random.normal(ks[1], (N,), jnp.float32) * 300.0
    length_of_link = jax.random.uniform(ks[2], (E,), jnp.float32) * 100.0 + 1.0
    node_at_link_head = jax.random.randint(ks[3], (E,), 0, N, jnp.int32)
    node_at_link_tail = jax.random.randint(ks[4], (E,), 0, N, jnp.int32)
    links_at_node = jax.random.randint(ks[5], (N, DEG), 0, E, jnp.int32)
    link_dirs_at_node = jax.random.randint(ks[6], (N, DEG), 0, 3, jnp.int32) - 1
    active_adjacent_nodes_at_node = jax.random.randint(ks[7], (N, DEG), 0, N, jnp.int32)
    status_at_link = jax.random.randint(ks[8], (E,), 0, 2, jnp.int32)
    return {
        "ice_thickness": ice_thickness,
        "bedrock_elevation": bedrock_elevation,
        "length_of_link": length_of_link,
        "node_at_link_head": node_at_link_head,
        "node_at_link_tail": node_at_link_tail,
        "links_at_node": links_at_node,
        "link_dirs_at_node": link_dirs_at_node,
        "active_adjacent_nodes_at_node": active_adjacent_nodes_at_node,
        "status_at_link": status_at_link,
    }


def _calc_grad_at_link(arr, head, tail, length_of_link):
    return jnp.divide(arr[head] - arr[tail], length_of_link)


def reference(ice_thickness, bedrock_elevation, length_of_link,
              node_at_link_head, node_at_link_tail, links_at_node,
              link_dirs_at_node, active_adjacent_nodes_at_node,
              status_at_link):
    # Glacier.__post_init__
    overburden_pressure = ICE_DENSITY * GRAVITY * ice_thickness
    pressure_slope = _calc_grad_at_link(overburden_pressure, node_at_link_head,
                                        node_at_link_tail, length_of_link)
    bedrock_slope = _calc_grad_at_link(bedrock_elevation, node_at_link_head,
                                       node_at_link_tail, length_of_link)
    base_gradient = -pressure_slope - WATER_DENSITY * GRAVITY * bedrock_slope
    base_gradient = jnp.where(status_at_link != 0, 0.0, base_gradient)

    # Glacier.label_boundaries
    ordered_gradients = link_dirs_at_node.astype(base_gradient.dtype) * base_gradient[links_at_node]
    neighbor_elevation = bedrock_elevation[active_adjacent_nodes_at_node]
    lowest_neighbor = jnp.min(neighbor_elevation, axis=1)
    boundary_ids = ((bedrock_elevation < lowest_neighbor)
                    * jnp.any(ordered_gradients > 0, axis=1)
                    * (ice_thickness + bedrock_elevation < 1000.0))
    return base_gradient, overburden_pressure, boundary_ids


if False:  # reference __main__ guard neutralized (emitter)
    out = reference(**setup_inputs())
    print([o.shape for o in out])

if __name__ == "__main__":
    import jax
    _d = setup_inputs()
    print(jax.jit(kernel)(*tuple(_d.values())))

</pallas_src>

<mosaic_0001>
#map = affine_map<(d0, d1) -> (0)>
module attributes {stable_mosaic.version = 14 : i64} {
  func.func @_edge_gradient(%arg0: i32, %arg1: i32, %arg2: memref<100352xf32, #tpu.memory_space<hbm>>, %arg3: memref<400000xi32, #tpu.memory_space<hbm>>, %arg4: memref<400000xi32, #tpu.memory_space<hbm>>, %arg5: memref<400000xf32, #tpu.memory_space<hbm>>, %arg6: memref<400000xi32, #tpu.memory_space<hbm>>, %arg7: memref<400000xf32, #tpu.memory_space<hbm>>, %arg8: memref<100000xi32, #tpu.memory_space<hbm>>, %arg9: memref<100352xf32, #tpu.memory_space<vmem>>, %arg10: memref<1600xi32, #tpu.memory_space<vmem>>, %arg11: memref<1600xi32, #tpu.memory_space<vmem>>, %arg12: memref<1600xi32, #tpu.memory_space<vmem>>, %arg13: memref<1600xi32, #tpu.memory_space<vmem>>, %arg14: memref<1600xi32, #tpu.memory_space<vmem>>, %arg15: memref<1600xi32, #tpu.memory_space<vmem>>, %arg16: memref<1600xf32, #tpu.memory_space<vmem>>, %arg17: memref<1600xf32, #tpu.memory_space<vmem>>, %arg18: memref<1600xf32, #tpu.memory_space<vmem>>, %arg19: memref<1600xi32, #tpu.memory_space<vmem>>, %arg20: memref<1600xi32, #tpu.memory_space<vmem>>, %arg21: memref<1600xi32, #tpu.memory_space<vmem>>, %arg22: memref<1600xf32, #tpu.memory_space<vmem>>, %arg23: memref<1600xf32, #tpu.memory_space<vmem>>, %arg24: memref<1600xf32, #tpu.memory_space<vmem>>, %arg25: memref<400xi32, #tpu.memory_space<vmem>>, %arg26: memref<400xi32, #tpu.memory_space<vmem>>, %arg27: memref<400xi32, #tpu.memory_space<vmem>>, %arg28: memref<!tpu.dma_semaphore, #tpu.memory_space<semaphore_mem>>, %arg29: memref<!tpu.dma_semaphore, #tpu.memory_space<semaphore_mem>>, %arg30: memref<!tpu.dma_semaphore, #tpu.memory_space<semaphore_mem>>, %arg31: memref<!tpu.dma_semaphore, #tpu.memory_space<semaphore_mem>>, %arg32: memref<!tpu.dma_semaphore, #tpu.memory_space<semaphore_mem>>, %arg33: memref<!tpu.dma_semaphore, #tpu.memory_space<semaphore_mem>>, %arg34: memref<!tpu.dma_semaphore, #tpu.memory_space<semaphore_mem>>) attributes {dimension_semantics = [#tpu.dimension_semantics<core_parallel>, #tpu.dimension_semantics<subcore_parallel>], iteration_bounds = array<i64: 2, 16>, scalar_prefetch = 0 : i64, scratch_operands = 26 : i64, tpu.core_type = #tpu.core_type<sc_vector_subcore>, window_params = [{transform_indices = #map}, {transform_indices = #map}, {transform_indices = #map}, {transform_indices = #map}, {transform_indices = #map}, {transform_indices = #map}, {transform_indices = #map}]} {
    %mul3A = arith.constant 2 : i32
    %mul3A_0 = arith.muli %arg1, %mul3A : i32
    %add3A = arith.addi %mul3A_0, %arg0 : i32
    tpu.enqueue_dma source(%arg2 : memref<100352xf32, #tpu.memory_space<hbm>>) target(%arg9 : memref<100352xf32, #tpu.memory_space<vmem>>) target_semaphore(%arg28 : memref<!tpu.dma_semaphore, #tpu.memory_space<semaphore_mem>>)
    %add3A_1 = arith.constant 0 : i32
    %add3A_2 = arith.addi %add3A, %add3A_1 : i32
    %lt3A = arith.constant 250 : i32
    %lt3A_3 = arith.cmpi slt, %add3A_2, %lt3A : i32
    %select_n3A = arith.select %lt3A_3, %add3A_2, %add3A : i32
    %mul3A_4 = arith.constant 1600 : i32
    %mul3A_5 = arith.muli %select_n3A, %mul3A_4 : i32
    %dma_start3A = tpu.memref_slice %arg3[%mul3A_5] : memref<400000xi32, #tpu.memory_space<hbm>> -> memref<1600xi32, #tpu.memory_space<hbm>>
    %dma_start3A_6 = tpu.memref_slice %arg3[%mul3A_5] : memref<400000xi32, #tpu.memory_space<hbm>> -> memref<1600xi32, #tpu.memory_space<hbm>>
    tpu.enqueue_dma source(%dma_start3A_6 : memref<1600xi32, #tpu.memory_space<hbm>>) target(%arg10 : memref<1600xi32, #tpu.memory_space<vmem>>) target_semaphore(%arg29 : memref<!tpu.dma_semaphore, #tpu.memory_space<semaphore_mem>>)
    %dma_start3A_7 = tpu.memref_slice %arg4[%mul3A_5] : memref<400000xi32, #tpu.memory_space<hbm>> -> memref<1600xi32, #tpu.memory_space<hbm>>
    %dma_start3A_8 = tpu.memref_slice %arg4[%mul3A_5] : memref<400000xi32, #tpu.memory_space<hbm>> -> memref<1600xi32, #tpu.memory_space<hbm>>
    tpu.enqueue_dma source(%dma_start3A_8 : memref<1600xi32, #tpu.memory_space<hbm>>) target(%arg13 : memref<1600xi32, #tpu.memory_space<vmem>>) target_semaphore(%arg29 : memref<!tpu.dma_semaphore, #tpu.memory_space<semaphore_mem>>)
    %dma_start3A_9 = tpu.memref_slice %arg5[%mul3A_5] : memref<400000xf32, #tpu.memory_space<hbm>> -> memref<1600xf32, #tpu.memory_space<hbm>>
    %dma_start3A_10 = tpu.memref_slice %arg5[%mul3A_5] : memref<400000xf32, #tpu.memory_space<hbm>> -> memref<1600xf32, #tpu.memory_space<hbm>>
    tpu.enqueue_dma source(%dma_start3A_10 : memref<1600xf32, #tpu.memory_space<hbm>>) target(%arg16 : memref<1600xf32, #tpu.memory_space<vmem>>) target_semaphore(%arg29 : memref<!tpu.dma_semaphore, #tpu.memory_space<semaphore_mem>>)
    %dma_start3A_11 = tpu.memref_slice %arg6[%mul3A_5] : memref<400000xi32, #tpu.memory_space<hbm>> -> memref<1600xi32, #tpu.memory_space<hbm>>
    %dma_start3A_12 = tpu.memref_slice %arg6[%mul3A_5] : memref<400000xi32, #tpu.memory_space<hbm>> -> memref<1600xi32, #tpu.memory_space<hbm>>
    tpu.enqueue_dma source(%dma_start3A_12 : memref<1600xi32, #tpu.memory_space<hbm>>) target(%arg19 : memref<1600xi32, #tpu.memory_space<vmem>>) target_semaphore(%arg29 : memref<!tpu.dma_semaphore, #tpu.memory_space<semaphore_mem>>)
    %add3A_13 = arith.constant 32 : i32
    %add3A_14 = arith.addi %add3A, %add3A_13 : i32
    %lt3A_15 = arith.constant 250 : i32
    %lt3A_16 = arith.cmpi slt, %add3A_14, %lt3A_15 : i32
    %select_n3A_17 = arith.select %lt3A_16, %add3A_14, %add3A : i32
    %mul3A_18 = arith.constant 1600 : i32
    %mul3A_19 = arith.muli %select_n3A_17, %mul3A_18 : i32
    %dma_start3A_20 = tpu.memref_slice %arg3[%mul3A_19] : memref<400000xi32, #tpu.memory_space<hbm>> -> memref<1600xi32, #tpu.memory_space<hbm>>
    %dma_start3A_21 = tpu.memref_slice %arg3[%mul3A_19] : memref<400000xi32, #tpu.memory_space<hbm>> -> memref<1600xi32, #tpu.memory_space<hbm>>
    tpu.enqueue_dma source(%dma_start3A_21 : memref<1600xi32, #tpu.memory_space<hbm>>) target(%arg11 : memref<1600xi32, #tpu.memory_space<vmem>>) target_semaphore(%arg30 : memref<!tpu.dma_semaphore, #tpu.memory_space<semaphore_mem>>)
    %dma_start3A_22 = tpu.memref_slice %arg4[%mul3A_19] : memref<400000xi32, #tpu.memory_space<hbm>> -> memref<1600xi32, #tpu.memory_space<hbm>>
    %dma_start3A_23 = tpu.memref_slice %arg4[%mul3A_19] : memref<400000xi32, #tpu.memory_space<hbm>> -> memref<1600xi32, #tpu.memory_space<hbm>>
    tpu.enqueue_dma source(%dma_start3A_23 : memref<1600xi32, #tpu.memory_space<hbm>>) target(%arg14 : memref<1600xi32, #tpu.memory_space<vmem>>) target_semaphore(%arg30 : memref<!tpu.dma_semaphore, #tpu.memory_space<semaphore_mem>>)
    %dma_start3A_24 = tpu.memref_slice %arg5[%mul3A_19] : memref<400000xf32, #tpu.memory_space<hbm>> -> memref<1600xf32, #tpu.memory_space<hbm>>
    %dma_start3A_25 = tpu.memref_slice %arg5[%mul3A_19] : memref<400000xf32, #tpu.memory_space<hbm>> -> memref<1600xf32, #tpu.memory_space<hbm>>
    tpu.enqueue_dma source(%dma_start3A_25 : memref<1600xf32, #tpu.memory_space<hbm>>) target(%arg17 : memref<1600xf32, #tpu.memory_space<vmem>>) target_semaphore(%arg30 : memref<!tpu.dma_semaphore, #tpu.memory_space<semaphore_mem>>)
    %dma_start3A_26 = tpu.memref_slice %arg6[%mul3A_19] : memref<400000xi32, #tpu.memory_space<hbm>> -> memref<1600xi32, #tpu.memory_space<hbm>>
    %dma_start3A_27 = tpu.memref_slice %arg6[%mul3A_19] : memref<400000xi32, #tpu.memory_space<hbm>> -> memref<1600xi32, #tpu.memory_space<hbm>>
    tpu.enqueue_dma source(%dma_start3A_27 : memref<1600xi32, #tpu.memory_space<hbm>>) target(%arg20 : memref<1600xi32, #tpu.memory_space<vmem>>) target_semaphore(%arg30 : memref<!tpu.dma_semaphore, #tpu.memory_space<semaphore_mem>>)
    tpu.wait_dma2 semaphore(%arg28 : memref<!tpu.dma_semaphore, #tpu.memory_space<semaphore_mem>>) src(%arg2 : memref<100352xf32, #tpu.memory_space<hbm>>) dst(%arg9 : memref<100352xf32, #tpu.memory_space<vmem>>)
    %add3A_28 = arith.constant 64 : i32
    %add3A_29 = arith.addi %add3A, %add3A_28 : i32
    %lt3A_30 = arith.constant 250 : i32
    %lt3A_31 = arith.cmpi slt, %add3A_29, %lt3A_30 : i32
    %select_n3A_32 = arith.select %lt3A_31, %add3A_29, %add3A : i32
    %mul3A_33 = arith.constant 1600 : i32
    %mul3A_34 = arith.muli %select_n3A_32, %mul3A_33 : i32
    %dma_start3A_35 = tpu.memref_slice %arg3[%mul3A_34] : memref<400000xi32, #tpu.memory_space<hbm>> -> memref<1600xi32, #tpu.memory_space<hbm>>
    %dma_start3A_36 = tpu.memref_slice %arg3[%mul3A_34] : memref<400000xi32, #tpu.memory_space<hbm>> -> memref<1600xi32, #tpu.memory_space<hbm>>
    tpu.enqueue_dma source(%dma_start3A_36 : memref<1600xi32, #tpu.memory_space<hbm>>) target(%arg12 : memref<1600xi32, #tpu.memory_space<vmem>>) target_semaphore(%arg31 : memref<!tpu.dma_semaphore, #tpu.memory_space<semaphore_mem>>)
    %dma_start3A_37 = tpu.memref_slice %arg4[%mul3A_34] : memref<400000xi32, #tpu.memory_space<hbm>> -> memref<1600xi32, #tpu.memory_space<hbm>>
    %dma_start3A_38 = tpu.memref_slice %arg4[%mul3A_34] : memref<400000xi32, #tpu.memory_space<hbm>> -> memref<1600xi32, #tpu.memory_space<hbm>>
    tpu.enqueue_dma source(%dma_start3A_38 : memref<1600xi32, #tpu.memory_space<hbm>>) target(%arg15 : memref<1600xi32, #tpu.memory_space<vmem>>) target_semaphore(%arg31 : memref<!tpu.dma_semaphore, #tpu.memory_space<semaphore_mem>>)
    %dma_start3A_39 = tpu.memref_slice %arg5[%mul3A_34] : memref<400000xf32, #tpu.memory_space<hbm>> -> memref<1600xf32, #tpu.memory_space<hbm>>
    %dma_start3A_40 = tpu.memref_slice %arg5[%mul3A_34] : memref<400000xf32, #tpu.memory_space<hbm>> -> memref<1600xf32, #tpu.memory_space<hbm>>
    tpu.enqueue_dma source(%dma_start3A_40 : memref<1600xf32, #tpu.memory_space<hbm>>) target(%arg18 : memref<1600xf32, #tpu.memory_space<vmem>>) target_semaphore(%arg31 : memref<!tpu.dma_semaphore, #tpu.memory_space<semaphore_mem>>)
    %dma_start3A_41 = tpu.memref_slice %arg6[%mul3A_34] : memref<400000xi32, #tpu.memory_space<hbm>> -> memref<1600xi32, #tpu.memory_space<hbm>>
    %dma_start3A_42 = tpu.memref_slice %arg6[%mul3A_34] : memref<400000xi32, #tpu.memory_space<hbm>> -> memref<1600xi32, #tpu.memory_space<hbm>>
    tpu.enqueue_dma source(%dma_start3A_42 : memref<1600xi32, #tpu.memory_space<hbm>>) target(%arg21 : memref<1600xi32, #tpu.memory_space<vmem>>) target_semaphore(%arg31 : memref<!tpu.dma_semaphore, #tpu.memory_space<semaphore_mem>>)
    %dma_wait3A = tpu.memref_slice %arg3[%mul3A_5] : memref<400000xi32, #tpu.memory_space<hbm>> -> memref<1600xi32, #tpu.memory_space<hbm>>
    %dma_wait3A_43 = tpu.memref_slice %arg3[%mul3A_5] : memref<400000xi32, #tpu.memory_space<hbm>> -> memref<1600xi32, #tpu.memory_space<hbm>>
    tpu.wait_dma2 semaphore(%arg29 : memref<!tpu.dma_semaphore, #tpu.memory_space<semaphore_mem>>) src(%dma_wait3A_43 : memref<1600xi32, #tpu.memory_space<hbm>>) dst(%arg10 : memref<1600xi32, #tpu.memory_space<vmem>>)
    %dma_wait3A_44 = tpu.memref_slice %arg4[%mul3A_5] : memref<400000xi32, #tpu.memory_space<hbm>> -> memref<1600xi32, #tpu.memory_space<hbm>>
    %dma_wait3A_45 = tpu.memref_slice %arg4[%mul3A_5] : memref<400000xi32, #tpu.memory_space<hbm>> -> memref<1600xi32, #tpu.memory_space<hbm>>
    tpu.wait_dma2 semaphore(%arg29 : memref<!tpu.dma_semaphore, #tpu.memory_space<semaphore_mem>>) src(%dma_wait3A_45 : memref<1600xi32, #tpu.memory_space<hbm>>) dst(%arg13 : memref<1600xi32, #tpu.memory_space<vmem>>)
    %dma_wait3A_46 = tpu.memref_slice %arg5[%mul3A_5] : memref<400000xf32, #tpu.memory_space<hbm>> -> memref<1600xf32, #tpu.memory_space<hbm>>
    %dma_wait3A_47 = tpu.memref_slice %arg5[%mul3A_5] : memref<400000xf32, #tpu.memory_space<hbm>> -> memref<1600xf32, #tpu.memory_space<hbm>>
    tpu.wait_dma2 semaphore(%arg29 : memref<!tpu.dma_semaphore, #tpu.memory_space<semaphore_mem>>) src(%dma_wait3A_47 : memref<1600xf32, #tpu.memory_space<hbm>>) dst(%arg16 : memref<1600xf32, #tpu.memory_space<vmem>>)
    %dma_wait3A_48 = tpu.memref_slice %arg6[%mul3A_5] : memref<400000xi32, #tpu.memory_space<hbm>> -> memref<1600xi32, #tpu.memory_space<hbm>>
    %dma_wait3A_49 = tpu.memref_slice %arg6[%mul3A_5] : memref<400000xi32, #tpu.memory_space<hbm>> -> memref<1600xi32, #tpu.memory_space<hbm>>
    tpu.wait_dma2 semaphore(%arg29 : memref<!tpu.dma_semaphore, #tpu.memory_space<semaphore_mem>>) src(%dma_wait3A_49 : memref<1600xi32, #tpu.memory_space<hbm>>) dst(%arg19 : memref<1600xi32, #tpu.memory_space<vmem>>)
    %scan3A = arith.constant 0 : i32
    %scan3A_50 = arith.constant 0 : i32
    %scan3A_51 = arith.constant 25 : i32
    %scan3A_52 = arith.addi %scan3A_50, %scan3A_51 : i32
    %scan3A_53 = arith.constant 1 : i32
    scf.for %scan3A_404 = %scan3A_50 to %scan3A_52 step %scan3A_53  : i32 {
      %broadcast_in_dim3A = arith.constant 0 : i32
      %broadcast_in_dim3A_405 = vector.broadcast %broadcast_in_dim3A : i32 to vector<16xi32>
      %mul3A_406 = arith.constant 64 : i32
      %mul3A_407 = arith.muli %scan3A_404, %mul3A_406 : i32
      %add3A_408 = arith.constant 0 : i32
      %add3A_409 = arith.addi %mul3A_407, %add3A_408 : i32
      %get3A = arith.index_cast %add3A_409 : i32 to index
      %get3A_410 = tpu.vector_load %arg10[%get3A] {strides = array<i32>} : memref<1600xi32, #tpu.memory_space<vmem>>, vector<16xi32>,
      %gather3A = tpu.vector_load_idx %arg9[%get3A_410] : memref<100352xf32, #tpu.memory_space<vmem>>[vector<16xi32>], vector<16xf32>,
      %get3A_411 = arith.index_cast %add3A_409 : i32 to index
      %get3A_412 = tpu.vector_load %arg13[%get3A_411] {strides = array<i32>} : memref<1600xi32, #tpu.memory_space<vmem>>, vector<16xi32>,
      %gather3A_413 = tpu.vector_load_idx %arg9[%get3A_412] : memref<100352xf32, #tpu.memory_space<vmem>>[vector<16xi32>], vector<16xf32>,
      %sub3A = arith.subf %gather3A_413, %gather3A : vector<16xf32>
      %get3A_414 = arith.index_cast %add3A_409 : i32 to index
      %get3A_415 = tpu.vector_load %arg16[%get3A_414] {strides = array<i32>} : memref<1600xf32, #tpu.memory_space<vmem>>, vector<16xf32>,
      %div3A = arith.divf %sub3A, %get3A_415 : vector<16xf32>
      %get3A_416 = arith.index_cast %add3A_409 : i32 to index
      %get3A_417 = tpu.vector_load %arg19[%get3A_416] {strides = array<i32>} : memref<1600xi32, #tpu.memory_space<vmem>>, vector<16xi32>,
      %ne3A = arith.constant 0 : i32
      %ne3A_418 = vector.broadcast %ne3A : i32 to vector<16xi32>
      %ne3A_419 = arith.cmpi ne, %get3A_417, %ne3A_418 : vector<16xi32>
      %jit3A = arith.constant 0.000000e+00 : f32
      %broadcast_in_dim3A_420 = vector.broadcast %jit3A : f32 to vector<16xf32>
      %select_n3A_421 = arith.select %ne3A_419, %broadcast_in_dim3A_420, %div3A : vector<16xi1>, vector<16xf32>
      %swap3A = arith.index_cast %add3A_409 : i32 to index
      %swap3A_422 = tpu.vector_load %arg22[%swap3A] {strides = array<i32>} : memref<1600xf32, #tpu.memory_space<vmem>>, vector<16xf32>,
      tpu.vector_store %arg22[%swap3A], %select_n3A_421 {strides = array<i32>} : memref<1600xf32, #tpu.memory_space<vmem>>, vector<16xf32>,
      %gt3A = arith.constant 0.000000e+00 : f32
      %gt3A_423 = vector.broadcast %gt3A : f32 to vector<16xf32>
      %gt3A_424 = arith.cmpf ogt, %select_n3A_421, %gt3A_423 : vector<16xf32>
      %lt3A_425 = arith.constant 0.000000e+00 : f32
      %lt3A_426 = vector.broadcast %lt3A_425 : f32 to vector<16xf32>
      %lt3A_427 = arith.cmpf olt, %select_n3A_421, %lt3A_426 : vector<16xf32>
      %jit3A_428 = arith.constant 1 : i32
      %jit3A_429 = arith.constant 0 : i32
      %broadcast_in_dim3A_430 = vector.broadcast %jit3A_428 : i32 to vector<16xi32>
      %broadcast_in_dim3A_431 = vector.broadcast %jit3A_429 : i32 to vector<16xi32>
      %select_n3A_432 = arith.select %lt3A_427, %broadcast_in_dim3A_430, %broadcast_in_dim3A_431 : vector<16xi1>, vector<16xi32>
      %jit3A_433 = arith.constant 2 : i32
      %broadcast_in_dim3A_434 = vector.broadcast %jit3A_433 : i32 to vector<16xi32>
      %select_n3A_435 = arith.select %gt3A_424, %broadcast_in_dim3A_434, %select_n3A_432 : vector<16xi1>, vector<16xi32>
      %shift_left3A = arith.constant 0 : i32
      %shift_left3A_436 = vector.broadcast %shift_left3A : i32 to vector<16xi32>
      %shift_left3A_437 = arith.shli %select_n3A_435, %shift_left3A_436 : vector<16xi32>
      %or3A = arith.ori %broadcast_in_dim3A_405, %shift_left3A_437 : vector<16xi32>
      %mul3A_438 = arith.constant 64 : i32
      %mul3A_439 = arith.muli %scan3A_404, %mul3A_438 : i32
      %add3A_440 = arith.constant 16 : i32
      %add3A_441 = arith.addi %mul3A_439, %add3A_440 : i32
      %get3A_442 = arith.index_cast %add3A_441 : i32 to index
      %get3A_443 = tpu.vector_load %arg10[%get3A_442] {strides = array<i32>} : memref<1600xi32, #tpu.memory_space<vmem>>, vector<16xi32>,
      %gather3A_444 = tpu.vector_load_idx %arg9[%get3A_443] : memref<100352xf32, #tpu.memory_space<vmem>>[vector<16xi32>], vector<16xf32>,
      %get3A_445 = arith.index_cast %add3A_441 : i32 to index
      %get3A_446 = tpu.vector_load %arg13[%get3A_445] {strides = array<i32>} : memref<1600xi32, #tpu.memory_space<vmem>>, vector<16xi32>,
      %gather3A_447 = tpu.vector_load_idx %arg9[%get3A_446] : memref<100352xf32, #tpu.memory_space<vmem>>[vector<16xi32>], vector<16xf32>,
      %sub3A_448 = arith.subf %gather3A_447, %gather3A_444 : vector<16xf32>
      %get3A_449 = arith.index_cast %add3A_441 : i32 to index
      %get3A_450 = tpu.vector_load %arg16[%get3A_449] {strides = array<i32>} : memref<1600xf32, #tpu.memory_space<vmem>>, vector<16xf32>,
      %div3A_451 = arith.divf %sub3A_448, %get3A_450 : vector<16xf32>
      %get3A_452 = arith.index_cast %add3A_441 : i32 to index
      %get3A_453 = tpu.vector_load %arg19[%get3A_452] {strides = array<i32>} : memref<1600xi32, #tpu.memory_space<vmem>>, vector<16xi32>,
      %ne3A_454 = arith.constant 0 : i32
      %ne3A_455 = vector.broadcast %ne3A_454 : i32 to vector<16xi32>
      %ne3A_456 = arith.cmpi ne, %get3A_453, %ne3A_455 : vector<16xi32>
      %jit3A_457 = arith.constant 0.000000e+00 : f32
      %broadcast_in_dim3A_458 = vector.broadcast %jit3A_457 : f32 to vector<16xf32>
      %select_n3A_459 = arith.select %ne3A_456, %broadcast_in_dim3A_458, %div3A_451 : vector<16xi1>, vector<16xf32>
      %swap3A_460 = arith.index_cast %add3A_441 : i32 to index
      %swap3A_461 = tpu.vector_load %arg22[%swap3A_460] {strides = array<i32>} : memref<1600xf32, #tpu.memory_space<vmem>>, vector<16xf32>,
      tpu.vector_store %arg22[%swap3A_460], %select_n3A_459 {strides = array<i32>} : memref<1600xf32, #tpu.memory_space<vmem>>, vector<16xf32>,
      %gt3A_462 = arith.constant 0.000000e+00 : f32
      %gt3A_463 = vector.broadcast %gt3A_462 : f32 to vector<16xf32>
      %gt3A_464 = arith.cmpf ogt, %select_n3A_459, %gt3A_463 : vector<16xf32>
      %lt3A_465 = arith.constant 0.000000e+00 : f32
      %lt3A_466 = vector.broadcast %lt3A_465 : f32 to vector<16xf32>
      %lt3A_467 = arith.cmpf olt, %select_n3A_459, %lt3A_466 : vector<16xf32>
      %jit3A_468 = arith.constant 1 : i32
      %jit3A_469 = arith.constant 0 : i32
      %broadcast_in_dim3A_470 = vector.broadcast %jit3A_468 : i32 to vector<16xi32>
      %broadcast_in_dim3A_471 = vector.broadcast %jit3A_469 : i32 to vector<16xi32>
      %select_n3A_472 = arith.select %lt3A_467, %broadcast_in_dim3A_470, %broadcast_in_dim3A_471 : vector<16xi1>, vector<16xi32>
      %jit3A_473 = arith.constant 2 : i32
      %broadcast_in_dim3A_474 = vector.broadcast %jit3A_473 : i32 to vector<16xi32>
      %select_n3A_475 = arith.select %gt3A_464, %broadcast_in_dim3A_474, %select_n3A_472 : vector<16xi1>, vector<16xi32>
      %shift_left3A_476 = arith.constant 8 : i32
      %shift_left3A_477 = vector.broadcast %shift_left3A_476 : i32 to vector<16xi32>
      %shift_left3A_478 = arith.shli %select_n3A_475, %shift_left3A_477 : vector<16xi32>
      %or3A_479 = arith.ori %or3A, %shift_left3A_478 : vector<16xi32>
      %mul3A_480 = arith.constant 64 : i32
      %mul3A_481 = arith.muli %scan3A_404, %mul3A_480 : i32
      %add3A_482 = arith.constant 32 : i32
      %add3A_483 = arith.addi %mul3A_481, %add3A_482 : i32
      %get3A_484 = arith.index_cast %add3A_483 : i32 to index
      %get3A_485 = tpu.vector_load %arg10[%get3A_484] {strides = array<i32>} : memref<1600xi32, #tpu.memory_space<vmem>>, vector<16xi32>,
      %gather3A_486 = tpu.vector_load_idx %arg9[%get3A_485] : memref<100352xf32, #tpu.memory_space<vmem>>[vector<16xi32>], vector<16xf32>,
      %get3A_487 = arith.index_cast %add3A_483 : i32 to index
      %get3A_488 = tpu.vector_load %arg13[%get3A_487] {strides = array<i32>} : memref<1600xi32, #tpu.memory_space<vmem>>, vector<16xi32>,
      %gather3A_489 = tpu.vector_load_idx %arg9[%get3A_488] : memref<100352xf32, #tpu.memory_space<vmem>>[vector<16xi32>], vector<16xf32>,
      %sub3A_490 = arith.subf %gather3A_489, %gather3A_486 : vector<16xf32>
      %get3A_491 = arith.index_cast %add3A_483 : i32 to index
      %get3A_492 = tpu.vector_load %arg16[%get3A_491] {strides = array<i32>} : memref<1600xf32, #tpu.memory_space<vmem>>, vector<16xf32>,
      %div3A_493 = arith.divf %sub3A_490, %get3A_492 : vector<16xf32>
      %get3A_494 = arith.index_cast %add3A_483 : i32 to index
      %get3A_495 = tpu.vector_load %arg19[%get3A_494] {strides = array<i32>} : memref<1600xi32, #tpu.memory_space<vmem>>, vector<16xi32>,
      %ne3A_496 = arith.constant 0 : i32
      %ne3A_497 = vector.broadcast %ne3A_496 : i32 to vector<16xi32>
      %ne3A_498 = arith.cmpi ne, %get3A_495, %ne3A_497 : vector<16xi32>
      %jit3A_499 = arith.constant 0.000000e+00 : f32
      %broadcast_in_dim3A_500 = vector.broadcast %jit3A_499 : f32 to vector<16xf32>
      %select_n3A_501 = arith.select %ne3A_498, %broadcast_in_dim3A_500, %div3A_493 : vector<16xi1>, vector<16xf32>
      %swap3A_502 = arith.index_cast %add3A_483 : i32 to index
      %swap3A_503 = tpu.vector_load %arg22[%swap3A_502] {strides = array<i32>} : memref<1600xf32, #tpu.memory_space<vmem>>, vector<16xf32>,
      tpu.vector_store %arg22[%swap3A_502], %select_n3A_501 {strides = array<i32>} : memref<1600xf32, #tpu.memory_space<vmem>>, vector<16xf32>,
      %gt3A_504 = arith.constant 0.000000e+00 : f32
      %gt3A_505 = vector.broadcast %gt3A_504 : f32 to vector<16xf32>
      %gt3A_506 = arith.cmpf ogt, %select_n3A_501, %gt3A_505 : vector<16xf32>
      %lt3A_507 = arith.constant 0.000000e+00 : f32
      %lt3A_508 = vector.broadcast %lt3A_507 : f32 to vector<16xf32>
      %lt3A_509 = arith.cmpf olt, %select_n3A_501, %lt3A_508 : vector<16xf32>
      %jit3A_510 = arith.constant 1 : i32
      %jit3A_511 = arith.constant 0 : i32
      %broadcast_in_dim3A_512 = vector.broadcast %jit3A_510 : i32 to vector<16xi32>
      %broadcast_in_dim3A_513 = vector.broadcast %jit3A_511 : i32 to vector<16xi32>
      %select_n3A_514 = arith.select %lt3A_509, %broadcast_in_dim3A_512, %broadcast_in_dim3A_513 : vector<16xi1>, vector<16xi32>
      %jit3A_515 = arith.constant 2 : i32
      %broadcast_in_dim3A_516 = vector.broadcast %jit3A_515 : i32 to vector<16xi32>
      %select_n3A_517 = arith.select %gt3A_506, %broadcast_in_dim3A_516, %select_n3A_514 : vector<16xi1>, vector<16xi32>
      %shift_left3A_518 = arith.constant 16 : i32
      %shift_left3A_519 = vector.broadcast %shift_left3A_518 : i32 to vector<16xi32>
      %shift_left3A_520 = arith.shli %select_n3A_517, %shift_left3A_519 : vector<16xi32>
      %or3A_521 = arith.ori %or3A_479, %shift_left3A_520 : vector<16xi32>
      %mul3A_522 = arith.constant 64 : i32
      %mul3A_523 = arith.muli %scan3A_404, %mul3A_522 : i32
      %add3A_524 = arith.constant 48 : i32
      %add3A_525 = arith.addi %mul3A_523, %add3A_524 : i32
      %get3A_526 = arith.index_cast %add3A_525 : i32 to index
      %get3A_527 = tpu.vector_load %arg10[%get3A_526] {strides = array<i32>} : memref<1600xi32, #tpu.memory_space<vmem>>, vector<16xi32>,
      %gather3A_528 = tpu.vector_load_idx %arg9[%get3A_527] : memref<100352xf32, #tpu.memory_space<vmem>>[vector<16xi32>], vector<16xf32>,
      %get3A_529 = arith.index_cast %add3A_525 : i32 to index
      %get3A_530 = tpu.vector_load %arg13[%get3A_529] {strides = array<i32>} : memref<1600xi32, #tpu.memory_space<vmem>>, vector<16xi32>,
      %gather3A_531 = tpu.vector_load_idx %arg9[%get3A_530] : memref<100352xf32, #tpu.memory_space<vmem>>[vector<16xi32>], vector<16xf32>,
      %sub3A_532 = arith.subf %gather3A_531, %gather3A_528 : vector<16xf32>
      %get3A_533 = arith.index_cast %add3A_525 : i32 to index
      %get3A_534 = tpu.vector_load %arg16[%get3A_533] {strides = array<i32>} : memref<1600xf32, #tpu.memory_space<vmem>>, vector<16xf32>,
      %div3A_535 = arith.divf %sub3A_532, %get3A_534 : vector<16xf32>
      %get3A_536 = arith.index_cast %add3A_525 : i32 to index
      %get3A_537 = tpu.vector_load %arg19[%get3A_536] {strides = array<i32>} : memref<1600xi32, #tpu.memory_space<vmem>>, vector<16xi32>,
      %ne3A_538 = arith.constant 0 : i32
      %ne3A_539 = vector.broadcast %ne3A_538 : i32 to vector<16xi32>
      %ne3A_540 = arith.cmpi ne, %get3A_537, %ne3A_539 : vector<16xi32>
      %jit3A_541 = arith.constant 0.000000e+00 : f32
      %broadcast_in_dim3A_542 = vector.broadcast %jit3A_541 : f32 to vector<16xf32>
      %select_n3A_543 = arith.select %ne3A_540, %broadcast_in_dim3A_542, %div3A_535 : vector<16xi1>, vector<16xf32>
      %swap3A_544 = arith.index_cast %add3A_525 : i32 to index
      %swap3A_545 = tpu.vector_load %arg22[%swap3A_544] {strides = array<i32>} : memref<1600xf32, #tpu.memory_space<vmem>>, vector<16xf32>,
      tpu.vector_store %arg22[%swap3A_544], %select_n3A_543 {strides = array<i32>} : memref<1600xf32, #tpu.memory_space<vmem>>, vector<16xf32>,
      %gt3A_546 = arith.constant 0.000000e+00 : f32
      %gt3A_547 = vector.broadcast %gt3A_546 : f32 to vector<16xf32>
      %gt3A_548 = arith.cmpf ogt, %select_n3A_543, %gt3A_547 : vector<16xf32>
      %lt3A_549 = arith.constant 0.000000e+00 : f32
      %lt3A_550 = vector.broadcast %lt3A_549 : f32 to vector<16xf32>
      %lt3A_551 = arith.cmpf olt, %select_n3A_543, %lt3A_550 : vector<16xf32>
      %jit3A_552 = arith.constant 1 : i32
      %jit3A_553 = arith.constant 0 : i32
      %broadcast_in_dim3A_554 = vector.broadcast %jit3A_552 : i32 to vector<16xi32>
      %broadcast_in_dim3A_555 = vector.broadcast %jit3A_553 : i32 to vector<16xi32>
      %select_n3A_556 = arith.select %lt3A_551, %broadcast_in_dim3A_554, %broadcast_in_dim3A_555 : vector<16xi1>, vector<16xi32>
      %jit3A_557 = arith.constant 2 : i32
      %broadcast_in_dim3A_558 = vector.broadcast %jit3A_557 : i32 to vector<16xi32>
      %select_n3A_559 = arith.select %gt3A_548, %broadcast_in_dim3A_558, %select_n3A_556 : vector<16xi1>, vector<16xi32>
      %shift_left3A_560 = arith.constant 24 : i32
      %shift_left3A_561 = vector.broadcast %shift_left3A_560 : i32 to vector<16xi32>
      %shift_left3A_562 = arith.shli %select_n3A_559, %shift_left3A_561 : vector<16xi32>
      %or3A_563 = arith.ori %or3A_521, %shift_left3A_562 : vector<16xi32>
      %mul3A_564 = arith.constant 16 : i32
      %mul3A_565 = arith.muli %scan3A_404, %mul3A_564 : i32
      %swap3A_566 = arith.index_cast %mul3A_565 : i32 to index
      %swap3A_567 = tpu.vector_load %arg25[%swap3A_566] {strides = array<i32>} : memref<400xi32, #tpu.memory_space<vmem>>, vector<16xi32>,
      tpu.vector_store %arg25[%swap3A_566], %or3A_563 {strides = array<i32>} : memref<400xi32, #tpu.memory_space<vmem>>, vector<16xi32>,
    }
    %scan3A_54 = arith.constant 25 : i32
    %add3A_55 = arith.constant 0 : i32
    %add3A_56 = arith.addi %add3A, %add3A_55 : i32
    %lt3A_57 = arith.constant 250 : i32
    %lt3A_58 = arith.cmpi slt, %add3A_56, %lt3A_57 : i32
    %select_n3A_59 = arith.select %lt3A_58, %add3A_56, %add3A : i32
    %mul3A_60 = arith.constant 1600 : i32
    %mul3A_61 = arith.muli %select_n3A_59, %mul3A_60 : i32
    %dma_start3A_62 = tpu.memref_slice %arg7[%mul3A_61] : memref<400000xf32, #tpu.memory_space<hbm>> -> memref<1600xf32, #tpu.memory_space<hbm>>
    %dma_start3A_63 = tpu.memref_slice %arg7[%mul3A_61] : memref<400000xf32, #tpu.memory_space<hbm>> -> memref<1600xf32, #tpu.memory_space<hbm>>
    tpu.enqueue_dma source(%arg22 : memref<1600xf32, #tpu.memory_space<vmem>>) target(%dma_start3A_63 : memref<1600xf32, #tpu.memory_space<hbm>>) target_semaphore(%arg32 : memref<!tpu.dma_semaphore, #tpu.memory_space<semaphore_mem>>)
    %add3A_64 = arith.constant 0 : i32
    %add3A_65 = arith.addi %add3A, %add3A_64 : i32
    %lt3A_66 = arith.constant 250 : i32
    %lt3A_67 = arith.cmpi slt, %add3A_65, %lt3A_66 : i32
    %select_n3A_68 = arith.select %lt3A_67, %add3A_65, %add3A : i32
    %mul3A_69 = arith.constant 400 : i32
    %mul3A_70 = arith.muli %select_n3A_68, %mul3A_69 : i32
    %dma_start3A_71 = tpu.memref_slice %arg8[%mul3A_70] : memref<100000xi32, #tpu.memory_space<hbm>> -> memref<400xi32, #tpu.memory_space<hbm>>
    %dma_start3A_72 = tpu.memref_slice %arg8[%mul3A_70] : memref<100000xi32, #tpu.memory_space<hbm>> -> memref<400xi32, #tpu.memory_space<hbm>>
    tpu.enqueue_dma source(%arg25 : memref<400xi32, #tpu.memory_space<vmem>>) target(%dma_start3A_72 : memref<400xi32, #tpu.memory_space<hbm>>) target_semaphore(%arg32 : memref<!tpu.dma_semaphore, #tpu.memory_space<semaphore_mem>>)
    %add3A_73 = arith.constant 96 : i32
    %add3A_74 = arith.addi %add3A, %add3A_73 : i32
    %lt3A_75 = arith.constant 250 : i32
    %lt3A_76 = arith.cmpi slt, %add3A_74, %lt3A_75 : i32
    %select_n3A_77 = arith.select %lt3A_76, %add3A_74, %add3A : i32
    %mul3A_78 = arith.constant 1600 : i32
    %mul3A_79 = arith.muli %select_n3A_77, %mul3A_78 : i32
    %dma_start3A_80 = tpu.memref_slice %arg3[%mul3A_79] : memref<400000xi32, #tpu.memory_space<hbm>> -> memref<1600xi32, #tpu.memory_space<hbm>>
    %dma_start3A_81 = tpu.memref_slice %arg3[%mul3A_79] : memref<400000xi32, #tpu.memory_space<hbm>> -> memref<1600xi32, #tpu.memory_space<hbm>>
    tpu.enqueue_dma source(%dma_start3A_81 : memref<1600xi32, #tpu.memory_space<hbm>>) target(%arg10 : memref<1600xi32, #tpu.memory_space<vmem>>) target_semaphore(%arg29 : memref<!tpu.dma_semaphore, #tpu.memory_space<semaphore_mem>>)
    %dma_start3A_82 = tpu.memref_slice %arg4[%mul3A_79] : memref<400000xi32, #tpu.memory_space<hbm>> -> memref<1600xi32, #tpu.memory_space<hbm>>
    %dma_start3A_83 = tpu.memref_slice %arg4[%mul3A_79] : memref<400000xi32, #tpu.memory_space<hbm>> -> memref<1600xi32, #tpu.memory_space<hbm>>
    tpu.enqueue_dma source(%dma_start3A_83 : memref<1600xi32, #tpu.memory_space<hbm>>) target(%arg13 : memref<1600xi32, #tpu.memory_space<vmem>>) target_semaphore(%arg29 : memref<!tpu.dma_semaphore, #tpu.memory_space<semaphore_mem>>)
    %dma_start3A_84 = tpu.memref_slice %arg5[%mul3A_79] : memref<400000xf32, #tpu.memory_space<hbm>> -> memref<1600xf32, #tpu.memory_space<hbm>>
    %dma_start3A_85 = tpu.memref_slice %arg5[%mul3A_79] : memref<400000xf32, #tpu.memory_space<hbm>> -> memref<1600xf32, #tpu.memory_space<hbm>>
    tpu.enqueue_dma source(%dma_start3A_85 : memref<1600xf32, #tpu.memory_space<hbm>>) target(%arg16 : memref<1600xf32, #tpu.memory_space<vmem>>) target_semaphore(%arg29 : memref<!tpu.dma_semaphore, #tpu.memory_space<semaphore_mem>>)
    %dma_start3A_86 = tpu.memref_slice %arg6[%mul3A_79] : memref<400000xi32, #tpu.memory_space<hbm>> -> memref<1600xi32, #tpu.memory_space<hbm>>
    %dma_start3A_87 = tpu.memref_slice %arg6[%mul3A_79] : memref<400000xi32, #tpu.memory_space<hbm>> -> memref<1600xi32, #tpu.memory_space<hbm>>
    tpu.enqueue_dma source(%dma_start3A_87 : memref<1600xi32, #tpu.memory_space<hbm>>) target(%arg19 : memref<1600xi32, #tpu.memory_space<vmem>>) target_semaphore(%arg29 : memref<!tpu.dma_semaphore, #tpu.memory_space<semaphore_mem>>)
    %dma_wait3A_88 = tpu.memref_slice %arg3[%mul3A_19] : memref<400000xi32, #tpu.memory_space<hbm>> -> memref<1600xi32, #tpu.memory_space<hbm>>
    %dma_wait3A_89 = tpu.memref_slice %arg3[%mul3A_19] : memref<400000xi32, #tpu.memory_space<hbm>> -> memref<1600xi32, #tpu.memory_space<hbm>>
    tpu.wait_dma2 semaphore(%arg30 : memref<!tpu.dma_semaphore, #tpu.memory_space<semaphore_mem>>) src(%dma_wait3A_89 : memref<1600xi32, #tpu.memory_space<hbm>>) dst(%arg11 : memref<1600xi32, #tpu.memory_space<vmem>>)
    %dma_wait3A_90 = tpu.memref_slice %arg4[%mul3A_19] : memref<400000xi32, #tpu.memory_space<hbm>> -> memref<1600xi32, #tpu.memory_space<hbm>>
    %dma_wait3A_91 = tpu.memref_slice %arg4[%mul3A_19] : memref<400000xi32, #tpu.memory_space<hbm>> -> memref<1600xi32, #tpu.memory_space<hbm>>
    tpu.wait_dma2 semaphore(%arg30 : memref<!tpu.dma_semaphore, #tpu.memory_space<semaphore_mem>>) src(%dma_wait3A_91 : memref<1600xi32, #tpu.memory_space<hbm>>) dst(%arg14 : memref<1600xi32, #tpu.memory_space<vmem>>)
    %dma_wait3A_92 = tpu.memref_slice %arg5[%mul3A_19] : memref<400000xf32, #tpu.memory_space<hbm>> -> memref<1600xf32, #tpu.memory_space<hbm>>
    %dma_wait3A_93 = tpu.memref_slice %arg5[%mul3A_19] : memref<400000xf32, #tpu.memory_space<hbm>> -> memref<1600xf32, #tpu.memory_space<hbm>>
    tpu.wait_dma2 semaphore(%arg30 : memref<!tpu.dma_semaphore, #tpu.memory_space<semaphore_mem>>) src(%dma_wait3A_93 : memref<1600xf32, #tpu.memory_space<hbm>>) dst(%arg17 : memref<1600xf32, #tpu.memory_space<vmem>>)
    %dma_wait3A_94 = tpu.memref_slice %arg6[%mul3A_19] : memref<400000xi32, #tpu.memory_space<hbm>> -> memref<1600xi32, #tpu.memory_space<hbm>>
    %dma_wait3A_95 = tpu.memref_slice %arg6[%mul3A_19] : memref<400000xi32, #tpu.memory_space<hbm>> -> memref<1600xi32, #tpu.memory_space<hbm>>
    tpu.wait_dma2 semaphore(%arg30 : memref<!tpu.dma_semaphore, #tpu.memory_space<semaphore_mem>>) src(%dma_wait3A_95 : memref<1600xi32, #tpu.memory_space<hbm>>) dst(%arg20 : memref<1600xi32, #tpu.memory_space<vmem>>)
    %scan3A_96 = arith.constant 0 : i32
    %scan3A_97 = arith.constant 0 : i32
    %scan3A_98 = arith.constant 25 : i32
    %scan3A_99 = arith.addi %scan3A_97, %scan3A_98 : i32
    %scan3A_100 = arith.constant 1 : i32
    scf.for %scan3A_404 = %scan3A_97 to %scan3A_99 step %scan3A_100  : i32 {
      %broadcast_in_dim3A = arith.constant 0 : i32
      %broadcast_in_dim3A_405 = vector.broadcast %broadcast_in_dim3A : i32 to vector<16xi32>
      %mul3A_406 = arith.constant 64 : i32
      %mul3A_407 = arith.muli %scan3A_404, %mul3A_406 : i32
      %add3A_408 = arith.constant 0 : i32
      %add3A_409 = arith.addi %mul3A_407, %add3A_408 : i32
      %get3A = arith.index_cast %add3A_409 : i32 to index
      %get3A_410 = tpu.vector_load %arg11[%get3A] {strides = array<i32>} : memref<1600xi32, #tpu.memory_space<vmem>>, vector<16xi32>,
      %gather3A = tpu.vector_load_idx %arg9[%get3A_410] : memref<100352xf32, #tpu.memory_space<vmem>>[vector<16xi32>], vector<16xf32>,
      %get3A_411 = arith.index_cast %add3A_409 : i32 to index
      %get3A_412 = tpu.vector_load %arg14[%get3A_411] {strides = array<i32>} : memref<1600xi32, #tpu.memory_space<vmem>>, vector<16xi32>,
      %gather3A_413 = tpu.vector_load_idx %arg9[%get3A_412] : memref<100352xf32, #tpu.memory_space<vmem>>[vector<16xi32>], vector<16xf32>,
      %sub3A = arith.subf %gather3A_413, %gather3A : vector<16xf32>
      %get3A_414 = arith.index_cast %add3A_409 : i32 to index
      %get3A_415 = tpu.vector_load %arg17[%get3A_414] {strides = array<i32>} : memref<1600xf32, #tpu.memory_space<vmem>>, vector<16xf32>,
      %div3A = arith.divf %sub3A, %get3A_415 : vector<16xf32>
      %get3A_416 = arith.index_cast %add3A_409 : i32 to index
      %get3A_417 = tpu.vector_load %arg20[%get3A_416] {strides = array<i32>} : memref<1600xi32, #tpu.memory_space<vmem>>, vector<16xi32>,
      %ne3A = arith.constant 0 : i32
      %ne3A_418 = vector.broadcast %ne3A : i32 to vector<16xi32>
      %ne3A_419 = arith.cmpi ne, %get3A_417, %ne3A_418 : vector<16xi32>
      %jit3A = arith.constant 0.000000e+00 : f32
      %broadcast_in_dim3A_420 = vector.broadcast %jit3A : f32 to vector<16xf32>
      %select_n3A_421 = arith.select %ne3A_419, %broadcast_in_dim3A_420, %div3A : vector<16xi1>, vector<16xf32>
      %swap3A = arith.index_cast %add3A_409 : i32 to index
      %swap3A_422 = tpu.vector_load %arg23[%swap3A] {strides = array<i32>} : memref<1600xf32, #tpu.memory_space<vmem>>, vector<16xf32>,
      tpu.vector_store %arg23[%swap3A], %select_n3A_421 {strides = array<i32>} : memref<1600xf32, #tpu.memory_space<vmem>>, vector<16xf32>,
      %gt3A = arith.constant 0.000000e+00 : f32
      %gt3A_423 = vector.broadcast %gt3A : f32 to vector<16xf32>
      %gt3A_424 = arith.cmpf ogt, %select_n3A_421, %gt3A_423 : vector<16xf32>
      %lt3A_425 = arith.constant 0.000000e+00 : f32
      %lt3A_426 = vector.broadcast %lt3A_425 : f32 to vector<16xf32>
      %lt3A_427 = arith.cmpf olt, %select_n3A_421, %lt3A_426 : vector<16xf32>
      %jit3A_428 = arith.constant 1 : i32
      %jit3A_429 = arith.constant 0 : i32
      %broadcast_in_dim3A_430 = vector.broadcast %jit3A_428 : i32 to vector<16xi32>
      %broadcast_in_dim3A_431 = vector.broadcast %jit3A_429 : i32 to vector<16xi32>
      %select_n3A_432 = arith.select %lt3A_427, %broadcast_in_dim3A_430, %broadcast_in_dim3A_431 : vector<16xi1>, vector<16xi32>
      %jit3A_433 = arith.constant 2 : i32
      %broadcast_in_dim3A_434 = vector.broadcast %jit3A_433 : i32 to vector<16xi32>
      %select_n3A_435 = arith.select %gt3A_424, %broadcast_in_dim3A_434, %select_n3A_432 : vector<16xi1>, vector<16xi32>
      %shift_left3A = arith.constant 0 : i32
      %shift_left3A_436 = vector.broadcast %shift_left3A : i32 to vector<16xi32>
      %shift_left3A_437 = arith.shli %select_n3A_435, %shift_left3A_436 : vector<16xi32>
      %or3A = arith.ori %broadcast_in_dim3A_405, %shift_left3A_437 : vector<16xi32>
      %mul3A_438 = arith.constant 64 : i32
      %mul3A_439 = arith.muli %scan3A_404, %mul3A_438 : i32
      %add3A_440 = arith.constant 16 : i32
      %add3A_441 = arith.addi %mul3A_439, %add3A_440 : i32
      %get3A_442 = arith.index_cast %add3A_441 : i32 to index
      %get3A_443 = tpu.vector_load %arg11[%get3A_442] {strides = array<i32>} : memref<1600xi32, #tpu.memory_space<vmem>>, vector<16xi32>,
      %gather3A_444 = tpu.vector_load_idx %arg9[%get3A_443] : memref<100352xf32, #tpu.memory_space<vmem>>[vector<16xi32>], vector<16xf32>,
      %get3A_445 = arith.index_cast %add3A_441 : i32 to index
      %get3A_446 = tpu.vector_load %arg14[%get3A_445] {strides = array<i32>} : memref<1600xi32, #tpu.memory_space<vmem>>, vector<16xi32>,
      %gather3A_447 = tpu.vector_load_idx %arg9[%get3A_446] : memref<100352xf32, #tpu.memory_space<vmem>>[vector<16xi32>], vector<16xf32>,
      %sub3A_448 = arith.subf %gather3A_447, %gather3A_444 : vector<16xf32>
      %get3A_449 = arith.index_cast %add3A_441 : i32 to index
      %get3A_450 = tpu.vector_load %arg17[%get3A_449] {strides = array<i32>} : memref<1600xf32, #tpu.memory_space<vmem>>, vector<16xf32>,
      %div3A_451 = arith.divf %sub3A_448, %get3A_450 : vector<16xf32>
      %get3A_452 = arith.index_cast %add3A_441 : i32 to index
      %get3A_453 = tpu.vector_load %arg20[%get3A_452] {strides = array<i32>} : memref<1600xi32, #tpu.memory_space<vmem>>, vector<16xi32>,
      %ne3A_454 = arith.constant 0 : i32
      %ne3A_455 = vector.broadcast %ne3A_454 : i32 to vector<16xi32>
      %ne3A_456 = arith.cmpi ne, %get3A_453, %ne3A_455 : vector<16xi32>
      %jit3A_457 = arith.constant 0.000000e+00 : f32
      %broadcast_in_dim3A_458 = vector.broadcast %jit3A_457 : f32 to vector<16xf32>
      %select_n3A_459 = arith.select %ne3A_456, %broadcast_in_dim3A_458, %div3A_451 : vector<16xi1>, vector<16xf32>
      %swap3A_460 = arith.index_cast %add3A_441 : i32 to index
      %swap3A_461 = tpu.vector_load %arg23[%swap3A_460] {strides = array<i32>} : memref<1600xf32, #tpu.memory_space<vmem>>, vector<16xf32>,
      tpu.vector_store %arg23[%swap3A_460], %select_n3A_459 {strides = array<i32>} : memref<1600xf32, #tpu.memory_space<vmem>>, vector<16xf32>,
      %gt3A_462 = arith.constant 0.000000e+00 : f32
      %gt3A_463 = vector.broadcast %gt3A_462 : f32 to vector<16xf32>
      %gt3A_464 = arith.cmpf ogt, %select_n3A_459, %gt3A_463 : vector<16xf32>
      %lt3A_465 = arith.constant 0.000000e+00 : f32
      %lt3A_466 = vector.broadcast %lt3A_465 : f32 to vector<16xf32>
      %lt3A_467 = arith.cmpf olt, %select_n3A_459, %lt3A_466 : vector<16xf32>
      %jit3A_468 = arith.constant 1 : i32
      %jit3A_469 = arith.constant 0 : i32
      %broadcast_in_dim3A_470 = vector.broadcast %jit3A_468 : i32 to vector<16xi32>
      %broadcast_in_dim3A_471 = vector.broadcast %jit3A_469 : i32 to vector<16xi32>
      %select_n3A_472 = arith.select %lt3A_467, %broadcast_in_dim3A_470, %broadcast_in_dim3A_471 : vector<16xi1>, vector<16xi32>
      %jit3A_473 = arith.constant 2 : i32
      %broadcast_in_dim3A_474 = vector.broadcast %jit3A_473 : i32 to vector<16xi32>
      %select_n3A_475 = arith.select %gt3A_464, %broadcast_in_dim3A_474, %select_n3A_472 : vector<16xi1>, vector<16xi32>
      %shift_left3A_476 = arith.constant 8 : i32
      %shift_left3A_477 = vector.broadcast %shift_left3A_476 : i32 to vector<16xi32>
      %shift_left3A_478 = arith.shli %select_n3A_475, %shift_left3A_477 : vector<16xi32>
      %or3A_479 = arith.ori %or3A, %shift_left3A_478 : vector<16xi32>
      %mul3A_480 = arith.constant 64 : i32
      %mul3A_481 = arith.muli %scan3A_404, %mul3A_480 : i32
      %add3A_482 = arith.constant 32 : i32
      %add3A_483 = arith.addi %mul3A_481, %add3A_482 : i32
      %get3A_484 = arith.index_cast %add3A_483 : i32 to index
      %get3A_485 = tpu.vector_load %arg11[%get3A_484] {strides = array<i32>} : memref<1600xi32, #tpu.memory_space<vmem>>, vector<16xi32>,
      %gather3A_486 = tpu.vector_load_idx %arg9[%get3A_485] : memref<100352xf32, #tpu.memory_space<vmem>>[vector<16xi32>], vector<16xf32>,
      %get3A_487 = arith.index_cast %add3A_483 : i32 to index
      %get3A_488 = tpu.vector_load %arg14[%get3A_487] {strides = array<i32>} : memref<1600xi32, #tpu.memory_space<vmem>>, vector<16xi32>,
      %gather3A_489 = tpu.vector_load_idx %arg9[%get3A_488] : memref<100352xf32, #tpu.memory_space<vmem>>[vector<16xi32>], vector<16xf32>,
      %sub3A_490 = arith.subf %gather3A_489, %gather3A_486 : vector<16xf32>
      %get3A_491 = arith.index_cast %add3A_483 : i32 to index
      %get3A_492 = tpu.vector_load %arg17[%get3A_491] {strides = array<i32>} : memref<1600xf32, #tpu.memory_space<vmem>>, vector<16xf32>,
      %div3A_493 = arith.divf %sub3A_490, %get3A_492 : vector<16xf32>
      %get3A_494 = arith.index_cast %add3A_483 : i32 to index
      %get3A_495 = tpu.vector_load %arg20[%get3A_494] {strides = array<i32>} : memref<1600xi32, #tpu.memory_space<vmem>>, vector<16xi32>,
      %ne3A_496 = arith.constant 0 : i32
      %ne3A_497 = vector.broadcast %ne3A_496 : i32 to vector<16xi32>
      %ne3A_498 = arith.cmpi ne, %get3A_495, %ne3A_497 : vector<16xi32>
      %jit3A_499 = arith.constant 0.000000e+00 : f32
      %broadcast_in_dim3A_500 = vector.broadcast %jit3A_499 : f32 to vector<16xf32>
      %select_n3A_501 = arith.select %ne3A_498, %broadcast_in_dim3A_500, %div3A_493 : vector<16xi1>, vector<16xf32>
      %swap3A_502 = arith.index_cast %add3A_483 : i32 to index
      %swap3A_503 = tpu.vector_load %arg23[%swap3A_502] {strides = array<i32>} : memref<1600xf32, #tpu.memory_space<vmem>>, vector<16xf32>,
      tpu.vector_store %arg23[%swap3A_502], %select_n3A_501 {strides = array<i32>} : memref<1600xf32, #tpu.memory_space<vmem>>, vector<16xf32>,
      %gt3A_504 = arith.constant 0.000000e+00 : f32
      %gt3A_505 = vector.broadcast %gt3A_504 : f32 to vector<16xf32>
      %gt3A_506 = arith.cmpf ogt, %select_n3A_501, %gt3A_505 : vector<16xf32>
      %lt3A_507 = arith.constant 0.000000e+00 : f32
      %lt3A_508 = vector.broadcast %lt3A_507 : f32 to vector<16xf32>
      %lt3A_509 = arith.cmpf olt, %select_n3A_501, %lt3A_508 : vector<16xf32>
      %jit3A_510 = arith.constant 1 : i32
      %jit3A_511 = arith.constant 0 : i32
      %broadcast_in_dim3A_512 = vector.broadcast %jit3A_510 : i32 to vector<16xi32>
      %broadcast_in_dim3A_513 = vector.broadcast %jit3A_511 : i32 to vector<16xi32>
      %select_n3A_514 = arith.select %lt3A_509, %broadcast_in_dim3A_512, %broadcast_in_dim3A_513 : vector<16xi1>, vector<16xi32>
      %jit3A_515 = arith.constant 2 : i32
      %broadcast_in_dim3A_516 = vector.broadcast %jit3A_515 : i32 to vector<16xi32>
      %select_n3A_517 = arith.select %gt3A_506, %broadcast_in_dim3A_516, %select_n3A_514 : vector<16xi1>, vector<16xi32>
      %shift_left3A_518 = arith.constant 16 : i32
      %shift_left3A_519 = vector.broadcast %shift_left3A_518 : i32 to vector<16xi32>
      %shift_left3A_520 = arith.shli %select_n3A_517, %shift_left3A_519 : vector<16xi32>
      %or3A_521 = arith.ori %or3A_479, %shift_left3A_520 : vector<16xi32>
      %mul3A_522 = arith.constant 64 : i32
      %mul3A_523 = arith.muli %scan3A_404, %mul3A_522 : i32
      %add3A_524 = arith.constant 48 : i32
      %add3A_525 = arith.addi %mul3A_523, %add3A_524 : i32
      %get3A_526 = arith.index_cast %add3A_525 : i32 to index
      %get3A_527 = tpu.vector_load %arg11[%get3A_526] {strides = array<i32>} : memref<1600xi32, #tpu.memory_space<vmem>>, vector<16xi32>,
      %gather3A_528 = tpu.vector_load_idx %arg9[%get3A_527] : memref<100352xf32, #tpu.memory_space<vmem>>[vector<16xi32>], vector<16xf32>,
      %get3A_529 = arith.index_cast %add3A_525 : i32 to index
      %get3A_530 = tpu.vector_load %arg14[%get3A_529] {strides = array<i32>} : memref<1600xi32, #tpu.memory_space<vmem>>, vector<16xi32>,
      %gather3A_531 = tpu.vector_load_idx %arg9[%get3A_530] : memref<100352xf32, #tpu.memory_space<vmem>>[vector<16xi32>], vector<16xf32>,
      %sub3A_532 = arith.subf %gather3A_531, %gather3A_528 : vector<16xf32>
      %get3A_533 = arith.index_cast %add3A_525 : i32 to index
      %get3A_534 = tpu.vector_load %arg17[%get3A_533] {strides = array<i32>} : memref<1600xf32, #tpu.memory_space<vmem>>, vector<16xf32>,
      %div3A_535 = arith.divf %sub3A_532, %get3A_534 : vector<16xf32>
      %get3A_536 = arith.index_cast %add3A_525 : i32 to index
      %get3A_537 = tpu.vector_load %arg20[%get3A_536] {strides = array<i32>} : memref<1600xi32, #tpu.memory_space<vmem>>, vector<16xi32>,
      %ne3A_538 = arith.constant 0 : i32
      %ne3A_539 = vector.broadcast %ne3A_538 : i32 to vector<16xi32>
      %ne3A_540 = arith.cmpi ne, %get3A_537, %ne3A_539 : vector<16xi32>
      %jit3A_541 = arith.constant 0.000000e+00 : f32
      %broadcast_in_dim3A_542 = vector.broadcast %jit3A_541 : f32 to vector<16xf32>
      %select_n3A_543 = arith.select %ne3A_540, %broadcast_in_dim3A_542, %div3A_535 : vector<16xi1>, vector<16xf32>
      %swap3A_544 = arith.index_cast %add3A_525 : i32 to index
      %swap3A_545 = tpu.vector_load %arg23[%swap3A_544] {strides = array<i32>} : memref<1600xf32, #tpu.memory_space<vmem>>, vector<16xf32>,
      tpu.vector_store %arg23[%swap3A_544], %select_n3A_543 {strides = array<i32>} : memref<1600xf32, #tpu.memory_space<vmem>>, vector<16xf32>,
      %gt3A_546 = arith.constant 0.000000e+00 : f32
      %gt3A_547 = vector.broadcast %gt3A_546 : f32 to vector<16xf32>
      %gt3A_548 = arith.cmpf ogt, %select_n3A_543, %gt3A_547 : vector<16xf32>
      %lt3A_549 = arith.constant 0.000000e+00 : f32
      %lt3A_550 = vector.broadcast %lt3A_549 : f32 to vector<16xf32>
      %lt3A_551 = arith.cmpf olt, %select_n3A_543, %lt3A_550 : vector<16xf32>
      %jit3A_552 = arith.constant 1 : i32
      %jit3A_553 = arith.constant 0 : i32
      %broadcast_in_dim3A_554 = vector.broadcast %jit3A_552 : i32 to vector<16xi32>
      %broadcast_in_dim3A_555 = vector.broadcast %jit3A_553 : i32 to vector<16xi32>
      %select_n3A_556 = arith.select %lt3A_551, %broadcast_in_dim3A_554, %broadcast_in_dim3A_555 : vector<16xi1>, vector<16xi32>
      %jit3A_557 = arith.constant 2 : i32
      %broadcast_in_dim3A_558 = vector.broadcast %jit3A_557 : i32 to vector<16xi32>
      %select_n3A_559 = arith.select %gt3A_548, %broadcast_in_dim3A_558, %select_n3A_556 : vector<16xi1>, vector<16xi32>
      %shift_left3A_560 = arith.constant 24 : i32
      %shift_left3A_561 = vector.broadcast %shift_left3A_560 : i32 to vector<16xi32>
      %shift_left3A_562 = arith.shli %select_n3A_559, %shift_left3A_561 : vector<16xi32>
      %or3A_563 = arith.ori %or3A_521, %shift_left3A_562 : vector<16xi32>
      %mul3A_564 = arith.constant 16 : i32
      %mul3A_565 = arith.muli %scan3A_404, %mul3A_564 : i32
      %swap3A_566 = arith.index_cast %mul3A_565 : i32 to index
      %swap3A_567 = tpu.vector_load %arg26[%swap3A_566] {strides = array<i32>} : memref<400xi32, #tpu.memory_space<vmem>>, vector<16xi32>,
      tpu.vector_store %arg26[%swap3A_566], %or3A_563 {strides = array<i32>} : memref<400xi32, #tpu.memory_space<vmem>>, vector<16xi32>,
    }
    %scan3A_101 = arith.constant 25 : i32
    %add3A_102 = arith.constant 32 : i32
    %add3A_103 = arith.addi %add3A, %add3A_102 : i32
    %lt3A_104 = arith.constant 250 : i32
    %lt3A_105 = arith.cmpi slt, %add3A_103, %lt3A_104 : i32
    %select_n3A_106 = arith.select %lt3A_105, %add3A_103, %add3A : i32
    %mul3A_107 = arith.constant 1600 : i32
    %mul3A_108 = arith.muli %select_n3A_106, %mul3A_107 : i32
    %dma_start3A_109 = tpu.memref_slice %arg7[%mul3A_108] : memref<400000xf32, #tpu.memory_space<hbm>> -> memref<1600xf32, #tpu.memory_space<hbm>>
    %dma_start3A_110 = tpu.memref_slice %arg7[%mul3A_108] : memref<400000xf32, #tpu.memory_space<hbm>> -> memref<1600xf32, #tpu.memory_space<hbm>>
    tpu.enqueue_dma source(%arg23 : memref<1600xf32, #tpu.memory_space<vmem>>) target(%dma_start3A_110 : memref<1600xf32, #tpu.memory_space<hbm>>) target_semaphore(%arg33 : memref<!tpu.dma_semaphore, #tpu.memory_space<semaphore_mem>>)
    %add3A_111 = arith.constant 32 : i32
    %add3A_112 = arith.addi %add3A, %add3A_111 : i32
    %lt3A_113 = arith.constant 250 : i32
    %lt3A_114 = arith.cmpi slt, %add3A_112, %lt3A_113 : i32
    %select_n3A_115 = arith.select %lt3A_114, %add3A_112, %add3A : i32
    %mul3A_116 = arith.constant 400 : i32
    %mul3A_117 = arith.muli %select_n3A_115, %mul3A_116 : i32
    %dma_start3A_118 = tpu.memref_slice %arg8[%mul3A_117] : memref<100000xi32, #tpu.memory_space<hbm>> -> memref<400xi32, #tpu.memory_space<hbm>>
    %dma_start3A_119 = tpu.memref_slice %arg8[%mul3A_117] : memref<100000xi32, #tpu.memory_space<hbm>> -> memref<400xi32, #tpu.memory_space<hbm>>
    tpu.enqueue_dma source(%arg26 : memref<400xi32, #tpu.memory_space<vmem>>) target(%dma_start3A_119 : memref<400xi32, #tpu.memory_space<hbm>>) target_semaphore(%arg33 : memref<!tpu.dma_semaphore, #tpu.memory_space<semaphore_mem>>)
    %add3A_120 = arith.constant 128 : i32
    %add3A_121 = arith.addi %add3A, %add3A_120 : i32
    %lt3A_122 = arith.constant 250 : i32
    %lt3A_123 = arith.cmpi slt, %add3A_121, %lt3A_122 : i32
    %select_n3A_124 = arith.select %lt3A_123, %add3A_121, %add3A : i32
    %mul3A_125 = arith.constant 1600 : i32
    %mul3A_126 = arith.muli %select_n3A_124, %mul3A_125 : i32
    %dma_start3A_127 = tpu.memref_slice %arg3[%mul3A_126] : memref<400000xi32, #tpu.memory_space<hbm>> -> memref<1600xi32, #tpu.memory_space<hbm>>
    %dma_start3A_128 = tpu.memref_slice %arg3[%mul3A_126] : memref<400000xi32, #tpu.memory_space<hbm>> -> memref<1600xi32, #tpu.memory_space<hbm>>
    tpu.enqueue_dma source(%dma_start3A_128 : memref<1600xi32, #tpu.memory_space<hbm>>) target(%arg11 : memref<1600xi32, #tpu.memory_space<vmem>>) target_semaphore(%arg30 : memref<!tpu.dma_semaphore, #tpu.memory_space<semaphore_mem>>)
    %dma_start3A_129 = tpu.memref_slice %arg4[%mul3A_126] : memref<400000xi32, #tpu.memory_space<hbm>> -> memref<1600xi32, #tpu.memory_space<hbm>>
    %dma_start3A_130 = tpu.memref_slice %arg4[%mul3A_126] : memref<400000xi32, #tpu.memory_space<hbm>> -> memref<1600xi32, #tpu.memory_space<hbm>>
    tpu.enqueue_dma source(%dma_start3A_130 : memref<1600xi32, #tpu.memory_space<hbm>>) target(%arg14 : memref<1600xi32, #tpu.memory_space<vmem>>) target_semaphore(%arg30 : memref<!tpu.dma_semaphore, #tpu.memory_space<semaphore_mem>>)
    %dma_start3A_131 = tpu.memref_slice %arg5[%mul3A_126] : memref<400000xf32, #tpu.memory_space<hbm>> -> memref<1600xf32, #tpu.memory_space<hbm>>
    %dma_start3A_132 = tpu.memref_slice %arg5[%mul3A_126] : memref<400000xf32, #tpu.memory_space<hbm>> -> memref<1600xf32, #tpu.memory_space<hbm>>
    tpu.enqueue_dma source(%dma_start3A_132 : memref<1600xf32, #tpu.memory_space<hbm>>) target(%arg17 : memref<1600xf32, #tpu.memory_space<vmem>>) target_semaphore(%arg30 : memref<!tpu.dma_semaphore, #tpu.memory_space<semaphore_mem>>)
    %dma_start3A_133 = tpu.memref_slice %arg6[%mul3A_126] : memref<400000xi32, #tpu.memory_space<hbm>> -> memref<1600xi32, #tpu.memory_space<hbm>>
    %dma_start3A_134 = tpu.memref_slice %arg6[%mul3A_126] : memref<400000xi32, #tpu.memory_space<hbm>> -> memref<1600xi32, #tpu.memory_space<hbm>>
    tpu.enqueue_dma source(%dma_start3A_134 : memref<1600xi32, #tpu.memory_space<hbm>>) target(%arg20 : memref<1600xi32, #tpu.memory_space<vmem>>) target_semaphore(%arg30 : memref<!tpu.dma_semaphore, #tpu.memory_space<semaphore_mem>>)
    %dma_wait3A_135 = tpu.memref_slice %arg3[%mul3A_34] : memref<400000xi32, #tpu.memory_space<hbm>> -> memref<1600xi32, #tpu.memory_space<hbm>>
    %dma_wait3A_136 = tpu.memref_slice %arg3[%mul3A_34] : memref<400000xi32, #tpu.memory_space<hbm>> -> memref<1600xi32, #tpu.memory_space<hbm>>
    tpu.wait_dma2 semaphore(%arg31 : memref<!tpu.dma_semaphore, #tpu.memory_space<semaphore_mem>>) src(%dma_wait3A_136 : memref<1600xi32, #tpu.memory_space<hbm>>) dst(%arg12 : memref<1600xi32, #tpu.memory_space<vmem>>)
    %dma_wait3A_137 = tpu.memref_slice %arg4[%mul3A_34] : memref<400000xi32, #tpu.memory_space<hbm>> -> memref<1600xi32, #tpu.memory_space<hbm>>
    %dma_wait3A_138 = tpu.memref_slice %arg4[%mul3A_34] : memref<400000xi32, #tpu.memory_space<hbm>> -> memref<1600xi32, #tpu.memory_space<hbm>>
    tpu.wait_dma2 semaphore(%arg31 : memref<!tpu.dma_semaphore, #tpu.memory_space<semaphore_mem>>) src(%dma_wait3A_138 : memref<1600xi32, #tpu.memory_space<hbm>>) dst(%arg15 : memref<1600xi32, #tpu.memory_space<vmem>>)
    %dma_wait3A_139 = tpu.memref_slice %arg5[%mul3A_34] : memref<400000xf32, #tpu.memory_space<hbm>> -> memref<1600xf32, #tpu.memory_space<hbm>>
    %dma_wait3A_140 = tpu.memref_slice %arg5[%mul3A_34] : memref<400000xf32, #tpu.memory_space<hbm>> -> memref<1600xf32, #tpu.memory_space<hbm>>
    tpu.wait_dma2 semaphore(%arg31 : memref<!tpu.dma_semaphore, #tpu.memory_space<semaphore_mem>>) src(%dma_wait3A_140 : memref<1600xf32, #tpu.memory_space<hbm>>) dst(%arg18 : memref<1600xf32, #tpu.memory_space<vmem>>)
    %dma_wait3A_141 = tpu.memref_slice %arg6[%mul3A_34] : memref<400000xi32, #tpu.memory_space<hbm>> -> memref<1600xi32, #tpu.memory_space<hbm>>
    %dma_wait3A_142 = tpu.memref_slice %arg6[%mul3A_34] : memref<400000xi32, #tpu.memory_space<hbm>> -> memref<1600xi32, #tpu.memory_space<hbm>>
    tpu.wait_dma2 semaphore(%arg31 : memref<!tpu.dma_semaphore, #tpu.memory_space<semaphore_mem>>) src(%dma_wait3A_142 : memref<1600xi32, #tpu.memory_space<hbm>>) dst(%arg21 : memref<1600xi32, #tpu.memory_space<vmem>>)
    %scan3A_143 = arith.constant 0 : i32
    %scan3A_144 = arith.constant 0 : i32
    %scan3A_145 = arith.constant 25 : i32
    %scan3A_146 = arith.addi %scan3A_144, %scan3A_145 : i32
    %scan3A_147 = arith.constant 1 : i32
    scf.for %scan3A_404 = %scan3A_144 to %scan3A_146 step %scan3A_147  : i32 {
      %broadcast_in_dim3A = arith.constant 0 : i32
      %broadcast_in_dim3A_405 = vector.broadcast %broadcast_in_dim3A : i32 to vector<16xi32>
      %mul3A_406 = arith.constant 64 : i32
      %mul3A_407 = arith.muli %scan3A_404, %mul3A_406 : i32
      %add3A_408 = arith.constant 0 : i32
      %add3A_409 = arith.addi %mul3A_407, %add3A_408 : i32
      %get3A = arith.index_cast %add3A_409 : i32 to index
      %get3A_410 = tpu.vector_load %arg12[%get3A] {strides = array<i32>} : memref<1600xi32, #tpu.memory_space<vmem>>, vector<16xi32>,
      %gather3A = tpu.vector_load_idx %arg9[%get3A_410] : memref<100352xf32, #tpu.memory_space<vmem>>[vector<16xi32>], vector<16xf32>,
      %get3A_411 = arith.index_cast %add3A_409 : i32 to index
      %get3A_412 = tpu.vector_load %arg15[%get3A_411] {strides = array<i32>} : memref<1600xi32, #tpu.memory_space<vmem>>, vector<16xi32>,
      %gather3A_413 = tpu.vector_load_idx %arg9[%get3A_412] : memref<100352xf32, #tpu.memory_space<vmem>>[vector<16xi32>], vector<16xf32>,
      %sub3A = arith.subf %gather3A_413, %gather3A : vector<16xf32>
      %get3A_414 = arith.index_cast %add3A_409 : i32 to index
      %get3A_415 = tpu.vector_load %arg18[%get3A_414] {strides = array<i32>} : memref<1600xf32, #tpu.memory_space<vmem>>, vector<16xf32>,
      %div3A = arith.divf %sub3A, %get3A_415 : vector<16xf32>
      %get3A_416 = arith.index_cast %add3A_409 : i32 to index
      %get3A_417 = tpu.vector_load %arg21[%get3A_416] {strides = array<i32>} : memref<1600xi32, #tpu.memory_space<vmem>>, vector<16xi32>,
      %ne3A = arith.constant 0 : i32
      %ne3A_418 = vector.broadcast %ne3A : i32 to vector<16xi32>
      %ne3A_419 = arith.cmpi ne, %get3A_417, %ne3A_418 : vector<16xi32>
      %jit3A = arith.constant 0.000000e+00 : f32
      %broadcast_in_dim3A_420 = vector.broadcast %jit3A : f32 to vector<16xf32>
      %select_n3A_421 = arith.select %ne3A_419, %broadcast_in_dim3A_420, %div3A : vector<16xi1>, vector<16xf32>
      %swap3A = arith.index_cast %add3A_409 : i32 to index
      %swap3A_422 = tpu.vector_load %arg24[%swap3A] {strides = array<i32>} : memref<1600xf32, #tpu.memory_space<vmem>>, vector<16xf32>,
      tpu.vector_store %arg24[%swap3A], %select_n3A_421 {strides = array<i32>} : memref<1600xf32, #tpu.memory_space<vmem>>, vector<16xf32>,
      %gt3A = arith.constant 0.000000e+00 : f32
      %gt3A_423 = vector.broadcast %gt3A : f32 to vector<16xf32>
      %gt3A_424 = arith.cmpf ogt, %select_n3A_421, %gt3A_423 : vector<16xf32>
      %lt3A_425 = arith.constant 0.000000e+00 : f32
      %lt3A_426 = vector.broadcast %lt3A_425 : f32 to vector<16xf32>
      %lt3A_427 = arith.cmpf olt, %select_n3A_421, %lt3A_426 : vector<16xf32>
      %jit3A_428 = arith.constant 1 : i32
      %jit3A_429 = arith.constant 0 : i32
      %broadcast_in_dim3A_430 = vector.broadcast %jit3A_428 : i32 to vector<16xi32>
      %broadcast_in_dim3A_431 = vector.broadcast %jit3A_429 : i32 to vector<16xi32>
      %select_n3A_432 = arith.select %lt3A_427, %broadcast_in_dim3A_430, %broadcast_in_dim3A_431 : vector<16xi1>, vector<16xi32>
      %jit3A_433 = arith.constant 2 : i32
      %broadcast_in_dim3A_434 = vector.broadcast %jit3A_433 : i32 to vector<16xi32>
      %select_n3A_435 = arith.select %gt3A_424, %broadcast_in_dim3A_434, %select_n3A_432 : vector<16xi1>, vector<16xi32>
      %shift_left3A = arith.constant 0 : i32
      %shift_left3A_436 = vector.broadcast %shift_left3A : i32 to vector<16xi32>
      %shift_left3A_437 = arith.shli %select_n3A_435, %shift_left3A_436 : vector<16xi32>
      %or3A = arith.ori %broadcast_in_dim3A_405, %shift_left3A_437 : vector<16xi32>
      %mul3A_438 = arith.constant 64 : i32
      %mul3A_439 = arith.muli %scan3A_404, %mul3A_438 : i32
      %add3A_440 = arith.constant 16 : i32
      %add3A_441 = arith.addi %mul3A_439, %add3A_440 : i32
      %get3A_442 = arith.index_cast %add3A_441 : i32 to index
      %get3A_443 = tpu.vector_load %arg12[%get3A_442] {strides = array<i32>} : memref<1600xi32, #tpu.memory_space<vmem>>, vector<16xi32>,
      %gather3A_444 = tpu.vector_load_idx %arg9[%get3A_443] : memref<100352xf32, #tpu.memory_space<vmem>>[vector<16xi32>], vector<16xf32>,
      %get3A_445 = arith.index_cast %add3A_441 : i32 to index
      %get3A_446 = tpu.vector_load %arg15[%get3A_445] {strides = array<i32>} : memref<1600xi32, #tpu.memory_space<vmem>>, vector<16xi32>,
      %gather3A_447 = tpu.vector_load_idx %arg9[%get3A_446] : memref<100352xf32, #tpu.memory_space<vmem>>[vector<16xi32>], vector<16xf32>,
      %sub3A_448 = arith.subf %gather3A_447, %gather3A_444 : vector<16xf32>
      %get3A_449 = arith.index_cast %add3A_441 : i32 to index
      %get3A_450 = tpu.vector_load %arg18[%get3A_449] {strides = array<i32>} : memref<1600xf32, #tpu.memory_space<vmem>>, vector<16xf32>,
      %div3A_451 = arith.divf %sub3A_448, %get3A_450 : vector<16xf32>
      %get3A_452 = arith.index_cast %add3A_441 : i32 to index
      %get3A_453 = tpu.vector_load %arg21[%get3A_452] {strides = array<i32>} : memref<1600xi32, #tpu.memory_space<vmem>>, vector<16xi32>,
      %ne3A_454 = arith.constant 0 : i32
      %ne3A_455 = vector.broadcast %ne3A_454 : i32 to vector<16xi32>
      %ne3A_456 = arith.cmpi ne, %get3A_453, %ne3A_455 : vector<16xi32>
      %jit3A_457 = arith.constant 0.000000e+00 : f32
      %broadcast_in_dim3A_458 = vector.broadcast %jit3A_457 : f32 to vector<16xf32>
      %select_n3A_459 = arith.select %ne3A_456, %broadcast_in_dim3A_458, %div3A_451 : vector<16xi1>, vector<16xf32>
      %swap3A_460 = arith.index_cast %add3A_441 : i32 to index
      %swap3A_461 = tpu.vector_load %arg24[%swap3A_460] {strides = array<i32>} : memref<1600xf32, #tpu.memory_space<vmem>>, vector<16xf32>,
      tpu.vector_store %arg24[%swap3A_460], %select_n3A_459 {strides = array<i32>} : memref<1600xf32, #tpu.memory_space<vmem>>, vector<16xf32>,
      %gt3A_462 = arith.constant 0.000000e+00 : f32
      %gt3A_463 = vector.broadcast %gt3A_462 : f32 to vector<16xf32>
      %gt3A_464 = arith.cmpf ogt, %select_n3A_459, %gt3A_463 : vector<16xf32>
      %lt3A_465 = arith.constant 0.000000e+00 : f32
      %lt3A_466 = vector.broadcast %lt3A_465 : f32 to vector<16xf32>
      %lt3A_467 = arith.cmpf olt, %select_n3A_459, %lt3A_466 : vector<16xf32>
      %jit3A_468 = arith.constant 1 : i32
      %jit3A_469 = arith.constant 0 : i32
      %broadcast_in_dim3A_470 = vector.broadcast %jit3A_468 : i32 to vector<16xi32>
      %broadcast_in_dim3A_471 = vector.broadcast %jit3A_469 : i32 to vector<16xi32>
      %select_n3A_472 = arith.select %lt3A_467, %broadcast_in_dim3A_470, %broadcast_in_dim3A_471 : vector<16xi1>, vector<16xi32>
      %jit3A_473 = arith.constant 2 : i32
      %broadcast_in_dim3A_474 = vector.broadcast %jit3A_473 : i32 to vector<16xi32>
      %select_n3A_475 = arith.select %gt3A_464, %broadcast_in_dim3A_474, %select_n3A_472 : vector<16xi1>, vector<16xi32>
      %shift_left3A_476 = arith.constant 8 : i32
      %shift_left3A_477 = vector.broadcast %shift_left3A_476 : i32 to vector<16xi32>
      %shift_left3A_478 = arith.shli %select_n3A_475, %shift_left3A_477 : vector<16xi32>
      %or3A_479 = arith.ori %or3A, %shift_left3A_478 : vector<16xi32>
      %mul3A_480 = arith.constant 64 : i32
      %mul3A_481 = arith.muli %scan3A_404, %mul3A_480 : i32
      %add3A_482 = arith.constant 32 : i32
      %add3A_483 = arith.addi %mul3A_481, %add3A_482 : i32
      %get3A_484 = arith.index_cast %add3A_483 : i32 to index
      %get3A_485 = tpu.vector_load %arg12[%get3A_484] {strides = array<i32>} : memref<1600xi32, #tpu.memory_space<vmem>>, vector<16xi32>,
      %gather3A_486 = tpu.vector_load_idx %arg9[%get3A_485] : memref<100352xf32, #tpu.memory_space<vmem>>[vector<16xi32>], vector<16xf32>,
      %get3A_487 = arith.index_cast %add3A_483 : i32 to index
      %get3A_488 = tpu.vector_load %arg15[%get3A_487] {strides = array<i32>} : memref<1600xi32, #tpu.memory_space<vmem>>, vector<16xi32>,
      %gather3A_489 = tpu.vector_load_idx %arg9[%get3A_488] : memref<100352xf32, #tpu.memory_space<vmem>>[vector<16xi32>], vector<16xf32>,
      %sub3A_490 = arith.subf %gather3A_489, %gather3A_486 : vector<16xf32>
      %get3A_491 = arith.index_cast %add3A_483 : i32 to index
      %get3A_492 = tpu.vector_load %arg18[%get3A_491] {strides = array<i32>} : memref<1600xf32, #tpu.memory_space<vmem>>, vector<16xf32>,
      %div3A_493 = arith.divf %sub3A_490, %get3A_492 : vector<16xf32>
      %get3A_494 = arith.index_cast %add3A_483 : i32 to index
      %get3A_495 = tpu.vector_load %arg21[%get3A_494] {strides = array<i32>} : memref<1600xi32, #tpu.memory_space<vmem>>, vector<16xi32>,
      %ne3A_496 = arith.constant 0 : i32
      %ne3A_497 = vector.broadcast %ne3A_496 : i32 to vector<16xi32>
      %ne3A_498 = arith.cmpi ne, %get3A_495, %ne3A_497 : vector<16xi32>
      %jit3A_499 = arith.constant 0.000000e+00 : f32
      %broadcast_in_dim3A_500 = vector.broadcast %jit3A_499 : f32 to vector<16xf32>
      %select_n3A_501 = arith.select %ne3A_498, %broadcast_in_dim3A_500, %div3A_493 : vector<16xi1>, vector<16xf32>
      %swap3A_502 = arith.index_cast %add3A_483 : i32 to index
      %swap3A_503 = tpu.vector_load %arg24[%swap3A_502] {strides = array<i32>} : memref<1600xf32, #tpu.memory_space<vmem>>, vector<16xf32>,
      tpu.vector_store %arg24[%swap3A_502], %select_n3A_501 {strides = array<i32>} : memref<1600xf32, #tpu.memory_space<vmem>>, vector<16xf32>,
      %gt3A_504 = arith.constant 0.000000e+00 : f32
      %gt3A_505 = vector.broadcast %gt3A_504 : f32 to vector<16xf32>
      %gt3A_506 = arith.cmpf ogt, %select_n3A_501, %gt3A_505 : vector<16xf32>
      %lt3A_507 = arith.constant 0.000000e+00 : f32
      %lt3A_508 = vector.broadcast %lt3A_507 : f32 to vector<16xf32>
      %lt3A_509 = arith.cmpf olt, %select_n3A_501, %lt3A_508 : vector<16xf32>
      %jit3A_510 = arith.constant 1 : i32
      %jit3A_511 = arith.constant 0 : i32
      %broadcast_in_dim3A_512 = vector.broadcast %jit3A_510 : i32 to vector<16xi32>
      %broadcast_in_dim3A_513 = vector.broadcast %jit3A_511 : i32 to vector<16xi32>
      %select_n3A_514 = arith.select %lt3A_509, %broadcast_in_dim3A_512, %broadcast_in_dim3A_513 : vector<16xi1>, vector<16xi32>
      %jit3A_515 = arith.constant 2 : i32
      %broadcast_in_dim3A_516 = vector.broadcast %jit3A_515 : i32 to vector<16xi32>
      %select_n3A_517 = arith.select %gt3A_506, %broadcast_in_dim3A_516, %select_n3A_514 : vector<16xi1>, vector<16xi32>
      %shift_left3A_518 = arith.constant 16 : i32
      %shift_left3A_519 = vector.broadcast %shift_left3A_518 : i32 to vector<16xi32>
      %shift_left3A_520 = arith.shli %select_n3A_517, %shift_left3A_519 : vector<16xi32>
      %or3A_521 = arith.ori %or3A_479, %shift_left3A_520 : vector<16xi32>
      %mul3A_522 = arith.constant 64 : i32
      %mul3A_523 = arith.muli %scan3A_404, %mul3A_522 : i32
      %add3A_524 = arith.constant 48 : i32
      %add3A_525 = arith.addi %mul3A_523, %add3A_524 : i32
      %get3A_526 = arith.index_cast %add3A_525 : i32 to index
      %get3A_527 = tpu.vector_load %arg12[%get3A_526] {strides = array<i32>} : memref<1600xi32, #tpu.memory_space<vmem>>, vector<16xi32>,
      %gather3A_528 = tpu.vector_load_idx %arg9[%get3A_527] : memref<100352xf32, #tpu.memory_space<vmem>>[vector<16xi32>], vector<16xf32>,
      %get3A_529 = arith.index_cast %add3A_525 : i32 to index
      %get3A_530 = tpu.vector_load %arg15[%get3A_529] {strides = array<i32>} : memref<1600xi32, #tpu.memory_space<vmem>>, vector<16xi32>,
      %gather3A_531 = tpu.vector_load_idx %arg9[%get3A_530] : memref<100352xf32, #tpu.memory_space<vmem>>[vector<16xi32>], vector<16xf32>,
      %sub3A_532 = arith.subf %gather3A_531, %gather3A_528 : vector<16xf32>
      %get3A_533 = arith.index_cast %add3A_525 : i32 to index
      %get3A_534 = tpu.vector_load %arg18[%get3A_533] {strides = array<i32>} : memref<1600xf32, #tpu.memory_space<vmem>>, vector<16xf32>,
      %div3A_535 = arith.divf %sub3A_532, %get3A_534 : vector<16xf32>
      %get3A_536 = arith.index_cast %add3A_525 : i32 to index
      %get3A_537 = tpu.vector_load %arg21[%get3A_536] {strides = array<i32>} : memref<1600xi32, #tpu.memory_space<vmem>>, vector<16xi32>,
      %ne3A_538 = arith.constant 0 : i32
      %ne3A_539 = vector.broadcast %ne3A_538 : i32 to vector<16xi32>
      %ne3A_540 = arith.cmpi ne, %get3A_537, %ne3A_539 : vector<16xi32>
      %jit3A_541 = arith.constant 0.000000e+00 : f32
      %broadcast_in_dim3A_542 = vector.broadcast %jit3A_541 : f32 to vector<16xf32>
      %select_n3A_543 = arith.select %ne3A_540, %broadcast_in_dim3A_542, %div3A_535 : vector<16xi1>, vector<16xf32>
      %swap3A_544 = arith.index_cast %add3A_525 : i32 to index
      %swap3A_545 = tpu.vector_load %arg24[%swap3A_544] {strides = array<i32>} : memref<1600xf32, #tpu.memory_space<vmem>>, vector<16xf32>,
      tpu.vector_store %arg24[%swap3A_544], %select_n3A_543 {strides = array<i32>} : memref<1600xf32, #tpu.memory_space<vmem>>, vector<16xf32>,
      %gt3A_546 = arith.constant 0.000000e+00 : f32
      %gt3A_547 = vector.broadcast %gt3A_546 : f32 to vector<16xf32>
      %gt3A_548 = arith.cmpf ogt, %select_n3A_543, %gt3A_547 : vector<16xf32>
      %lt3A_549 = arith.constant 0.000000e+00 : f32
      %lt3A_550 = vector.broadcast %lt3A_549 : f32 to vector<16xf32>
      %lt3A_551 = arith.cmpf olt, %select_n3A_543, %lt3A_550 : vector<16xf32>
      %jit3A_552 = arith.constant 1 : i32
      %jit3A_553 = arith.constant 0 : i32
      %broadcast_in_dim3A_554 = vector.broadcast %jit3A_552 : i32 to vector<16xi32>
      %broadcast_in_dim3A_555 = vector.broadcast %jit3A_553 : i32 to vector<16xi32>
      %select_n3A_556 = arith.select %lt3A_551, %broadcast_in_dim3A_554, %broadcast_in_dim3A_555 : vector<16xi1>, vector<16xi32>
      %jit3A_557 = arith.constant 2 : i32
      %broadcast_in_dim3A_558 = vector.broadcast %jit3A_557 : i32 to vector<16xi32>
      %select_n3A_559 = arith.select %gt3A_548, %broadcast_in_dim3A_558, %select_n3A_556 : vector<16xi1>, vector<16xi32>
      %shift_left3A_560 = arith.constant 24 : i32
      %shift_left3A_561 = vector.broadcast %shift_left3A_560 : i32 to vector<16xi32>
      %shift_left3A_562 = arith.shli %select_n3A_559, %shift_left3A_561 : vector<16xi32>
      %or3A_563 = arith.ori %or3A_521, %shift_left3A_562 : vector<16xi32>
      %mul3A_564 = arith.constant 16 : i32
      %mul3A_565 = arith.muli %scan3A_404, %mul3A_564 : i32
      %swap3A_566 = arith.index_cast %mul3A_565 : i32 to index
      %swap3A_567 = tpu.vector_load %arg27[%swap3A_566] {strides = array<i32>} : memref<400xi32, #tpu.memory_space<vmem>>, vector<16xi32>,
      tpu.vector_store %arg27[%swap3A_566], %or3A_563 {strides = array<i32>} : memref<400xi32, #tpu.memory_space<vmem>>, vector<16xi32>,
    }
    %scan3A_148 = arith.constant 25 : i32
    %add3A_149 = arith.constant 64 : i32
    %add3A_150 = arith.addi %add3A, %add3A_149 : i32
    %lt3A_151 = arith.constant 250 : i32
    %lt3A_152 = arith.cmpi slt, %add3A_150, %lt3A_151 : i32
    %select_n3A_153 = arith.select %lt3A_152, %add3A_150, %add3A : i32
    %mul3A_154 = arith.constant 1600 : i32
    %mul3A_155 = arith.muli %select_n3A_153, %mul3A_154 : i32
    %dma_start3A_156 = tpu.memref_slice %arg7[%mul3A_155] : memref<400000xf32, #tpu.memory_space<hbm>> -> memref<1600xf32, #tpu.memory_space<hbm>>
    %dma_start3A_157 = tpu.memref_slice %arg7[%mul3A_155] : memref<400000xf32, #tpu.memory_space<hbm>> -> memref<1600xf32, #tpu.memory_space<hbm>>
    tpu.enqueue_dma source(%arg24 : memref<1600xf32, #tpu.memory_space<vmem>>) target(%dma_start3A_157 : memref<1600xf32, #tpu.memory_space<hbm>>) target_semaphore(%arg34 : memref<!tpu.dma_semaphore, #tpu.memory_space<semaphore_mem>>)
    %add3A_158 = arith.constant 64 : i32
    %add3A_159 = arith.addi %add3A, %add3A_158 : i32
    %lt3A_160 = arith.constant 250 : i32
    %lt3A_161 = arith.cmpi slt, %add3A_159, %lt3A_160 : i32
    %select_n3A_162 = arith.select %lt3A_161, %add3A_159, %add3A : i32
    %mul3A_163 = arith.constant 400 : i32
    %mul3A_164 = arith.muli %select_n3A_162, %mul3A_163 : i32
    %dma_start3A_165 = tpu.memref_slice %arg8[%mul3A_164] : memref<100000xi32, #tpu.memory_space<hbm>> -> memref<400xi32, #tpu.memory_space<hbm>>
    %dma_start3A_166 = tpu.memref_slice %arg8[%mul3A_164] : memref<100000xi32, #tpu.memory_space<hbm>> -> memref<400xi32, #tpu.memory_space<hbm>>
    tpu.enqueue_dma source(%arg27 : memref<400xi32, #tpu.memory_space<vmem>>) target(%dma_start3A_166 : memref<400xi32, #tpu.memory_space<hbm>>) target_semaphore(%arg34 : memref<!tpu.dma_semaphore, #tpu.memory_space<semaphore_mem>>)
    %add3A_167 = arith.constant 160 : i32
    %add3A_168 = arith.addi %add3A, %add3A_167 : i32
    %lt3A_169 = arith.constant 250 : i32
    %lt3A_170 = arith.cmpi slt, %add3A_168, %lt3A_169 : i32
    %select_n3A_171 = arith.select %lt3A_170, %add3A_168, %add3A : i32
    %mul3A_172 = arith.constant 1600 : i32
    %mul3A_173 = arith.muli %select_n3A_171, %mul3A_172 : i32
    %dma_start3A_174 = tpu.memref_slice %arg3[%mul3A_173] : memref<400000xi32, #tpu.memory_space<hbm>> -> memref<1600xi32, #tpu.memory_space<hbm>>
    %dma_start3A_175 = tpu.memref_slice %arg3[%mul3A_173] : memref<400000xi32, #tpu.memory_space<hbm>> -> memref<1600xi32, #tpu.memory_space<hbm>>
    tpu.enqueue_dma source(%dma_start3A_175 : memref<1600xi32, #tpu.memory_space<hbm>>) target(%arg12 : memref<1600xi32, #tpu.memory_space<vmem>>) target_semaphore(%arg31 : memref<!tpu.dma_semaphore, #tpu.memory_space<semaphore_mem>>)
    %dma_start3A_176 = tpu.memref_slice %arg4[%mul3A_173] : memref<400000xi32, #tpu.memory_space<hbm>> -> memref<1600xi32, #tpu.memory_space<hbm>>
    %dma_start3A_177 = tpu.memref_slice %arg4[%mul3A_173] : memref<400000xi32, #tpu.memory_space<hbm>> -> memref<1600xi32, #tpu.memory_space<hbm>>
    tpu.enqueue_dma source(%dma_start3A_177 : memref<1600xi32, #tpu.memory_space<hbm>>) target(%arg15 : memref<1600xi32, #tpu.memory_space<vmem>>) target_semaphore(%arg31 : memref<!tpu.dma_semaphore, #tpu.memory_space<semaphore_mem>>)
    %dma_start3A_178 = tpu.memref_slice %arg5[%mul3A_173] : memref<400000xf32, #tpu.memory_space<hbm>> -> memref<1600xf32, #tpu.memory_space<hbm>>
    %dma_start3A_179 = tpu.memref_slice %arg5[%mul3A_173] : memref<400000xf32, #tpu.memory_space<hbm>> -> memref<1600xf32, #tpu.memory_space<hbm>>
    tpu.enqueue_dma source(%dma_start3A_179 : memref<1600xf32, #tpu.memory_space<hbm>>) target(%arg18 : memref<1600xf32, #tpu.memory_space<vmem>>) target_semaphore(%arg31 : memref<!tpu.dma_semaphore, #tpu.memory_space<semaphore_mem>>)
    %dma_start3A_180 = tpu.memref_slice %arg6[%mul3A_173] : memref<400000xi32, #tpu.memory_space<hbm>> -> memref<1600xi32, #tpu.memory_space<hbm>>
    %dma_start3A_181 = tpu.memref_slice %arg6[%mul3A_173] : memref<400000xi32, #tpu.memory_space<hbm>> -> memref<1600xi32, #tpu.memory_space<hbm>>
    tpu.enqueue_dma source(%dma_start3A_181 : memref<1600xi32, #tpu.memory_space<hbm>>) target(%arg21 : memref<1600xi32, #tpu.memory_space<vmem>>) target_semaphore(%arg31 : memref<!tpu.dma_semaphore, #tpu.memory_space<semaphore_mem>>)
    %dma_wait3A_182 = tpu.memref_slice %arg3[%mul3A_79] : memref<400000xi32, #tpu.memory_space<hbm>> -> memref<1600xi32, #tpu.memory_space<hbm>>
    %dma_wait3A_183 = tpu.memref_slice %arg3[%mul3A_79] : memref<400000xi32, #tpu.memory_space<hbm>> -> memref<1600xi32, #tpu.memory_space<hbm>>
    tpu.wait_dma2 semaphore(%arg29 : memref<!tpu.dma_semaphore, #tpu.memory_space<semaphore_mem>>) src(%dma_wait3A_183 : memref<1600xi32, #tpu.memory_space<hbm>>) dst(%arg10 : memref<1600xi32, #tpu.memory_space<vmem>>)
    %dma_wait3A_184 = tpu.memref_slice %arg4[%mul3A_79] : memref<400000xi32, #tpu.memory_space<hbm>> -> memref<1600xi32, #tpu.memory_space<hbm>>
    %dma_wait3A_185 = tpu.memref_slice %arg4[%mul3A_79] : memref<400000xi32, #tpu.memory_space<hbm>> -> memref<1600xi32, #tpu.memory_space<hbm>>
    tpu.wait_dma2 semaphore(%arg29 : memref<!tpu.dma_semaphore, #tpu.memory_space<semaphore_mem>>) src(%dma_wait3A_185 : memref<1600xi32, #tpu.memory_space<hbm>>) dst(%arg13 : memref<1600xi32, #tpu.memory_space<vmem>>)
    %dma_wait3A_186 = tpu.memref_slice %arg5[%mul3A_79] : memref<400000xf32, #tpu.memory_space<hbm>> -> memref<1600xf32, #tpu.memory_space<hbm>>
    %dma_wait3A_187 = tpu.memref_slice %arg5[%mul3A_79] : memref<400000xf32, #tpu.memory_space<hbm>> -> memref<1600xf32, #tpu.memory_space<hbm>>
    tpu.wait_dma2 semaphore(%arg29 : memref<!tpu.dma_semaphore, #tpu.memory_space<semaphore_mem>>) src(%dma_wait3A_187 : memref<1600xf32, #tpu.memory_space<hbm>>) dst(%arg16 : memref<1600xf32, #tpu.memory_space<vmem>>)
    %dma_wait3A_188 = tpu.memref_slice %arg6[%mul3A_79] : memref<400000xi32, #tpu.memory_space<hbm>> -> memref<1600xi32, #tpu.memory_space<hbm>>
    %dma_wait3A_189 = tpu.memref_slice %arg6[%mul3A_79] : memref<400000xi32, #tpu.memory_space<hbm>> -> memref<1600xi32, #tpu.memory_space<hbm>>
    tpu.wait_dma2 semaphore(%arg29 : memref<!tpu.dma_semaphore, #tpu.memory_space<semaphore_mem>>) src(%dma_wait3A_189 : memref<1600xi32, #tpu.memory_space<hbm>>) dst(%arg19 : memref<1600xi32, #tpu.memory_space<vmem>>)
    %dma_wait3A_190 = tpu.memref_slice %arg7[%mul3A_61] : memref<400000xf32, #tpu.memory_space<hbm>> -> memref<1600xf32, #tpu.memory_space<hbm>>
    %dma_wait3A_191 = tpu.memref_slice %arg7[%mul3A_61] : memref<400000xf32, #tpu.memory_space<hbm>> -> memref<1600xf32, #tpu.memory_space<hbm>>
    tpu.wait_dma2 semaphore(%arg32 : memref<!tpu.dma_semaphore, #tpu.memory_space<semaphore_mem>>) src(%arg22 : memref<1600xf32, #tpu.memory_space<vmem>>) dst(%dma_wait3A_191 : memref<1600xf32, #tpu.memory_space<hbm>>)
    %dma_wait3A_192 = tpu.memref_slice %arg8[%mul3A_70] : memref<100000xi32, #tpu.memory_space<hbm>> -> memref<400xi32, #tpu.memory_space<hbm>>
    %dma_wait3A_193 = tpu.memref_slice %arg8[%mul3A_70] : memref<100000xi32, #tpu.memory_space<hbm>> -> memref<400xi32, #tpu.memory_space<hbm>>
    tpu.wait_dma2 semaphore(%arg32 : memref<!tpu.dma_semaphore, #tpu.memory_space<semaphore_mem>>) src(%arg25 : memref<400xi32, #tpu.memory_space<vmem>>) dst(%dma_wait3A_193 : memref<400xi32, #tpu.memory_space<hbm>>)
    %scan3A_194 = arith.constant 0 : i32
    %scan3A_195 = arith.constant 0 : i32
    %scan3A_196 = arith.constant 25 : i32
    %scan3A_197 = arith.addi %scan3A_195, %scan3A_196 : i32
    %scan3A_198 = arith.constant 1 : i32
    scf.for %scan3A_404 = %scan3A_195 to %scan3A_197 step %scan3A_198  : i32 {
      %broadcast_in_dim3A = arith.constant 0 : i32
      %broadcast_in_dim3A_405 = vector.broadcast %broadcast_in_dim3A : i32 to vector<16xi32>
      %mul3A_406 = arith.constant 64 : i32
      %mul3A_407 = arith.muli %scan3A_404, %mul3A_406 : i32
      %add3A_408 = arith.constant 0 : i32
      %add3A_409 = arith.addi %mul3A_407, %add3A_408 : i32
      %get3A = arith.index_cast %add3A_409 : i32 to index
      %get3A_410 = tpu.vector_load %arg10[%get3A] {strides = array<i32>} : memref<1600xi32, #tpu.memory_space<vmem>>, vector<16xi32>,
      %gather3A = tpu.vector_load_idx %arg9[%get3A_410] : memref<100352xf32, #tpu.memory_space<vmem>>[vector<16xi32>], vector<16xf32>,
      %get3A_411 = arith.index_cast %add3A_409 : i32 to index
      %get3A_412 = tpu.vector_load %arg13[%get3A_411] {strides = array<i32>} : memref<1600xi32, #tpu.memory_space<vmem>>, vector<16xi32>,
      %gather3A_413 = tpu.vector_load_idx %arg9[%get3A_412] : memref<100352xf32, #tpu.memory_space<vmem>>[vector<16xi32>], vector<16xf32>,
      %sub3A = arith.subf %gather3A_413, %gather3A : vector<16xf32>
      %get3A_414 = arith.index_cast %add3A_409 : i32 to index
      %get3A_415 = tpu.vector_load %arg16[%get3A_414] {strides = array<i32>} : memref<1600xf32, #tpu.memory_space<vmem>>, vector<16xf32>,
      %div3A = arith.divf %sub3A, %get3A_415 : vector<16xf32>
      %get3A_416 = arith.index_cast %add3A_409 : i32 to index
      %get3A_417 = tpu.vector_load %arg19[%get3A_416] {strides = array<i32>} : memref<1600xi32, #tpu.memory_space<vmem>>, vector<16xi32>,
      %ne3A = arith.constant 0 : i32
      %ne3A_418 = vector.broadcast %ne3A : i32 to vector<16xi32>
      %ne3A_419 = arith.cmpi ne, %get3A_417, %ne3A_418 : vector<16xi32>
      %jit3A = arith.constant 0.000000e+00 : f32
      %broadcast_in_dim3A_420 = vector.broadcast %jit3A : f32 to vector<16xf32>
      %select_n3A_421 = arith.select %ne3A_419, %broadcast_in_dim3A_420, %div3A : vector<16xi1>, vector<16xf32>
      %swap3A = arith.index_cast %add3A_409 : i32 to index
      %swap3A_422 = tpu.vector_load %arg22[%swap3A] {strides = array<i32>} : memref<1600xf32, #tpu.memory_space<vmem>>, vector<16xf32>,
      tpu.vector_store %arg22[%swap3A], %select_n3A_421 {strides = array<i32>} : memref<1600xf32, #tpu.memory_space<vmem>>, vector<16xf32>,
      %gt3A = arith.constant 0.000000e+00 : f32
      %gt3A_423 = vector.broadcast %gt3A : f32 to vector<16xf32>
      %gt3A_424 = arith.cmpf ogt, %select_n3A_421, %gt3A_423 : vector<16xf32>
      %lt3A_425 = arith.constant 0.000000e+00 : f32
      %lt3A_426 = vector.broadcast %lt3A_425 : f32 to vector<16xf32>
      %lt3A_427 = arith.cmpf olt, %select_n3A_421, %lt3A_426 : vector<16xf32>
      %jit3A_428 = arith.constant 1 : i32
      %jit3A_429 = arith.constant 0 : i32
      %broadcast_in_dim3A_430 = vector.broadcast %jit3A_428 : i32 to vector<16xi32>
      %broadcast_in_dim3A_431 = vector.broadcast %jit3A_429 : i32 to vector<16xi32>
      %select_n3A_432 = arith.select %lt3A_427, %broadcast_in_dim3A_430, %broadcast_in_dim3A_431 : vector<16xi1>, vector<16xi32>
      %jit3A_433 = arith.constant 2 : i32
      %broadcast_in_dim3A_434 = vector.broadcast %jit3A_433 : i32 to vector<16xi32>
      %select_n3A_435 = arith.select %gt3A_424, %broadcast_in_dim3A_434, %select_n3A_432 : vector<16xi1>, vector<16xi32>
      %shift_left3A = arith.constant 0 : i32
      %shift_left3A_436 = vector.broadcast %shift_left3A : i32 to vector<16xi32>
      %shift_left3A_437 = arith.shli %select_n3A_435, %shift_left3A_436 : vector<16xi32>
      %or3A = arith.ori %broadcast_in_dim3A_405, %shift_left3A_437 : vector<16xi32>
      %mul3A_438 = arith.constant 64 : i32
      %mul3A_439 = arith.muli %scan3A_404, %mul3A_438 : i32
      %add3A_440 = arith.constant 16 : i32
      %add3A_441 = arith.addi %mul3A_439, %add3A_440 : i32
      %get3A_442 = arith.index_cast %add3A_441 : i32 to index
      %get3A_443 = tpu.vector_load %arg10[%get3A_442] {strides = array<i32>} : memref<1600xi32, #tpu.memory_space<vmem>>, vector<16xi32>,
      %gather3A_444 = tpu.vector_load_idx %arg9[%get3A_443] : memref<100352xf32, #tpu.memory_space<vmem>>[vector<16xi32>], vector<16xf32>,
      %get3A_445 = arith.index_cast %add3A_441 : i32 to index
      %get3A_446 = tpu.vector_load %arg13[%get3A_445] {strides = array<i32>} : memref<1600xi32, #tpu.memory_space<vmem>>, vector<16xi32>,
      %gather3A_447 = tpu.vector_load_idx %arg9[%get3A_446] : memref<100352xf32, #tpu.memory_space<vmem>>[vector<16xi32>], vector<16xf32>,
      %sub3A_448 = arith.subf %gather3A_447, %gather3A_444 : vector<16xf32>
      %get3A_449 = arith.index_cast %add3A_441 : i32 to index
      %get3A_450 = tpu.vector_load %arg16[%get3A_449] {strides = array<i32>} : memref<1600xf32, #tpu.memory_space<vmem>>, vector<16xf32>,
      %div3A_451 = arith.divf %sub3A_448, %get3A_450 : vector<16xf32>
      %get3A_452 = arith.index_cast %add3A_441 : i32 to index
      %get3A_453 = tpu.vector_load %arg19[%get3A_452] {strides = array<i32>} : memref<1600xi32, #tpu.memory_space<vmem>>, vector<16xi32>,
      %ne3A_454 = arith.constant 0 : i32
      %ne3A_455 = vector.broadcast %ne3A_454 : i32 to vector<16xi32>
      %ne3A_456 = arith.cmpi ne, %get3A_453, %ne3A_455 : vector<16xi32>
      %jit3A_457 = arith.constant 0.000000e+00 : f32
      %broadcast_in_dim3A_458 = vector.broadcast %jit3A_457 : f32 to vector<16xf32>
      %select_n3A_459 = arith.select %ne3A_456, %broadcast_in_dim3A_458, %div3A_451 : vector<16xi1>, vector<16xf32>
      %swap3A_460 = arith.index_cast %add3A_441 : i32 to index
      %swap3A_461 = tpu.vector_load %arg22[%swap3A_460] {strides = array<i32>} : memref<1600xf32, #tpu.memory_space<vmem>>, vector<16xf32>,
      tpu.vector_store %arg22[%swap3A_460], %select_n3A_459 {strides = array<i32>} : memref<1600xf32, #tpu.memory_space<vmem>>, vector<16xf32>,
      %gt3A_462 = arith.constant 0.000000e+00 : f32
      %gt3A_463 = vector.broadcast %gt3A_462 : f32 to vector<16xf32>
      %gt3A_464 = arith.cmpf ogt, %select_n3A_459, %gt3A_463 : vector<16xf32>
      %lt3A_465 = arith.constant 0.000000e+00 : f32
      %lt3A_466 = vector.broadcast %lt3A_465 : f32 to vector<16xf32>
      %lt3A_467 = arith.cmpf olt, %select_n3A_459, %lt3A_466 : vector<16xf32>
      %jit3A_468 = arith.constant 1 : i32
      %jit3A_469 = arith.constant 0 : i32
      %broadcast_in_dim3A_470 = vector.broadcast %jit3A_468 : i32 to vector<16xi32>
      %broadcast_in_dim3A_471 = vector.broadcast %jit3A_469 : i32 to vector<16xi32>
      %select_n3A_472 = arith.select %lt3A_467, %broadcast_in_dim3A_470, %broadcast_in_dim3A_471 : vector<16xi1>, vector<16xi32>
      %jit3A_473 = arith.constant 2 : i32
      %broadcast_in_dim3A_474 = vector.broadcast %jit3A_473 : i32 to vector<16xi32>
      %select_n3A_475 = arith.select %gt3A_464, %broadcast_in_dim3A_474, %select_n3A_472 : vector<16xi1>, vector<16xi32>
      %shift_left3A_476 = arith.constant 8 : i32
      %shift_left3A_477 = vector.broadcast %shift_left3A_476 : i32 to vector<16xi32>
      %shift_left3A_478 = arith.shli %select_n3A_475, %shift_left3A_477 : vector<16xi32>
      %or3A_479 = arith.ori %or3A, %shift_left3A_478 : vector<16xi32>
      %mul3A_480 = arith.constant 64 : i32
      %mul3A_481 = arith.muli %scan3A_404, %mul3A_480 : i32
      %add3A_482 = arith.constant 32 : i32
      %add3A_483 = arith.addi %mul3A_481, %add3A_482 : i32
      %get3A_484 = arith.index_cast %add3A_483 : i32 to index
      %get3A_485 = tpu.vector_load %arg10[%get3A_484] {strides = array<i32>} : memref<1600xi32, #tpu.memory_space<vmem>>, vector<16xi32>,
      %gather3A_486 = tpu.vector_load_idx %arg9[%get3A_485] : memref<100352xf32, #tpu.memory_space<vmem>>[vector<16xi32>], vector<16xf32>,
      %get3A_487 = arith.index_cast %add3A_483 : i32 to index
      %get3A_488 = tpu.vector_load %arg13[%get3A_487] {strides = array<i32>} : memref<1600xi32, #tpu.memory_space<vmem>>, vector<16xi32>,
      %gather3A_489 = tpu.vector_load_idx %arg9[%get3A_488] : memref<100352xf32, #tpu.memory_space<vmem>>[vector<16xi32>], vector<16xf32>,
      %sub3A_490 = arith.subf %gather3A_489, %gather3A_486 : vector<16xf32>
      %get3A_491 = arith.index_cast %add3A_483 : i32 to index
      %get3A_492 = tpu.vector_load %arg16[%get3A_491] {strides = array<i32>} : memref<1600xf32, #tpu.memory_space<vmem>>, vector<16xf32>,
      %div3A_493 = arith.divf %sub3A_490, %get3A_492 : vector<16xf32>
      %get3A_494 = arith.index_cast %add3A_483 : i32 to index
      %get3A_495 = tpu.vector_load %arg19[%get3A_494] {strides = array<i32>} : memref<1600xi32, #tpu.memory_space<vmem>>, vector<16xi32>,
      %ne3A_496 = arith.constant 0 : i32
      %ne3A_497 = vector.broadcast %ne3A_496 : i32 to vector<16xi32>
      %ne3A_498 = arith.cmpi ne, %get3A_495, %ne3A_497 : vector<16xi32>
      %jit3A_499 = arith.constant 0.000000e+00 : f32
      %broadcast_in_dim3A_500 = vector.broadcast %jit3A_499 : f32 to vector<16xf32>
      %select_n3A_501 = arith.select %ne3A_498, %broadcast_in_dim3A_500, %div3A_493 : vector<16xi1>, vector<16xf32>
      %swap3A_502 = arith.index_cast %add3A_483 : i32 to index
      %swap3A_503 = tpu.vector_load %arg22[%swap3A_502] {strides = array<i32>} : memref<1600xf32, #tpu.memory_space<vmem>>, vector<16xf32>,
      tpu.vector_store %arg22[%swap3A_502], %select_n3A_501 {strides = array<i32>} : memref<1600xf32, #tpu.memory_space<vmem>>, vector<16xf32>,
      %gt3A_504 = arith.constant 0.000000e+00 : f32
      %gt3A_505 = vector.broadcast %gt3A_504 : f32 to vector<16xf32>
      %gt3A_506 = arith.cmpf ogt, %select_n3A_501, %gt3A_505 : vector<16xf32>
      %lt3A_507 = arith.constant 0.000000e+00 : f32
      %lt3A_508 = vector.broadcast %lt3A_507 : f32 to vector<16xf32>
      %lt3A_509 = arith.cmpf olt, %select_n3A_501, %lt3A_508 : vector<16xf32>
      %jit3A_510 = arith.constant 1 : i32
      %jit3A_511 = arith.constant 0 : i32
      %broadcast_in_dim3A_512 = vector.broadcast %jit3A_510 : i32 to vector<16xi32>
      %broadcast_in_dim3A_513 = vector.broadcast %jit3A_511 : i32 to vector<16xi32>
      %select_n3A_514 = arith.select %lt3A_509, %broadcast_in_dim3A_512, %broadcast_in_dim3A_513 : vector<16xi1>, vector<16xi32>
      %jit3A_515 = arith.constant 2 : i32
      %broadcast_in_dim3A_516 = vector.broadcast %jit3A_515 : i32 to vector<16xi32>
      %select_n3A_517 = arith.select %gt3A_506, %broadcast_in_dim3A_516, %select_n3A_514 : vector<16xi1>, vector<16xi32>
      %shift_left3A_518 = arith.constant 16 : i32
      %shift_left3A_519 = vector.broadcast %shift_left3A_518 : i32 to vector<16xi32>
      %shift_left3A_520 = arith.shli %select_n3A_517, %shift_left3A_519 : vector<16xi32>
      %or3A_521 = arith.ori %or3A_479, %shift_left3A_520 : vector<16xi32>
      %mul3A_522 = arith.constant 64 : i32
      %mul3A_523 = arith.muli %scan3A_404, %mul3A_522 : i32
      %add3A_524 = arith.constant 48 : i32
      %add3A_525 = arith.addi %mul3A_523, %add3A_524 : i32
      %get3A_526 = arith.index_cast %add3A_525 : i32 to index
      %get3A_527 = tpu.vector_load %arg10[%get3A_526] {strides = array<i32>} : memref<1600xi32, #tpu.memory_space<vmem>>, vector<16xi32>,
      %gather3A_528 = tpu.vector_load_idx %arg9[%get3A_527] : memref<100352xf32, #tpu.memory_space<vmem>>[vector<16xi32>], vector<16xf32>,
      %get3A_529 = arith.index_cast %add3A_525 : i32 to index
      %get3A_530 = tpu.vector_load %arg13[%get3A_529] {strides = array<i32>} : memref<1600xi32, #tpu.memory_space<vmem>>, vector<16xi32>,
      %gather3A_531 = tpu.vector_load_idx %arg9[%get3A_530] : memref<100352xf32, #tpu.memory_space<vmem>>[vector<16xi32>], vector<16xf32>,
      %sub3A_532 = arith.subf %gather3A_531, %gather3A_528 : vector<16xf32>
      %get3A_533 = arith.index_cast %add3A_525 : i32 to index
      %get3A_534 = tpu.vector_load %arg16[%get3A_533] {strides = array<i32>} : memref<1600xf32, #tpu.memory_space<vmem>>, vector<16xf32>,
      %div3A_535 = arith.divf %sub3A_532, %get3A_534 : vector<16xf32>
      %get3A_536 = arith.index_cast %add3A_525 : i32 to index
      %get3A_537 = tpu.vector_load %arg19[%get3A_536] {strides = array<i32>} : memref<1600xi32, #tpu.memory_space<vmem>>, vector<16xi32>,
      %ne3A_538 = arith.constant 0 : i32
      %ne3A_539 = vector.broadcast %ne3A_538 : i32 to vector<16xi32>
      %ne3A_540 = arith.cmpi ne, %get3A_537, %ne3A_539 : vector<16xi32>
      %jit3A_541 = arith.constant 0.000000e+00 : f32
      %broadcast_in_dim3A_542 = vector.broadcast %jit3A_541 : f32 to vector<16xf32>
      %select_n3A_543 = arith.select %ne3A_540, %broadcast_in_dim3A_542, %div3A_535 : vector<16xi1>, vector<16xf32>
      %swap3A_544 = arith.index_cast %add3A_525 : i32 to index
      %swap3A_545 = tpu.vector_load %arg22[%swap3A_544] {strides = array<i32>} : memref<1600xf32, #tpu.memory_space<vmem>>, vector<16xf32>,
      tpu.vector_store %arg22[%swap3A_544], %select_n3A_543 {strides = array<i32>} : memref<1600xf32, #tpu.memory_space<vmem>>, vector<16xf32>,
      %gt3A_546 = arith.constant 0.000000e+00 : f32
      %gt3A_547 = vector.broadcast %gt3A_546 : f32 to vector<16xf32>
      %gt3A_548 = arith.cmpf ogt, %select_n3A_543, %gt3A_547 : vector<16xf32>
      %lt3A_549 = arith.constant 0.000000e+00 : f32
      %lt3A_550 = vector.broadcast %lt3A_549 : f32 to vector<16xf32>
      %lt3A_551 = arith.cmpf olt, %select_n3A_543, %lt3A_550 : vector<16xf32>
      %jit3A_552 = arith.constant 1 : i32
      %jit3A_553 = arith.constant 0 : i32
      %broadcast_in_dim3A_554 = vector.broadcast %jit3A_552 : i32 to vector<16xi32>
      %broadcast_in_dim3A_555 = vector.broadcast %jit3A_553 : i32 to vector<16xi32>
      %select_n3A_556 = arith.select %lt3A_551, %broadcast_in_dim3A_554, %broadcast_in_dim3A_555 : vector<16xi1>, vector<16xi32>
      %jit3A_557 = arith.constant 2 : i32
      %broadcast_in_dim3A_558 = vector.broadcast %jit3A_557 : i32 to vector<16xi32>
      %select_n3A_559 = arith.select %gt3A_548, %broadcast_in_dim3A_558, %select_n3A_556 : vector<16xi1>, vector<16xi32>
      %shift_left3A_560 = arith.constant 24 : i32
      %shift_left3A_561 = vector.broadcast %shift_left3A_560 : i32 to vector<16xi32>
      %shift_left3A_562 = arith.shli %select_n3A_559, %shift_left3A_561 : vector<16xi32>
      %or3A_563 = arith.ori %or3A_521, %shift_left3A_562 : vector<16xi32>
      %mul3A_564 = arith.constant 16 : i32
      %mul3A_565 = arith.muli %scan3A_404, %mul3A_564 : i32
      %swap3A_566 = arith.index_cast %mul3A_565 : i32 to index
      %swap3A_567 = tpu.vector_load %arg25[%swap3A_566] {strides = array<i32>} : memref<400xi32, #tpu.memory_space<vmem>>, vector<16xi32>,
      tpu.vector_store %arg25[%swap3A_566], %or3A_563 {strides = array<i32>} : memref<400xi32, #tpu.memory_space<vmem>>, vector<16xi32>,
    }
    %scan3A_199 = arith.constant 25 : i32
    %add3A_200 = arith.constant 96 : i32
    %add3A_201 = arith.addi %add3A, %add3A_200 : i32
    %lt3A_202 = arith.constant 250 : i32
    %lt3A_203 = arith.cmpi slt, %add3A_201, %lt3A_202 : i32
    %select_n3A_204 = arith.select %lt3A_203, %add3A_201, %add3A : i32
    %mul3A_205 = arith.constant 1600 : i32
    %mul3A_206 = arith.muli %select_n3A_204, %mul3A_205 : i32
    %dma_start3A_207 = tpu.memref_slice %arg7[%mul3A_206] : memref<400000xf32, #tpu.memory_space<hbm>> -> memref<1600xf32, #tpu.memory_space<hbm>>
    %dma_start3A_208 = tpu.memref_slice %arg7[%mul3A_206] : memref<400000xf32, #tpu.memory_space<hbm>> -> memref<1600xf32, #tpu.memory_space<hbm>>
    tpu.enqueue_dma source(%arg22 : memref<1600xf32, #tpu.memory_space<vmem>>) target(%dma_start3A_208 : memref<1600xf32, #tpu.memory_space<hbm>>) target_semaphore(%arg32 : memref<!tpu.dma_semaphore, #tpu.memory_space<semaphore_mem>>)
    %add3A_209 = arith.constant 96 : i32
    %add3A_210 = arith.addi %add3A, %add3A_209 : i32
    %lt3A_211 = arith.constant 250 : i32
    %lt3A_212 = arith.cmpi slt, %add3A_210, %lt3A_211 : i32
    %select_n3A_213 = arith.select %lt3A_212, %add3A_210, %add3A : i32
    %mul3A_214 = arith.constant 400 : i32
    %mul3A_215 = arith.muli %select_n3A_213, %mul3A_214 : i32
    %dma_start3A_216 = tpu.memref_slice %arg8[%mul3A_215] : memref<100000xi32, #tpu.memory_space<hbm>> -> memref<400xi32, #tpu.memory_space<hbm>>
    %dma_start3A_217 = tpu.memref_slice %arg8[%mul3A_215] : memref<100000xi32, #tpu.memory_space<hbm>> -> memref<400xi32, #tpu.memory_space<hbm>>
    tpu.enqueue_dma source(%arg25 : memref<400xi32, #tpu.memory_space<vmem>>) target(%dma_start3A_217 : memref<400xi32, #tpu.memory_space<hbm>>) target_semaphore(%arg32 : memref<!tpu.dma_semaphore, #tpu.memory_space<semaphore_mem>>)
    %add3A_218 = arith.constant 192 : i32
    %add3A_219 = arith.addi %add3A, %add3A_218 : i32
    %lt3A_220 = arith.constant 250 : i32
    %lt3A_221 = arith.cmpi slt, %add3A_219, %lt3A_220 : i32
    %select_n3A_222 = arith.select %lt3A_221, %add3A_219, %add3A : i32
    %mul3A_223 = arith.constant 1600 : i32
    %mul3A_224 = arith.muli %select_n3A_222, %mul3A_223 : i32
    %dma_start3A_225 = tpu.memref_slice %arg3[%mul3A_224] : memref<400000xi32, #tpu.memory_space<hbm>> -> memref<1600xi32, #tpu.memory_space<hbm>>
    %dma_start3A_226 = tpu.memref_slice %arg3[%mul3A_224] : memref<400000xi32, #tpu.memory_space<hbm>> -> memref<1600xi32, #tpu.memory_space<hbm>>
    tpu.enqueue_dma source(%dma_start3A_226 : memref<1600xi32, #tpu.memory_space<hbm>>) target(%arg10 : memref<1600xi32, #tpu.memory_space<vmem>>) target_semaphore(%arg29 : memref<!tpu.dma_semaphore, #tpu.memory_space<semaphore_mem>>)
    %dma_start3A_227 = tpu.memref_slice %arg4[%mul3A_224] : memref<400000xi32, #tpu.memory_space<hbm>> -> memref<1600xi32, #tpu.memory_space<hbm>>
    %dma_start3A_228 = tpu.memref_slice %arg4[%mul3A_224] : memref<400000xi32, #tpu.memory_space<hbm>> -> memref<1600xi32, #tpu.memory_space<hbm>>
    tpu.enqueue_dma source(%dma_start3A_228 : memref<1600xi32, #tpu.memory_space<hbm>>) target(%arg13 : memref<1600xi32, #tpu.memory_space<vmem>>) target_semaphore(%arg29 : memref<!tpu.dma_semaphore, #tpu.memory_space<semaphore_mem>>)
    %dma_start3A_229 = tpu.memref_slice %arg5[%mul3A_224] : memref<400000xf32, #tpu.memory_space<hbm>> -> memref<1600xf32, #tpu.memory_space<hbm>>
    %dma_start3A_230 = tpu.memref_slice %arg5[%mul3A_224] : memref<400000xf32, #tpu.memory_space<hbm>> -> memref<1600xf32, #tpu.memory_space<hbm>>
    tpu.enqueue_dma source(%dma_start3A_230 : memref<1600xf32, #tpu.memory_space<hbm>>) target(%arg16 : memref<1600xf32, #tpu.memory_space<vmem>>) target_semaphore(%arg29 : memref<!tpu.dma_semaphore, #tpu.memory_space<semaphore_mem>>)
    %dma_start3A_231 = tpu.memref_slice %arg6[%mul3A_224] : memref<400000xi32, #tpu.memory_space<hbm>> -> memref<1600xi32, #tpu.memory_space<hbm>>
    %dma_start3A_232 = tpu.memref_slice %arg6[%mul3A_224] : memref<400000xi32, #tpu.memory_space<hbm>> -> memref<1600xi32, #tpu.memory_space<hbm>>
    tpu.enqueue_dma source(%dma_start3A_232 : memref<1600xi32, #tpu.memory_space<hbm>>) target(%arg19 : memref<1600xi32, #tpu.memory_space<vmem>>) target_semaphore(%arg29 : memref<!tpu.dma_semaphore, #tpu.memory_space<semaphore_mem>>)
    %dma_wait3A_233 = tpu.memref_slice %arg3[%mul3A_126] : memref<400000xi32, #tpu.memory_space<hbm>> -> memref<1600xi32, #tpu.memory_space<hbm>>
    %dma_wait3A_234 = tpu.memref_slice %arg3[%mul3A_126] : memref<400000xi32, #tpu.memory_space<hbm>> -> memref<1600xi32, #tpu.memory_space<hbm>>
    tpu.wait_dma2 semaphore(%arg30 : memref<!tpu.dma_semaphore, #tpu.memory_space<semaphore_mem>>) src(%dma_wait3A_234 : memref<1600xi32, #tpu.memory_space<hbm>>) dst(%arg11 : memref<1600xi32, #tpu.memory_space<vmem>>)
    %dma_wait3A_235 = tpu.memref_slice %arg4[%mul3A_126] : memref<400000xi32, #tpu.memory_space<hbm>> -> memref<1600xi32, #tpu.memory_space<hbm>>
    %dma_wait3A_236 = tpu.memref_slice %arg4[%mul3A_126] : memref<400000xi32, #tpu.memory_space<hbm>> -> memref<1600xi32, #tpu.memory_space<hbm>>
    tpu.wait_dma2 semaphore(%arg30 : memref<!tpu.dma_semaphore, #tpu.memory_space<semaphore_mem>>) src(%dma_wait3A_236 : memref<1600xi32, #tpu.memory_space<hbm>>) dst(%arg14 : memref<1600xi32, #tpu.memory_space<vmem>>)
    %dma_wait3A_237 = tpu.memref_slice %arg5[%mul3A_126] : memref<400000xf32, #tpu.memory_space<hbm>> -> memref<1600xf32, #tpu.memory_space<hbm>>
    %dma_wait3A_238 = tpu.memref_slice %arg5[%mul3A_126] : memref<400000xf32, #tpu.memory_space<hbm>> -> memref<1600xf32, #tpu.memory_space<hbm>>
    tpu.wait_dma2 semaphore(%arg30 : memref<!tpu.dma_semaphore, #tpu.memory_space<semaphore_mem>>) src(%dma_wait3A_238 : memref<1600xf32, #tpu.memory_space<hbm>>) dst(%arg17 : memref<1600xf32, #tpu.memory_space<vmem>>)
    %dma_wait3A_239 = tpu.memref_slice %arg6[%mul3A_126] : memref<400000xi32, #tpu.memory_space<hbm>> -> memref<1600xi32, #tpu.memory_space<hbm>>
    %dma_wait3A_240 = tpu.memref_slice %arg6[%mul3A_126] : memref<400000xi32, #tpu.memory_space<hbm>> -> memref<1600xi32, #tpu.memory_space<hbm>>
    tpu.wait_dma2 semaphore(%arg30 : memref<!tpu.dma_semaphore, #tpu.memory_space<semaphore_mem>>) src(%dma_wait3A_240 : memref<1600xi32, #tpu.memory_space<hbm>>) dst(%arg20 : memref<1600xi32, #tpu.memory_space<vmem>>)
    %dma_wait3A_241 = tpu.memref_slice %arg7[%mul3A_108] : memref<400000xf32, #tpu.memory_space<hbm>> -> memref<1600xf32, #tpu.memory_space<hbm>>
    %dma_wait3A_242 = tpu.memref_slice %arg7[%mul3A_108] : memref<400000xf32, #tpu.memory_space<hbm>> -> memref<1600xf32, #tpu.memory_space<hbm>>
    tpu.wait_dma2 semaphore(%arg33 : memref<!tpu.dma_semaphore, #tpu.memory_space<semaphore_mem>>) src(%arg23 : memref<1600xf32, #tpu.memory_space<vmem>>) dst(%dma_wait3A_242 : memref<1600xf32, #tpu.memory_space<hbm>>)
    %dma_wait3A_243 = tpu.memref_slice %arg8[%mul3A_117] : memref<100000xi32, #tpu.memory_space<hbm>> -> memref<400xi32, #tpu.memory_space<hbm>>
    %dma_wait3A_244 = tpu.memref_slice %arg8[%mul3A_117] : memref<100000xi32, #tpu.memory_space<hbm>> -> memref<400xi32, #tpu.memory_space<hbm>>
    tpu.wait_dma2 semaphore(%arg33 : memref<!tpu.dma_semaphore, #tpu.memory_space<semaphore_mem>>) src(%arg26 : memref<400xi32, #tpu.memory_space<vmem>>) dst(%dma_wait3A_244 : memref<400xi32, #tpu.memory_space<hbm>>)
    %scan3A_245 = arith.constant 0 : i32
    %scan3A_246 = arith.constant 0 : i32
    %scan3A_247 = arith.constant 25 : i32
    %scan3A_248 = arith.addi %scan3A_246, %scan3A_247 : i32
    %scan3A_249 = arith.constant 1 : i32
    scf.for %scan3A_404 = %scan3A_246 to %scan3A_248 step %scan3A_249  : i32 {
      %broadcast_in_dim3A = arith.constant 0 : i32
      %broadcast_in_dim3A_405 = vector.broadcast %broadcast_in_dim3A : i32 to vector<16xi32>
      %mul3A_406 = arith.constant 64 : i32
      %mul3A_407 = arith.muli %scan3A_404, %mul3A_406 : i32
      %add3A_408 = arith.constant 0 : i32
      %add3A_409 = arith.addi %mul3A_407, %add3A_408 : i32
      %get3A = arith.index_cast %add3A_409 : i32 to index
      %get3A_410 = tpu.vector_load %arg11[%get3A] {strides = array<i32>} : memref<1600xi32, #tpu.memory_space<vmem>>, vector<16xi32>,
      %gather3A = tpu.vector_load_idx %arg9[%get3A_410] : memref<100352xf32, #tpu.memory_space<vmem>>[vector<16xi32>], vector<16xf32>,
      %get3A_411 = arith.index_cast %add3A_409 : i32 to index
      %get3A_412 = tpu.vector_load %arg14[%get3A_411] {strides = array<i32>} : memref<1600xi32, #tpu.memory_space<vmem>>, vector<16xi32>,
      %gather3A_413 = tpu.vector_load_idx %arg9[%get3A_412] : memref<100352xf32, #tpu.memory_space<vmem>>[vector<16xi32>], vector<16xf32>,
      %sub3A = arith.subf %gather3A_413, %gather3A : vector<16xf32>
      %get3A_414 = arith.index_cast %add3A_409 : i32 to index
      %get3A_415 = tpu.vector_load %arg17[%get3A_414] {strides = array<i32>} : memref<1600xf32, #tpu.memory_space<vmem>>, vector<16xf32>,
      %div3A = arith.divf %sub3A, %get3A_415 : vector<16xf32>
      %get3A_416 = arith.index_cast %add3A_409 : i32 to index
      %get3A_417 = tpu.vector_load %arg20[%get3A_416] {strides = array<i32>} : memref<1600xi32, #tpu.memory_space<vmem>>, vector<16xi32>,
      %ne3A = arith.constant 0 : i32
      %ne3A_418 = vector.broadcast %ne3A : i32 to vector<16xi32>
      %ne3A_419 = arith.cmpi ne, %get3A_417, %ne3A_418 : vector<16xi32>
      %jit3A = arith.constant 0.000000e+00 : f32
      %broadcast_in_dim3A_420 = vector.broadcast %jit3A : f32 to vector<16xf32>
      %select_n3A_421 = arith.select %ne3A_419, %broadcast_in_dim3A_420, %div3A : vector<16xi1>, vector<16xf32>
      %swap3A = arith.index_cast %add3A_409 : i32 to index
      %swap3A_422 = tpu.vector_load %arg23[%swap3A] {strides = array<i32>} : memref<1600xf32, #tpu.memory_space<vmem>>, vector<16xf32>,
      tpu.vector_store %arg23[%swap3A], %select_n3A_421 {strides = array<i32>} : memref<1600xf32, #tpu.memory_space<vmem>>, vector<16xf32>,
      %gt3A = arith.constant 0.000000e+00 : f32
      %gt3A_423 = vector.broadcast %gt3A : f32 to vector<16xf32>
      %gt3A_424 = arith.cmpf ogt, %select_n3A_421, %gt3A_423 : vector<16xf32>
      %lt3A_425 = arith.constant 0.000000e+00 : f32
      %lt3A_426 = vector.broadcast %lt3A_425 : f32 to vector<16xf32>
      %lt3A_427 = arith.cmpf olt, %select_n3A_421, %lt3A_426 : vector<16xf32>
      %jit3A_428 = arith.constant 1 : i32
      %jit3A_429 = arith.constant 0 : i32
      %broadcast_in_dim3A_430 = vector.broadcast %jit3A_428 : i32 to vector<16xi32>
      %broadcast_in_dim3A_431 = vector.broadcast %jit3A_429 : i32 to vector<16xi32>
      %select_n3A_432 = arith.select %lt3A_427, %broadcast_in_dim3A_430, %broadcast_in_dim3A_431 : vector<16xi1>, vector<16xi32>
      %jit3A_433 = arith.constant 2 : i32
      %broadcast_in_dim3A_434 = vector.broadcast %jit3A_433 : i32 to vector<16xi32>
      %select_n3A_435 = arith.select %gt3A_424, %broadcast_in_dim3A_434, %select_n3A_432 : vector<16xi1>, vector<16xi32>
      %shift_left3A = arith.constant 0 : i32
      %shift_left3A_436 = vector.broadcast %shift_left3A : i32 to vector<16xi32>
      %shift_left3A_437 = arith.shli %select_n3A_435, %shift_left3A_436 : vector<16xi32>
      %or3A = arith.ori %broadcast_in_dim3A_405, %shift_left3A_437 : vector<16xi32>
      %mul3A_438 = arith.constant 64 : i32
      %mul3A_439 = arith.muli %scan3A_404, %mul3A_438 : i32
      %add3A_440 = arith.constant 16 : i32
      %add3A_441 = arith.addi %mul3A_439, %add3A_440 : i32
      %get3A_442 = arith.index_cast %add3A_441 : i32 to index
      %get3A_443 = tpu.vector_load %arg11[%get3A_442] {strides = array<i32>} : memref<1600xi32, #tpu.memory_space<vmem>>, vector<16xi32>,
      %gather3A_444 = tpu.vector_load_idx %arg9[%get3A_443] : memref<100352xf32, #tpu.memory_space<vmem>>[vector<16xi32>], vector<16xf32>,
      %get3A_445 = arith.index_cast %add3A_441 : i32 to index
      %get3A_446 = tpu.vector_load %arg14[%get3A_445] {strides = array<i32>} : memref<1600xi32, #tpu.memory_space<vmem>>, vector<16xi32>,
      %gather3A_447 = tpu.vector_load_idx %arg9[%get3A_446] : memref<100352xf32, #tpu.memory_space<vmem>>[vector<16xi32>], vector<16xf32>,
      %sub3A_448 = arith.subf %gather3A_447, %gather3A_444 : vector<16xf32>
      %get3A_449 = arith.index_cast %add3A_441 : i32 to index
      %get3A_450 = tpu.vector_load %arg17[%get3A_449] {strides = array<i32>} : memref<1600xf32, #tpu.memory_space<vmem>>, vector<16xf32>,
      %div3A_451 = arith.divf %sub3A_448, %get3A_450 : vector<16xf32>
      %get3A_452 = arith.index_cast %add3A_441 : i32 to index
      %get3A_453 = tpu.vector_load %arg20[%get3A_452] {strides = array<i32>} : memref<1600xi32, #tpu.memory_space<vmem>>, vector<16xi32>,
      %ne3A_454 = arith.constant 0 : i32
      %ne3A_455 = vector.broadcast %ne3A_454 : i32 to vector<16xi32>
      %ne3A_456 = arith.cmpi ne, %get3A_453, %ne3A_455 : vector<16xi32>
      %jit3A_457 = arith.constant 0.000000e+00 : f32
      %broadcast_in_dim3A_458 = vector.broadcast %jit3A_457 : f32 to vector<16xf32>
      %select_n3A_459 = arith.select %ne3A_456, %broadcast_in_dim3A_458, %div3A_451 : vector<16xi1>, vector<16xf32>
      %swap3A_460 = arith.index_cast %add3A_441 : i32 to index
      %swap3A_461 = tpu.vector_load %arg23[%swap3A_460] {strides = array<i32>} : memref<1600xf32, #tpu.memory_space<vmem>>, vector<16xf32>,
      tpu.vector_store %arg23[%swap3A_460], %select_n3A_459 {strides = array<i32>} : memref<1600xf32, #tpu.memory_space<vmem>>, vector<16xf32>,
      %gt3A_462 = arith.constant 0.000000e+00 : f32
      %gt3A_463 = vector.broadcast %gt3A_462 : f32 to vector<16xf32>
      %gt3A_464 = arith.cmpf ogt, %select_n3A_459, %gt3A_463 : vector<16xf32>
      %lt3A_465 = arith.constant 0.000000e+00 : f32
      %lt3A_466 = vector.broadcast %lt3A_465 : f32 to vector<16xf32>
      %lt3A_467 = arith.cmpf olt, %select_n3A_459, %lt3A_466 : vector<16xf32>
      %jit3A_468 = arith.constant 1 : i32
      %jit3A_469 = arith.constant 0 : i32
      %broadcast_in_dim3A_470 = vector.broadcast %jit3A_468 : i32 to vector<16xi32>
      %broadcast_in_dim3A_471 = vector.broadcast %jit3A_469 : i32 to vector<16xi32>
      %select_n3A_472 = arith.select %lt3A_467, %broadcast_in_dim3A_470, %broadcast_in_dim3A_471 : vector<16xi1>, vector<16xi32>
      %jit3A_473 = arith.constant 2 : i32
      %broadcast_in_dim3A_474 = vector.broadcast %jit3A_473 : i32 to vector<16xi32>
      %select_n3A_475 = arith.select %gt3A_464, %broadcast_in_dim3A_474, %select_n3A_472 : vector<16xi1>, vector<16xi32>
      %shift_left3A_476 = arith.constant 8 : i32
      %shift_left3A_477 = vector.broadcast %shift_left3A_476 : i32 to vector<16xi32>
      %shift_left3A_478 = arith.shli %select_n3A_475, %shift_left3A_477 : vector<16xi32>
      %or3A_479 = arith.ori %or3A, %shift_left3A_478 : vector<16xi32>
      %mul3A_480 = arith.constant 64 : i32
      %mul3A_481 = arith.muli %scan3A_404, %mul3A_480 : i32
      %add3A_482 = arith.constant 32 : i32
      %add3A_483 = arith.addi %mul3A_481, %add3A_482 : i32
      %get3A_484 = arith.index_cast %add3A_483 : i32 to index
      %get3A_485 = tpu.vector_load %arg11[%get3A_484] {strides = array<i32>} : memref<1600xi32, #tpu.memory_space<vmem>>, vector<16xi32>,
      %gather3A_486 = tpu.vector_load_idx %arg9[%get3A_485] : memref<100352xf32, #tpu.memory_space<vmem>>[vector<16xi32>], vector<16xf32>,
      %get3A_487 = arith.index_cast %add3A_483 : i32 to index
      %get3A_488 = tpu.vector_load %arg14[%get3A_487] {strides = array<i32>} : memref<1600xi32, #tpu.memory_space<vmem>>, vector<16xi32>,
      %gather3A_489 = tpu.vector_load_idx %arg9[%get3A_488] : memref<100352xf32, #tpu.memory_space<vmem>>[vector<16xi32>], vector<16xf32>,
      %sub3A_490 = arith.subf %gather3A_489, %gather3A_486 : vector<16xf32>
      %get3A_491 = arith.index_cast %add3A_483 : i32 to index
      %get3A_492 = tpu.vector_load %arg17[%get3A_491] {strides = array<i32>} : memref<1600xf32, #tpu.memory_space<vmem>>, vector<16xf32>,
      %div3A_493 = arith.divf %sub3A_490, %get3A_492 : vector<16xf32>
      %get3A_494 = arith.index_cast %add3A_483 : i32 to index
      %get3A_495 = tpu.vector_load %arg20[%get3A_494] {strides = array<i32>} : memref<1600xi32, #tpu.memory_space<vmem>>, vector<16xi32>,
      %ne3A_496 = arith.constant 0 : i32
      %ne3A_497 = vector.broadcast %ne3A_496 : i32 to vector<16xi32>
      %ne3A_498 = arith.cmpi ne, %get3A_495, %ne3A_497 : vector<16xi32>
      %jit3A_499 = arith.constant 0.000000e+00 : f32
      %broadcast_in_dim3A_500 = vector.broadcast %jit3A_499 : f32 to vector<16xf32>
      %select_n3A_501 = arith.select %ne3A_498, %broadcast_in_dim3A_500, %div3A_493 : vector<16xi1>, vector<16xf32>
      %swap3A_502 = arith.index_cast %add3A_483 : i32 to index
      %swap3A_503 = tpu.vector_load %arg23[%swap3A_502] {strides = array<i32>} : memref<1600xf32, #tpu.memory_space<vmem>>, vector<16xf32>,
      tpu.vector_store %arg23[%swap3A_502], %select_n3A_501 {strides = array<i32>} : memref<1600xf32, #tpu.memory_space<vmem>>, vector<16xf32>,
      %gt3A_504 = arith.constant 0.000000e+00 : f32
      %gt3A_505 = vector.broadcast %gt3A_504 : f32 to vector<16xf32>
      %gt3A_506 = arith.cmpf ogt, %select_n3A_501, %gt3A_505 : vector<16xf32>
      %lt3A_507 = arith.constant 0.000000e+00 : f32
      %lt3A_508 = vector.broadcast %lt3A_507 : f32 to vector<16xf32>
      %lt3A_509 = arith.cmpf olt, %select_n3A_501, %lt3A_508 : vector<16xf32>
      %jit3A_510 = arith.constant 1 : i32
      %jit3A_511 = arith.constant 0 : i32
      %broadcast_in_dim3A_512 = vector.broadcast %jit3A_510 : i32 to vector<16xi32>
      %broadcast_in_dim3A_513 = vector.broadcast %jit3A_511 : i32 to vector<16xi32>
      %select_n3A_514 = arith.select %lt3A_509, %broadcast_in_dim3A_512, %broadcast_in_dim3A_513 : vector<16xi1>, vector<16xi32>
      %jit3A_515 = arith.constant 2 : i32
      %broadcast_in_dim3A_516 = vector.broadcast %jit3A_515 : i32 to vector<16xi32>
      %select_n3A_517 = arith.select %gt3A_506, %broadcast_in_dim3A_516, %select_n3A_514 : vector<16xi1>, vector<16xi32>
      %shift_left3A_518 = arith.constant 16 : i32
      %shift_left3A_519 = vector.broadcast %shift_left3A_518 : i32 to vector<16xi32>
      %shift_left3A_520 = arith.shli %select_n3A_517, %shift_left3A_519 : vector<16xi32>
      %or3A_521 = arith.ori %or3A_479, %shift_left3A_520 : vector<16xi32>
      %mul3A_522 = arith.constant 64 : i32
      %mul3A_523 = arith.muli %scan3A_404, %mul3A_522 : i32
      %add3A_524 = arith.constant 48 : i32
      %add3A_525 = arith.addi %mul3A_523, %add3A_524 : i32
      %get3A_526 = arith.index_cast %add3A_525 : i32 to index
      %get3A_527 = tpu.vector_load %arg11[%get3A_526] {strides = array<i32>} : memref<1600xi32, #tpu.memory_space<vmem>>, vector<16xi32>,
      %gather3A_528 = tpu.vector_load_idx %arg9[%get3A_527] : memref<100352xf32, #tpu.memory_space<vmem>>[vector<16xi32>], vector<16xf32>,
      %get3A_529 = arith.index_cast %add3A_525 : i32 to index
      %get3A_530 = tpu.vector_load %arg14[%get3A_529] {strides = array<i32>} : memref<1600xi32, #tpu.memory_space<vmem>>, vector<16xi32>,
      %gather3A_531 = tpu.vector_load_idx %arg9[%get3A_530] : memref<100352xf32, #tpu.memory_space<vmem>>[vector<16xi32>], vector<16xf32>,
      %sub3A_532 = arith.subf %gather3A_531, %gather3A_528 : vector<16xf32>
      %get3A_533 = arith.index_cast %add3A_525 : i32 to index
      %get3A_534 = tpu.vector_load %arg17[%get3A_533] {strides = array<i32>} : memref<1600xf32, #tpu.memory_space<vmem>>, vector<16xf32>,
      %div3A_535 = arith.divf %sub3A_532, %get3A_534 : vector<16xf32>
      %get3A_536 = arith.index_cast %add3A_525 : i32 to index
      %get3A_537 = tpu.vector_load %arg20[%get3A_536] {strides = array<i32>} : memref<1600xi32, #tpu.memory_space<vmem>>, vector<16xi32>,
      %ne3A_538 = arith.constant 0 : i32
      %ne3A_539 = vector.broadcast %ne3A_538 : i32 to vector<16xi32>
      %ne3A_540 = arith.cmpi ne, %get3A_537, %ne3A_539 : vector<16xi32>
      %jit3A_541 = arith.constant 0.000000e+00 : f32
      %broadcast_in_dim3A_542 = vector.broadcast %jit3A_541 : f32 to vector<16xf32>
      %select_n3A_543 = arith.select %ne3A_540, %broadcast_in_dim3A_542, %div3A_535 : vector<16xi1>, vector<16xf32>
      %swap3A_544 = arith.index_cast %add3A_525 : i32 to index
      %swap3A_545 = tpu.vector_load %arg23[%swap3A_544] {strides = array<i32>} : memref<1600xf32, #tpu.memory_space<vmem>>, vector<16xf32>,
      tpu.vector_store %arg23[%swap3A_544], %select_n3A_543 {strides = array<i32>} : memref<1600xf32, #tpu.memory_space<vmem>>, vector<16xf32>,
      %gt3A_546 = arith.constant 0.000000e+00 : f32
      %gt3A_547 = vector.broadcast %gt3A_546 : f32 to vector<16xf32>
      %gt3A_548 = arith.cmpf ogt, %select_n3A_543, %gt3A_547 : vector<16xf32>
      %lt3A_549 = arith.constant 0.000000e+00 : f32
      %lt3A_550 = vector.broadcast %lt3A_549 : f32 to vector<16xf32>
      %lt3A_551 = arith.cmpf olt, %select_n3A_543, %lt3A_550 : vector<16xf32>
      %jit3A_552 = arith.constant 1 : i32
      %jit3A_553 = arith.constant 0 : i32
      %broadcast_in_dim3A_554 = vector.broadcast %jit3A_552 : i32 to vector<16xi32>
      %broadcast_in_dim3A_555 = vector.broadcast %jit3A_553 : i32 to vector<16xi32>
      %select_n3A_556 = arith.select %lt3A_551, %broadcast_in_dim3A_554, %broadcast_in_dim3A_555 : vector<16xi1>, vector<16xi32>
      %jit3A_557 = arith.constant 2 : i32
      %broadcast_in_dim3A_558 = vector.broadcast %jit3A_557 : i32 to vector<16xi32>
      %select_n3A_559 = arith.select %gt3A_548, %broadcast_in_dim3A_558, %select_n3A_556 : vector<16xi1>, vector<16xi32>
      %shift_left3A_560 = arith.constant 24 : i32
      %shift_left3A_561 = vector.broadcast %shift_left3A_560 : i32 to vector<16xi32>
      %shift_left3A_562 = arith.shli %select_n3A_559, %shift_left3A_561 : vector<16xi32>
      %or3A_563 = arith.ori %or3A_521, %shift_left3A_562 : vector<16xi32>
      %mul3A_564 = arith.constant 16 : i32
      %mul3A_565 = arith.muli %scan3A_404, %mul3A_564 : i32
      %swap3A_566 = arith.index_cast %mul3A_565 : i32 to index
      %swap3A_567 = tpu.vector_load %arg26[%swap3A_566] {strides = array<i32>} : memref<400xi32, #tpu.memory_space<vmem>>, vector<16xi32>,
      tpu.vector_store %arg26[%swap3A_566], %or3A_563 {strides = array<i32>} : memref<400xi32, #tpu.memory_space<vmem>>, vector<16xi32>,
    }
    %scan3A_250 = arith.constant 25 : i32
    %add3A_251 = arith.constant 128 : i32
    %add3A_252 = arith.addi %add3A, %add3A_251 : i32
    %lt3A_253 = arith.constant 250 : i32
    %lt3A_254 = arith.cmpi slt, %add3A_252, %lt3A_253 : i32
    %select_n3A_255 = arith.select %lt3A_254, %add3A_252, %add3A : i32
    %mul3A_256 = arith.constant 1600 : i32
    %mul3A_257 = arith.muli %select_n3A_255, %mul3A_256 : i32
    %dma_start3A_258 = tpu.memref_slice %arg7[%mul3A_257] : memref<400000xf32, #tpu.memory_space<hbm>> -> memref<1600xf32, #tpu.memory_space<hbm>>
    %dma_start3A_259 = tpu.memref_slice %arg7[%mul3A_257] : memref<400000xf32, #tpu.memory_space<hbm>> -> memref<1600xf32, #tpu.memory_space<hbm>>
    tpu.enqueue_dma source(%arg23 : memref<1600xf32, #tpu.memory_space<vmem>>) target(%dma_start3A_259 : memref<1600xf32, #tpu.memory_space<hbm>>) target_semaphore(%arg33 : memref<!tpu.dma_semaphore, #tpu.memory_space<semaphore_mem>>)
    %add3A_260 = arith.constant 128 : i32
    %add3A_261 = arith.addi %add3A, %add3A_260 : i32
    %lt3A_262 = arith.constant 250 : i32
    %lt3A_263 = arith.cmpi slt, %add3A_261, %lt3A_262 : i32
    %select_n3A_264 = arith.select %lt3A_263, %add3A_261, %add3A : i32
    %mul3A_265 = arith.constant 400 : i32
    %mul3A_266 = arith.muli %select_n3A_264, %mul3A_265 : i32
    %dma_start3A_267 = tpu.memref_slice %arg8[%mul3A_266] : memref<100000xi32, #tpu.memory_space<hbm>> -> memref<400xi32, #tpu.memory_space<hbm>>
    %dma_start3A_268 = tpu.memref_slice %arg8[%mul3A_266] : memref<100000xi32, #tpu.memory_space<hbm>> -> memref<400xi32, #tpu.memory_space<hbm>>
    tpu.enqueue_dma source(%arg26 : memref<400xi32, #tpu.memory_space<vmem>>) target(%dma_start3A_268 : memref<400xi32, #tpu.memory_space<hbm>>) target_semaphore(%arg33 : memref<!tpu.dma_semaphore, #tpu.memory_space<semaphore_mem>>)
    %add3A_269 = arith.constant 224 : i32
    %add3A_270 = arith.addi %add3A, %add3A_269 : i32
    %lt3A_271 = arith.constant 250 : i32
    %lt3A_272 = arith.cmpi slt, %add3A_270, %lt3A_271 : i32
    %select_n3A_273 = arith.select %lt3A_272, %add3A_270, %add3A : i32
    %mul3A_274 = arith.constant 1600 : i32
    %mul3A_275 = arith.muli %select_n3A_273, %mul3A_274 : i32
    %dma_start3A_276 = tpu.memref_slice %arg3[%mul3A_275] : memref<400000xi32, #tpu.memory_space<hbm>> -> memref<1600xi32, #tpu.memory_space<hbm>>
    %dma_start3A_277 = tpu.memref_slice %arg3[%mul3A_275] : memref<400000xi32, #tpu.memory_space<hbm>> -> memref<1600xi32, #tpu.memory_space<hbm>>
    tpu.enqueue_dma source(%dma_start3A_277 : memref<1600xi32, #tpu.memory_space<hbm>>) target(%arg11 : memref<1600xi32, #tpu.memory_space<vmem>>) target_semaphore(%arg30 : memref<!tpu.dma_semaphore, #tpu.memory_space<semaphore_mem>>)
    %dma_start3A_278 = tpu.memref_slice %arg4[%mul3A_275] : memref<400000xi32, #tpu.memory_space<hbm>> -> memref<1600xi32, #tpu.memory_space<hbm>>
    %dma_start3A_279 = tpu.memref_slice %arg4[%mul3A_275] : memref<400000xi32, #tpu.memory_space<hbm>> -> memref<1600xi32, #tpu.memory_space<hbm>>
    tpu.enqueue_dma source(%dma_start3A_279 : memref<1600xi32, #tpu.memory_space<hbm>>) target(%arg14 : memref<1600xi32, #tpu.memory_space<vmem>>) target_semaphore(%arg30 : memref<!tpu.dma_semaphore, #tpu.memory_space<semaphore_mem>>)
    %dma_start3A_280 = tpu.memref_slice %arg5[%mul3A_275] : memref<400000xf32, #tpu.memory_space<hbm>> -> memref<1600xf32, #tpu.memory_space<hbm>>
    %dma_start3A_281 = tpu.memref_slice %arg5[%mul3A_275] : memref<400000xf32, #tpu.memory_space<hbm>> -> memref<1600xf32, #tpu.memory_space<hbm>>
    tpu.enqueue_dma source(%dma_start3A_281 : memref<1600xf32, #tpu.memory_space<hbm>>) target(%arg17 : memref<1600xf32, #tpu.memory_space<vmem>>) target_semaphore(%arg30 : memref<!tpu.dma_semaphore, #tpu.memory_space<semaphore_mem>>)
    %dma_start3A_282 = tpu.memref_slice %arg6[%mul3A_275] : memref<400000xi32, #tpu.memory_space<hbm>> -> memref<1600xi32, #tpu.memory_space<hbm>>
    %dma_start3A_283 = tpu.memref_slice %arg6[%mul3A_275] : memref<400000xi32, #tpu.memory_space<hbm>> -> memref<1600xi32, #tpu.memory_space<hbm>>
    tpu.enqueue_dma source(%dma_start3A_283 : memref<1600xi32, #tpu.memory_space<hbm>>) target(%arg20 : memref<1600xi32, #tpu.memory_space<vmem>>) target_semaphore(%arg30 : memref<!tpu.dma_semaphore, #tpu.memory_space<semaphore_mem>>)
    %dma_wait3A_284 = tpu.memref_slice %arg3[%mul3A_173] : memref<400000xi32, #tpu.memory_space<hbm>> -> memref<1600xi32, #tpu.memory_space<hbm>>
    %dma_wait3A_285 = tpu.memref_slice %arg3[%mul3A_173] : memref<400000xi32, #tpu.memory_space<hbm>> -> memref<1600xi32, #tpu.memory_space<hbm>>
    tpu.wait_dma2 semaphore(%arg31 : memref<!tpu.dma_semaphore, #tpu.memory_space<semaphore_mem>>) src(%dma_wait3A_285 : memref<1600xi32, #tpu.memory_space<hbm>>) dst(%arg12 : memref<1600xi32, #tpu.memory_space<vmem>>)
    %dma_wait3A_286 = tpu.memref_slice %arg4[%mul3A_173] : memref<400000xi32, #tpu.memory_space<hbm>> -> memref<1600xi32, #tpu.memory_space<hbm>>
    %dma_wait3A_287 = tpu.memref_slice %arg4[%mul3A_173] : memref<400000xi32, #tpu.memory_space<hbm>> -> memref<1600xi32, #tpu.memory_space<hbm>>
    tpu.wait_dma2 semaphore(%arg31 : memref<!tpu.dma_semaphore, #tpu.memory_space<semaphore_mem>>) src(%dma_wait3A_287 : memref<1600xi32, #tpu.memory_space<hbm>>) dst(%arg15 : memref<1600xi32, #tpu.memory_space<vmem>>)
    %dma_wait3A_288 = tpu.memref_slice %arg5[%mul3A_173] : memref<400000xf32, #tpu.memory_space<hbm>> -> memref<1600xf32, #tpu.memory_space<hbm>>
    %dma_wait3A_289 = tpu.memref_slice %arg5[%mul3A_173] : memref<400000xf32, #tpu.memory_space<hbm>> -> memref<1600xf32, #tpu.memory_space<hbm>>
    tpu.wait_dma2 semaphore(%arg31 : memref<!tpu.dma_semaphore, #tpu.memory_space<semaphore_mem>>) src(%dma_wait3A_289 : memref<1600xf32, #tpu.memory_space<hbm>>) dst(%arg18 : memref<1600xf32, #tpu.memory_space<vmem>>)
    %dma_wait3A_290 = tpu.memref_slice %arg6[%mul3A_173] : memref<400000xi32, #tpu.memory_space<hbm>> -> memref<1600xi32, #tpu.memory_space<hbm>>
    %dma_wait3A_291 = tpu.memref_slice %arg6[%mul3A_173] : memref<400000xi32, #tpu.memory_space<hbm>> -> memref<1600xi32, #tpu.memory_space<hbm>>
    tpu.wait_dma2 semaphore(%arg31 : memref<!tpu.dma_semaphore, #tpu.memory_space<semaphore_mem>>) src(%dma_wait3A_291 : memref<1600xi32, #tpu.memory_space<hbm>>) dst(%arg21 : memref<1600xi32, #tpu.memory_space<vmem>>)
    %dma_wait3A_292 = tpu.memref_slice %arg7[%mul3A_155] : memref<400000xf32, #tpu.memory_space<hbm>> -> memref<1600xf32, #tpu.memory_space<hbm>>
    %dma_wait3A_293 = tpu.memref_slice %arg7[%mul3A_155] : memref<400000xf32, #tpu.memory_space<hbm>> -> memref<1600xf32, #tpu.memory_space<hbm>>
    tpu.wait_dma2 semaphore(%arg34 : memref<!tpu.dma_semaphore, #tpu.memory_space<semaphore_mem>>) src(%arg24 : memref<1600xf32, #tpu.memory_space<vmem>>) dst(%dma_wait3A_293 : memref<1600xf32, #tpu.memory_space<hbm>>)
    %dma_wait3A_294 = tpu.memref_slice %arg8[%mul3A_164] : memref<100000xi32, #tpu.memory_space<hbm>> -> memref<400xi32, #tpu.memory_space<hbm>>
    %dma_wait3A_295 = tpu.memref_slice %arg8[%mul3A_164] : memref<100000xi32, #tpu.memory_space<hbm>> -> memref<400xi32, #tpu.memory_space<hbm>>
    tpu.wait_dma2 semaphore(%arg34 : memref<!tpu.dma_semaphore, #tpu.memory_space<semaphore_mem>>) src(%arg27 : memref<400xi32, #tpu.memory_space<vmem>>) dst(%dma_wait3A_295 : memref<400xi32, #tpu.memory_space<hbm>>)
    %scan3A_296 = arith.constant 0 : i32
    %scan3A_297 = arith.constant 0 : i32
    %scan3A_298 = arith.constant 25 : i32
    %scan3A_299 = arith.addi %scan3A_297, %scan3A_298 : i32
    %scan3A_300 = arith.constant 1 : i32
    scf.for %scan3A_404 = %scan3A_297 to %scan3A_299 step %scan3A_300  : i32 {
      %broadcast_in_dim3A = arith.constant 0 : i32
      %broadcast_in_dim3A_405 = vector.broadcast %broadcast_in_dim3A : i32 to vector<16xi32>
      %mul3A_406 = arith.constant 64 : i32
      %mul3A_407 = arith.muli %scan3A_404, %mul3A_406 : i32
      %add3A_408 = arith.constant 0 : i32
      %add3A_409 = arith.addi %mul3A_407, %add3A_408 : i32
      %get3A = arith.index_cast %add3A_409 : i32 to index
      %get3A_410 = tpu.vector_load %arg12[%get3A] {strides = array<i32>} : memref<1600xi32, #tpu.memory_space<vmem>>, vector<16xi32>,
      %gather3A = tpu.vector_load_idx %arg9[%get3A_410] : memref<100352xf32, #tpu.memory_space<vmem>>[vector<16xi32>], vector<16xf32>,
      %get3A_411 = arith.index_cast %add3A_409 : i32 to index
      %get3A_412 = tpu.vector_load %arg15[%get3A_411] {strides = array<i32>} : memref<1600xi32, #tpu.memory_space<vmem>>, vector<16xi32>,
      %gather3A_413 = tpu.vector_load_idx %arg9[%get3A_412] : memref<100352xf32, #tpu.memory_space<vmem>>[vector<16xi32>], vector<16xf32>,
      %sub3A = arith.subf %gather3A_413, %gather3A : vector<16xf32>
      %get3A_414 = arith.index_cast %add3A_409 : i32 to index
      %get3A_415 = tpu.vector_load %arg18[%get3A_414] {strides = array<i32>} : memref<1600xf32, #tpu.memory_space<vmem>>, vector<16xf32>,
      %div3A = arith.divf %sub3A, %get3A_415 : vector<16xf32>
      %get3A_416 = arith.index_cast %add3A_409 : i32 to index
      %get3A_417 = tpu.vector_load %arg21[%get3A_416] {strides = array<i32>} : memref<1600xi32, #tpu.memory_space<vmem>>, vector<16xi32>,
      %ne3A = arith.constant 0 : i32
      %ne3A_418 = vector.broadcast %ne3A : i32 to vector<16xi32>
      %ne3A_419 = arith.cmpi ne, %get3A_417, %ne3A_418 : vector<16xi32>
      %jit3A = arith.constant 0.000000e+00 : f32
      %broadcast_in_dim3A_420 = vector.broadcast %jit3A : f32 to vector<16xf32>
      %select_n3A_421 = arith.select %ne3A_419, %broadcast_in_dim3A_420, %div3A : vector<16xi1>, vector<16xf32>
      %swap3A = arith.index_cast %add3A_409 : i32 to index
      %swap3A_422 = tpu.vector_load %arg24[%swap3A] {strides = array<i32>} : memref<1600xf32, #tpu.memory_space<vmem>>, vector<16xf32>,
      tpu.vector_store %arg24[%swap3A], %select_n3A_421 {strides = array<i32>} : memref<1600xf32, #tpu.memory_space<vmem>>, vector<16xf32>,
      %gt3A = arith.constant 0.000000e+00 : f32
      %gt3A_423 = vector.broadcast %gt3A : f32 to vector<16xf32>
      %gt3A_424 = arith.cmpf ogt, %select_n3A_421, %gt3A_423 : vector<16xf32>
      %lt3A_425 = arith.constant 0.000000e+00 : f32
      %lt3A_426 = vector.broadcast %lt3A_425 : f32 to vector<16xf32>
      %lt3A_427 = arith.cmpf olt, %select_n3A_421, %lt3A_426 : vector<16xf32>
      %jit3A_428 = arith.constant 1 : i32
      %jit3A_429 = arith.constant 0 : i32
      %broadcast_in_dim3A_430 = vector.broadcast %jit3A_428 : i32 to vector<16xi32>
      %broadcast_in_dim3A_431 = vector.broadcast %jit3A_429 : i32 to vector<16xi32>
      %select_n3A_432 = arith.select %lt3A_427, %broadcast_in_dim3A_430, %broadcast_in_dim3A_431 : vector<16xi1>, vector<16xi32>
      %jit3A_433 = arith.constant 2 : i32
      %broadcast_in_dim3A_434 = vector.broadcast %jit3A_433 : i32 to vector<16xi32>
      %select_n3A_435 = arith.select %gt3A_424, %broadcast_in_dim3A_434, %select_n3A_432 : vector<16xi1>, vector<16xi32>
      %shift_left3A = arith.constant 0 : i32
      %shift_left3A_436 = vector.broadcast %shift_left3A : i32 to vector<16xi32>
      %shift_left3A_437 = arith.shli %select_n3A_435, %shift_left3A_436 : vector<16xi32>
      %or3A = arith.ori %broadcast_in_dim3A_405, %shift_left3A_437 : vector<16xi32>
      %mul3A_438 = arith.constant 64 : i32
      %mul3A_439 = arith.muli %scan3A_404, %mul3A_438 : i32
      %add3A_440 = arith.constant 16 : i32
      %add3A_441 = arith.addi %mul3A_439, %add3A_440 : i32
      %get3A_442 = arith.index_cast %add3A_441 : i32 to index
      %get3A_443 = tpu.vector_load %arg12[%get3A_442] {strides = array<i32>} : memref<1600xi32, #tpu.memory_space<vmem>>, vector<16xi32>,
      %gather3A_444 = tpu.vector_load_idx %arg9[%get3A_443] : memref<100352xf32, #tpu.memory_space<vmem>>[vector<16xi32>], vector<16xf32>,
      %get3A_445 = arith.index_cast %add3A_441 : i32 to index
      %get3A_446 = tpu.vector_load %arg15[%get3A_445] {strides = array<i32>} : memref<1600xi32, #tpu.memory_space<vmem>>, vector<16xi32>,
      %gather3A_447 = tpu.vector_load_idx %arg9[%get3A_446] : memref<100352xf32, #tpu.memory_space<vmem>>[vector<16xi32>], vector<16xf32>,
      %sub3A_448 = arith.subf %gather3A_447, %gather3A_444 : vector<16xf32>
      %get3A_449 = arith.index_cast %add3A_441 : i32 to index
      %get3A_450 = tpu.vector_load %arg18[%get3A_449] {strides = array<i32>} : memref<1600xf32, #tpu.memory_space<vmem>>, vector<16xf32>,
      %div3A_451 = arith.divf %sub3A_448, %get3A_450 : vector<16xf32>
      %get3A_452 = arith.index_cast %add3A_441 : i32 to index
      %get3A_453 = tpu.vector_load %arg21[%get3A_452] {strides = array<i32>} : memref<1600xi32, #tpu.memory_space<vmem>>, vector<16xi32>,
      %ne3A_454 = arith.constant 0 : i32
      %ne3A_455 = vector.broadcast %ne3A_454 : i32 to vector<16xi32>
      %ne3A_456 = arith.cmpi ne, %get3A_453, %ne3A_455 : vector<16xi32>
      %jit3A_457 = arith.constant 0.000000e+00 : f32
      %broadcast_in_dim3A_458 = vector.broadcast %jit3A_457 : f32 to vector<16xf32>
      %select_n3A_459 = arith.select %ne3A_456, %broadcast_in_dim3A_458, %div3A_451 : vector<16xi1>, vector<16xf32>
      %swap3A_460 = arith.index_cast %add3A_441 : i32 to index
      %swap3A_461 = tpu.vector_load %arg24[%swap3A_460] {strides = array<i32>} : memref<1600xf32, #tpu.memory_space<vmem>>, vector<16xf32>,
      tpu.vector_store %arg24[%swap3A_460], %select_n3A_459 {strides = array<i32>} : memref<1600xf32, #tpu.memory_space<vmem>>, vector<16xf32>,
      %gt3A_462 = arith.constant 0.000000e+00 : f32
      %gt3A_463 = vector.broadcast %gt3A_462 : f32 to vector<16xf32>
      %gt3A_464 = arith.cmpf ogt, %select_n3A_459, %gt3A_463 : vector<16xf32>
      %lt3A_465 = arith.constant 0.000000e+00 : f32
      %lt3A_466 = vector.broadcast %lt3A_465 : f32 to vector<16xf32>
      %lt3A_467 = arith.cmpf olt, %select_n3A_459, %lt3A_466 : vector<16xf32>
      %jit3A_468 = arith.constant 1 : i32
      %jit3A_469 = arith.constant 0 : i32
      %broadcast_in_dim3A_470 = vector.broadcast %jit3A_468 : i32 to vector<16xi32>
      %broadcast_in_dim3A_471 = vector.broadcast %jit3A_469 : i32 to vector<16xi32>
      %select_n3A_472 = arith.select %lt3A_467, %broadcast_in_dim3A_470, %broadcast_in_dim3A_471 : vector<16xi1>, vector<16xi32>
      %jit3A_473 = arith.constant 2 : i32
      %broadcast_in_dim3A_474 = vector.broadcast %jit3A_473 : i32 to vector<16xi32>
      %select_n3A_475 = arith.select %gt3A_464, %broadcast_in_dim3A_474, %select_n3A_472 : vector<16xi1>, vector<16xi32>
      %shift_left3A_476 = arith.constant 8 : i32
      %shift_left3A_477 = vector.broadcast %shift_left3A_476 : i32 to vector<16xi32>
      %shift_left3A_478 = arith.shli %select_n3A_475, %shift_left3A_477 : vector<16xi32>
      %or3A_479 = arith.ori %or3A, %shift_left3A_478 : vector<16xi32>
      %mul3A_480 = arith.constant 64 : i32
      %mul3A_481 = arith.muli %scan3A_404, %mul3A_480 : i32
      %add3A_482 = arith.constant 32 : i32
      %add3A_483 = arith.addi %mul3A_481, %add3A_482 : i32
      %get3A_484 = arith.index_cast %add3A_483 : i32 to index
      %get3A_485 = tpu.vector_load %arg12[%get3A_484] {strides = array<i32>} : memref<1600xi32, #tpu.memory_space<vmem>>, vector<16xi32>,
      %gather3A_486 = tpu.vector_load_idx %arg9[%get3A_485] : memref<100352xf32, #tpu.memory_space<vmem>>[vector<16xi32>], vector<16xf32>,
      %get3A_487 = arith.index_cast %add3A_483 : i32 to index
      %get3A_488 = tpu.vector_load %arg15[%get3A_487] {strides = array<i32>} : memref<1600xi32, #tpu.memory_space<vmem>>, vector<16xi32>,
      %gather3A_489 = tpu.vector_load_idx %arg9[%get3A_488] : memref<100352xf32, #tpu.memory_space<vmem>>[vector<16xi32>], vector<16xf32>,
      %sub3A_490 = arith.subf %gather3A_489, %gather3A_486 : vector<16xf32>
      %get3A_491 = arith.index_cast %add3A_483 : i32 to index
      %get3A_492 = tpu.vector_load %arg18[%get3A_491] {strides = array<i32>} : memref<1600xf32, #tpu.memory_space<vmem>>, vector<16xf32>,
      %div3A_493 = arith.divf %sub3A_490, %get3A_492 : vector<16xf32>
      %get3A_494 = arith.index_cast %add3A_483 : i32 to index
      %get3A_495 = tpu.vector_load %arg21[%get3A_494] {strides = array<i32>} : memref<1600xi32, #tpu.memory_space<vmem>>, vector<16xi32>,
      %ne3A_496 = arith.constant 0 : i32
      %ne3A_497 = vector.broadcast %ne3A_496 : i32 to vector<16xi32>
      %ne3A_498 = arith.cmpi ne, %get3A_495, %ne3A_497 : vector<16xi32>
      %jit3A_499 = arith.constant 0.000000e+00 : f32
      %broadcast_in_dim3A_500 = vector.broadcast %jit3A_499 : f32 to vector<16xf32>
      %select_n3A_501 = arith.select %ne3A_498, %broadcast_in_dim3A_500, %div3A_493 : vector<16xi1>, vector<16xf32>
      %swap3A_502 = arith.index_cast %add3A_483 : i32 to index
      %swap3A_503 = tpu.vector_load %arg24[%swap3A_502] {strides = array<i32>} : memref<1600xf32, #tpu.memory_space<vmem>>, vector<16xf32>,
      tpu.vector_store %arg24[%swap3A_502], %select_n3A_501 {strides = array<i32>} : memref<1600xf32, #tpu.memory_space<vmem>>, vector<16xf32>,
      %gt3A_504 = arith.constant 0.000000e+00 : f32
      %gt3A_505 = vector.broadcast %gt3A_504 : f32 to vector<16xf32>
      %gt3A_506 = arith.cmpf ogt, %select_n3A_501, %gt3A_505 : vector<16xf32>
      %lt3A_507 = arith.constant 0.000000e+00 : f32
      %lt3A_508 = vector.broadcast %lt3A_507 : f32 to vector<16xf32>
      %lt3A_509 = arith.cmpf olt, %select_n3A_501, %lt3A_508 : vector<16xf32>
      %jit3A_510 = arith.constant 1 : i32
      %jit3A_511 = arith.constant 0 : i32
      %broadcast_in_dim3A_512 = vector.broadcast %jit3A_510 : i32 to vector<16xi32>
      %broadcast_in_dim3A_513 = vector.broadcast %jit3A_511 : i32 to vector<16xi32>
      %select_n3A_514 = arith.select %lt3A_509, %broadcast_in_dim3A_512, %broadcast_in_dim3A_513 : vector<16xi1>, vector<16xi32>
      %jit3A_515 = arith.constant 2 : i32
      %broadcast_in_dim3A_516 = vector.broadcast %jit3A_515 : i32 to vector<16xi32>
      %select_n3A_517 = arith.select %gt3A_506, %broadcast_in_dim3A_516, %select_n3A_514 : vector<16xi1>, vector<16xi32>
      %shift_left3A_518 = arith.constant 16 : i32
      %shift_left3A_519 = vector.broadcast %shift_left3A_518 : i32 to vector<16xi32>
      %shift_left3A_520 = arith.shli %select_n3A_517, %shift_left3A_519 : vector<16xi32>
      %or3A_521 = arith.ori %or3A_479, %shift_left3A_520 : vector<16xi32>
      %mul3A_522 = arith.constant 64 : i32
      %mul3A_523 = arith.muli %scan3A_404, %mul3A_522 : i32
      %add3A_524 = arith.constant 48 : i32
      %add3A_525 = arith.addi %mul3A_523, %add3A_524 : i32
      %get3A_526 = arith.index_cast %add3A_525 : i32 to index
      %get3A_527 = tpu.vector_load %arg12[%get3A_526] {strides = array<i32>} : memref<1600xi32, #tpu.memory_space<vmem>>, vector<16xi32>,
      %gather3A_528 = tpu.vector_load_idx %arg9[%get3A_527] : memref<100352xf32, #tpu.memory_space<vmem>>[vector<16xi32>], vector<16xf32>,
      %get3A_529 = arith.index_cast %add3A_525 : i32 to index
      %get3A_530 = tpu.vector_load %arg15[%get3A_529] {strides = array<i32>} : memref<1600xi32, #tpu.memory_space<vmem>>, vector<16xi32>,
      %gather3A_531 = tpu.vector_load_idx %arg9[%get3A_530] : memref<100352xf32, #tpu.memory_space<vmem>>[vector<16xi32>], vector<16xf32>,
      %sub3A_532 = arith.subf %gather3A_531, %gather3A_528 : vector<16xf32>
      %get3A_533 = arith.index_cast %add3A_525 : i32 to index
      %get3A_534 = tpu.vector_load %arg18[%get3A_533] {strides = array<i32>} : memref<1600xf32, #tpu.memory_space<vmem>>, vector<16xf32>,
      %div3A_535 = arith.divf %sub3A_532, %get3A_534 : vector<16xf32>
      %get3A_536 = arith.index_cast %add3A_525 : i32 to index
      %get3A_537 = tpu.vector_load %arg21[%get3A_536] {strides = array<i32>} : memref<1600xi32, #tpu.memory_space<vmem>>, vector<16xi32>,
      %ne3A_538 = arith.constant 0 : i32
      %ne3A_539 = vector.broadcast %ne3A_538 : i32 to vector<16xi32>
      %ne3A_540 = arith.cmpi ne, %get3A_537, %ne3A_539 : vector<16xi32>
      %jit3A_541 = arith.constant 0.000000e+00 : f32
      %broadcast_in_dim3A_542 = vector.broadcast %jit3A_541 : f32 to vector<16xf32>
      %select_n3A_543 = arith.select %ne3A_540, %broadcast_in_dim3A_542, %div3A_535 : vector<16xi1>, vector<16xf32>
      %swap3A_544 = arith.index_cast %add3A_525 : i32 to index
      %swap3A_545 = tpu.vector_load %arg24[%swap3A_544] {strides = array<i32>} : memref<1600xf32, #tpu.memory_space<vmem>>, vector<16xf32>,
      tpu.vector_store %arg24[%swap3A_544], %select_n3A_543 {strides = array<i32>} : memref<1600xf32, #tpu.memory_space<vmem>>, vector<16xf32>,
      %gt3A_546 = arith.constant 0.000000e+00 : f32
      %gt3A_547 = vector.broadcast %gt3A_546 : f32 to vector<16xf32>
      %gt3A_548 = arith.cmpf ogt, %select_n3A_543, %gt3A_547 : vector<16xf32>
      %lt3A_549 = arith.constant 0.000000e+00 : f32
      %lt3A_550 = vector.broadcast %lt3A_549 : f32 to vector<16xf32>
      %lt3A_551 = arith.cmpf olt, %select_n3A_543, %lt3A_550 : vector<16xf32>
      %jit3A_552 = arith.constant 1 : i32
      %jit3A_553 = arith.constant 0 : i32
      %broadcast_in_dim3A_554 = vector.broadcast %jit3A_552 : i32 to vector<16xi32>
      %broadcast_in_dim3A_555 = vector.broadcast %jit3A_553 : i32 to vector<16xi32>
      %select_n3A_556 = arith.select %lt3A_551, %broadcast_in_dim3A_554, %broadcast_in_dim3A_555 : vector<16xi1>, vector<16xi32>
      %jit3A_557 = arith.constant 2 : i32
      %broadcast_in_dim3A_558 = vector.broadcast %jit3A_557 : i32 to vector<16xi32>
      %select_n3A_559 = arith.select %gt3A_548, %broadcast_in_dim3A_558, %select_n3A_556 : vector<16xi1>, vector<16xi32>
      %shift_left3A_560 = arith.constant 24 : i32
      %shift_left3A_561 = vector.broadcast %shift_left3A_560 : i32 to vector<16xi32>
      %shift_left3A_562 = arith.shli %select_n3A_559, %shift_left3A_561 : vector<16xi32>
      %or3A_563 = arith.ori %or3A_521, %shift_left3A_562 : vector<16xi32>
      %mul3A_564 = arith.constant 16 : i32
      %mul3A_565 = arith.muli %scan3A_404, %mul3A_564 : i32
      %swap3A_566 = arith.index_cast %mul3A_565 : i32 to index
      %swap3A_567 = tpu.vector_load %arg27[%swap3A_566] {strides = array<i32>} : memref<400xi32, #tpu.memory_space<vmem>>, vector<16xi32>,
      tpu.vector_store %arg27[%swap3A_566], %or3A_563 {strides = array<i32>} : memref<400xi32, #tpu.memory_space<vmem>>, vector<16xi32>,
    }
    %scan3A_301 = arith.constant 25 : i32
    %add3A_302 = arith.constant 160 : i32
    %add3A_303 = arith.addi %add3A, %add3A_302 : i32
    %lt3A_304 = arith.constant 250 : i32
    %lt3A_305 = arith.cmpi slt, %add3A_303, %lt3A_304 : i32
    %select_n3A_306 = arith.select %lt3A_305, %add3A_303, %add3A : i32
    %mul3A_307 = arith.constant 1600 : i32
    %mul3A_308 = arith.muli %select_n3A_306, %mul3A_307 : i32
    %dma_start3A_309 = tpu.memref_slice %arg7[%mul3A_308] : memref<400000xf32, #tpu.memory_space<hbm>> -> memref<1600xf32, #tpu.memory_space<hbm>>
    %dma_start3A_310 = tpu.memref_slice %arg7[%mul3A_308] : memref<400000xf32, #tpu.memory_space<hbm>> -> memref<1600xf32, #tpu.memory_space<hbm>>
    tpu.enqueue_dma source(%arg24 : memref<1600xf32, #tpu.memory_space<vmem>>) target(%dma_start3A_310 : memref<1600xf32, #tpu.memory_space<hbm>>) target_semaphore(%arg34 : memref<!tpu.dma_semaphore, #tpu.memory_space<semaphore_mem>>)
    %add3A_311 = arith.constant 160 : i32
    %add3A_312 = arith.addi %add3A, %add3A_311 : i32
    %lt3A_313 = arith.constant 250 : i32
    %lt3A_314 = arith.cmpi slt, %add3A_312, %lt3A_313 : i32
    %select_n3A_315 = arith.select %lt3A_314, %add3A_312, %add3A : i32
    %mul3A_316 = arith.constant 400 : i32
    %mul3A_317 = arith.muli %select_n3A_315, %mul3A_316 : i32
    %dma_start3A_318 = tpu.memref_slice %arg8[%mul3A_317] : memref<100000xi32, #tpu.memory_space<hbm>> -> memref<400xi32, #tpu.memory_space<hbm>>
    %dma_start3A_319 = tpu.memref_slice %arg8[%mul3A_317] : memref<100000xi32, #tpu.memory_space<hbm>> -> memref<400xi32, #tpu.memory_space<hbm>>
    tpu.enqueue_dma source(%arg27 : memref<400xi32, #tpu.memory_space<vmem>>) target(%dma_start3A_319 : memref<400xi32, #tpu.memory_space<hbm>>) target_semaphore(%arg34 : memref<!tpu.dma_semaphore, #tpu.memory_space<semaphore_mem>>)
    %dma_wait3A_320 = tpu.memref_slice %arg3[%mul3A_224] : memref<400000xi32, #tpu.memory_space<hbm>> -> memref<1600xi32, #tpu.memory_space<hbm>>
    %dma_wait3A_321 = tpu.memref_slice %arg3[%mul3A_224] : memref<400000xi32, #tpu.memory_space<hbm>> -> memref<1600xi32, #tpu.memory_space<hbm>>
    tpu.wait_dma2 semaphore(%arg29 : memref<!tpu.dma_semaphore, #tpu.memory_space<semaphore_mem>>) src(%dma_wait3A_321 : memref<1600xi32, #tpu.memory_space<hbm>>) dst(%arg10 : memref<1600xi32, #tpu.memory_space<vmem>>)
    %dma_wait3A_322 = tpu.memref_slice %arg4[%mul3A_224] : memref<400000xi32, #tpu.memory_space<hbm>> -> memref<1600xi32, #tpu.memory_space<hbm>>
    %dma_wait3A_323 = tpu.memref_slice %arg4[%mul3A_224] : memref<400000xi32, #tpu.memory_space<hbm>> -> memref<1600xi32, #tpu.memory_space<hbm>>
    tpu.wait_dma2 semaphore(%arg29 : memref<!tpu.dma_semaphore, #tpu.memory_space<semaphore_mem>>) src(%dma_wait3A_323 : memref<1600xi32, #tpu.memory_space<hbm>>) dst(%arg13 : memref<1600xi32, #tpu.memory_space<vmem>>)
    %dma_wait3A_324 = tpu.memref_slice %arg5[%mul3A_224] : memref<400000xf32, #tpu.memory_space<hbm>> -> memref<1600xf32, #tpu.memory_space<hbm>>
    %dma_wait3A_325 = tpu.memref_slice %arg5[%mul3A_224] : memref<400000xf32, #tpu.memory_space<hbm>> -> memref<1600xf32, #tpu.memory_space<hbm>>
    tpu.wait_dma2 semaphore(%arg29 : memref<!tpu.dma_semaphore, #tpu.memory_space<semaphore_mem>>) src(%dma_wait3A_325 : memref<1600xf32, #tpu.memory_space<hbm>>) dst(%arg16 : memref<1600xf32, #tpu.memory_space<vmem>>)
    %dma_wait3A_326 = tpu.memref_slice %arg6[%mul3A_224] : memref<400000xi32, #tpu.memory_space<hbm>> -> memref<1600xi32, #tpu.memory_space<hbm>>
    %dma_wait3A_327 = tpu.memref_slice %arg6[%mul3A_224] : memref<400000xi32, #tpu.memory_space<hbm>> -> memref<1600xi32, #tpu.memory_space<hbm>>
    tpu.wait_dma2 semaphore(%arg29 : memref<!tpu.dma_semaphore, #tpu.memory_space<semaphore_mem>>) src(%dma_wait3A_327 : memref<1600xi32, #tpu.memory_space<hbm>>) dst(%arg19 : memref<1600xi32, #tpu.memory_space<vmem>>)
    %dma_wait3A_328 = tpu.memref_slice %arg7[%mul3A_206] : memref<400000xf32, #tpu.memory_space<hbm>> -> memref<1600xf32, #tpu.memory_space<hbm>>
    %dma_wait3A_329 = tpu.memref_slice %arg7[%mul3A_206] : memref<400000xf32, #tpu.memory_space<hbm>> -> memref<1600xf32, #tpu.memory_space<hbm>>
    tpu.wait_dma2 semaphore(%arg32 : memref<!tpu.dma_semaphore, #tpu.memory_space<semaphore_mem>>) src(%arg22 : memref<1600xf32, #tpu.memory_space<vmem>>) dst(%dma_wait3A_329 : memref<1600xf32, #tpu.memory_space<hbm>>)
    %dma_wait3A_330 = tpu.memref_slice %arg8[%mul3A_215] : memref<100000xi32, #tpu.memory_space<hbm>> -> memref<400xi32, #tpu.memory_space<hbm>>
    %dma_wait3A_331 = tpu.memref_slice %arg8[%mul3A_215] : memref<100000xi32, #tpu.memory_space<hbm>> -> memref<400xi32, #tpu.memory_space<hbm>>
    tpu.wait_dma2 semaphore(%arg32 : memref<!tpu.dma_semaphore, #tpu.memory_space<semaphore_mem>>) src(%arg25 : memref<400xi32, #tpu.memory_space<vmem>>) dst(%dma_wait3A_331 : memref<400xi32, #tpu.memory_space<hbm>>)
    %scan3A_332 = arith.constant 0 : i32
    %scan3A_333 = arith.constant 0 : i32
    %scan3A_334 = arith.constant 25 : i32
    %scan3A_335 = arith.addi %scan3A_333, %scan3A_334 : i32
    %scan3A_336 = arith.constant 1 : i32
    scf.for %scan3A_404 = %scan3A_333 to %scan3A_335 step %scan3A_336  : i32 {
      %broadcast_in_dim3A = arith.constant 0 : i32
      %broadcast_in_dim3A_405 = vector.broadcast %broadcast_in_dim3A : i32 to vector<16xi32>
      %mul3A_406 = arith.constant 64 : i32
      %mul3A_407 = arith.muli %scan3A_404, %mul3A_406 : i32
      %add3A_408 = arith.constant 0 : i32
      %add3A_409 = arith.addi %mul3A_407, %add3A_408 : i32
      %get3A = arith.index_cast %add3A_409 : i32 to index
      %get3A_410 = tpu.vector_load %arg10[%get3A] {strides = array<i32>} : memref<1600xi32, #tpu.memory_space<vmem>>, vector<16xi32>,
      %gather3A = tpu.vector_load_idx %arg9[%get3A_410] : memref<100352xf32, #tpu.memory_space<vmem>>[vector<16xi32>], vector<16xf32>,
      %get3A_411 = arith.index_cast %add3A_409 : i32 to index
      %get3A_412 = tpu.vector_load %arg13[%get3A_411] {strides = array<i32>} : memref<1600xi32, #tpu.memory_space<vmem>>, vector<16xi32>,
      %gather3A_413 = tpu.vector_load_idx %arg9[%get3A_412] : memref<100352xf32, #tpu.memory_space<vmem>>[vector<16xi32>], vector<16xf32>,
      %sub3A = arith.subf %gather3A_413, %gather3A : vector<16xf32>
      %get3A_414 = arith.index_cast %add3A_409 : i32 to index
      %get3A_415 = tpu.vector_load %arg16[%get3A_414] {strides = array<i32>} : memref<1600xf32, #tpu.memory_space<vmem>>, vector<16xf32>,
      %div3A = arith.divf %sub3A, %get3A_415 : vector<16xf32>
      %get3A_416 = arith.index_cast %add3A_409 : i32 to index
      %get3A_417 = tpu.vector_load %arg19[%get3A_416] {strides = array<i32>} : memref<1600xi32, #tpu.memory_space<vmem>>, vector<16xi32>,
      %ne3A = arith.constant 0 : i32
      %ne3A_418 = vector.broadcast %ne3A : i32 to vector<16xi32>
      %ne3A_419 = arith.cmpi ne, %get3A_417, %ne3A_418 : vector<16xi32>
      %jit3A = arith.constant 0.000000e+00 : f32
      %broadcast_in_dim3A_420 = vector.broadcast %jit3A : f32 to vector<16xf32>
      %select_n3A_421 = arith.select %ne3A_419, %broadcast_in_dim3A_420, %div3A : vector<16xi1>, vector<16xf32>
      %swap3A = arith.index_cast %add3A_409 : i32 to index
      %swap3A_422 = tpu.vector_load %arg22[%swap3A] {strides = array<i32>} : memref<1600xf32, #tpu.memory_space<vmem>>, vector<16xf32>,
      tpu.vector_store %arg22[%swap3A], %select_n3A_421 {strides = array<i32>} : memref<1600xf32, #tpu.memory_space<vmem>>, vector<16xf32>,
      %gt3A = arith.constant 0.000000e+00 : f32
      %gt3A_423 = vector.broadcast %gt3A : f32 to vector<16xf32>
      %gt3A_424 = arith.cmpf ogt, %select_n3A_421, %gt3A_423 : vector<16xf32>
      %lt3A_425 = arith.constant 0.000000e+00 : f32
      %lt3A_426 = vector.broadcast %lt3A_425 : f32 to vector<16xf32>
      %lt3A_427 = arith.cmpf olt, %select_n3A_421, %lt3A_426 : vector<16xf32>
      %jit3A_428 = arith.constant 1 : i32
      %jit3A_429 = arith.constant 0 : i32
      %broadcast_in_dim3A_430 = vector.broadcast %jit3A_428 : i32 to vector<16xi32>
      %broadcast_in_dim3A_431 = vector.broadcast %jit3A_429 : i32 to vector<16xi32>
      %select_n3A_432 = arith.select %lt3A_427, %broadcast_in_dim3A_430, %broadcast_in_dim3A_431 : vector<16xi1>, vector<16xi32>
      %jit3A_433 = arith.constant 2 : i32
      %broadcast_in_dim3A_434 = vector.broadcast %jit3A_433 : i32 to vector<16xi32>
      %select_n3A_435 = arith.select %gt3A_424, %broadcast_in_dim3A_434, %select_n3A_432 : vector<16xi1>, vector<16xi32>
      %shift_left3A = arith.constant 0 : i32
      %shift_left3A_436 = vector.broadcast %shift_left3A : i32 to vector<16xi32>
      %shift_left3A_437 = arith.shli %select_n3A_435, %shift_left3A_436 : vector<16xi32>
      %or3A = arith.ori %broadcast_in_dim3A_405, %shift_left3A_437 : vector<16xi32>
      %mul3A_438 = arith.constant 64 : i32
      %mul3A_439 = arith.muli %scan3A_404, %mul3A_438 : i32
      %add3A_440 = arith.constant 16 : i32
      %add3A_441 = arith.addi %mul3A_439, %add3A_440 : i32
      %get3A_442 = arith.index_cast %add3A_441 : i32 to index
      %get3A_443 = tpu.vector_load %arg10[%get3A_442] {strides = array<i32>} : memref<1600xi32, #tpu.memory_space<vmem>>, vector<16xi32>,
      %gather3A_444 = tpu.vector_load_idx %arg9[%get3A_443] : memref<100352xf32, #tpu.memory_space<vmem>>[vector<16xi32>], vector<16xf32>,
      %get3A_445 = arith.index_cast %add3A_441 : i32 to index
      %get3A_446 = tpu.vector_load %arg13[%get3A_445] {strides = array<i32>} : memref<1600xi32, #tpu.memory_space<vmem>>, vector<16xi32>,
      %gather3A_447 = tpu.vector_load_idx %arg9[%get3A_446] : memref<100352xf32, #tpu.memory_space<vmem>>[vector<16xi32>], vector<16xf32>,
      %sub3A_448 = arith.subf %gather3A_447, %gather3A_444 : vector<16xf32>
      %get3A_449 = arith.index_cast %add3A_441 : i32 to index
      %get3A_450 = tpu.vector_load %arg16[%get3A_449] {strides = array<i32>} : memref<1600xf32, #tpu.memory_space<vmem>>, vector<16xf32>,
      %div3A_451 = arith.divf %sub3A_448, %get3A_450 : vector<16xf32>
      %get3A_452 = arith.index_cast %add3A_441 : i32 to index
      %get3A_453 = tpu.vector_load %arg19[%get3A_452] {strides = array<i32>} : memref<1600xi32, #tpu.memory_space<vmem>>, vector<16xi32>,
      %ne3A_454 = arith.constant 0 : i32
      %ne3A_455 = vector.broadcast %ne3A_454 : i32 to vector<16xi32>
      %ne3A_456 = arith.cmpi ne, %get3A_453, %ne3A_455 : vector<16xi32>
      %jit3A_457 = arith.constant 0.000000e+00 : f32
      %broadcast_in_dim3A_458 = vector.broadcast %jit3A_457 : f32 to vector<16xf32>
      %select_n3A_459 = arith.select %ne3A_456, %broadcast_in_dim3A_458, %div3A_451 : vector<16xi1>, vector<16xf32>
      %swap3A_460 = arith.index_cast %add3A_441 : i32 to index
      %swap3A_461 = tpu.vector_load %arg22[%swap3A_460] {strides = array<i32>} : memref<1600xf32, #tpu.memory_space<vmem>>, vector<16xf32>,
      tpu.vector_store %arg22[%swap3A_460], %select_n3A_459 {strides = array<i32>} : memref<1600xf32, #tpu.memory_space<vmem>>, vector<16xf32>,
      %gt3A_462 = arith.constant 0.000000e+00 : f32
      %gt3A_463 = vector.broadcast %gt3A_462 : f32 to vector<16xf32>
      %gt3A_464 = arith.cmpf ogt, %select_n3A_459, %gt3A_463 : vector<16xf32>
      %lt3A_465 = arith.constant 0.000000e+00 : f32
      %lt3A_466 = vector.broadcast %lt3A_465 : f32 to vector<16xf32>
      %lt3A_467 = arith.cmpf olt, %select_n3A_459, %lt3A_466 : vector<16xf32>
      %jit3A_468 = arith.constant 1 : i32
      %jit3A_469 = arith.constant 0 : i32
      %broadcast_in_dim3A_470 = vector.broadcast %jit3A_468 : i32 to vector<16xi32>
      %broadcast_in_dim3A_471 = vector.broadcast %jit3A_469 : i32 to vector<16xi32>
      %select_n3A_472 = arith.select %lt3A_467, %broadcast_in_dim3A_470, %broadcast_in_dim3A_471 : vector<16xi1>, vector<16xi32>
      %jit3A_473 = arith.constant 2 : i32
      %broadcast_in_dim3A_474 = vector.broadcast %jit3A_473 : i32 to vector<16xi32>
      %select_n3A_475 = arith.select %gt3A_464, %broadcast_in_dim3A_474, %select_n3A_472 : vector<16xi1>, vector<16xi32>
      %shift_left3A_476 = arith.constant 8 : i32
      %shift_left3A_477 = vector.broadcast %shift_left3A_476 : i32 to vector<16xi32>
      %shift_left3A_478 = arith.shli %select_n3A_475, %shift_left3A_477 : vector<16xi32>
      %or3A_479 = arith.ori %or3A, %shift_left3A_478 : vector<16xi32>
      %mul3A_480 = arith.constant 64 : i32
      %mul3A_481 = arith.muli %scan3A_404, %mul3A_480 : i32
      %add3A_482 = arith.constant 32 : i32
      %add3A_483 = arith.addi %mul3A_481, %add3A_482 : i32
      %get3A_484 = arith.index_cast %add3A_483 : i32 to index
      %get3A_485 = tpu.vector_load %arg10[%get3A_484] {strides = array<i32>} : memref<1600xi32, #tpu.memory_space<vmem>>, vector<16xi32>,
      %gather3A_486 = tpu.vector_load_idx %arg9[%get3A_485] : memref<100352xf32, #tpu.memory_space<vmem>>[vector<16xi32>], vector<16xf32>,
      %get3A_487 = arith.index_cast %add3A_483 : i32 to index
      %get3A_488 = tpu.vector_load %arg13[%get3A_487] {strides = array<i32>} : memref<1600xi32, #tpu.memory_space<vmem>>, vector<16xi32>,
      %gather3A_489 = tpu.vector_load_idx %arg9[%get3A_488] : memref<100352xf32, #tpu.memory_space<vmem>>[vector<16xi32>], vector<16xf32>,
      %sub3A_490 = arith.subf %gather3A_489, %gather3A_486 : vector<16xf32>
      %get3A_491 = arith.index_cast %add3A_483 : i32 to index
      %get3A_492 = tpu.vector_load %arg16[%get3A_491] {strides = array<i32>} : memref<1600xf32, #tpu.memory_space<vmem>>, vector<16xf32>,
      %div3A_493 = arith.divf %sub3A_490, %get3A_492 : vector<16xf32>
      %get3A_494 = arith.index_cast %add3A_483 : i32 to index
      %get3A_495 = tpu.vector_load %arg19[%get3A_494] {strides = array<i32>} : memref<1600xi32, #tpu.memory_space<vmem>>, vector<16xi32>,
      %ne3A_496 = arith.constant 0 : i32
      %ne3A_497 = vector.broadcast %ne3A_496 : i32 to vector<16xi32>
      %ne3A_498 = arith.cmpi ne, %get3A_495, %ne3A_497 : vector<16xi32>
      %jit3A_499 = arith.constant 0.000000e+00 : f32
      %broadcast_in_dim3A_500 = vector.broadcast %jit3A_499 : f32 to vector<16xf32>
      %select_n3A_501 = arith.select %ne3A_498, %broadcast_in_dim3A_500, %div3A_493 : vector<16xi1>, vector<16xf32>
      %swap3A_502 = arith.index_cast %add3A_483 : i32 to index
      %swap3A_503 = tpu.vector_load %arg22[%swap3A_502] {strides = array<i32>} : memref<1600xf32, #tpu.memory_space<vmem>>, vector<16xf32>,
      tpu.vector_store %arg22[%swap3A_502], %select_n3A_501 {strides = array<i32>} : memref<1600xf32, #tpu.memory_space<vmem>>, vector<16xf32>,
      %gt3A_504 = arith.constant 0.000000e+00 : f32
      %gt3A_505 = vector.broadcast %gt3A_504 : f32 to vector<16xf32>
      %gt3A_506 = arith.cmpf ogt, %select_n3A_501, %gt3A_505 : vector<16xf32>
      %lt3A_507 = arith.constant 0.000000e+00 : f32
      %lt3A_508 = vector.broadcast %lt3A_507 : f32 to vector<16xf32>
      %lt3A_509 = arith.cmpf olt, %select_n3A_501, %lt3A_508 : vector<16xf32>
      %jit3A_510 = arith.constant 1 : i32
      %jit3A_511 = arith.constant 0 : i32
      %broadcast_in_dim3A_512 = vector.broadcast %jit3A_510 : i32 to vector<16xi32>
      %broadcast_in_dim3A_513 = vector.broadcast %jit3A_511 : i32 to vector<16xi32>
      %select_n3A_514 = arith.select %lt3A_509, %broadcast_in_dim3A_512, %broadcast_in_dim3A_513 : vector<16xi1>, vector<16xi32>
      %jit3A_515 = arith.constant 2 : i32
      %broadcast_in_dim3A_516 = vector.broadcast %jit3A_515 : i32 to vector<16xi32>
      %select_n3A_517 = arith.select %gt3A_506, %broadcast_in_dim3A_516, %select_n3A_514 : vector<16xi1>, vector<16xi32>
      %shift_left3A_518 = arith.constant 16 : i32
      %shift_left3A_519 = vector.broadcast %shift_left3A_518 : i32 to vector<16xi32>
      %shift_left3A_520 = arith.shli %select_n3A_517, %shift_left3A_519 : vector<16xi32>
      %or3A_521 = arith.ori %or3A_479, %shift_left3A_520 : vector<16xi32>
      %mul3A_522 = arith.constant 64 : i32
      %mul3A_523 = arith.muli %scan3A_404, %mul3A_522 : i32
      %add3A_524 = arith.constant 48 : i32
      %add3A_525 = arith.addi %mul3A_523, %add3A_524 : i32
      %get3A_526 = arith.index_cast %add3A_525 : i32 to index
      %get3A_527 = tpu.vector_load %arg10[%get3A_526] {strides = array<i32>} : memref<1600xi32, #tpu.memory_space<vmem>>, vector<16xi32>,
      %gather3A_528 = tpu.vector_load_idx %arg9[%get3A_527] : memref<100352xf32, #tpu.memory_space<vmem>>[vector<16xi32>], vector<16xf32>,
      %get3A_529 = arith.index_cast %add3A_525 : i32 to index
      %get3A_530 = tpu.vector_load %arg13[%get3A_529] {strides = array<i32>} : memref<1600xi32, #tpu.memory_space<vmem>>, vector<16xi32>,
      %gather3A_531 = tpu.vector_load_idx %arg9[%get3A_530] : memref<100352xf32, #tpu.memory_space<vmem>>[vector<16xi32>], vector<16xf32>,
      %sub3A_532 = arith.subf %gather3A_531, %gather3A_528 : vector<16xf32>
      %get3A_533 = arith.index_cast %add3A_525 : i32 to index
      %get3A_534 = tpu.vector_load %arg16[%get3A_533] {strides = array<i32>} : memref<1600xf32, #tpu.memory_space<vmem>>, vector<16xf32>,
      %div3A_535 = arith.divf %sub3A_532, %get3A_534 : vector<16xf32>
      %get3A_536 = arith.index_cast %add3A_525 : i32 to index
      %get3A_537 = tpu.vector_load %arg19[%get3A_536] {strides = array<i32>} : memref<1600xi32, #tpu.memory_space<vmem>>, vector<16xi32>,
      %ne3A_538 = arith.constant 0 : i32
      %ne3A_539 = vector.broadcast %ne3A_538 : i32 to vector<16xi32>
      %ne3A_540 = arith.cmpi ne, %get3A_537, %ne3A_539 : vector<16xi32>
      %jit3A_541 = arith.constant 0.000000e+00 : f32
      %broadcast_in_dim3A_542 = vector.broadcast %jit3A_541 : f32 to vector<16xf32>
      %select_n3A_543 = arith.select %ne3A_540, %broadcast_in_dim3A_542, %div3A_535 : vector<16xi1>, vector<16xf32>
      %swap3A_544 = arith.index_cast %add3A_525 : i32 to index
      %swap3A_545 = tpu.vector_load %arg22[%swap3A_544] {strides = array<i32>} : memref<1600xf32, #tpu.memory_space<vmem>>, vector<16xf32>,
      tpu.vector_store %arg22[%swap3A_544], %select_n3A_543 {strides = array<i32>} : memref<1600xf32, #tpu.memory_space<vmem>>, vector<16xf32>,
      %gt3A_546 = arith.constant 0.000000e+00 : f32
      %gt3A_547 = vector.broadcast %gt3A_546 : f32 to vector<16xf32>
      %gt3A_548 = arith.cmpf ogt, %select_n3A_543, %gt3A_547 : vector<16xf32>
      %lt3A_549 = arith.constant 0.000000e+00 : f32
      %lt3A_550 = vector.broadcast %lt3A_549 : f32 to vector<16xf32>
      %lt3A_551 = arith.cmpf olt, %select_n3A_543, %lt3A_550 : vector<16xf32>
      %jit3A_552 = arith.constant 1 : i32
      %jit3A_553 = arith.constant 0 : i32
      %broadcast_in_dim3A_554 = vector.broadcast %jit3A_552 : i32 to vector<16xi32>
      %broadcast_in_dim3A_555 = vector.broadcast %jit3A_553 : i32 to vector<16xi32>
      %select_n3A_556 = arith.select %lt3A_551, %broadcast_in_dim3A_554, %broadcast_in_dim3A_555 : vector<16xi1>, vector<16xi32>
      %jit3A_557 = arith.constant 2 : i32
      %broadcast_in_dim3A_558 = vector.broadcast %jit3A_557 : i32 to vector<16xi32>
      %select_n3A_559 = arith.select %gt3A_548, %broadcast_in_dim3A_558, %select_n3A_556 : vector<16xi1>, vector<16xi32>
      %shift_left3A_560 = arith.constant 24 : i32
      %shift_left3A_561 = vector.broadcast %shift_left3A_560 : i32 to vector<16xi32>
      %shift_left3A_562 = arith.shli %select_n3A_559, %shift_left3A_561 : vector<16xi32>
      %or3A_563 = arith.ori %or3A_521, %shift_left3A_562 : vector<16xi32>
      %mul3A_564 = arith.constant 16 : i32
      %mul3A_565 = arith.muli %scan3A_404, %mul3A_564 : i32
      %swap3A_566 = arith.index_cast %mul3A_565 : i32 to index
      %swap3A_567 = tpu.vector_load %arg25[%swap3A_566] {strides = array<i32>} : memref<400xi32, #tpu.memory_space<vmem>>, vector<16xi32>,
      tpu.vector_store %arg25[%swap3A_566], %or3A_563 {strides = array<i32>} : memref<400xi32, #tpu.memory_space<vmem>>, vector<16xi32>,
    }
    %scan3A_337 = arith.constant 25 : i32
    %add3A_338 = arith.constant 192 : i32
    %add3A_339 = arith.addi %add3A, %add3A_338 : i32
    %lt3A_340 = arith.constant 250 : i32
    %lt3A_341 = arith.cmpi slt, %add3A_339, %lt3A_340 : i32
    %select_n3A_342 = arith.select %lt3A_341, %add3A_339, %add3A : i32
    %mul3A_343 = arith.constant 1600 : i32
    %mul3A_344 = arith.muli %select_n3A_342, %mul3A_343 : i32
    %dma_start3A_345 = tpu.memref_slice %arg7[%mul3A_344] : memref<400000xf32, #tpu.memory_space<hbm>> -> memref<1600xf32, #tpu.memory_space<hbm>>
    %dma_start3A_346 = tpu.memref_slice %arg7[%mul3A_344] : memref<400000xf32, #tpu.memory_space<hbm>> -> memref<1600xf32, #tpu.memory_space<hbm>>
    tpu.enqueue_dma source(%arg22 : memref<1600xf32, #tpu.memory_space<vmem>>) target(%dma_start3A_346 : memref<1600xf32, #tpu.memory_space<hbm>>) target_semaphore(%arg32 : memref<!tpu.dma_semaphore, #tpu.memory_space<semaphore_mem>>)
    %add3A_347 = arith.constant 192 : i32
    %add3A_348 = arith.addi %add3A, %add3A_347 : i32
    %lt3A_349 = arith.constant 250 : i32
    %lt3A_350 = arith.cmpi slt, %add3A_348, %lt3A_349 : i32
    %select_n3A_351 = arith.select %lt3A_350, %add3A_348, %add3A : i32
    %mul3A_352 = arith.constant 400 : i32
    %mul3A_353 = arith.muli %select_n3A_351, %mul3A_352 : i32
    %dma_start3A_354 = tpu.memref_slice %arg8[%mul3A_353] : memref<100000xi32, #tpu.memory_space<hbm>> -> memref<400xi32, #tpu.memory_space<hbm>>
    %dma_start3A_355 = tpu.memref_slice %arg8[%mul3A_353] : memref<100000xi32, #tpu.memory_space<hbm>> -> memref<400xi32, #tpu.memory_space<hbm>>
    tpu.enqueue_dma source(%arg25 : memref<400xi32, #tpu.memory_space<vmem>>) target(%dma_start3A_355 : memref<400xi32, #tpu.memory_space<hbm>>) target_semaphore(%arg32 : memref<!tpu.dma_semaphore, #tpu.memory_space<semaphore_mem>>)
    %dma_wait3A_356 = tpu.memref_slice %arg3[%mul3A_275] : memref<400000xi32, #tpu.memory_space<hbm>> -> memref<1600xi32, #tpu.memory_space<hbm>>
    %dma_wait3A_357 = tpu.memref_slice %arg3[%mul3A_275] : memref<400000xi32, #tpu.memory_space<hbm>> -> memref<1600xi32, #tpu.memory_space<hbm>>
    tpu.wait_dma2 semaphore(%arg30 : memref<!tpu.dma_semaphore, #tpu.memory_space<semaphore_mem>>) src(%dma_wait3A_357 : memref<1600xi32, #tpu.memory_space<hbm>>) dst(%arg11 : memref<1600xi32, #tpu.memory_space<vmem>>)
    %dma_wait3A_358 = tpu.memref_slice %arg4[%mul3A_275] : memref<400000xi32, #tpu.memory_space<hbm>> -> memref<1600xi32, #tpu.memory_space<hbm>>
    %dma_wait3A_359 = tpu.memref_slice %arg4[%mul3A_275] : memref<400000xi32, #tpu.memory_space<hbm>> -> memref<1600xi32, #tpu.memory_space<hbm>>
    tpu.wait_dma2 semaphore(%arg30 : memref<!tpu.dma_semaphore, #tpu.memory_space<semaphore_mem>>) src(%dma_wait3A_359 : memref<1600xi32, #tpu.memory_space<hbm>>) dst(%arg14 : memref<1600xi32, #tpu.memory_space<vmem>>)
    %dma_wait3A_360 = tpu.memref_slice %arg5[%mul3A_275] : memref<400000xf32, #tpu.memory_space<hbm>> -> memref<1600xf32, #tpu.memory_space<hbm>>
    %dma_wait3A_361 = tpu.memref_slice %arg5[%mul3A_275] : memref<400000xf32, #tpu.memory_space<hbm>> -> memref<1600xf32, #tpu.memory_space<hbm>>
    tpu.wait_dma2 semaphore(%arg30 : memref<!tpu.dma_semaphore, #tpu.memory_space<semaphore_mem>>) src(%dma_wait3A_361 : memref<1600xf32, #tpu.memory_space<hbm>>) dst(%arg17 : memref<1600xf32, #tpu.memory_space<vmem>>)
    %dma_wait3A_362 = tpu.memref_slice %arg6[%mul3A_275] : memref<400000xi32, #tpu.memory_space<hbm>> -> memref<1600xi32, #tpu.memory_space<hbm>>
    %dma_wait3A_363 = tpu.memref_slice %arg6[%mul3A_275] : memref<400000xi32, #tpu.memory_space<hbm>> -> memref<1600xi32, #tpu.memory_space<hbm>>
    tpu.wait_dma2 semaphore(%arg30 : memref<!tpu.dma_semaphore, #tpu.memory_space<semaphore_mem>>) src(%dma_wait3A_363 : memref<1600xi32, #tpu.memory_space<hbm>>) dst(%arg20 : memref<1600xi32, #tpu.memory_space<vmem>>)
    %dma_wait3A_364 = tpu.memref_slice %arg7[%mul3A_257] : memref<400000xf32, #tpu.memory_space<hbm>> -> memref<1600xf32, #tpu.memory_space<hbm>>
    %dma_wait3A_365 = tpu.memref_slice %arg7[%mul3A_257] : memref<400000xf32, #tpu.memory_space<hbm>> -> memref<1600xf32, #tpu.memory_space<hbm>>
    tpu.wait_dma2 semaphore(%arg33 : memref<!tpu.dma_semaphore, #tpu.memory_space<semaphore_mem>>) src(%arg23 : memref<1600xf32, #tpu.memory_space<vmem>>) dst(%dma_wait3A_365 : memref<1600xf32, #tpu.memory_space<hbm>>)
    %dma_wait3A_366 = tpu.memref_slice %arg8[%mul3A_266] : memref<100000xi32, #tpu.memory_space<hbm>> -> memref<400xi32, #tpu.memory_space<hbm>>
    %dma_wait3A_367 = tpu.memref_slice %arg8[%mul3A_266] : memref<100000xi32, #tpu.memory_space<hbm>> -> memref<400xi32, #tpu.memory_space<hbm>>
    tpu.wait_dma2 semaphore(%arg33 : memref<!tpu.dma_semaphore, #tpu.memory_space<semaphore_mem>>) src(%arg26 : memref<400xi32, #tpu.memory_space<vmem>>) dst(%dma_wait3A_367 : memref<400xi32, #tpu.memory_space<hbm>>)
    %scan3A_368 = arith.constant 0 : i32
    %scan3A_369 = arith.constant 0 : i32
    %scan3A_370 = arith.constant 25 : i32
    %scan3A_371 = arith.addi %scan3A_369, %scan3A_370 : i32
    %scan3A_372 = arith.constant 1 : i32
    scf.for %scan3A_404 = %scan3A_369 to %scan3A_371 step %scan3A_372  : i32 {
      %broadcast_in_dim3A = arith.constant 0 : i32
      %broadcast_in_dim3A_405 = vector.broadcast %broadcast_in_dim3A : i32 to vector<16xi32>
      %mul3A_406 = arith.constant 64 : i32
      %mul3A_407 = arith.muli %scan3A_404, %mul3A_406 : i32
      %add3A_408 = arith.constant 0 : i32
      %add3A_409 = arith.addi %mul3A_407, %add3A_408 : i32
      %get3A = arith.index_cast %add3A_409 : i32 to index
      %get3A_410 = tpu.vector_load %arg11[%get3A] {strides = array<i32>} : memref<1600xi32, #tpu.memory_space<vmem>>, vector<16xi32>,
      %gather3A = tpu.vector_load_idx %arg9[%get3A_410] : memref<100352xf32, #tpu.memory_space<vmem>>[vector<16xi32>], vector<16xf32>,
      %get3A_411 = arith.index_cast %add3A_409 : i32 to index
      %get3A_412 = tpu.vector_load %arg14[%get3A_411] {strides = array<i32>} : memref<1600xi32, #tpu.memory_space<vmem>>, vector<16xi32>,
      %gather3A_413 = tpu.vector_load_idx %arg9[%get3A_412] : memref<100352xf32, #tpu.memory_space<vmem>>[vector<16xi32>], vector<16xf32>,
      %sub3A = arith.subf %gather3A_413, %gather3A : vector<16xf32>
      %get3A_414 = arith.index_cast %add3A_409 : i32 to index
      %get3A_415 = tpu.vector_load %arg17[%get3A_414] {strides = array<i32>} : memref<1600xf32, #tpu.memory_space<vmem>>, vector<16xf32>,
      %div3A = arith.divf %sub3A, %get3A_415 : vector<16xf32>
      %get3A_416 = arith.index_cast %add3A_409 : i32 to index
      %get3A_417 = tpu.vector_load %arg20[%get3A_416] {strides = array<i32>} : memref<1600xi32, #tpu.memory_space<vmem>>, vector<16xi32>,
      %ne3A = arith.constant 0 : i32
      %ne3A_418 = vector.broadcast %ne3A : i32 to vector<16xi32>
      %ne3A_419 = arith.cmpi ne, %get3A_417, %ne3A_418 : vector<16xi32>
      %jit3A = arith.constant 0.000000e+00 : f32
      %broadcast_in_dim3A_420 = vector.broadcast %jit3A : f32 to vector<16xf32>
      %select_n3A_421 = arith.select %ne3A_419, %broadcast_in_dim3A_420, %div3A : vector<16xi1>, vector<16xf32>
      %swap3A = arith.index_cast %add3A_409 : i32 to index
      %swap3A_422 = tpu.vector_load %arg23[%swap3A] {strides = array<i32>} : memref<1600xf32, #tpu.memory_space<vmem>>, vector<16xf32>,
      tpu.vector_store %arg23[%swap3A], %select_n3A_421 {strides = array<i32>} : memref<1600xf32, #tpu.memory_space<vmem>>, vector<16xf32>,
      %gt3A = arith.constant 0.000000e+00 : f32
      %gt3A_423 = vector.broadcast %gt3A : f32 to vector<16xf32>
      %gt3A_424 = arith.cmpf ogt, %select_n3A_421, %gt3A_423 : vector<16xf32>
      %lt3A_425 = arith.constant 0.000000e+00 : f32
      %lt3A_426 = vector.broadcast %lt3A_425 : f32 to vector<16xf32>
      %lt3A_427 = arith.cmpf olt, %select_n3A_421, %lt3A_426 : vector<16xf32>
      %jit3A_428 = arith.constant 1 : i32
      %jit3A_429 = arith.constant 0 : i32
      %broadcast_in_dim3A_430 = vector.broadcast %jit3A_428 : i32 to vector<16xi32>
      %broadcast_in_dim3A_431 = vector.broadcast %jit3A_429 : i32 to vector<16xi32>
      %select_n3A_432 = arith.select %lt3A_427, %broadcast_in_dim3A_430, %broadcast_in_dim3A_431 : vector<16xi1>, vector<16xi32>
      %jit3A_433 = arith.constant 2 : i32
      %broadcast_in_dim3A_434 = vector.broadcast %jit3A_433 : i32 to vector<16xi32>
      %select_n3A_435 = arith.select %gt3A_424, %broadcast_in_dim3A_434, %select_n3A_432 : vector<16xi1>, vector<16xi32>
      %shift_left3A = arith.constant 0 : i32
      %shift_left3A_436 = vector.broadcast %shift_left3A : i32 to vector<16xi32>
      %shift_left3A_437 = arith.shli %select_n3A_435, %shift_left3A_436 : vector<16xi32>
      %or3A = arith.ori %broadcast_in_dim3A_405, %shift_left3A_437 : vector<16xi32>
      %mul3A_438 = arith.constant 64 : i32
      %mul3A_439 = arith.muli %scan3A_404, %mul3A_438 : i32
      %add3A_440 = arith.constant 16 : i32
      %add3A_441 = arith.addi %mul3A_439, %add3A_440 : i32
      %get3A_442 = arith.index_cast %add3A_441 : i32 to index
      %get3A_443 = tpu.vector_load %arg11[%get3A_442] {strides = array<i32>} : memref<1600xi32, #tpu.memory_space<vmem>>, vector<16xi32>,
      %gather3A_444 = tpu.vector_load_idx %arg9[%get3A_443] : memref<100352xf32, #tpu.memory_space<vmem>>[vector<16xi32>], vector<16xf32>,
      %get3A_445 = arith.index_cast %add3A_441 : i32 to index
      %get3A_446 = tpu.vector_load %arg14[%get3A_445] {strides = array<i32>} : memref<1600xi32, #tpu.memory_space<vmem>>, vector<16xi32>,
      %gather3A_447 = tpu.vector_load_idx %arg9[%get3A_446] : memref<100352xf32, #tpu.memory_space<vmem>>[vector<16xi32>], vector<16xf32>,
      %sub3A_448 = arith.subf %gather3A_447, %gather3A_444 : vector<16xf32>
      %get3A_449 = arith.index_cast %add3A_441 : i32 to index
      %get3A_450 = tpu.vector_load %arg17[%get3A_449] {strides = array<i32>} : memref<1600xf32, #tpu.memory_space<vmem>>, vector<16xf32>,
      %div3A_451 = arith.divf %sub3A_448, %get3A_450 : vector<16xf32>
      %get3A_452 = arith.index_cast %add3A_441 : i32 to index
      %get3A_453 = tpu.vector_load %arg20[%get3A_452] {strides = array<i32>} : memref<1600xi32, #tpu.memory_space<vmem>>, vector<16xi32>,
      %ne3A_454 = arith.constant 0 : i32
      %ne3A_455 = vector.broadcast %ne3A_454 : i32 to vector<16xi32>
      %ne3A_456 = arith.cmpi ne, %get3A_453, %ne3A_455 : vector<16xi32>
      %jit3A_457 = arith.constant 0.000000e+00 : f32
      %broadcast_in_dim3A_458 = vector.broadcast %jit3A_457 : f32 to vector<16xf32>
      %select_n3A_459 = arith.select %ne3A_456, %broadcast_in_dim3A_458, %div3A_451 : vector<16xi1>, vector<16xf32>
      %swap3A_460 = arith.index_cast %add3A_441 : i32 to index
      %swap3A_461 = tpu.vector_load %arg23[%swap3A_460] {strides = array<i32>} : memref<1600xf32, #tpu.memory_space<vmem>>, vector<16xf32>,
      tpu.vector_store %arg23[%swap3A_460], %select_n3A_459 {strides = array<i32>} : memref<1600xf32, #tpu.memory_space<vmem>>, vector<16xf32>,
      %gt3A_462 = arith.constant 0.000000e+00 : f32
      %gt3A_463 = vector.broadcast %gt3A_462 : f32 to vector<16xf32>
      %gt3A_464 = arith.cmpf ogt, %select_n3A_459, %gt3A_463 : vector<16xf32>
      %lt3A_465 = arith.constant 0.000000e+00 : f32
      %lt3A_466 = vector.broadcast %lt3A_465 : f32 to vector<16xf32>
      %lt3A_467 = arith.cmpf olt, %select_n3A_459, %lt3A_466 : vector<16xf32>
      %jit3A_468 = arith.constant 1 : i32
      %jit3A_469 = arith.constant 0 : i32
      %broadcast_in_dim3A_470 = vector.broadcast %jit3A_468 : i32 to vector<16xi32>
      %broadcast_in_dim3A_471 = vector.broadcast %jit3A_469 : i32 to vector<16xi32>
      %select_n3A_472 = arith.select %lt3A_467, %broadcast_in_dim3A_470, %broadcast_in_dim3A_471 : vector<16xi1>, vector<16xi32>
      %jit3A_473 = arith.constant 2 : i32
      %broadcast_in_dim3A_474 = vector.broadcast %jit3A_473 : i32 to vector<16xi32>
      %select_n3A_475 = arith.select %gt3A_464, %broadcast_in_dim3A_474, %select_n3A_472 : vector<16xi1>, vector<16xi32>
      %shift_left3A_476 = arith.constant 8 : i32
      %shift_left3A_477 = vector.broadcast %shift_left3A_476 : i32 to vector<16xi32>
      %shift_left3A_478 = arith.shli %select_n3A_475, %shift_left3A_477 : vector<16xi32>
      %or3A_479 = arith.ori %or3A, %shift_left3A_478 : vector<16xi32>
      %mul3A_480 = arith.constant 64 : i32
      %mul3A_481 = arith.muli %scan3A_404, %mul3A_480 : i32
      %add3A_482 = arith.constant 32 : i32
      %add3A_483 = arith.addi %mul3A_481, %add3A_482 : i32
      %get3A_484 = arith.index_cast %add3A_483 : i32 to index
      %get3A_485 = tpu.vector_load %arg11[%get3A_484] {strides = array<i32>} : memref<1600xi32, #tpu.memory_space<vmem>>, vector<16xi32>,
      %gather3A_486 = tpu.vector_load_idx %arg9[%get3A_485] : memref<100352xf32, #tpu.memory_space<vmem>>[vector<16xi32>], vector<16xf32>,
      %get3A_487 = arith.index_cast %add3A_483 : i32 to index
      %get3A_488 = tpu.vector_load %arg14[%get3A_487] {strides = array<i32>} : memref<1600xi32, #tpu.memory_space<vmem>>, vector<16xi32>,
      %gather3A_489 = tpu.vector_load_idx %arg9[%get3A_488] : memref<100352xf32, #tpu.memory_space<vmem>>[vector<16xi32>], vector<16xf32>,
      %sub3A_490 = arith.subf %gather3A_489, %gather3A_486 : vector<16xf32>
      %get3A_491 = arith.index_cast %add3A_483 : i32 to index
      %get3A_492 = tpu.vector_load %arg17[%get3A_491] {strides = array<i32>} : memref<1600xf32, #tpu.memory_space<vmem>>, vector<16xf32>,
      %div3A_493 = arith.divf %sub3A_490, %get3A_492 : vector<16xf32>
      %get3A_494 = arith.index_cast %add3A_483 : i32 to index
      %get3A_495 = tpu.vector_load %arg20[%get3A_494] {strides = array<i32>} : memref<1600xi32, #tpu.memory_space<vmem>>, vector<16xi32>,
      %ne3A_496 = arith.constant 0 : i32
      %ne3A_497 = vector.broadcast %ne3A_496 : i32 to vector<16xi32>
      %ne3A_498 = arith.cmpi ne, %get3A_495, %ne3A_497 : vector<16xi32>
      %jit3A_499 = arith.constant 0.000000e+00 : f32
      %broadcast_in_dim3A_500 = vector.broadcast %jit3A_499 : f32 to vector<16xf32>
      %select_n3A_501 = arith.select %ne3A_498, %broadcast_in_dim3A_500, %div3A_493 : vector<16xi1>, vector<16xf32>
      %swap3A_502 = arith.index_cast %add3A_483 : i32 to index
      %swap3A_503 = tpu.vector_load %arg23[%swap3A_502] {strides = array<i32>} : memref<1600xf32, #tpu.memory_space<vmem>>, vector<16xf32>,
      tpu.vector_store %arg23[%swap3A_502], %select_n3A_501 {strides = array<i32>} : memref<1600xf32, #tpu.memory_space<vmem>>, vector<16xf32>,
      %gt3A_504 = arith.constant 0.000000e+00 : f32
      %gt3A_505 = vector.broadcast %gt3A_504 : f32 to vector<16xf32>
      %gt3A_506 = arith.cmpf ogt, %select_n3A_501, %gt3A_505 : vector<16xf32>
      %lt3A_507 = arith.constant 0.000000e+00 : f32
      %lt3A_508 = vector.broadcast %lt3A_507 : f32 to vector<16xf32>
      %lt3A_509 = arith.cmpf olt, %select_n3A_501, %lt3A_508 : vector<16xf32>
      %jit3A_510 = arith.constant 1 : i32
      %jit3A_511 = arith.constant 0 : i32
      %broadcast_in_dim3A_512 = vector.broadcast %jit3A_510 : i32 to vector<16xi32>
      %broadcast_in_dim3A_513 = vector.broadcast %jit3A_511 : i32 to vector<16xi32>
      %select_n3A_514 = arith.select %lt3A_509, %broadcast_in_dim3A_512, %broadcast_in_dim3A_513 : vector<16xi1>, vector<16xi32>
      %jit3A_515 = arith.constant 2 : i32
      %broadcast_in_dim3A_516 = vector.broadcast %jit3A_515 : i32 to vector<16xi32>
      %select_n3A_517 = arith.select %gt3A_506, %broadcast_in_dim3A_516, %select_n3A_514 : vector<16xi1>, vector<16xi32>
      %shift_left3A_518 = arith.constant 16 : i32
      %shift_left3A_519 = vector.broadcast %shift_left3A_518 : i32 to vector<16xi32>
      %shift_left3A_520 = arith.shli %select_n3A_517, %shift_left3A_519 : vector<16xi32>
      %or3A_521 = arith.ori %or3A_479, %shift_left3A_520 : vector<16xi32>
      %mul3A_522 = arith.constant 64 : i32
      %mul3A_523 = arith.muli %scan3A_404, %mul3A_522 : i32
      %add3A_524 = arith.constant 48 : i32
      %add3A_525 = arith.addi %mul3A_523, %add3A_524 : i32
      %get3A_526 = arith.index_cast %add3A_525 : i32 to index
      %get3A_527 = tpu.vector_load %arg11[%get3A_526] {strides = array<i32>} : memref<1600xi32, #tpu.memory_space<vmem>>, vector<16xi32>,
      %gather3A_528 = tpu.vector_load_idx %arg9[%get3A_527] : memref<100352xf32, #tpu.memory_space<vmem>>[vector<16xi32>], vector<16xf32>,
      %get3A_529 = arith.index_cast %add3A_525 : i32 to index
      %get3A_530 = tpu.vector_load %arg14[%get3A_529] {strides = array<i32>} : memref<1600xi32, #tpu.memory_space<vmem>>, vector<16xi32>,
      %gather3A_531 = tpu.vector_load_idx %arg9[%get3A_530] : memref<100352xf32, #tpu.memory_space<vmem>>[vector<16xi32>], vector<16xf32>,
      %sub3A_532 = arith.subf %gather3A_531, %gather3A_528 : vector<16xf32>
      %get3A_533 = arith.index_cast %add3A_525 : i32 to index
      %get3A_534 = tpu.vector_load %arg17[%get3A_533] {strides = array<i32>} : memref<1600xf32, #tpu.memory_space<vmem>>, vector<16xf32>,
      %div3A_535 = arith.divf %sub3A_532, %get3A_534 : vector<16xf32>
      %get3A_536 = arith.index_cast %add3A_525 : i32 to index
      %get3A_537 = tpu.vector_load %arg20[%get3A_536] {strides = array<i32>} : memref<1600xi32, #tpu.memory_space<vmem>>, vector<16xi32>,
      %ne3A_538 = arith.constant 0 : i32
      %ne3A_539 = vector.broadcast %ne3A_538 : i32 to vector<16xi32>
      %ne3A_540 = arith.cmpi ne, %get3A_537, %ne3A_539 : vector<16xi32>
      %jit3A_541 = arith.constant 0.000000e+00 : f32
      %broadcast_in_dim3A_542 = vector.broadcast %jit3A_541 : f32 to vector<16xf32>
      %select_n3A_543 = arith.select %ne3A_540, %broadcast_in_dim3A_542, %div3A_535 : vector<16xi1>, vector<16xf32>
      %swap3A_544 = arith.index_cast %add3A_525 : i32 to index
      %swap3A_545 = tpu.vector_load %arg23[%swap3A_544] {strides = array<i32>} : memref<1600xf32, #tpu.memory_space<vmem>>, vector<16xf32>,
      tpu.vector_store %arg23[%swap3A_544], %select_n3A_543 {strides = array<i32>} : memref<1600xf32, #tpu.memory_space<vmem>>, vector<16xf32>,
      %gt3A_546 = arith.constant 0.000000e+00 : f32
      %gt3A_547 = vector.broadcast %gt3A_546 : f32 to vector<16xf32>
      %gt3A_548 = arith.cmpf ogt, %select_n3A_543, %gt3A_547 : vector<16xf32>
      %lt3A_549 = arith.constant 0.000000e+00 : f32
      %lt3A_550 = vector.broadcast %lt3A_549 : f32 to vector<16xf32>
      %lt3A_551 = arith.cmpf olt, %select_n3A_543, %lt3A_550 : vector<16xf32>
      %jit3A_552 = arith.constant 1 : i32
      %jit3A_553 = arith.constant 0 : i32
      %broadcast_in_dim3A_554 = vector.broadcast %jit3A_552 : i32 to vector<16xi32>
      %broadcast_in_dim3A_555 = vector.broadcast %jit3A_553 : i32 to vector<16xi32>
      %select_n3A_556 = arith.select %lt3A_551, %broadcast_in_dim3A_554, %broadcast_in_dim3A_555 : vector<16xi1>, vector<16xi32>
      %jit3A_557 = arith.constant 2 : i32
      %broadcast_in_dim3A_558 = vector.broadcast %jit3A_557 : i32 to vector<16xi32>
      %select_n3A_559 = arith.select %gt3A_548, %broadcast_in_dim3A_558, %select_n3A_556 : vector<16xi1>, vector<16xi32>
      %shift_left3A_560 = arith.constant 24 : i32
      %shift_left3A_561 = vector.broadcast %shift_left3A_560 : i32 to vector<16xi32>
      %shift_left3A_562 = arith.shli %select_n3A_559, %shift_left3A_561 : vector<16xi32>
      %or3A_563 = arith.ori %or3A_521, %shift_left3A_562 : vector<16xi32>
      %mul3A_564 = arith.constant 16 : i32
      %mul3A_565 = arith.muli %scan3A_404, %mul3A_564 : i32
      %swap3A_566 = arith.index_cast %mul3A_565 : i32 to index
      %swap3A_567 = tpu.vector_load %arg26[%swap3A_566] {strides = array<i32>} : memref<400xi32, #tpu.memory_space<vmem>>, vector<16xi32>,
      tpu.vector_store %arg26[%swap3A_566], %or3A_563 {strides = array<i32>} : memref<400xi32, #tpu.memory_space<vmem>>, vector<16xi32>,
    }
    %scan3A_373 = arith.constant 25 : i32
    %add3A_374 = arith.constant 224 : i32
    %add3A_375 = arith.addi %add3A, %add3A_374 : i32
    %lt3A_376 = arith.constant 250 : i32
    %lt3A_377 = arith.cmpi slt, %add3A_375, %lt3A_376 : i32
    %select_n3A_378 = arith.select %lt3A_377, %add3A_375, %add3A : i32
    %mul3A_379 = arith.constant 1600 : i32
    %mul3A_380 = arith.muli %select_n3A_378, %mul3A_379 : i32
    %dma_start3A_381 = tpu.memref_slice %arg7[%mul3A_380] : memref<400000xf32, #tpu.memory_space<hbm>> -> memref<1600xf32, #tpu.memory_space<hbm>>
    %dma_start3A_382 = tpu.memref_slice %arg7[%mul3A_380] : memref<400000xf32, #tpu.memory_space<hbm>> -> memref<1600xf32, #tpu.memory_space<hbm>>
    tpu.enqueue_dma source(%arg23 : memref<1600xf32, #tpu.memory_space<vmem>>) target(%dma_start3A_382 : memref<1600xf32, #tpu.memory_space<hbm>>) target_semaphore(%arg33 : memref<!tpu.dma_semaphore, #tpu.memory_space<semaphore_mem>>)
    %add3A_383 = arith.constant 224 : i32
    %add3A_384 = arith.addi %add3A, %add3A_383 : i32
    %lt3A_385 = arith.constant 250 : i32
    %lt3A_386 = arith.cmpi slt, %add3A_384, %lt3A_385 : i32
    %select_n3A_387 = arith.select %lt3A_386, %add3A_384, %add3A : i32
    %mul3A_388 = arith.constant 400 : i32
    %mul3A_389 = arith.muli %select_n3A_387, %mul3A_388 : i32
    %dma_start3A_390 = tpu.memref_slice %arg8[%mul3A_389] : memref<100000xi32, #tpu.memory_space<hbm>> -> memref<400xi32, #tpu.memory_space<hbm>>
    %dma_start3A_391 = tpu.memref_slice %arg8[%mul3A_389] : memref<100000xi32, #tpu.memory_space<hbm>> -> memref<400xi32, #tpu.memory_space<hbm>>
    tpu.enqueue_dma source(%arg26 : memref<400xi32, #tpu.memory_space<vmem>>) target(%dma_start3A_391 : memref<400xi32, #tpu.memory_space<hbm>>) target_semaphore(%arg33 : memref<!tpu.dma_semaphore, #tpu.memory_space<semaphore_mem>>)
    %dma_wait3A_392 = tpu.memref_slice %arg7[%mul3A_308] : memref<400000xf32, #tpu.memory_space<hbm>> -> memref<1600xf32, #tpu.memory_space<hbm>>
    %dma_wait3A_393 = tpu.memref_slice %arg7[%mul3A_308] : memref<400000xf32, #tpu.memory_space<hbm>> -> memref<1600xf32, #tpu.memory_space<hbm>>
    tpu.wait_dma2 semaphore(%arg34 : memref<!tpu.dma_semaphore, #tpu.memory_space<semaphore_mem>>) src(%arg24 : memref<1600xf32, #tpu.memory_space<vmem>>) dst(%dma_wait3A_393 : memref<1600xf32, #tpu.memory_space<hbm>>)
    %dma_wait3A_394 = tpu.memref_slice %arg8[%mul3A_317] : memref<100000xi32, #tpu.memory_space<hbm>> -> memref<400xi32, #tpu.memory_space<hbm>>
    %dma_wait3A_395 = tpu.memref_slice %arg8[%mul3A_317] : memref<100000xi32, #tpu.memory_space<hbm>> -> memref<400xi32, #tpu.memory_space<hbm>>
    tpu.wait_dma2 semaphore(%arg34 : memref<!tpu.dma_semaphore, #tpu.memory_space<semaphore_mem>>) src(%arg27 : memref<400xi32, #tpu.memory_space<vmem>>) dst(%dma_wait3A_395 : memref<400xi32, #tpu.memory_space<hbm>>)
    %dma_wait3A_396 = tpu.memref_slice %arg7[%mul3A_344] : memref<400000xf32, #tpu.memory_space<hbm>> -> memref<1600xf32, #tpu.memory_space<hbm>>
    %dma_wait3A_397 = tpu.memref_slice %arg7[%mul3A_344] : memref<400000xf32, #tpu.memory_space<hbm>> -> memref<1600xf32, #tpu.memory_space<hbm>>
    tpu.wait_dma2 semaphore(%arg32 : memref<!tpu.dma_semaphore, #tpu.memory_space<semaphore_mem>>) src(%arg22 : memref<1600xf32, #tpu.memory_space<vmem>>) dst(%dma_wait3A_397 : memref<1600xf32, #tpu.memory_space<hbm>>)
    %dma_wait3A_398 = tpu.memref_slice %arg8[%mul3A_353] : memref<100000xi32, #tpu.memory_space<hbm>> -> memref<400xi32, #tpu.memory_space<hbm>>
    %dma_wait3A_399 = tpu.memref_slice %arg8[%mul3A_353] : memref<100000xi32, #tpu.memory_space<hbm>> -> memref<400xi32, #tpu.memory_space<hbm>>
    tpu.wait_dma2 semaphore(%arg32 : memref<!tpu.dma_semaphore, #tpu.memory_space<semaphore_mem>>) src(%arg25 : memref<400xi32, #tpu.memory_space<vmem>>) dst(%dma_wait3A_399 : memref<400xi32, #tpu.memory_space<hbm>>)
    %dma_wait3A_400 = tpu.memref_slice %arg7[%mul3A_380] : memref<400000xf32, #tpu.memory_space<hbm>> -> memref<1600xf32, #tpu.memory_space<hbm>>
    %dma_wait3A_401 = tpu.memref_slice %arg7[%mul3A_380] : memref<400000xf32, #tpu.memory_space<hbm>> -> memref<1600xf32, #tpu.memory_space<hbm>>
    tpu.wait_dma2 semaphore(%arg33 : memref<!tpu.dma_semaphore, #tpu.memory_space<semaphore_mem>>) src(%arg23 : memref<1600xf32, #tpu.memory_space<vmem>>) dst(%dma_wait3A_401 : memref<1600xf32, #tpu.memory_space<hbm>>)
    %dma_wait3A_402 = tpu.memref_slice %arg8[%mul3A_389] : memref<100000xi32, #tpu.memory_space<hbm>> -> memref<400xi32, #tpu.memory_space<hbm>>
    %dma_wait3A_403 = tpu.memref_slice %arg8[%mul3A_389] : memref<100000xi32, #tpu.memory_space<hbm>> -> memref<400xi32, #tpu.memory_space<hbm>>
    tpu.wait_dma2 semaphore(%arg33 : memref<!tpu.dma_semaphore, #tpu.memory_space<semaphore_mem>>) src(%arg26 : memref<400xi32, #tpu.memory_space<vmem>>) dst(%dma_wait3A_403 : memref<400xi32, #tpu.memory_space<hbm>>)
    return
  }
}

#map = affine_map<(d0, d1) -> (0)>
module attributes {stable_mosaic.version = 14 : i64} {
  func.func @_boundaries(%arg0: i32, %arg1: i32, %arg2: memref<100000xi32, #tpu.memory_space<hbm>>, %arg3: memref<802816xi32, #tpu.memory_space<hbm>>, %arg4: memref<100352xf32, #tpu.memory_space<hbm>>, %arg5: memref<100352xf32, #tpu.memory_space<hbm>>, %arg6: memref<100000xi32, #tpu.memory_space<vmem>>, %arg7: memref<6272xi32, #tpu.memory_space<vmem>>, %arg8: memref<6272xi32, #tpu.memory_space<vmem>>, %arg9: memref<3136xf32, #tpu.memory_space<vmem>>, %arg10: memref<3136xf32, #tpu.memory_space<vmem>>, %arg11: memref<!tpu.dma_semaphore, #tpu.memory_space<semaphore_mem>>, %arg12: memref<!tpu.dma_semaphore, #tpu.memory_space<semaphore_mem>>, %arg13: memref<!tpu.dma_semaphore, #tpu.memory_space<semaphore_mem>>, %arg14: memref<!tpu.dma_semaphore, #tpu.memory_space<semaphore_mem>>) attributes {dimension_semantics = [#tpu.dimension_semantics<core_parallel>, #tpu.dimension_semantics<subcore_parallel>], iteration_bounds = array<i64: 2, 16>, scalar_prefetch = 0 : i64, scratch_operands = 9 : i64, tpu.core_type = #tpu.core_type<sc_vector_subcore>, window_params = [{transform_indices = #map}, {transform_indices = #map}, {transform_indices = #map}, {transform_indices = #map}]} {
    %mul3A = arith.constant 2 : i32
    %mul3A_0 = arith.muli %arg1, %mul3A : i32
    %add3A = arith.addi %mul3A_0, %arg0 : i32
    %mul3A_1 = arith.constant 3136 : i32
    %mul3A_2 = arith.muli %add3A, %mul3A_1 : i32
    tpu.enqueue_dma source(%arg2 : memref<100000xi32, #tpu.memory_space<hbm>>) target(%arg6 : memref<100000xi32, #tpu.memory_space<vmem>>) target_semaphore(%arg11 : memref<!tpu.dma_semaphore, #tpu.memory_space<semaphore_mem>>)
    %dma_start3A = tpu.memref_slice %arg4[%mul3A_2] : memref<100352xf32, #tpu.memory_space<hbm>> -> memref<3136xf32, #tpu.memory_space<hbm>>
    %dma_start3A_3 = tpu.memref_slice %arg4[%mul3A_2] : memref<100352xf32, #tpu.memory_space<hbm>> -> memref<3136xf32, #tpu.memory_space<hbm>>
    tpu.enqueue_dma source(%dma_start3A_3 : memref<3136xf32, #tpu.memory_space<hbm>>) target(%arg10 : memref<3136xf32, #tpu.memory_space<vmem>>) target_semaphore(%arg12 : memref<!tpu.dma_semaphore, #tpu.memory_space<semaphore_mem>>)
    %mul3A_4 = arith.constant 4 : i32
    %mul3A_5 = arith.muli %add3A, %mul3A_4 : i32
    %add3A_6 = arith.constant 0 : i32
    %add3A_7 = arith.addi %mul3A_5, %add3A_6 : i32
    %mul3A_8 = arith.constant 6272 : i32
    %mul3A_9 = arith.muli %add3A_7, %mul3A_8 : i32
    %dma_start3A_10 = tpu.memref_slice %arg3[%mul3A_9] : memref<802816xi32, #tpu.memory_space<hbm>> -> memref<6272xi32, #tpu.memory_space<hbm>>
    %dma_start3A_11 = tpu.memref_slice %arg3[%mul3A_9] : memref<802816xi32, #tpu.memory_space<hbm>> -> memref<6272xi32, #tpu.memory_space<hbm>>
    tpu.enqueue_dma source(%dma_start3A_11 : memref<6272xi32, #tpu.memory_space<hbm>>) target(%arg7 : memref<6272xi32, #tpu.memory_space<vmem>>) target_semaphore(%arg13 : memref<!tpu.dma_semaphore, #tpu.memory_space<semaphore_mem>>)
    tpu.wait_dma2 semaphore(%arg11 : memref<!tpu.dma_semaphore, #tpu.memory_space<semaphore_mem>>) src(%arg2 : memref<100000xi32, #tpu.memory_space<hbm>>) dst(%arg6 : memref<100000xi32, #tpu.memory_space<vmem>>)
    %dma_wait3A = tpu.memref_slice %arg4[%mul3A_2] : memref<100352xf32, #tpu.memory_space<hbm>> -> memref<3136xf32, #tpu.memory_space<hbm>>
    %dma_wait3A_12 = tpu.memref_slice %arg4[%mul3A_2] : memref<100352xf32, #tpu.memory_space<hbm>> -> memref<3136xf32, #tpu.memory_space<hbm>>
    tpu.wait_dma2 semaphore(%arg12 : memref<!tpu.dma_semaphore, #tpu.memory_space<semaphore_mem>>) src(%dma_wait3A_12 : memref<3136xf32, #tpu.memory_space<hbm>>) dst(%arg10 : memref<3136xf32, #tpu.memory_space<vmem>>)
    %mul3A_13 = arith.constant 4 : i32
    %mul3A_14 = arith.muli %add3A, %mul3A_13 : i32
    %add3A_15 = arith.constant 1 : i32
    %add3A_16 = arith.addi %mul3A_14, %add3A_15 : i32
    %mul3A_17 = arith.constant 6272 : i32
    %mul3A_18 = arith.muli %add3A_16, %mul3A_17 : i32
    %dma_start3A_19 = tpu.memref_slice %arg3[%mul3A_18] : memref<802816xi32, #tpu.memory_space<hbm>> -> memref<6272xi32, #tpu.memory_space<hbm>>
    %dma_start3A_20 = tpu.memref_slice %arg3[%mul3A_18] : memref<802816xi32, #tpu.memory_space<hbm>> -> memref<6272xi32, #tpu.memory_space<hbm>>
    tpu.enqueue_dma source(%dma_start3A_20 : memref<6272xi32, #tpu.memory_space<hbm>>) target(%arg8 : memref<6272xi32, #tpu.memory_space<vmem>>) target_semaphore(%arg14 : memref<!tpu.dma_semaphore, #tpu.memory_space<semaphore_mem>>)
    %dma_wait3A_21 = tpu.memref_slice %arg3[%mul3A_9] : memref<802816xi32, #tpu.memory_space<hbm>> -> memref<6272xi32, #tpu.memory_space<hbm>>
    %dma_wait3A_22 = tpu.memref_slice %arg3[%mul3A_9] : memref<802816xi32, #tpu.memory_space<hbm>> -> memref<6272xi32, #tpu.memory_space<hbm>>
    tpu.wait_dma2 semaphore(%arg13 : memref<!tpu.dma_semaphore, #tpu.memory_space<semaphore_mem>>) src(%dma_wait3A_22 : memref<6272xi32, #tpu.memory_space<hbm>>) dst(%arg7 : memref<6272xi32, #tpu.memory_space<vmem>>)
    %scan3A = arith.constant 0 : i32
    %scan3A_23 = arith.constant 0 : i32
    %scan3A_24 = arith.constant 49 : i32
    %scan3A_25 = arith.addi %scan3A_23, %scan3A_24 : i32
    %scan3A_26 = arith.constant 1 : i32
    scf.for %scan3A_68 = %scan3A_23 to %scan3A_25 step %scan3A_26  : i32 {
      %broadcast_in_dim3A = arith.constant 0 : i32
      %broadcast_in_dim3A_69 = vector.broadcast %broadcast_in_dim3A : i32 to vector<16xi32>
      %mul3A_70 = arith.constant 16 : i32
      %mul3A_71 = arith.muli %scan3A_68, %mul3A_70 : i32
      %add3A_72 = arith.constant 0 : i32
      %add3A_73 = arith.addi %add3A_72, %mul3A_71 : i32
      %get3A = arith.index_cast %add3A_73 : i32 to index
      %get3A_74 = tpu.vector_load %arg7[%get3A] {strides = array<i32>} : memref<6272xi32, #tpu.memory_space<vmem>>, vector<16xi32>,
      %and3A = arith.constant 131071 : i32
      %and3A_75 = vector.broadcast %and3A : i32 to vector<16xi32>
      %and3A_76 = arith.andi %get3A_74, %and3A_75 : vector<16xi32>
      %gather3A = tpu.vector_load_idx %arg6[%and3A_76] : memref<100000xi32, #tpu.memory_space<vmem>>[vector<16xi32>], vector<16xi32>,
      %shift_right_arithmetic3A = arith.constant 17 : i32
      %shift_right_arithmetic3A_77 = vector.broadcast %shift_right_arithmetic3A : i32 to vector<16xi32>
      %shift_right_arithmetic3A_78 = arith.shrsi %get3A_74, %shift_right_arithmetic3A_77 : vector<16xi32>
      %shift_right_arithmetic3A_79 = arith.shrsi %gather3A, %shift_right_arithmetic3A_78 : vector<16xi32>
      %and3A_80 = arith.constant 1 : i32
      %and3A_81 = vector.broadcast %and3A_80 : i32 to vector<16xi32>
      %and3A_82 = arith.andi %shift_right_arithmetic3A_79, %and3A_81 : vector<16xi32>
      %or3A = arith.ori %broadcast_in_dim3A_69, %and3A_82 : vector<16xi32>
      %mul3A_83 = arith.constant 16 : i32
      %mul3A_84 = arith.muli %scan3A_68, %mul3A_83 : i32
      %add3A_85 = arith.constant 784 : i32
      %add3A_86 = arith.addi %add3A_85, %mul3A_84 : i32
      %get3A_87 = arith.index_cast %add3A_86 : i32 to index
      %get3A_88 = tpu.vector_load %arg7[%get3A_87] {strides = array<i32>} : memref<6272xi32, #tpu.memory_space<vmem>>, vector<16xi32>,
      %and3A_89 = arith.constant 131071 : i32
      %and3A_90 = vector.broadcast %and3A_89 : i32 to vector<16xi32>
      %and3A_91 = arith.andi %get3A_88, %and3A_90 : vector<16xi32>
      %gather3A_92 = tpu.vector_load_idx %arg6[%and3A_91] : memref<100000xi32, #tpu.memory_space<vmem>>[vector<16xi32>], vector<16xi32>,
      %shift_right_arithmetic3A_93 = arith.constant 17 : i32
      %shift_right_arithmetic3A_94 = vector.broadcast %shift_right_arithmetic3A_93 : i32 to vector<16xi32>
      %shift_right_arithmetic3A_95 = arith.shrsi %get3A_88, %shift_right_arithmetic3A_94 : vector<16xi32>
      %shift_right_arithmetic3A_96 = arith.shrsi %gather3A_92, %shift_right_arithmetic3A_95 : vector<16xi32>
      %and3A_97 = arith.constant 1 : i32
      %and3A_98 = vector.broadcast %and3A_97 : i32 to vector<16xi32>
      %and3A_99 = arith.andi %shift_right_arithmetic3A_96, %and3A_98 : vector<16xi32>
      %or3A_100 = arith.ori %or3A, %and3A_99 : vector<16xi32>
      %mul3A_101 = arith.constant 16 : i32
      %mul3A_102 = arith.muli %scan3A_68, %mul3A_101 : i32
      %add3A_103 = arith.constant 1568 : i32
      %add3A_104 = arith.addi %add3A_103, %mul3A_102 : i32
      %get3A_105 = arith.index_cast %add3A_104 : i32 to index
      %get3A_106 = tpu.vector_load %arg7[%get3A_105] {strides = array<i32>} : memref<6272xi32, #tpu.memory_space<vmem>>, vector<16xi32>,
      %and3A_107 = arith.constant 131071 : i32
      %and3A_108 = vector.broadcast %and3A_107 : i32 to vector<16xi32>
      %and3A_109 = arith.andi %get3A_106, %and3A_108 : vector<16xi32>
      %gather3A_110 = tpu.vector_load_idx %arg6[%and3A_109] : memref<100000xi32, #tpu.memory_space<vmem>>[vector<16xi32>], vector<16xi32>,
      %shift_right_arithmetic3A_111 = arith.constant 17 : i32
      %shift_right_arithmetic3A_112 = vector.broadcast %shift_right_arithmetic3A_111 : i32 to vector<16xi32>
      %shift_right_arithmetic3A_113 = arith.shrsi %get3A_106, %shift_right_arithmetic3A_112 : vector<16xi32>
      %shift_right_arithmetic3A_114 = arith.shrsi %gather3A_110, %shift_right_arithmetic3A_113 : vector<16xi32>
      %and3A_115 = arith.constant 1 : i32
      %and3A_116 = vector.broadcast %and3A_115 : i32 to vector<16xi32>
      %and3A_117 = arith.andi %shift_right_arithmetic3A_114, %and3A_116 : vector<16xi32>
      %or3A_118 = arith.ori %or3A_100, %and3A_117 : vector<16xi32>
      %mul3A_119 = arith.constant 16 : i32
      %mul3A_120 = arith.muli %scan3A_68, %mul3A_119 : i32
      %add3A_121 = arith.constant 2352 : i32
      %add3A_122 = arith.addi %add3A_121, %mul3A_120 : i32
      %get3A_123 = arith.index_cast %add3A_122 : i32 to index
      %get3A_124 = tpu.vector_load %arg7[%get3A_123] {strides = array<i32>} : memref<6272xi32, #tpu.memory_space<vmem>>, vector<16xi32>,
      %and3A_125 = arith.constant 131071 : i32
      %and3A_126 = vector.broadcast %and3A_125 : i32 to vector<16xi32>
      %and3A_127 = arith.andi %get3A_124, %and3A_126 : vector<16xi32>
      %gather3A_128 = tpu.vector_load_idx %arg6[%and3A_127] : memref<100000xi32, #tpu.memory_space<vmem>>[vector<16xi32>], vector<16xi32>,
      %shift_right_arithmetic3A_129 = arith.constant 17 : i32
      %shift_right_arithmetic3A_130 = vector.broadcast %shift_right_arithmetic3A_129 : i32 to vector<16xi32>
      %shift_right_arithmetic3A_131 = arith.shrsi %get3A_124, %shift_right_arithmetic3A_130 : vector<16xi32>
      %shift_right_arithmetic3A_132 = arith.shrsi %gather3A_128, %shift_right_arithmetic3A_131 : vector<16xi32>
      %and3A_133 = arith.constant 1 : i32
      %and3A_134 = vector.broadcast %and3A_133 : i32 to vector<16xi32>
      %and3A_135 = arith.andi %shift_right_arithmetic3A_132, %and3A_134 : vector<16xi32>
      %or3A_136 = arith.ori %or3A_118, %and3A_135 : vector<16xi32>
      %mul3A_137 = arith.constant 16 : i32
      %mul3A_138 = arith.muli %scan3A_68, %mul3A_137 : i32
      %add3A_139 = arith.constant 3136 : i32
      %add3A_140 = arith.addi %add3A_139, %mul3A_138 : i32
      %get3A_141 = arith.index_cast %add3A_140 : i32 to index
      %get3A_142 = tpu.vector_load %arg7[%get3A_141] {strides = array<i32>} : memref<6272xi32, #tpu.memory_space<vmem>>, vector<16xi32>,
      %and3A_143 = arith.constant 131071 : i32
      %and3A_144 = vector.broadcast %and3A_143 : i32 to vector<16xi32>
      %and3A_145 = arith.andi %get3A_142, %and3A_144 : vector<16xi32>
      %gather3A_146 = tpu.vector_load_idx %arg6[%and3A_145] : memref<100000xi32, #tpu.memory_space<vmem>>[vector<16xi32>], vector<16xi32>,
      %shift_right_arithmetic3A_147 = arith.constant 17 : i32
      %shift_right_arithmetic3A_148 = vector.broadcast %shift_right_arithmetic3A_147 : i32 to vector<16xi32>
      %shift_right_arithmetic3A_149 = arith.shrsi %get3A_142, %shift_right_arithmetic3A_148 : vector<16xi32>
      %shift_right_arithmetic3A_150 = arith.shrsi %gather3A_146, %shift_right_arithmetic3A_149 : vector<16xi32>
      %and3A_151 = arith.constant 1 : i32
      %and3A_152 = vector.broadcast %and3A_151 : i32 to vector<16xi32>
      %and3A_153 = arith.andi %shift_right_arithmetic3A_150, %and3A_152 : vector<16xi32>
      %or3A_154 = arith.ori %or3A_136, %and3A_153 : vector<16xi32>
      %mul3A_155 = arith.constant 16 : i32
      %mul3A_156 = arith.muli %scan3A_68, %mul3A_155 : i32
      %add3A_157 = arith.constant 3920 : i32
      %add3A_158 = arith.addi %add3A_157, %mul3A_156 : i32
      %get3A_159 = arith.index_cast %add3A_158 : i32 to index
      %get3A_160 = tpu.vector_load %arg7[%get3A_159] {strides = array<i32>} : memref<6272xi32, #tpu.memory_space<vmem>>, vector<16xi32>,
      %and3A_161 = arith.constant 131071 : i32
      %and3A_162 = vector.broadcast %and3A_161 : i32 to vector<16xi32>
      %and3A_163 = arith.andi %get3A_160, %and3A_162 : vector<16xi32>
      %gather3A_164 = tpu.vector_load_idx %arg6[%and3A_163] : memref<100000xi32, #tpu.memory_space<vmem>>[vector<16xi32>], vector<16xi32>,
      %shift_right_arithmetic3A_165 = arith.constant 17 : i32
      %shift_right_arithmetic3A_166 = vector.broadcast %shift_right_arithmetic3A_165 : i32 to vector<16xi32>
      %shift_right_arithmetic3A_167 = arith.shrsi %get3A_160, %shift_right_arithmetic3A_166 : vector<16xi32>
      %shift_right_arithmetic3A_168 = arith.shrsi %gather3A_164, %shift_right_arithmetic3A_167 : vector<16xi32>
      %and3A_169 = arith.constant 1 : i32
      %and3A_170 = vector.broadcast %and3A_169 : i32 to vector<16xi32>
      %and3A_171 = arith.andi %shift_right_arithmetic3A_168, %and3A_170 : vector<16xi32>
      %or3A_172 = arith.ori %or3A_154, %and3A_171 : vector<16xi32>
      %mul3A_173 = arith.constant 16 : i32
      %mul3A_174 = arith.muli %scan3A_68, %mul3A_173 : i32
      %add3A_175 = arith.constant 4704 : i32
      %add3A_176 = arith.addi %add3A_175, %mul3A_174 : i32
      %get3A_177 = arith.index_cast %add3A_176 : i32 to index
      %get3A_178 = tpu.vector_load %arg7[%get3A_177] {strides = array<i32>} : memref<6272xi32, #tpu.memory_space<vmem>>, vector<16xi32>,
      %and3A_179 = arith.constant 131071 : i32
      %and3A_180 = vector.broadcast %and3A_179 : i32 to vector<16xi32>
      %and3A_181 = arith.andi %get3A_178, %and3A_180 : vector<16xi32>
      %gather3A_182 = tpu.vector_load_idx %arg6[%and3A_181] : memref<100000xi32, #tpu.memory_space<vmem>>[vector<16xi32>], vector<16xi32>,
      %shift_right_arithmetic3A_183 = arith.constant 17 : i32
      %shift_right_arithmetic3A_184 = vector.broadcast %shift_right_arithmetic3A_183 : i32 to vector<16xi32>
      %shift_right_arithmetic3A_185 = arith.shrsi %get3A_178, %shift_right_arithmetic3A_184 : vector<16xi32>
      %shift_right_arithmetic3A_186 = arith.shrsi %gather3A_182, %shift_right_arithmetic3A_185 : vector<16xi32>
      %and3A_187 = arith.constant 1 : i32
      %and3A_188 = vector.broadcast %and3A_187 : i32 to vector<16xi32>
      %and3A_189 = arith.andi %shift_right_arithmetic3A_186, %and3A_188 : vector<16xi32>
      %or3A_190 = arith.ori %or3A_172, %and3A_189 : vector<16xi32>
      %mul3A_191 = arith.constant 16 : i32
      %mul3A_192 = arith.muli %scan3A_68, %mul3A_191 : i32
      %add3A_193 = arith.constant 5488 : i32
      %add3A_194 = arith.addi %add3A_193, %mul3A_192 : i32
      %get3A_195 = arith.index_cast %add3A_194 : i32 to index
      %get3A_196 = tpu.vector_load %arg7[%get3A_195] {strides = array<i32>} : memref<6272xi32, #tpu.memory_space<vmem>>, vector<16xi32>,
      %and3A_197 = arith.constant 131071 : i32
      %and3A_198 = vector.broadcast %and3A_197 : i32 to vector<16xi32>
      %and3A_199 = arith.andi %get3A_196, %and3A_198 : vector<16xi32>
      %gather3A_200 = tpu.vector_load_idx %arg6[%and3A_199] : memref<100000xi32, #tpu.memory_space<vmem>>[vector<16xi32>], vector<16xi32>,
      %shift_right_arithmetic3A_201 = arith.constant 17 : i32
      %shift_right_arithmetic3A_202 = vector.broadcast %shift_right_arithmetic3A_201 : i32 to vector<16xi32>
      %shift_right_arithmetic3A_203 = arith.shrsi %get3A_196, %shift_right_arithmetic3A_202 : vector<16xi32>
      %shift_right_arithmetic3A_204 = arith.shrsi %gather3A_200, %shift_right_arithmetic3A_203 : vector<16xi32>
      %and3A_205 = arith.constant 1 : i32
      %and3A_206 = vector.broadcast %and3A_205 : i32 to vector<16xi32>
      %and3A_207 = arith.andi %shift_right_arithmetic3A_204, %and3A_206 : vector<16xi32>
      %or3A_208 = arith.ori %or3A_190, %and3A_207 : vector<16xi32>
      %mul3A_209 = arith.constant 16 : i32
      %mul3A_210 = arith.muli %scan3A_68, %mul3A_209 : i32
      %add3A_211 = arith.constant 0 : i32
      %add3A_212 = arith.addi %add3A_211, %mul3A_210 : i32
      %ne3A = arith.constant 0 : i32
      %ne3A_213 = vector.broadcast %ne3A : i32 to vector<16xi32>
      %ne3A_214 = arith.cmpi ne, %or3A_208, %ne3A_213 : vector<16xi32>
      %get3A_215 = arith.index_cast %add3A_212 : i32 to index
      %get3A_216 = tpu.vector_load %arg10[%get3A_215] {strides = array<i32>} : memref<3136xf32, #tpu.memory_space<vmem>>, vector<16xf32>,
      %jit3A = arith.constant 0.000000e+00 : f32
      %broadcast_in_dim3A_217 = vector.broadcast %jit3A : f32 to vector<16xf32>
      %select_n3A = arith.select %ne3A_214, %get3A_216, %broadcast_in_dim3A_217 : vector<16xi1>, vector<16xf32>
      %swap3A = arith.index_cast %add3A_212 : i32 to index
      %swap3A_218 = tpu.vector_load %arg9[%swap3A] {strides = array<i32>} : memref<3136xf32, #tpu.memory_space<vmem>>, vector<16xf32>,
      tpu.vector_store %arg9[%swap3A], %select_n3A {strides = array<i32>} : memref<3136xf32, #tpu.memory_space<vmem>>, vector<16xf32>,
    }
    %scan3A_27 = arith.constant 49 : i32
    %mul3A_28 = arith.constant 4 : i32
    %mul3A_29 = arith.muli %add3A, %mul3A_28 : i32
    %add3A_30 = arith.constant 2 : i32
    %add3A_31 = arith.addi %mul3A_29, %add3A_30 : i32
    %mul3A_32 = arith.constant 6272 : i32
    %mul3A_33 = arith.muli %add3A_31, %mul3A_32 : i32
    %dma_start3A_34 = tpu.memref_slice %arg3[%mul3A_33] : memref<802816xi32, #tpu.memory_space<hbm>> -> memref<6272xi32, #tpu.memory_space<hbm>>
    %dma_start3A_35 = tpu.memref_slice %arg3[%mul3A_33] : memref<802816xi32, #tpu.memory_space<hbm>> -> memref<6272xi32, #tpu.memory_space<hbm>>
    tpu.enqueue_dma source(%dma_start3A_35 : memref<6272xi32, #tpu.memory_space<hbm>>) target(%arg7 : memref<6272xi32, #tpu.memory_space<vmem>>) target_semaphore(%arg13 : memref<!tpu.dma_semaphore, #tpu.memory_space<semaphore_mem>>)
    %dma_wait3A_36 = tpu.memref_slice %arg3[%mul3A_18] : memref<802816xi32, #tpu.memory_space<hbm>> -> memref<6272xi32, #tpu.memory_space<hbm>>
    %dma_wait3A_37 = tpu.memref_slice %arg3[%mul3A_18] : memref<802816xi32, #tpu.memory_space<hbm>> -> memref<6272xi32, #tpu.memory_space<hbm>>
    tpu.wait_dma2 semaphore(%arg14 : memref<!tpu.dma_semaphore, #tpu.memory_space<semaphore_mem>>) src(%dma_wait3A_37 : memref<6272xi32, #tpu.memory_space<hbm>>) dst(%arg8 : memref<6272xi32, #tpu.memory_space<vmem>>)
    %scan3A_38 = arith.constant 0 : i32
    %scan3A_39 = arith.constant 0 : i32
    %scan3A_40 = arith.constant 49 : i32
    %scan3A_41 = arith.addi %scan3A_39, %scan3A_40 : i32
    %scan3A_42 = arith.constant 1 : i32
    scf.for %scan3A_68 = %scan3A_39 to %scan3A_41 step %scan3A_42  : i32 {
      %broadcast_in_dim3A = arith.constant 0 : i32
      %broadcast_in_dim3A_69 = vector.broadcast %broadcast_in_dim3A : i32 to vector<16xi32>
      %mul3A_70 = arith.constant 16 : i32
      %mul3A_71 = arith.muli %scan3A_68, %mul3A_70 : i32
      %add3A_72 = arith.constant 0 : i32
      %add3A_73 = arith.addi %add3A_72, %mul3A_71 : i32
      %get3A = arith.index_cast %add3A_73 : i32 to index
      %get3A_74 = tpu.vector_load %arg8[%get3A] {strides = array<i32>} : memref<6272xi32, #tpu.memory_space<vmem>>, vector<16xi32>,
      %and3A = arith.constant 131071 : i32
      %and3A_75 = vector.broadcast %and3A : i32 to vector<16xi32>
      %and3A_76 = arith.andi %get3A_74, %and3A_75 : vector<16xi32>
      %gather3A = tpu.vector_load_idx %arg6[%and3A_76] : memref<100000xi32, #tpu.memory_space<vmem>>[vector<16xi32>], vector<16xi32>,
      %shift_right_arithmetic3A = arith.constant 17 : i32
      %shift_right_arithmetic3A_77 = vector.broadcast %shift_right_arithmetic3A : i32 to vector<16xi32>
      %shift_right_arithmetic3A_78 = arith.shrsi %get3A_74, %shift_right_arithmetic3A_77 : vector<16xi32>
      %shift_right_arithmetic3A_79 = arith.shrsi %gather3A, %shift_right_arithmetic3A_78 : vector<16xi32>
      %and3A_80 = arith.constant 1 : i32
      %and3A_81 = vector.broadcast %and3A_80 : i32 to vector<16xi32>
      %and3A_82 = arith.andi %shift_right_arithmetic3A_79, %and3A_81 : vector<16xi32>
      %or3A = arith.ori %broadcast_in_dim3A_69, %and3A_82 : vector<16xi32>
      %mul3A_83 = arith.constant 16 : i32
      %mul3A_84 = arith.muli %scan3A_68, %mul3A_83 : i32
      %add3A_85 = arith.constant 784 : i32
      %add3A_86 = arith.addi %add3A_85, %mul3A_84 : i32
      %get3A_87 = arith.index_cast %add3A_86 : i32 to index
      %get3A_88 = tpu.vector_load %arg8[%get3A_87] {strides = array<i32>} : memref<6272xi32, #tpu.memory_space<vmem>>, vector<16xi32>,
      %and3A_89 = arith.constant 131071 : i32
      %and3A_90 = vector.broadcast %and3A_89 : i32 to vector<16xi32>
      %and3A_91 = arith.andi %get3A_88, %and3A_90 : vector<16xi32>
      %gather3A_92 = tpu.vector_load_idx %arg6[%and3A_91] : memref<100000xi32, #tpu.memory_space<vmem>>[vector<16xi32>], vector<16xi32>,
      %shift_right_arithmetic3A_93 = arith.constant 17 : i32
      %shift_right_arithmetic3A_94 = vector.broadcast %shift_right_arithmetic3A_93 : i32 to vector<16xi32>
      %shift_right_arithmetic3A_95 = arith.shrsi %get3A_88, %shift_right_arithmetic3A_94 : vector<16xi32>
      %shift_right_arithmetic3A_96 = arith.shrsi %gather3A_92, %shift_right_arithmetic3A_95 : vector<16xi32>
      %and3A_97 = arith.constant 1 : i32
      %and3A_98 = vector.broadcast %and3A_97 : i32 to vector<16xi32>
      %and3A_99 = arith.andi %shift_right_arithmetic3A_96, %and3A_98 : vector<16xi32>
      %or3A_100 = arith.ori %or3A, %and3A_99 : vector<16xi32>
      %mul3A_101 = arith.constant 16 : i32
      %mul3A_102 = arith.muli %scan3A_68, %mul3A_101 : i32
      %add3A_103 = arith.constant 1568 : i32
      %add3A_104 = arith.addi %add3A_103, %mul3A_102 : i32
      %get3A_105 = arith.index_cast %add3A_104 : i32 to index
      %get3A_106 = tpu.vector_load %arg8[%get3A_105] {strides = array<i32>} : memref<6272xi32, #tpu.memory_space<vmem>>, vector<16xi32>,
      %and3A_107 = arith.constant 131071 : i32
      %and3A_108 = vector.broadcast %and3A_107 : i32 to vector<16xi32>
      %and3A_109 = arith.andi %get3A_106, %and3A_108 : vector<16xi32>
      %gather3A_110 = tpu.vector_load_idx %arg6[%and3A_109] : memref<100000xi32, #tpu.memory_space<vmem>>[vector<16xi32>], vector<16xi32>,
      %shift_right_arithmetic3A_111 = arith.constant 17 : i32
      %shift_right_arithmetic3A_112 = vector.broadcast %shift_right_arithmetic3A_111 : i32 to vector<16xi32>
      %shift_right_arithmetic3A_113 = arith.shrsi %get3A_106, %shift_right_arithmetic3A_112 : vector<16xi32>
      %shift_right_arithmetic3A_114 = arith.shrsi %gather3A_110, %shift_right_arithmetic3A_113 : vector<16xi32>
      %and3A_115 = arith.constant 1 : i32
      %and3A_116 = vector.broadcast %and3A_115 : i32 to vector<16xi32>
      %and3A_117 = arith.andi %shift_right_arithmetic3A_114, %and3A_116 : vector<16xi32>
      %or3A_118 = arith.ori %or3A_100, %and3A_117 : vector<16xi32>
      %mul3A_119 = arith.constant 16 : i32
      %mul3A_120 = arith.muli %scan3A_68, %mul3A_119 : i32
      %add3A_121 = arith.constant 2352 : i32
      %add3A_122 = arith.addi %add3A_121, %mul3A_120 : i32
      %get3A_123 = arith.index_cast %add3A_122 : i32 to index
      %get3A_124 = tpu.vector_load %arg8[%get3A_123] {strides = array<i32>} : memref<6272xi32, #tpu.memory_space<vmem>>, vector<16xi32>,
      %and3A_125 = arith.constant 131071 : i32
      %and3A_126 = vector.broadcast %and3A_125 : i32 to vector<16xi32>
      %and3A_127 = arith.andi %get3A_124, %and3A_126 : vector<16xi32>
      %gather3A_128 = tpu.vector_load_idx %arg6[%and3A_127] : memref<100000xi32, #tpu.memory_space<vmem>>[vector<16xi32>], vector<16xi32>,
      %shift_right_arithmetic3A_129 = arith.constant 17 : i32
      %shift_right_arithmetic3A_130 = vector.broadcast %shift_right_arithmetic3A_129 : i32 to vector<16xi32>
      %shift_right_arithmetic3A_131 = arith.shrsi %get3A_124, %shift_right_arithmetic3A_130 : vector<16xi32>
      %shift_right_arithmetic3A_132 = arith.shrsi %gather3A_128, %shift_right_arithmetic3A_131 : vector<16xi32>
      %and3A_133 = arith.constant 1 : i32
      %and3A_134 = vector.broadcast %and3A_133 : i32 to vector<16xi32>
      %and3A_135 = arith.andi %shift_right_arithmetic3A_132, %and3A_134 : vector<16xi32>
      %or3A_136 = arith.ori %or3A_118, %and3A_135 : vector<16xi32>
      %mul3A_137 = arith.constant 16 : i32
      %mul3A_138 = arith.muli %scan3A_68, %mul3A_137 : i32
      %add3A_139 = arith.constant 3136 : i32
      %add3A_140 = arith.addi %add3A_139, %mul3A_138 : i32
      %get3A_141 = arith.index_cast %add3A_140 : i32 to index
      %get3A_142 = tpu.vector_load %arg8[%get3A_141] {strides = array<i32>} : memref<6272xi32, #tpu.memory_space<vmem>>, vector<16xi32>,
      %and3A_143 = arith.constant 131071 : i32
      %and3A_144 = vector.broadcast %and3A_143 : i32 to vector<16xi32>
      %and3A_145 = arith.andi %get3A_142, %and3A_144 : vector<16xi32>
      %gather3A_146 = tpu.vector_load_idx %arg6[%and3A_145] : memref<100000xi32, #tpu.memory_space<vmem>>[vector<16xi32>], vector<16xi32>,
      %shift_right_arithmetic3A_147 = arith.constant 17 : i32
      %shift_right_arithmetic3A_148 = vector.broadcast %shift_right_arithmetic3A_147 : i32 to vector<16xi32>
      %shift_right_arithmetic3A_149 = arith.shrsi %get3A_142, %shift_right_arithmetic3A_148 : vector<16xi32>
      %shift_right_arithmetic3A_150 = arith.shrsi %gather3A_146, %shift_right_arithmetic3A_149 : vector<16xi32>
      %and3A_151 = arith.constant 1 : i32
      %and3A_152 = vector.broadcast %and3A_151 : i32 to vector<16xi32>
      %and3A_153 = arith.andi %shift_right_arithmetic3A_150, %and3A_152 : vector<16xi32>
      %or3A_154 = arith.ori %or3A_136, %and3A_153 : vector<16xi32>
      %mul3A_155 = arith.constant 16 : i32
      %mul3A_156 = arith.muli %scan3A_68, %mul3A_155 : i32
      %add3A_157 = arith.constant 3920 : i32
      %add3A_158 = arith.addi %add3A_157, %mul3A_156 : i32
      %get3A_159 = arith.index_cast %add3A_158 : i32 to index
      %get3A_160 = tpu.vector_load %arg8[%get3A_159] {strides = array<i32>} : memref<6272xi32, #tpu.memory_space<vmem>>, vector<16xi32>,
      %and3A_161 = arith.constant 131071 : i32
      %and3A_162 = vector.broadcast %and3A_161 : i32 to vector<16xi32>
      %and3A_163 = arith.andi %get3A_160, %and3A_162 : vector<16xi32>
      %gather3A_164 = tpu.vector_load_idx %arg6[%and3A_163] : memref<100000xi32, #tpu.memory_space<vmem>>[vector<16xi32>], vector<16xi32>,
      %shift_right_arithmetic3A_165 = arith.constant 17 : i32
      %shift_right_arithmetic3A_166 = vector.broadcast %shift_right_arithmetic3A_165 : i32 to vector<16xi32>
      %shift_right_arithmetic3A_167 = arith.shrsi %get3A_160, %shift_right_arithmetic3A_166 : vector<16xi32>
      %shift_right_arithmetic3A_168 = arith.shrsi %gather3A_164, %shift_right_arithmetic3A_167 : vector<16xi32>
      %and3A_169 = arith.constant 1 : i32
      %and3A_170 = vector.broadcast %and3A_169 : i32 to vector<16xi32>
      %and3A_171 = arith.andi %shift_right_arithmetic3A_168, %and3A_170 : vector<16xi32>
      %or3A_172 = arith.ori %or3A_154, %and3A_171 : vector<16xi32>
      %mul3A_173 = arith.constant 16 : i32
      %mul3A_174 = arith.muli %scan3A_68, %mul3A_173 : i32
      %add3A_175 = arith.constant 4704 : i32
      %add3A_176 = arith.addi %add3A_175, %mul3A_174 : i32
      %get3A_177 = arith.index_cast %add3A_176 : i32 to index
      %get3A_178 = tpu.vector_load %arg8[%get3A_177] {strides = array<i32>} : memref<6272xi32, #tpu.memory_space<vmem>>, vector<16xi32>,
      %and3A_179 = arith.constant 131071 : i32
      %and3A_180 = vector.broadcast %and3A_179 : i32 to vector<16xi32>
      %and3A_181 = arith.andi %get3A_178, %and3A_180 : vector<16xi32>
      %gather3A_182 = tpu.vector_load_idx %arg6[%and3A_181] : memref<100000xi32, #tpu.memory_space<vmem>>[vector<16xi32>], vector<16xi32>,
      %shift_right_arithmetic3A_183 = arith.constant 17 : i32
      %shift_right_arithmetic3A_184 = vector.broadcast %shift_right_arithmetic3A_183 : i32 to vector<16xi32>
      %shift_right_arithmetic3A_185 = arith.shrsi %get3A_178, %shift_right_arithmetic3A_184 : vector<16xi32>
      %shift_right_arithmetic3A_186 = arith.shrsi %gather3A_182, %shift_right_arithmetic3A_185 : vector<16xi32>
      %and3A_187 = arith.constant 1 : i32
      %and3A_188 = vector.broadcast %and3A_187 : i32 to vector<16xi32>
      %and3A_189 = arith.andi %shift_right_arithmetic3A_186, %and3A_188 : vector<16xi32>
      %or3A_190 = arith.ori %or3A_172, %and3A_189 : vector<16xi32>
      %mul3A_191 = arith.constant 16 : i32
      %mul3A_192 = arith.muli %scan3A_68, %mul3A_191 : i32
      %add3A_193 = arith.constant 5488 : i32
      %add3A_194 = arith.addi %add3A_193, %mul3A_192 : i32
      %get3A_195 = arith.index_cast %add3A_194 : i32 to index
      %get3A_196 = tpu.vector_load %arg8[%get3A_195] {strides = array<i32>} : memref<6272xi32, #tpu.memory_space<vmem>>, vector<16xi32>,
      %and3A_197 = arith.constant 131071 : i32
      %and3A_198 = vector.broadcast %and3A_197 : i32 to vector<16xi32>
      %and3A_199 = arith.andi %get3A_196, %and3A_198 : vector<16xi32>
      %gather3A_200 = tpu.vector_load_idx %arg6[%and3A_199] : memref<100000xi32, #tpu.memory_space<vmem>>[vector<16xi32>], vector<16xi32>,
      %shift_right_arithmetic3A_201 = arith.constant 17 : i32
      %shift_right_arithmetic3A_202 = vector.broadcast %shift_right_arithmetic3A_201 : i32 to vector<16xi32>
      %shift_right_arithmetic3A_203 = arith.shrsi %get3A_196, %shift_right_arithmetic3A_202 : vector<16xi32>
      %shift_right_arithmetic3A_204 = arith.shrsi %gather3A_200, %shift_right_arithmetic3A_203 : vector<16xi32>
      %and3A_205 = arith.constant 1 : i32
      %and3A_206 = vector.broadcast %and3A_205 : i32 to vector<16xi32>
      %and3A_207 = arith.andi %shift_right_arithmetic3A_204, %and3A_206 : vector<16xi32>
      %or3A_208 = arith.ori %or3A_190, %and3A_207 : vector<16xi32>
      %mul3A_209 = arith.constant 16 : i32
      %mul3A_210 = arith.muli %scan3A_68, %mul3A_209 : i32
      %add3A_211 = arith.constant 784 : i32
      %add3A_212 = arith.addi %add3A_211, %mul3A_210 : i32
      %ne3A = arith.constant 0 : i32
      %ne3A_213 = vector.broadcast %ne3A : i32 to vector<16xi32>
      %ne3A_214 = arith.cmpi ne, %or3A_208, %ne3A_213 : vector<16xi32>
      %get3A_215 = arith.index_cast %add3A_212 : i32 to index
      %get3A_216 = tpu.vector_load %arg10[%get3A_215] {strides = array<i32>} : memref<3136xf32, #tpu.memory_space<vmem>>, vector<16xf32>,
      %jit3A = arith.constant 0.000000e+00 : f32
      %broadcast_in_dim3A_217 = vector.broadcast %jit3A : f32 to vector<16xf32>
      %select_n3A = arith.select %ne3A_214, %get3A_216, %broadcast_in_dim3A_217 : vector<16xi1>, vector<16xf32>
      %swap3A = arith.index_cast %add3A_212 : i32 to index
      %swap3A_218 = tpu.vector_load %arg9[%swap3A] {strides = array<i32>} : memref<3136xf32, #tpu.memory_space<vmem>>, vector<16xf32>,
      tpu.vector_store %arg9[%swap3A], %select_n3A {strides = array<i32>} : memref<3136xf32, #tpu.memory_space<vmem>>, vector<16xf32>,
    }
    %scan3A_43 = arith.constant 49 : i32
    %mul3A_44 = arith.constant 4 : i32
    %mul3A_45 = arith.muli %add3A, %mul3A_44 : i32
    %add3A_46 = arith.constant 3 : i32
    %add3A_47 = arith.addi %mul3A_45, %add3A_46 : i32
    %mul3A_48 = arith.constant 6272 : i32
    %mul3A_49 = arith.muli %add3A_47, %mul3A_48 : i32
    %dma_start3A_50 = tpu.memref_slice %arg3[%mul3A_49] : memref<802816xi32, #tpu.memory_space<hbm>> -> memref<6272xi32, #tpu.memory_space<hbm>>
    %dma_start3A_51 = tpu.memref_slice %arg3[%mul3A_49] : memref<802816xi32, #tpu.memory_space<hbm>> -> memref<6272xi32, #tpu.memory_space<hbm>>
    tpu.enqueue_dma source(%dma_start3A_51 : memref<6272xi32, #tpu.memory_space<hbm>>) target(%arg8 : memref<6272xi32, #tpu.memory_space<vmem>>) target_semaphore(%arg14 : memref<!tpu.dma_semaphore, #tpu.memory_space<semaphore_mem>>)
    %dma_wait3A_52 = tpu.memref_slice %arg3[%mul3A_33] : memref<802816xi32, #tpu.memory_space<hbm>> -> memref<6272xi32, #tpu.memory_space<hbm>>
    %dma_wait3A_53 = tpu.memref_slice %arg3[%mul3A_33] : memref<802816xi32, #tpu.memory_space<hbm>> -> memref<6272xi32, #tpu.memory_space<hbm>>
    tpu.wait_dma2 semaphore(%arg13 : memref<!tpu.dma_semaphore, #tpu.memory_space<semaphore_mem>>) src(%dma_wait3A_53 : memref<6272xi32, #tpu.memory_space<hbm>>) dst(%arg7 : memref<6272xi32, #tpu.memory_space<vmem>>)
    %scan3A_54 = arith.constant 0 : i32
    %scan3A_55 = arith.constant 0 : i32
    %scan3A_56 = arith.constant 49 : i32
    %scan3A_57 = arith.addi %scan3A_55, %scan3A_56 : i32
    %scan3A_58 = arith.constant 1 : i32
    scf.for %scan3A_68 = %scan3A_55 to %scan3A_57 step %scan3A_58  : i32 {
      %broadcast_in_dim3A = arith.constant 0 : i32
      %broadcast_in_dim3A_69 = vector.broadcast %broadcast_in_dim3A : i32 to vector<16xi32>
      %mul3A_70 = arith.constant 16 : i32
      %mul3A_71 = arith.muli %scan3A_68, %mul3A_70 : i32
      %add3A_72 = arith.constant 0 : i32
      %add3A_73 = arith.addi %add3A_72, %mul3A_71 : i32
      %get3A = arith.index_cast %add3A_73 : i32 to index
      %get3A_74 = tpu.vector_load %arg7[%get3A] {strides = array<i32>} : memref<6272xi32, #tpu.memory_space<vmem>>, vector<16xi32>,
      %and3A = arith.constant 131071 : i32
      %and3A_75 = vector.broadcast %and3A : i32 to vector<16xi32>
      %and3A_76 = arith.andi %get3A_74, %and3A_75 : vector<16xi32>
      %gather3A = tpu.vector_load_idx %arg6[%and3A_76] : memref<100000xi32, #tpu.memory_space<vmem>>[vector<16xi32>], vector<16xi32>,
      %shift_right_arithmetic3A = arith.constant 17 : i32
      %shift_right_arithmetic3A_77 = vector.broadcast %shift_right_arithmetic3A : i32 to vector<16xi32>
      %shift_right_arithmetic3A_78 = arith.shrsi %get3A_74, %shift_right_arithmetic3A_77 : vector<16xi32>
      %shift_right_arithmetic3A_79 = arith.shrsi %gather3A, %shift_right_arithmetic3A_78 : vector<16xi32>
      %and3A_80 = arith.constant 1 : i32
      %and3A_81 = vector.broadcast %and3A_80 : i32 to vector<16xi32>
      %and3A_82 = arith.andi %shift_right_arithmetic3A_79, %and3A_81 : vector<16xi32>
      %or3A = arith.ori %broadcast_in_dim3A_69, %and3A_82 : vector<16xi32>
      %mul3A_83 = arith.constant 16 : i32
      %mul3A_84 = arith.muli %scan3A_68, %mul3A_83 : i32
      %add3A_85 = arith.constant 784 : i32
      %add3A_86 = arith.addi %add3A_85, %mul3A_84 : i32
      %get3A_87 = arith.index_cast %add3A_86 : i32 to index
      %get3A_88 = tpu.vector_load %arg7[%get3A_87] {strides = array<i32>} : memref<6272xi32, #tpu.memory_space<vmem>>, vector<16xi32>,
      %and3A_89 = arith.constant 131071 : i32
      %and3A_90 = vector.broadcast %and3A_89 : i32 to vector<16xi32>
      %and3A_91 = arith.andi %get3A_88, %and3A_90 : vector<16xi32>
      %gather3A_92 = tpu.vector_load_idx %arg6[%and3A_91] : memref<100000xi32, #tpu.memory_space<vmem>>[vector<16xi32>], vector<16xi32>,
      %shift_right_arithmetic3A_93 = arith.constant 17 : i32
      %shift_right_arithmetic3A_94 = vector.broadcast %shift_right_arithmetic3A_93 : i32 to vector<16xi32>
      %shift_right_arithmetic3A_95 = arith.shrsi %get3A_88, %shift_right_arithmetic3A_94 : vector<16xi32>
      %shift_right_arithmetic3A_96 = arith.shrsi %gather3A_92, %shift_right_arithmetic3A_95 : vector<16xi32>
      %and3A_97 = arith.constant 1 : i32
      %and3A_98 = vector.broadcast %and3A_97 : i32 to vector<16xi32>
      %and3A_99 = arith.andi %shift_right_arithmetic3A_96, %and3A_98 : vector<16xi32>
      %or3A_100 = arith.ori %or3A, %and3A_99 : vector<16xi32>
      %mul3A_101 = arith.constant 16 : i32
      %mul3A_102 = arith.muli %scan3A_68, %mul3A_101 : i32
      %add3A_103 = arith.constant 1568 : i32
      %add3A_104 = arith.addi %add3A_103, %mul3A_102 : i32
      %get3A_105 = arith.index_cast %add3A_104 : i32 to index
      %get3A_106 = tpu.vector_load %arg7[%get3A_105] {strides = array<i32>} : memref<6272xi32, #tpu.memory_space<vmem>>, vector<16xi32>,
      %and3A_107 = arith.constant 131071 : i32
      %and3A_108 = vector.broadcast %and3A_107 : i32 to vector<16xi32>
      %and3A_109 = arith.andi %get3A_106, %and3A_108 : vector<16xi32>
      %gather3A_110 = tpu.vector_load_idx %arg6[%and3A_109] : memref<100000xi32, #tpu.memory_space<vmem>>[vector<16xi32>], vector<16xi32>,
      %shift_right_arithmetic3A_111 = arith.constant 17 : i32
      %shift_right_arithmetic3A_112 = vector.broadcast %shift_right_arithmetic3A_111 : i32 to vector<16xi32>
      %shift_right_arithmetic3A_113 = arith.shrsi %get3A_106, %shift_right_arithmetic3A_112 : vector<16xi32>
      %shift_right_arithmetic3A_114 = arith.shrsi %gather3A_110, %shift_right_arithmetic3A_113 : vector<16xi32>
      %and3A_115 = arith.constant 1 : i32
      %and3A_116 = vector.broadcast %and3A_115 : i32 to vector<16xi32>
      %and3A_117 = arith.andi %shift_right_arithmetic3A_114, %and3A_116 : vector<16xi32>
      %or3A_118 = arith.ori %or3A_100, %and3A_117 : vector<16xi32>
      %mul3A_119 = arith.constant 16 : i32
      %mul3A_120 = arith.muli %scan3A_68, %mul3A_119 : i32
      %add3A_121 = arith.constant 2352 : i32
      %add3A_122 = arith.addi %add3A_121, %mul3A_120 : i32
      %get3A_123 = arith.index_cast %add3A_122 : i32 to index
      %get3A_124 = tpu.vector_load %arg7[%get3A_123] {strides = array<i32>} : memref<6272xi32, #tpu.memory_space<vmem>>, vector<16xi32>,
      %and3A_125 = arith.constant 131071 : i32
      %and3A_126 = vector.broadcast %and3A_125 : i32 to vector<16xi32>
      %and3A_127 = arith.andi %get3A_124, %and3A_126 : vector<16xi32>
      %gather3A_128 = tpu.vector_load_idx %arg6[%and3A_127] : memref<100000xi32, #tpu.memory_space<vmem>>[vector<16xi32>], vector<16xi32>,
      %shift_right_arithmetic3A_129 = arith.constant 17 : i32
      %shift_right_arithmetic3A_130 = vector.broadcast %shift_right_arithmetic3A_129 : i32 to vector<16xi32>
      %shift_right_arithmetic3A_131 = arith.shrsi %get3A_124, %shift_right_arithmetic3A_130 : vector<16xi32>
      %shift_right_arithmetic3A_132 = arith.shrsi %gather3A_128, %shift_right_arithmetic3A_131 : vector<16xi32>
      %and3A_133 = arith.constant 1 : i32
      %and3A_134 = vector.broadcast %and3A_133 : i32 to vector<16xi32>
      %and3A_135 = arith.andi %shift_right_arithmetic3A_132, %and3A_134 : vector<16xi32>
      %or3A_136 = arith.ori %or3A_118, %and3A_135 : vector<16xi32>
      %mul3A_137 = arith.constant 16 : i32
      %mul3A_138 = arith.muli %scan3A_68, %mul3A_137 : i32
      %add3A_139 = arith.constant 3136 : i32
      %add3A_140 = arith.addi %add3A_139, %mul3A_138 : i32
      %get3A_141 = arith.index_cast %add3A_140 : i32 to index
      %get3A_142 = tpu.vector_load %arg7[%get3A_141] {strides = array<i32>} : memref<6272xi32, #tpu.memory_space<vmem>>, vector<16xi32>,
      %and3A_143 = arith.constant 131071 : i32
      %and3A_144 = vector.broadcast %and3A_143 : i32 to vector<16xi32>
      %and3A_145 = arith.andi %get3A_142, %and3A_144 : vector<16xi32>
      %gather3A_146 = tpu.vector_load_idx %arg6[%and3A_145] : memref<100000xi32, #tpu.memory_space<vmem>>[vector<16xi32>], vector<16xi32>,
      %shift_right_arithmetic3A_147 = arith.constant 17 : i32
      %shift_right_arithmetic3A_148 = vector.broadcast %shift_right_arithmetic3A_147 : i32 to vector<16xi32>
      %shift_right_arithmetic3A_149 = arith.shrsi %get3A_142, %shift_right_arithmetic3A_148 : vector<16xi32>
      %shift_right_arithmetic3A_150 = arith.shrsi %gather3A_146, %shift_right_arithmetic3A_149 : vector<16xi32>
      %and3A_151 = arith.constant 1 : i32
      %and3A_152 = vector.broadcast %and3A_151 : i32 to vector<16xi32>
      %and3A_153 = arith.andi %shift_right_arithmetic3A_150, %and3A_152 : vector<16xi32>
      %or3A_154 = arith.ori %or3A_136, %and3A_153 : vector<16xi32>
      %mul3A_155 = arith.constant 16 : i32
      %mul3A_156 = arith.muli %scan3A_68, %mul3A_155 : i32
      %add3A_157 = arith.constant 3920 : i32
      %add3A_158 = arith.addi %add3A_157, %mul3A_156 : i32
      %get3A_159 = arith.index_cast %add3A_158 : i32 to index
      %get3A_160 = tpu.vector_load %arg7[%get3A_159] {strides = array<i32>} : memref<6272xi32, #tpu.memory_space<vmem>>, vector<16xi32>,
      %and3A_161 = arith.constant 131071 : i32
      %and3A_162 = vector.broadcast %and3A_161 : i32 to vector<16xi32>
      %and3A_163 = arith.andi %get3A_160, %and3A_162 : vector<16xi32>
      %gather3A_164 = tpu.vector_load_idx %arg6[%and3A_163] : memref<100000xi32, #tpu.memory_space<vmem>>[vector<16xi32>], vector<16xi32>,
      %shift_right_arithmetic3A_165 = arith.constant 17 : i32
      %shift_right_arithmetic3A_166 = vector.broadcast %shift_right_arithmetic3A_165 : i32 to vector<16xi32>
      %shift_right_arithmetic3A_167 = arith.shrsi %get3A_160, %shift_right_arithmetic3A_166 : vector<16xi32>
      %shift_right_arithmetic3A_168 = arith.shrsi %gather3A_164, %shift_right_arithmetic3A_167 : vector<16xi32>
      %and3A_169 = arith.constant 1 : i32
      %and3A_170 = vector.broadcast %and3A_169 : i32 to vector<16xi32>
      %and3A_171 = arith.andi %shift_right_arithmetic3A_168, %and3A_170 : vector<16xi32>
      %or3A_172 = arith.ori %or3A_154, %and3A_171 : vector<16xi32>
      %mul3A_173 = arith.constant 16 : i32
      %mul3A_174 = arith.muli %scan3A_68, %mul3A_173 : i32
      %add3A_175 = arith.constant 4704 : i32
      %add3A_176 = arith.addi %add3A_175, %mul3A_174 : i32
      %get3A_177 = arith.index_cast %add3A_176 : i32 to index
      %get3A_178 = tpu.vector_load %arg7[%get3A_177] {strides = array<i32>} : memref<6272xi32, #tpu.memory_space<vmem>>, vector<16xi32>,
      %and3A_179 = arith.constant 131071 : i32
      %and3A_180 = vector.broadcast %and3A_179 : i32 to vector<16xi32>
      %and3A_181 = arith.andi %get3A_178, %and3A_180 : vector<16xi32>
      %gather3A_182 = tpu.vector_load_idx %arg6[%and3A_181] : memref<100000xi32, #tpu.memory_space<vmem>>[vector<16xi32>], vector<16xi32>,
      %shift_right_arithmetic3A_183 = arith.constant 17 : i32
      %shift_right_arithmetic3A_184 = vector.broadcast %shift_right_arithmetic3A_183 : i32 to vector<16xi32>
      %shift_right_arithmetic3A_185 = arith.shrsi %get3A_178, %shift_right_arithmetic3A_184 : vector<16xi32>
      %shift_right_arithmetic3A_186 = arith.shrsi %gather3A_182, %shift_right_arithmetic3A_185 : vector<16xi32>
      %and3A_187 = arith.constant 1 : i32
      %and3A_188 = vector.broadcast %and3A_187 : i32 to vector<16xi32>
      %and3A_189 = arith.andi %shift_right_arithmetic3A_186, %and3A_188 : vector<16xi32>
      %or3A_190 = arith.ori %or3A_172, %and3A_189 : vector<16xi32>
      %mul3A_191 = arith.constant 16 : i32
      %mul3A_192 = arith.muli %scan3A_68, %mul3A_191 : i32
      %add3A_193 = arith.constant 5488 : i32
      %add3A_194 = arith.addi %add3A_193, %mul3A_192 : i32
      %get3A_195 = arith.index_cast %add3A_194 : i32 to index
      %get3A_196 = tpu.vector_load %arg7[%get3A_195] {strides = array<i32>} : memref<6272xi32, #tpu.memory_space<vmem>>, vector<16xi32>,
      %and3A_197 = arith.constant 131071 : i32
      %and3A_198 = vector.broadcast %and3A_197 : i32 to vector<16xi32>
      %and3A_199 = arith.andi %get3A_196, %and3A_198 : vector<16xi32>
      %gather3A_200 = tpu.vector_load_idx %arg6[%and3A_199] : memref<100000xi32, #tpu.memory_space<vmem>>[vector<16xi32>], vector<16xi32>,
      %shift_right_arithmetic3A_201 = arith.constant 17 : i32
      %shift_right_arithmetic3A_202 = vector.broadcast %shift_right_arithmetic3A_201 : i32 to vector<16xi32>
      %shift_right_arithmetic3A_203 = arith.shrsi %get3A_196, %shift_right_arithmetic3A_202 : vector<16xi32>
      %shift_right_arithmetic3A_204 = arith.shrsi %gather3A_200, %shift_right_arithmetic3A_203 : vector<16xi32>
      %and3A_205 = arith.constant 1 : i32
      %and3A_206 = vector.broadcast %and3A_205 : i32 to vector<16xi32>
      %and3A_207 = arith.andi %shift_right_arithmetic3A_204, %and3A_206 : vector<16xi32>
      %or3A_208 = arith.ori %or3A_190, %and3A_207 : vector<16xi32>
      %mul3A_209 = arith.constant 16 : i32
      %mul3A_210 = arith.muli %scan3A_68, %mul3A_209 : i32
      %add3A_211 = arith.constant 1568 : i32
      %add3A_212 = arith.addi %add3A_211, %mul3A_210 : i32
      %ne3A = arith.constant 0 : i32
      %ne3A_213 = vector.broadcast %ne3A : i32 to vector<16xi32>
      %ne3A_214 = arith.cmpi ne, %or3A_208, %ne3A_213 : vector<16xi32>
      %get3A_215 = arith.index_cast %add3A_212 : i32 to index
      %get3A_216 = tpu.vector_load %arg10[%get3A_215] {strides = array<i32>} : memref<3136xf32, #tpu.memory_space<vmem>>, vector<16xf32>,
      %jit3A = arith.constant 0.000000e+00 : f32
      %broadcast_in_dim3A_217 = vector.broadcast %jit3A : f32 to vector<16xf32>
      %select_n3A = arith.select %ne3A_214, %get3A_216, %broadcast_in_dim3A_217 : vector<16xi1>, vector<16xf32>
      %swap3A = arith.index_cast %add3A_212 : i32 to index
      %swap3A_218 = tpu.vector_load %arg9[%swap3A] {strides = array<i32>} : memref<3136xf32, #tpu.memory_space<vmem>>, vector<16xf32>,
      tpu.vector_store %arg9[%swap3A], %select_n3A {strides = array<i32>} : memref<3136xf32, #tpu.memory_space<vmem>>, vector<16xf32>,
    }
    %scan3A_59 = arith.constant 49 : i32
    %dma_wait3A_60 = tpu.memref_slice %arg3[%mul3A_49] : memref<802816xi32, #tpu.memory_space<hbm>> -> memref<6272xi32, #tpu.memory_space<hbm>>
    %dma_wait3A_61 = tpu.memref_slice %arg3[%mul3A_49] : memref<802816xi32, #tpu.memory_space<hbm>> -> memref<6272xi32, #tpu.memory_space<hbm>>
    tpu.wait_dma2 semaphore(%arg14 : memref<!tpu.dma_semaphore, #tpu.memory_space<semaphore_mem>>) src(%dma_wait3A_61 : memref<6272xi32, #tpu.memory_space<hbm>>) dst(%arg8 : memref<6272xi32, #tpu.memory_space<vmem>>)
    %scan3A_62 = arith.constant 0 : i32
    %scan3A_63 = arith.constant 0 : i32
    %scan3A_64 = arith.constant 49 : i32
    %scan3A_65 = arith.addi %scan3A_63, %scan3A_64 : i32
    %scan3A_66 = arith.constant 1 : i32
    scf.for %scan3A_68 = %scan3A_63 to %scan3A_65 step %scan3A_66  : i32 {
      %broadcast_in_dim3A = arith.constant 0 : i32
      %broadcast_in_dim3A_69 = vector.broadcast %broadcast_in_dim3A : i32 to vector<16xi32>
      %mul3A_70 = arith.constant 16 : i32
      %mul3A_71 = arith.muli %scan3A_68, %mul3A_70 : i32
      %add3A_72 = arith.constant 0 : i32
      %add3A_73 = arith.addi %add3A_72, %mul3A_71 : i32
      %get3A = arith.index_cast %add3A_73 : i32 to index
      %get3A_74 = tpu.vector_load %arg8[%get3A] {strides = array<i32>} : memref<6272xi32, #tpu.memory_space<vmem>>, vector<16xi32>,
      %and3A = arith.constant 131071 : i32
      %and3A_75 = vector.broadcast %and3A : i32 to vector<16xi32>
      %and3A_76 = arith.andi %get3A_74, %and3A_75 : vector<16xi32>
      %gather3A = tpu.vector_load_idx %arg6[%and3A_76] : memref<100000xi32, #tpu.memory_space<vmem>>[vector<16xi32>], vector<16xi32>,
      %shift_right_arithmetic3A = arith.constant 17 : i32
      %shift_right_arithmetic3A_77 = vector.broadcast %shift_right_arithmetic3A : i32 to vector<16xi32>
      %shift_right_arithmetic3A_78 = arith.shrsi %get3A_74, %shift_right_arithmetic3A_77 : vector<16xi32>
      %shift_right_arithmetic3A_79 = arith.shrsi %gather3A, %shift_right_arithmetic3A_78 : vector<16xi32>
      %and3A_80 = arith.constant 1 : i32
      %and3A_81 = vector.broadcast %and3A_80 : i32 to vector<16xi32>
      %and3A_82 = arith.andi %shift_right_arithmetic3A_79, %and3A_81 : vector<16xi32>
      %or3A = arith.ori %broadcast_in_dim3A_69, %and3A_82 : vector<16xi32>
      %mul3A_83 = arith.constant 16 : i32
      %mul3A_84 = arith.muli %scan3A_68, %mul3A_83 : i32
      %add3A_85 = arith.constant 784 : i32
      %add3A_86 = arith.addi %add3A_85, %mul3A_84 : i32
      %get3A_87 = arith.index_cast %add3A_86 : i32 to index
      %get3A_88 = tpu.vector_load %arg8[%get3A_87] {strides = array<i32>} : memref<6272xi32, #tpu.memory_space<vmem>>, vector<16xi32>,
      %and3A_89 = arith.constant 131071 : i32
      %and3A_90 = vector.broadcast %and3A_89 : i32 to vector<16xi32>
      %and3A_91 = arith.andi %get3A_88, %and3A_90 : vector<16xi32>
      %gather3A_92 = tpu.vector_load_idx %arg6[%and3A_91] : memref<100000xi32, #tpu.memory_space<vmem>>[vector<16xi32>], vector<16xi32>,
      %shift_right_arithmetic3A_93 = arith.constant 17 : i32
      %shift_right_arithmetic3A_94 = vector.broadcast %shift_right_arithmetic3A_93 : i32 to vector<16xi32>
      %shift_right_arithmetic3A_95 = arith.shrsi %get3A_88, %shift_right_arithmetic3A_94 : vector<16xi32>
      %shift_right_arithmetic3A_96 = arith.shrsi %gather3A_92, %shift_right_arithmetic3A_95 : vector<16xi32>
      %and3A_97 = arith.constant 1 : i32
      %and3A_98 = vector.broadcast %and3A_97 : i32 to vector<16xi32>
      %and3A_99 = arith.andi %shift_right_arithmetic3A_96, %and3A_98 : vector<16xi32>
      %or3A_100 = arith.ori %or3A, %and3A_99 : vector<16xi32>
      %mul3A_101 = arith.constant 16 : i32
      %mul3A_102 = arith.muli %scan3A_68, %mul3A_101 : i32
      %add3A_103 = arith.constant 1568 : i32
      %add3A_104 = arith.addi %add3A_103, %mul3A_102 : i32
      %get3A_105 = arith.index_cast %add3A_104 : i32 to index
      %get3A_106 = tpu.vector_load %arg8[%get3A_105] {strides = array<i32>} : memref<6272xi32, #tpu.memory_space<vmem>>, vector<16xi32>,
      %and3A_107 = arith.constant 131071 : i32
      %and3A_108 = vector.broadcast %and3A_107 : i32 to vector<16xi32>
      %and3A_109 = arith.andi %get3A_106, %and3A_108 : vector<16xi32>
      %gather3A_110 = tpu.vector_load_idx %arg6[%and3A_109] : memref<100000xi32, #tpu.memory_space<vmem>>[vector<16xi32>], vector<16xi32>,
      %shift_right_arithmetic3A_111 = arith.constant 17 : i32
      %shift_right_arithmetic3A_112 = vector.broadcast %shift_right_arithmetic3A_111 : i32 to vector<16xi32>
      %shift_right_arithmetic3A_113 = arith.shrsi %get3A_106, %shift_right_arithmetic3A_112 : vector<16xi32>
      %shift_right_arithmetic3A_114 = arith.shrsi %gather3A_110, %shift_right_arithmetic3A_113 : vector<16xi32>
      %and3A_115 = arith.constant 1 : i32
      %and3A_116 = vector.broadcast %and3A_115 : i32 to vector<16xi32>
      %and3A_117 = arith.andi %shift_right_arithmetic3A_114, %and3A_116 : vector<16xi32>
      %or3A_118 = arith.ori %or3A_100, %and3A_117 : vector<16xi32>
      %mul3A_119 = arith.constant 16 : i32
      %mul3A_120 = arith.muli %scan3A_68, %mul3A_119 : i32
      %add3A_121 = arith.constant 2352 : i32
      %add3A_122 = arith.addi %add3A_121, %mul3A_120 : i32
      %get3A_123 = arith.index_cast %add3A_122 : i32 to index
      %get3A_124 = tpu.vector_load %arg8[%get3A_123] {strides = array<i32>} : memref<6272xi32, #tpu.memory_space<vmem>>, vector<16xi32>,
      %and3A_125 = arith.constant 131071 : i32
      %and3A_126 = vector.broadcast %and3A_125 : i32 to vector<16xi32>
      %and3A_127 = arith.andi %get3A_124, %and3A_126 : vector<16xi32>
      %gather3A_128 = tpu.vector_load_idx %arg6[%and3A_127] : memref<100000xi32, #tpu.memory_space<vmem>>[vector<16xi32>], vector<16xi32>,
      %shift_right_arithmetic3A_129 = arith.constant 17 : i32
      %shift_right_arithmetic3A_130 = vector.broadcast %shift_right_arithmetic3A_129 : i32 to vector<16xi32>
      %shift_right_arithmetic3A_131 = arith.shrsi %get3A_124, %shift_right_arithmetic3A_130 : vector<16xi32>
      %shift_right_arithmetic3A_132 = arith.shrsi %gather3A_128, %shift_right_arithmetic3A_131 : vector<16xi32>
      %and3A_133 = arith.constant 1 : i32
      %and3A_134 = vector.broadcast %and3A_133 : i32 to vector<16xi32>
      %and3A_135 = arith.andi %shift_right_arithmetic3A_132, %and3A_134 : vector<16xi32>
      %or3A_136 = arith.ori %or3A_118, %and3A_135 : vector<16xi32>
      %mul3A_137 = arith.constant 16 : i32
      %mul3A_138 = arith.muli %scan3A_68, %mul3A_137 : i32
      %add3A_139 = arith.constant 3136 : i32
      %add3A_140 = arith.addi %add3A_139, %mul3A_138 : i32
      %get3A_141 = arith.index_cast %add3A_140 : i32 to index
      %get3A_142 = tpu.vector_load %arg8[%get3A_141] {strides = array<i32>} : memref<6272xi32, #tpu.memory_space<vmem>>, vector<16xi32>,
      %and3A_143 = arith.constant 131071 : i32
      %and3A_144 = vector.broadcast %and3A_143 : i32 to vector<16xi32>
      %and3A_145 = arith.andi %get3A_142, %and3A_144 : vector<16xi32>
      %gather3A_146 = tpu.vector_load_idx %arg6[%and3A_145] : memref<100000xi32, #tpu.memory_space<vmem>>[vector<16xi32>], vector<16xi32>,
      %shift_right_arithmetic3A_147 = arith.constant 17 : i32
      %shift_right_arithmetic3A_148 = vector.broadcast %shift_right_arithmetic3A_147 : i32 to vector<16xi32>
      %shift_right_arithmetic3A_149 = arith.shrsi %get3A_142, %shift_right_arithmetic3A_148 : vector<16xi32>
      %shift_right_arithmetic3A_150 = arith.shrsi %gather3A_146, %shift_right_arithmetic3A_149 : vector<16xi32>
      %and3A_151 = arith.constant 1 : i32
      %and3A_152 = vector.broadcast %and3A_151 : i32 to vector<16xi32>
      %and3A_153 = arith.andi %shift_right_arithmetic3A_150, %and3A_152 : vector<16xi32>
      %or3A_154 = arith.ori %or3A_136, %and3A_153 : vector<16xi32>
      %mul3A_155 = arith.constant 16 : i32
      %mul3A_156 = arith.muli %scan3A_68, %mul3A_155 : i32
      %add3A_157 = arith.constant 3920 : i32
      %add3A_158 = arith.addi %add3A_157, %mul3A_156 : i32
      %get3A_159 = arith.index_cast %add3A_158 : i32 to index
      %get3A_160 = tpu.vector_load %arg8[%get3A_159] {strides = array<i32>} : memref<6272xi32, #tpu.memory_space<vmem>>, vector<16xi32>,
      %and3A_161 = arith.constant 131071 : i32
      %and3A_162 = vector.broadcast %and3A_161 : i32 to vector<16xi32>
      %and3A_163 = arith.andi %get3A_160, %and3A_162 : vector<16xi32>
      %gather3A_164 = tpu.vector_load_idx %arg6[%and3A_163] : memref<100000xi32, #tpu.memory_space<vmem>>[vector<16xi32>], vector<16xi32>,
      %shift_right_arithmetic3A_165 = arith.constant 17 : i32
      %shift_right_arithmetic3A_166 = vector.broadcast %shift_right_arithmetic3A_165 : i32 to vector<16xi32>
      %shift_right_arithmetic3A_167 = arith.shrsi %get3A_160, %shift_right_arithmetic3A_166 : vector<16xi32>
      %shift_right_arithmetic3A_168 = arith.shrsi %gather3A_164, %shift_right_arithmetic3A_167 : vector<16xi32>
      %and3A_169 = arith.constant 1 : i32
      %and3A_170 = vector.broadcast %and3A_169 : i32 to vector<16xi32>
      %and3A_171 = arith.andi %shift_right_arithmetic3A_168, %and3A_170 : vector<16xi32>
      %or3A_172 = arith.ori %or3A_154, %and3A_171 : vector<16xi32>
      %mul3A_173 = arith.constant 16 : i32
      %mul3A_174 = arith.muli %scan3A_68, %mul3A_173 : i32
      %add3A_175 = arith.constant 4704 : i32
      %add3A_176 = arith.addi %add3A_175, %mul3A_174 : i32
      %get3A_177 = arith.index_cast %add3A_176 : i32 to index
      %get3A_178 = tpu.vector_load %arg8[%get3A_177] {strides = array<i32>} : memref<6272xi32, #tpu.memory_space<vmem>>, vector<16xi32>,
      %and3A_179 = arith.constant 131071 : i32
      %and3A_180 = vector.broadcast %and3A_179 : i32 to vector<16xi32>
      %and3A_181 = arith.andi %get3A_178, %and3A_180 : vector<16xi32>
      %gather3A_182 = tpu.vector_load_idx %arg6[%and3A_181] : memref<100000xi32, #tpu.memory_space<vmem>>[vector<16xi32>], vector<16xi32>,
      %shift_right_arithmetic3A_183 = arith.constant 17 : i32
      %shift_right_arithmetic3A_184 = vector.broadcast %shift_right_arithmetic3A_183 : i32 to vector<16xi32>
      %shift_right_arithmetic3A_185 = arith.shrsi %get3A_178, %shift_right_arithmetic3A_184 : vector<16xi32>
      %shift_right_arithmetic3A_186 = arith.shrsi %gather3A_182, %shift_right_arithmetic3A_185 : vector<16xi32>
      %and3A_187 = arith.constant 1 : i32
      %and3A_188 = vector.broadcast %and3A_187 : i32 to vector<16xi32>
      %and3A_189 = arith.andi %shift_right_arithmetic3A_186, %and3A_188 : vector<16xi32>
      %or3A_190 = arith.ori %or3A_172, %and3A_189 : vector<16xi32>
      %mul3A_191 = arith.constant 16 : i32
      %mul3A_192 = arith.muli %scan3A_68, %mul3A_191 : i32
      %add3A_193 = arith.constant 5488 : i32
      %add3A_194 = arith.addi %add3A_193, %mul3A_192 : i32
      %get3A_195 = arith.index_cast %add3A_194 : i32 to index
      %get3A_196 = tpu.vector_load %arg8[%get3A_195] {strides = array<i32>} : memref<6272xi32, #tpu.memory_space<vmem>>, vector<16xi32>,
      %and3A_197 = arith.constant 131071 : i32
      %and3A_198 = vector.broadcast %and3A_197 : i32 to vector<16xi32>
      %and3A_199 = arith.andi %get3A_196, %and3A_198 : vector<16xi32>
      %gather3A_200 = tpu.vector_load_idx %arg6[%and3A_199] : memref<100000xi32, #tpu.memory_space<vmem>>[vector<16xi32>], vector<16xi32>,
      %shift_right_arithmetic3A_201 = arith.constant 17 : i32
      %shift_right_arithmetic3A_202 = vector.broadcast %shift_right_arithmetic3A_201 : i32 to vector<16xi32>
      %shift_right_arithmetic3A_203 = arith.shrsi %get3A_196, %shift_right_arithmetic3A_202 : vector<16xi32>
      %shift_right_arithmetic3A_204 = arith.shrsi %gather3A_200, %shift_right_arithmetic3A_203 : vector<16xi32>
      %and3A_205 = arith.constant 1 : i32
      %and3A_206 = vector.broadcast %and3A_205 : i32 to vector<16xi32>
      %and3A_207 = arith.andi %shift_right_arithmetic3A_204, %and3A_206 : vector<16xi32>
      %or3A_208 = arith.ori %or3A_190, %and3A_207 : vector<16xi32>
      %mul3A_209 = arith.constant 16 : i32
      %mul3A_210 = arith.muli %scan3A_68, %mul3A_209 : i32
      %add3A_211 = arith.constant 2352 : i32
      %add3A_212 = arith.addi %add3A_211, %mul3A_210 : i32
      %ne3A = arith.constant 0 : i32
      %ne3A_213 = vector.broadcast %ne3A : i32 to vector<16xi32>
      %ne3A_214 = arith.cmpi ne, %or3A_208, %ne3A_213 : vector<16xi32>
      %get3A_215 = arith.index_cast %add3A_212 : i32 to index
      %get3A_216 = tpu.vector_load %arg10[%get3A_215] {strides = array<i32>} : memref<3136xf32, #tpu.memory_space<vmem>>, vector<16xf32>,
      %jit3A = arith.constant 0.000000e+00 : f32
      %broadcast_in_dim3A_217 = vector.broadcast %jit3A : f32 to vector<16xf32>
      %select_n3A = arith.select %ne3A_214, %get3A_216, %broadcast_in_dim3A_217 : vector<16xi1>, vector<16xf32>
      %swap3A = arith.index_cast %add3A_212 : i32 to index
      %swap3A_218 = tpu.vector_load %arg9[%swap3A] {strides = array<i32>} : memref<3136xf32, #tpu.memory_space<vmem>>, vector<16xf32>,
      tpu.vector_store %arg9[%swap3A], %select_n3A {strides = array<i32>} : memref<3136xf32, #tpu.memory_space<vmem>>, vector<16xf32>,
    }
    %scan3A_67 = arith.constant 49 : i32
    "tpu.region"() ({
      %run_scoped3A = tpu.sem_alloc : memref<!tpu.dma_semaphore, #tpu.memory_space<semaphore_mem>>
      %dma_start3A_68 = tpu.memref_slice %arg5[%mul3A_2] : memref<100352xf32, #tpu.memory_space<hbm>> -> memref<3136xf32, #tpu.memory_space<hbm>>
      %dma_start3A_69 = tpu.memref_slice %arg5[%mul3A_2] : memref<100352xf32, #tpu.memory_space<hbm>> -> memref<3136xf32, #tpu.memory_space<hbm>>
      tpu.enqueue_dma source(%arg9 : memref<3136xf32, #tpu.memory_space<vmem>>) target(%dma_start3A_69 : memref<3136xf32, #tpu.memory_space<hbm>>) target_semaphore(%run_scoped3A : memref<!tpu.dma_semaphore, #tpu.memory_space<semaphore_mem>>)
      %dma_wait3A_70 = tpu.memref_slice %arg5[%mul3A_2] : memref<100352xf32, #tpu.memory_space<hbm>> -> memref<3136xf32, #tpu.memory_space<hbm>>
      %dma_wait3A_71 = tpu.memref_slice %arg5[%mul3A_2] : memref<100352xf32, #tpu.memory_space<hbm>> -> memref<3136xf32, #tpu.memory_space<hbm>>
      tpu.wait_dma2 semaphore(%run_scoped3A : memref<!tpu.dma_semaphore, #tpu.memory_space<semaphore_mem>>) src(%arg9 : memref<3136xf32, #tpu.memory_space<vmem>>) dst(%dma_wait3A_71 : memref<3136xf32, #tpu.memory_space<hbm>>)
      tpu.yield
    }) : () -> ()
    return
  }
}

#map = affine_map<(d0, d1) -> (0)>
module attributes {stable_mosaic.version = 14 : i64} {
  func.func @_node_fields(%arg0: i32, %arg1: i32, %arg2: memref<100352xf32, #tpu.memory_space<hbm>>, %arg3: memref<100352xf32, #tpu.memory_space<hbm>>, %arg4: memref<802816xi32, #tpu.memory_space<hbm>>, %arg5: memref<100352xf32, #tpu.memory_space<hbm>>, %arg6: memref<100352xf32, #tpu.memory_space<hbm>>, %arg7: memref<100352xf32, #tpu.memory_space<hbm>>, %arg8: memref<100352xf32, #tpu.memory_space<vmem>>, %arg9: memref<3136xf32, #tpu.memory_space<vmem>>, %arg10: memref<3136xf32, #tpu.memory_space<vmem>>, %arg11: memref<3136xf32, #tpu.memory_space<vmem>>, %arg12: memref<3136xf32, #tpu.memory_space<vmem>>, %arg13: memref<3136xf32, #tpu.memory_space<vmem>>, %arg14: memref<6272xi32, #tpu.memory_space<vmem>>, %arg15: memref<6272xi32, #tpu.memory_space<vmem>>, %arg16: memref<!tpu.dma_semaphore, #tpu.memory_space<semaphore_mem>>, %arg17: memref<!tpu.dma_semaphore, #tpu.memory_space<semaphore_mem>>, %arg18: memref<!tpu.dma_semaphore, #tpu.memory_space<semaphore_mem>>, %arg19: memref<!tpu.dma_semaphore, #tpu.memory_space<semaphore_mem>>) attributes {dimension_semantics = [#tpu.dimension_semantics<core_parallel>, #tpu.dimension_semantics<subcore_parallel>], iteration_bounds = array<i64: 2, 16>, scalar_prefetch = 0 : i64, scratch_operands = 12 : i64, tpu.core_type = #tpu.core_type<sc_vector_subcore>, window_params = [{transform_indices = #map}, {transform_indices = #map}, {transform_indices = #map}, {transform_indices = #map}, {transform_indices = #map}, {transform_indices = #map}]} {
    %mul3A = arith.constant 2 : i32
    %mul3A_0 = arith.muli %arg1, %mul3A : i32
    %add3A = arith.addi %mul3A_0, %arg0 : i32
    %mul3A_1 = arith.constant 3136 : i32
    %mul3A_2 = arith.muli %add3A, %mul3A_1 : i32
    tpu.enqueue_dma source(%arg3 : memref<100352xf32, #tpu.memory_space<hbm>>) target(%arg8 : memref<100352xf32, #tpu.memory_space<vmem>>) target_semaphore(%arg16 : memref<!tpu.dma_semaphore, #tpu.memory_space<semaphore_mem>>)
    %dma_start3A = tpu.memref_slice %arg2[%mul3A_2] : memref<100352xf32, #tpu.memory_space<hbm>> -> memref<3136xf32, #tpu.memory_space<hbm>>
    %dma_start3A_3 = tpu.memref_slice %arg2[%mul3A_2] : memref<100352xf32, #tpu.memory_space<hbm>> -> memref<3136xf32, #tpu.memory_space<hbm>>
    tpu.enqueue_dma source(%dma_start3A_3 : memref<3136xf32, #tpu.memory_space<hbm>>) target(%arg9 : memref<3136xf32, #tpu.memory_space<vmem>>) target_semaphore(%arg17 : memref<!tpu.dma_semaphore, #tpu.memory_space<semaphore_mem>>)
    %dma_start3A_4 = tpu.memref_slice %arg3[%mul3A_2] : memref<100352xf32, #tpu.memory_space<hbm>> -> memref<3136xf32, #tpu.memory_space<hbm>>
    %dma_start3A_5 = tpu.memref_slice %arg3[%mul3A_2] : memref<100352xf32, #tpu.memory_space<hbm>> -> memref<3136xf32, #tpu.memory_space<hbm>>
    tpu.enqueue_dma source(%dma_start3A_5 : memref<3136xf32, #tpu.memory_space<hbm>>) target(%arg10 : memref<3136xf32, #tpu.memory_space<vmem>>) target_semaphore(%arg17 : memref<!tpu.dma_semaphore, #tpu.memory_space<semaphore_mem>>)
    %mul3A_6 = arith.constant 4 : i32
    %mul3A_7 = arith.muli %add3A, %mul3A_6 : i32
    %add3A_8 = arith.constant 0 : i32
    %add3A_9 = arith.addi %mul3A_7, %add3A_8 : i32
    %mul3A_10 = arith.constant 6272 : i32
    %mul3A_11 = arith.muli %add3A_9, %mul3A_10 : i32
    %dma_start3A_12 = tpu.memref_slice %arg4[%mul3A_11] : memref<802816xi32, #tpu.memory_space<hbm>> -> memref<6272xi32, #tpu.memory_space<hbm>>
    %dma_start3A_13 = tpu.memref_slice %arg4[%mul3A_11] : memref<802816xi32, #tpu.memory_space<hbm>> -> memref<6272xi32, #tpu.memory_space<hbm>>
    tpu.enqueue_dma source(%dma_start3A_13 : memref<6272xi32, #tpu.memory_space<hbm>>) target(%arg14 : memref<6272xi32, #tpu.memory_space<vmem>>) target_semaphore(%arg18 : memref<!tpu.dma_semaphore, #tpu.memory_space<semaphore_mem>>)
    %dma_wait3A = tpu.memref_slice %arg2[%mul3A_2] : memref<100352xf32, #tpu.memory_space<hbm>> -> memref<3136xf32, #tpu.memory_space<hbm>>
    %dma_wait3A_14 = tpu.memref_slice %arg2[%mul3A_2] : memref<100352xf32, #tpu.memory_space<hbm>> -> memref<3136xf32, #tpu.memory_space<hbm>>
    tpu.wait_dma2 semaphore(%arg17 : memref<!tpu.dma_semaphore, #tpu.memory_space<semaphore_mem>>) src(%dma_wait3A_14 : memref<3136xf32, #tpu.memory_space<hbm>>) dst(%arg9 : memref<3136xf32, #tpu.memory_space<vmem>>)
    %dma_wait3A_15 = tpu.memref_slice %arg3[%mul3A_2] : memref<100352xf32, #tpu.memory_space<hbm>> -> memref<3136xf32, #tpu.memory_space<hbm>>
    %dma_wait3A_16 = tpu.memref_slice %arg3[%mul3A_2] : memref<100352xf32, #tpu.memory_space<hbm>> -> memref<3136xf32, #tpu.memory_space<hbm>>
    tpu.wait_dma2 semaphore(%arg17 : memref<!tpu.dma_semaphore, #tpu.memory_space<semaphore_mem>>) src(%dma_wait3A_16 : memref<3136xf32, #tpu.memory_space<hbm>>) dst(%arg10 : memref<3136xf32, #tpu.memory_space<vmem>>)
    %scan3A = arith.constant 0 : i32
    %scan3A_17 = arith.constant 0 : i32
    %scan3A_18 = arith.constant 196 : i32
    %scan3A_19 = arith.addi %scan3A_17, %scan3A_18 : i32
    %scan3A_20 = arith.constant 1 : i32
    scf.for %scan3A_96 = %scan3A_17 to %scan3A_19 step %scan3A_20  : i32 {
      %mul3A_97 = arith.constant 16 : i32
      %mul3A_98 = arith.muli %scan3A_96, %mul3A_97 : i32
      %get3A = arith.index_cast %mul3A_98 : i32 to index
      %get3A_99 = tpu.vector_load %arg9[%get3A] {strides = array<i32>} : memref<3136xf32, #tpu.memory_space<vmem>>, vector<16xf32>,
      %mul3A_100 = arith.constant 8995.76953 : f32
      %mul3A_101 = vector.broadcast %mul3A_100 : f32 to vector<16xf32>
      %mul3A_102 = arith.mulf %get3A_99, %mul3A_101 : vector<16xf32>
      %swap3A = arith.index_cast %mul3A_98 : i32 to index
      %swap3A_103 = tpu.vector_load %arg11[%swap3A] {strides = array<i32>} : memref<3136xf32, #tpu.memory_space<vmem>>, vector<16xf32>,
      tpu.vector_store %arg11[%swap3A], %mul3A_102 {strides = array<i32>} : memref<3136xf32, #tpu.memory_space<vmem>>, vector<16xf32>,
      %get3A_104 = arith.index_cast %mul3A_98 : i32 to index
      %get3A_105 = tpu.vector_load %arg10[%get3A_104] {strides = array<i32>} : memref<3136xf32, #tpu.memory_space<vmem>>, vector<16xf32>,
      %mul3A_106 = arith.constant 9.810000e+03 : f32
      %mul3A_107 = vector.broadcast %mul3A_106 : f32 to vector<16xf32>
      %mul3A_108 = arith.mulf %mul3A_107, %get3A_105 : vector<16xf32>
      %add3A_109 = arith.addf %mul3A_102, %mul3A_108 : vector<16xf32>
      %swap3A_110 = arith.index_cast %mul3A_98 : i32 to index
      %swap3A_111 = tpu.vector_load %arg12[%swap3A_110] {strides = array<i32>} : memref<3136xf32, #tpu.memory_space<vmem>>, vector<16xf32>,
      tpu.vector_store %arg12[%swap3A_110], %add3A_109 {strides = array<i32>} : memref<3136xf32, #tpu.memory_space<vmem>>, vector<16xf32>,
    }
    %scan3A_21 = arith.constant 196 : i32
    %dma_start3A_22 = tpu.memref_slice %arg5[%mul3A_2] : memref<100352xf32, #tpu.memory_space<hbm>> -> memref<3136xf32, #tpu.memory_space<hbm>>
    %dma_start3A_23 = tpu.memref_slice %arg5[%mul3A_2] : memref<100352xf32, #tpu.memory_space<hbm>> -> memref<3136xf32, #tpu.memory_space<hbm>>
    tpu.enqueue_dma source(%arg11 : memref<3136xf32, #tpu.memory_space<vmem>>) target(%dma_start3A_23 : memref<3136xf32, #tpu.memory_space<hbm>>) target_semaphore(%arg17 : memref<!tpu.dma_semaphore, #tpu.memory_space<semaphore_mem>>)
    %dma_start3A_24 = tpu.memref_slice %arg6[%mul3A_2] : memref<100352xf32, #tpu.memory_space<hbm>> -> memref<3136xf32, #tpu.memory_space<hbm>>
    %dma_start3A_25 = tpu.memref_slice %arg6[%mul3A_2] : memref<100352xf32, #tpu.memory_space<hbm>> -> memref<3136xf32, #tpu.memory_space<hbm>>
    tpu.enqueue_dma source(%arg12 : memref<3136xf32, #tpu.memory_space<vmem>>) target(%dma_start3A_25 : memref<3136xf32, #tpu.memory_space<hbm>>) target_semaphore(%arg17 : memref<!tpu.dma_semaphore, #tpu.memory_space<semaphore_mem>>)
    tpu.wait_dma2 semaphore(%arg16 : memref<!tpu.dma_semaphore, #tpu.memory_space<semaphore_mem>>) src(%arg3 : memref<100352xf32, #tpu.memory_space<hbm>>) dst(%arg8 : memref<100352xf32, #tpu.memory_space<vmem>>)
    %mul3A_26 = arith.constant 4 : i32
    %mul3A_27 = arith.muli %add3A, %mul3A_26 : i32
    %add3A_28 = arith.constant 1 : i32
    %add3A_29 = arith.addi %mul3A_27, %add3A_28 : i32
    %mul3A_30 = arith.constant 6272 : i32
    %mul3A_31 = arith.muli %add3A_29, %mul3A_30 : i32
    %dma_start3A_32 = tpu.memref_slice %arg4[%mul3A_31] : memref<802816xi32, #tpu.memory_space<hbm>> -> memref<6272xi32, #tpu.memory_space<hbm>>
    %dma_start3A_33 = tpu.memref_slice %arg4[%mul3A_31] : memref<802816xi32, #tpu.memory_space<hbm>> -> memref<6272xi32, #tpu.memory_space<hbm>>
    tpu.enqueue_dma source(%dma_start3A_33 : memref<6272xi32, #tpu.memory_space<hbm>>) target(%arg15 : memref<6272xi32, #tpu.memory_space<vmem>>) target_semaphore(%arg19 : memref<!tpu.dma_semaphore, #tpu.memory_space<semaphore_mem>>)
    %dma_wait3A_34 = tpu.memref_slice %arg4[%mul3A_11] : memref<802816xi32, #tpu.memory_space<hbm>> -> memref<6272xi32, #tpu.memory_space<hbm>>
    %dma_wait3A_35 = tpu.memref_slice %arg4[%mul3A_11] : memref<802816xi32, #tpu.memory_space<hbm>> -> memref<6272xi32, #tpu.memory_space<hbm>>
    tpu.wait_dma2 semaphore(%arg18 : memref<!tpu.dma_semaphore, #tpu.memory_space<semaphore_mem>>) src(%dma_wait3A_35 : memref<6272xi32, #tpu.memory_space<hbm>>) dst(%arg14 : memref<6272xi32, #tpu.memory_space<vmem>>)
    %scan3A_36 = arith.constant 0 : i32
    %scan3A_37 = arith.constant 0 : i32
    %scan3A_38 = arith.constant 49 : i32
    %scan3A_39 = arith.addi %scan3A_37, %scan3A_38 : i32
    %scan3A_40 = arith.constant 1 : i32
    scf.for %scan3A_96 = %scan3A_37 to %scan3A_39 step %scan3A_40  : i32 {
      %mul3A_97 = arith.constant 16 : i32
      %mul3A_98 = arith.muli %scan3A_96, %mul3A_97 : i32
      %get3A = arith.index_cast %mul3A_98 : i32 to index
      %get3A_99 = tpu.vector_load %arg14[%get3A] {strides = array<i32>} : memref<6272xi32, #tpu.memory_space<vmem>>, vector<16xi32>,
      %gather3A = tpu.vector_load_idx %arg8[%get3A_99] : memref<100352xf32, #tpu.memory_space<vmem>>[vector<16xi32>], vector<16xf32>,
      %mul3A_100 = arith.constant 16 : i32
      %mul3A_101 = arith.muli %scan3A_96, %mul3A_100 : i32
      %add3A_102 = arith.constant 784 : i32
      %add3A_103 = arith.addi %add3A_102, %mul3A_101 : i32
      %get3A_104 = arith.index_cast %add3A_103 : i32 to index
      %get3A_105 = tpu.vector_load %arg14[%get3A_104] {strides = array<i32>} : memref<6272xi32, #tpu.memory_space<vmem>>, vector<16xi32>,
      %gather3A_106 = tpu.vector_load_idx %arg8[%get3A_105] : memref<100352xf32, #tpu.memory_space<vmem>>[vector<16xi32>], vector<16xf32>,
      %min3A = arith.minimumf %gather3A, %gather3A_106 : vector<16xf32>
      %mul3A_107 = arith.constant 16 : i32
      %mul3A_108 = arith.muli %scan3A_96, %mul3A_107 : i32
      %add3A_109 = arith.constant 1568 : i32
      %add3A_110 = arith.addi %add3A_109, %mul3A_108 : i32
      %get3A_111 = arith.index_cast %add3A_110 : i32 to index
      %get3A_112 = tpu.vector_load %arg14[%get3A_111] {strides = array<i32>} : memref<6272xi32, #tpu.memory_space<vmem>>, vector<16xi32>,
      %gather3A_113 = tpu.vector_load_idx %arg8[%get3A_112] : memref<100352xf32, #tpu.memory_space<vmem>>[vector<16xi32>], vector<16xf32>,
      %min3A_114 = arith.minimumf %min3A, %gather3A_113 : vector<16xf32>
      %mul3A_115 = arith.constant 16 : i32
      %mul3A_116 = arith.muli %scan3A_96, %mul3A_115 : i32
      %add3A_117 = arith.constant 2352 : i32
      %add3A_118 = arith.addi %add3A_117, %mul3A_116 : i32
      %get3A_119 = arith.index_cast %add3A_118 : i32 to index
      %get3A_120 = tpu.vector_load %arg14[%get3A_119] {strides = array<i32>} : memref<6272xi32, #tpu.memory_space<vmem>>, vector<16xi32>,
      %gather3A_121 = tpu.vector_load_idx %arg8[%get3A_120] : memref<100352xf32, #tpu.memory_space<vmem>>[vector<16xi32>], vector<16xf32>,
      %min3A_122 = arith.minimumf %min3A_114, %gather3A_121 : vector<16xf32>
      %mul3A_123 = arith.constant 16 : i32
      %mul3A_124 = arith.muli %scan3A_96, %mul3A_123 : i32
      %add3A_125 = arith.constant 3136 : i32
      %add3A_126 = arith.addi %add3A_125, %mul3A_124 : i32
      %get3A_127 = arith.index_cast %add3A_126 : i32 to index
      %get3A_128 = tpu.vector_load %arg14[%get3A_127] {strides = array<i32>} : memref<6272xi32, #tpu.memory_space<vmem>>, vector<16xi32>,
      %gather3A_129 = tpu.vector_load_idx %arg8[%get3A_128] : memref<100352xf32, #tpu.memory_space<vmem>>[vector<16xi32>], vector<16xf32>,
      %min3A_130 = arith.minimumf %min3A_122, %gather3A_129 : vector<16xf32>
      %mul3A_131 = arith.constant 16 : i32
      %mul3A_132 = arith.muli %scan3A_96, %mul3A_131 : i32
      %add3A_133 = arith.constant 3920 : i32
      %add3A_134 = arith.addi %add3A_133, %mul3A_132 : i32
      %get3A_135 = arith.index_cast %add3A_134 : i32 to index
      %get3A_136 = tpu.vector_load %arg14[%get3A_135] {strides = array<i32>} : memref<6272xi32, #tpu.memory_space<vmem>>, vector<16xi32>,
      %gather3A_137 = tpu.vector_load_idx %arg8[%get3A_136] : memref<100352xf32, #tpu.memory_space<vmem>>[vector<16xi32>], vector<16xf32>,
      %min3A_138 = arith.minimumf %min3A_130, %gather3A_137 : vector<16xf32>
      %mul3A_139 = arith.constant 16 : i32
      %mul3A_140 = arith.muli %scan3A_96, %mul3A_139 : i32
      %add3A_141 = arith.constant 4704 : i32
      %add3A_142 = arith.addi %add3A_141, %mul3A_140 : i32
      %get3A_143 = arith.index_cast %add3A_142 : i32 to index
      %get3A_144 = tpu.vector_load %arg14[%get3A_143] {strides = array<i32>} : memref<6272xi32, #tpu.memory_space<vmem>>, vector<16xi32>,
      %gather3A_145 = tpu.vector_load_idx %arg8[%get3A_144] : memref<100352xf32, #tpu.memory_space<vmem>>[vector<16xi32>], vector<16xf32>,
      %min3A_146 = arith.minimumf %min3A_138, %gather3A_145 : vector<16xf32>
      %mul3A_147 = arith.constant 16 : i32
      %mul3A_148 = arith.muli %scan3A_96, %mul3A_147 : i32
      %add3A_149 = arith.constant 5488 : i32
      %add3A_150 = arith.addi %add3A_149, %mul3A_148 : i32
      %get3A_151 = arith.index_cast %add3A_150 : i32 to index
      %get3A_152 = tpu.vector_load %arg14[%get3A_151] {strides = array<i32>} : memref<6272xi32, #tpu.memory_space<vmem>>, vector<16xi32>,
      %gather3A_153 = tpu.vector_load_idx %arg8[%get3A_152] : memref<100352xf32, #tpu.memory_space<vmem>>[vector<16xi32>], vector<16xf32>,
      %min3A_154 = arith.minimumf %min3A_146, %gather3A_153 : vector<16xf32>
      %mul3A_155 = arith.constant 16 : i32
      %mul3A_156 = arith.muli %scan3A_96, %mul3A_155 : i32
      %add3A_157 = arith.constant 0 : i32
      %add3A_158 = arith.addi %add3A_157, %mul3A_156 : i32
      %swap3A = arith.index_cast %add3A_158 : i32 to index
      %swap3A_159 = tpu.vector_load %arg13[%swap3A] {strides = array<i32>} : memref<3136xf32, #tpu.memory_space<vmem>>, vector<16xf32>,
      tpu.vector_store %arg13[%swap3A], %min3A_154 {strides = array<i32>} : memref<3136xf32, #tpu.memory_space<vmem>>, vector<16xf32>,
    }
    %scan3A_41 = arith.constant 49 : i32
    %mul3A_42 = arith.constant 4 : i32
    %mul3A_43 = arith.muli %add3A, %mul3A_42 : i32
    %add3A_44 = arith.constant 2 : i32
    %add3A_45 = arith.addi %mul3A_43, %add3A_44 : i32
    %mul3A_46 = arith.constant 6272 : i32
    %mul3A_47 = arith.muli %add3A_45, %mul3A_46 : i32
    %dma_start3A_48 = tpu.memref_slice %arg4[%mul3A_47] : memref<802816xi32, #tpu.memory_space<hbm>> -> memref<6272xi32, #tpu.memory_space<hbm>>
    %dma_start3A_49 = tpu.memref_slice %arg4[%mul3A_47] : memref<802816xi32, #tpu.memory_space<hbm>> -> memref<6272xi32, #tpu.memory_space<hbm>>
    tpu.enqueue_dma source(%dma_start3A_49 : memref<6272xi32, #tpu.memory_space<hbm>>) target(%arg14 : memref<6272xi32, #tpu.memory_space<vmem>>) target_semaphore(%arg18 : memref<!tpu.dma_semaphore, #tpu.memory_space<semaphore_mem>>)
    %dma_wait3A_50 = tpu.memref_slice %arg4[%mul3A_31] : memref<802816xi32, #tpu.memory_space<hbm>> -> memref<6272xi32, #tpu.memory_space<hbm>>
    %dma_wait3A_51 = tpu.memref_slice %arg4[%mul3A_31] : memref<802816xi32, #tpu.memory_space<hbm>> -> memref<6272xi32, #tpu.memory_space<hbm>>
    tpu.wait_dma2 semaphore(%arg19 : memref<!tpu.dma_semaphore, #tpu.memory_space<semaphore_mem>>) src(%dma_wait3A_51 : memref<6272xi32, #tpu.memory_space<hbm>>) dst(%arg15 : memref<6272xi32, #tpu.memory_space<vmem>>)
    %scan3A_52 = arith.constant 0 : i32
    %scan3A_53 = arith.constant 0 : i32
    %scan3A_54 = arith.constant 49 : i32
    %scan3A_55 = arith.addi %scan3A_53, %scan3A_54 : i32
    %scan3A_56 = arith.constant 1 : i32
    scf.for %scan3A_96 = %scan3A_53 to %scan3A_55 step %scan3A_56  : i32 {
      %mul3A_97 = arith.constant 16 : i32
      %mul3A_98 = arith.muli %scan3A_96, %mul3A_97 : i32
      %get3A = arith.index_cast %mul3A_98 : i32 to index
      %get3A_99 = tpu.vector_load %arg15[%get3A] {strides = array<i32>} : memref<6272xi32, #tpu.memory_space<vmem>>, vector<16xi32>,
      %gather3A = tpu.vector_load_idx %arg8[%get3A_99] : memref<100352xf32, #tpu.memory_space<vmem>>[vector<16xi32>], vector<16xf32>,
      %mul3A_100 = arith.constant 16 : i32
      %mul3A_101 = arith.muli %scan3A_96, %mul3A_100 : i32
      %add3A_102 = arith.constant 784 : i32
      %add3A_103 = arith.addi %add3A_102, %mul3A_101 : i32
      %get3A_104 = arith.index_cast %add3A_103 : i32 to index
      %get3A_105 = tpu.vector_load %arg15[%get3A_104] {strides = array<i32>} : memref<6272xi32, #tpu.memory_space<vmem>>, vector<16xi32>,
      %gather3A_106 = tpu.vector_load_idx %arg8[%get3A_105] : memref<100352xf32, #tpu.memory_space<vmem>>[vector<16xi32>], vector<16xf32>,
      %min3A = arith.minimumf %gather3A, %gather3A_106 : vector<16xf32>
      %mul3A_107 = arith.constant 16 : i32
      %mul3A_108 = arith.muli %scan3A_96, %mul3A_107 : i32
      %add3A_109 = arith.constant 1568 : i32
      %add3A_110 = arith.addi %add3A_109, %mul3A_108 : i32
      %get3A_111 = arith.index_cast %add3A_110 : i32 to index
      %get3A_112 = tpu.vector_load %arg15[%get3A_111] {strides = array<i32>} : memref<6272xi32, #tpu.memory_space<vmem>>, vector<16xi32>,
      %gather3A_113 = tpu.vector_load_idx %arg8[%get3A_112] : memref<100352xf32, #tpu.memory_space<vmem>>[vector<16xi32>], vector<16xf32>,
      %min3A_114 = arith.minimumf %min3A, %gather3A_113 : vector<16xf32>
      %mul3A_115 = arith.constant 16 : i32
      %mul3A_116 = arith.muli %scan3A_96, %mul3A_115 : i32
      %add3A_117 = arith.constant 2352 : i32
      %add3A_118 = arith.addi %add3A_117, %mul3A_116 : i32
      %get3A_119 = arith.index_cast %add3A_118 : i32 to index
      %get3A_120 = tpu.vector_load %arg15[%get3A_119] {strides = array<i32>} : memref<6272xi32, #tpu.memory_space<vmem>>, vector<16xi32>,
      %gather3A_121 = tpu.vector_load_idx %arg8[%get3A_120] : memref<100352xf32, #tpu.memory_space<vmem>>[vector<16xi32>], vector<16xf32>,
      %min3A_122 = arith.minimumf %min3A_114, %gather3A_121 : vector<16xf32>
      %mul3A_123 = arith.constant 16 : i32
      %mul3A_124 = arith.muli %scan3A_96, %mul3A_123 : i32
      %add3A_125 = arith.constant 3136 : i32
      %add3A_126 = arith.addi %add3A_125, %mul3A_124 : i32
      %get3A_127 = arith.index_cast %add3A_126 : i32 to index
      %get3A_128 = tpu.vector_load %arg15[%get3A_127] {strides = array<i32>} : memref<6272xi32, #tpu.memory_space<vmem>>, vector<16xi32>,
      %gather3A_129 = tpu.vector_load_idx %arg8[%get3A_128] : memref<100352xf32, #tpu.memory_space<vmem>>[vector<16xi32>], vector<16xf32>,
      %min3A_130 = arith.minimumf %min3A_122, %gather3A_129 : vector<16xf32>
      %mul3A_131 = arith.constant 16 : i32
      %mul3A_132 = arith.muli %scan3A_96, %mul3A_131 : i32
      %add3A_133 = arith.constant 3920 : i32
      %add3A_134 = arith.addi %add3A_133, %mul3A_132 : i32
      %get3A_135 = arith.index_cast %add3A_134 : i32 to index
      %get3A_136 = tpu.vector_load %arg15[%get3A_135] {strides = array<i32>} : memref<6272xi32, #tpu.memory_space<vmem>>, vector<16xi32>,
      %gather3A_137 = tpu.vector_load_idx %arg8[%get3A_136] : memref<100352xf32, #tpu.memory_space<vmem>>[vector<16xi32>], vector<16xf32>,
      %min3A_138 = arith.minimumf %min3A_130, %gather3A_137 : vector<16xf32>
      %mul3A_139 = arith.constant 16 : i32
      %mul3A_140 = arith.muli %scan3A_96, %mul3A_139 : i32
      %add3A_141 = arith.constant 4704 : i32
      %add3A_142 = arith.addi %add3A_141, %mul3A_140 : i32
      %get3A_143 = arith.index_cast %add3A_142 : i32 to index
      %get3A_144 = tpu.vector_load %arg15[%get3A_143] {strides = array<i32>} : memref<6272xi32, #tpu.memory_space<vmem>>, vector<16xi32>,
      %gather3A_145 = tpu.vector_load_idx %arg8[%get3A_144] : memref<100352xf32, #tpu.memory_space<vmem>>[vector<16xi32>], vector<16xf32>,
      %min3A_146 = arith.minimumf %min3A_138, %gather3A_145 : vector<16xf32>
      %mul3A_147 = arith.constant 16 : i32
      %mul3A_148 = arith.muli %scan3A_96, %mul3A_147 : i32
      %add3A_149 = arith.constant 5488 : i32
      %add3A_150 = arith.addi %add3A_149, %mul3A_148 : i32
      %get3A_151 = arith.index_cast %add3A_150 : i32 to index
      %get3A_152 = tpu.vector_load %arg15[%get3A_151] {strides = array<i32>} : memref<6272xi32, #tpu.memory_space<vmem>>, vector<16xi32>,
      %gather3A_153 = tpu.vector_load_idx %arg8[%get3A_152] : memref<100352xf32, #tpu.memory_space<vmem>>[vector<16xi32>], vector<16xf32>,
      %min3A_154 = arith.minimumf %min3A_146, %gather3A_153 : vector<16xf32>
      %mul3A_155 = arith.constant 16 : i32
      %mul3A_156 = arith.muli %scan3A_96, %mul3A_155 : i32
      %add3A_157 = arith.constant 784 : i32
      %add3A_158 = arith.addi %add3A_157, %mul3A_156 : i32
      %swap3A = arith.index_cast %add3A_158 : i32 to index
      %swap3A_159 = tpu.vector_load %arg13[%swap3A] {strides = array<i32>} : memref<3136xf32, #tpu.memory_space<vmem>>, vector<16xf32>,
      tpu.vector_store %arg13[%swap3A], %min3A_154 {strides = array<i32>} : memref<3136xf32, #tpu.memory_space<vmem>>, vector<16xf32>,
    }
    %scan3A_57 = arith.constant 49 : i32
    %mul3A_58 = arith.constant 4 : i32
    %mul3A_59 = arith.muli %add3A, %mul3A_58 : i32
    %add3A_60 = arith.constant 3 : i32
    %add3A_61 = arith.addi %mul3A_59, %add3A_60 : i32
    %mul3A_62 = arith.constant 6272 : i32
    %mul3A_63 = arith.muli %add3A_61, %mul3A_62 : i32
    %dma_start3A_64 = tpu.memref_slice %arg4[%mul3A_63] : memref<802816xi32, #tpu.memory_space<hbm>> -> memref<6272xi32, #tpu.memory_space<hbm>>
    %dma_start3A_65 = tpu.memref_slice %arg4[%mul3A_63] : memref<802816xi32, #tpu.memory_space<hbm>> -> memref<6272xi32, #tpu.memory_space<hbm>>
    tpu.enqueue_dma source(%dma_start3A_65 : memref<6272xi32, #tpu.memory_space<hbm>>) target(%arg15 : memref<6272xi32, #tpu.memory_space<vmem>>) target_semaphore(%arg19 : memref<!tpu.dma_semaphore, #tpu.memory_space<semaphore_mem>>)
    %dma_wait3A_66 = tpu.memref_slice %arg4[%mul3A_47] : memref<802816xi32, #tpu.memory_space<hbm>> -> memref<6272xi32, #tpu.memory_space<hbm>>
    %dma_wait3A_67 = tpu.memref_slice %arg4[%mul3A_47] : memref<802816xi32, #tpu.memory_space<hbm>> -> memref<6272xi32, #tpu.memory_space<hbm>>
    tpu.wait_dma2 semaphore(%arg18 : memref<!tpu.dma_semaphore, #tpu.memory_space<semaphore_mem>>) src(%dma_wait3A_67 : memref<6272xi32, #tpu.memory_space<hbm>>) dst(%arg14 : memref<6272xi32, #tpu.memory_space<vmem>>)
    %scan3A_68 = arith.constant 0 : i32
    %scan3A_69 = arith.constant 0 : i32
    %scan3A_70 = arith.constant 49 : i32
    %scan3A_71 = arith.addi %scan3A_69, %scan3A_70 : i32
    %scan3A_72 = arith.constant 1 : i32
    scf.for %scan3A_96 = %scan3A_69 to %scan3A_71 step %scan3A_72  : i32 {
      %mul3A_97 = arith.constant 16 : i32
      %mul3A_98 = arith.muli %scan3A_96, %mul3A_97 : i32
      %get3A = arith.index_cast %mul3A_98 : i32 to index
      %get3A_99 = tpu.vector_load %arg14[%get3A] {strides = array<i32>} : memref<6272xi32, #tpu.memory_space<vmem>>, vector<16xi32>,
      %gather3A = tpu.vector_load_idx %arg8[%get3A_99] : memref<100352xf32, #tpu.memory_space<vmem>>[vector<16xi32>], vector<16xf32>,
      %mul3A_100 = arith.constant 16 : i32
      %mul3A_101 = arith.muli %scan3A_96, %mul3A_100 : i32
      %add3A_102 = arith.constant 784 : i32
      %add3A_103 = arith.addi %add3A_102, %mul3A_101 : i32
      %get3A_104 = arith.index_cast %add3A_103 : i32 to index
      %get3A_105 = tpu.vector_load %arg14[%get3A_104] {strides = array<i32>} : memref<6272xi32, #tpu.memory_space<vmem>>, vector<16xi32>,
      %gather3A_106 = tpu.vector_load_idx %arg8[%get3A_105] : memref<100352xf32, #tpu.memory_space<vmem>>[vector<16xi32>], vector<16xf32>,
      %min3A = arith.minimumf %gather3A, %gather3A_106 : vector<16xf32>
      %mul3A_107 = arith.constant 16 : i32
      %mul3A_108 = arith.muli %scan3A_96, %mul3A_107 : i32
      %add3A_109 = arith.constant 1568 : i32
      %add3A_110 = arith.addi %add3A_109, %mul3A_108 : i32
      %get3A_111 = arith.index_cast %add3A_110 : i32 to index
      %get3A_112 = tpu.vector_load %arg14[%get3A_111] {strides = array<i32>} : memref<6272xi32, #tpu.memory_space<vmem>>, vector<16xi32>,
      %gather3A_113 = tpu.vector_load_idx %arg8[%get3A_112] : memref<100352xf32, #tpu.memory_space<vmem>>[vector<16xi32>], vector<16xf32>,
      %min3A_114 = arith.minimumf %min3A, %gather3A_113 : vector<16xf32>
      %mul3A_115 = arith.constant 16 : i32
      %mul3A_116 = arith.muli %scan3A_96, %mul3A_115 : i32
      %add3A_117 = arith.constant 2352 : i32
      %add3A_118 = arith.addi %add3A_117, %mul3A_116 : i32
      %get3A_119 = arith.index_cast %add3A_118 : i32 to index
      %get3A_120 = tpu.vector_load %arg14[%get3A_119] {strides = array<i32>} : memref<6272xi32, #tpu.memory_space<vmem>>, vector<16xi32>,
      %gather3A_121 = tpu.vector_load_idx %arg8[%get3A_120] : memref<100352xf32, #tpu.memory_space<vmem>>[vector<16xi32>], vector<16xf32>,
      %min3A_122 = arith.minimumf %min3A_114, %gather3A_121 : vector<16xf32>
      %mul3A_123 = arith.constant 16 : i32
      %mul3A_124 = arith.muli %scan3A_96, %mul3A_123 : i32
      %add3A_125 = arith.constant 3136 : i32
      %add3A_126 = arith.addi %add3A_125, %mul3A_124 : i32
      %get3A_127 = arith.index_cast %add3A_126 : i32 to index
      %get3A_128 = tpu.vector_load %arg14[%get3A_127] {strides = array<i32>} : memref<6272xi32, #tpu.memory_space<vmem>>, vector<16xi32>,
      %gather3A_129 = tpu.vector_load_idx %arg8[%get3A_128] : memref<100352xf32, #tpu.memory_space<vmem>>[vector<16xi32>], vector<16xf32>,
      %min3A_130 = arith.minimumf %min3A_122, %gather3A_129 : vector<16xf32>
      %mul3A_131 = arith.constant 16 : i32
      %mul3A_132 = arith.muli %scan3A_96, %mul3A_131 : i32
      %add3A_133 = arith.constant 3920 : i32
      %add3A_134 = arith.addi %add3A_133, %mul3A_132 : i32
      %get3A_135 = arith.index_cast %add3A_134 : i32 to index
      %get3A_136 = tpu.vector_load %arg14[%get3A_135] {strides = array<i32>} : memref<6272xi32, #tpu.memory_space<vmem>>, vector<16xi32>,
      %gather3A_137 = tpu.vector_load_idx %arg8[%get3A_136] : memref<100352xf32, #tpu.memory_space<vmem>>[vector<16xi32>], vector<16xf32>,
      %min3A_138 = arith.minimumf %min3A_130, %gather3A_137 : vector<16xf32>
      %mul3A_139 = arith.constant 16 : i32
      %mul3A_140 = arith.muli %scan3A_96, %mul3A_139 : i32
      %add3A_141 = arith.constant 4704 : i32
      %add3A_142 = arith.addi %add3A_141, %mul3A_140 : i32
      %get3A_143 = arith.index_cast %add3A_142 : i32 to index
      %get3A_144 = tpu.vector_load %arg14[%get3A_143] {strides = array<i32>} : memref<6272xi32, #tpu.memory_space<vmem>>, vector<16xi32>,
      %gather3A_145 = tpu.vector_load_idx %arg8[%get3A_144] : memref<100352xf32, #tpu.memory_space<vmem>>[vector<16xi32>], vector<16xf32>,
      %min3A_146 = arith.minimumf %min3A_138, %gather3A_145 : vector<16xf32>
      %mul3A_147 = arith.constant 16 : i32
      %mul3A_148 = arith.muli %scan3A_96, %mul3A_147 : i32
      %add3A_149 = arith.constant 5488 : i32
      %add3A_150 = arith.addi %add3A_149, %mul3A_148 : i32
      %get3A_151 = arith.index_cast %add3A_150 : i32 to index
      %get3A_152 = tpu.vector_load %arg14[%get3A_151] {strides = array<i32>} : memref<6272xi32, #tpu.memory_space<vmem>>, vector<16xi32>,
      %gather3A_153 = tpu.vector_load_idx %arg8[%get3A_152] : memref<100352xf32, #tpu.memory_space<vmem>>[vector<16xi32>], vector<16xf32>,
      %min3A_154 = arith.minimumf %min3A_146, %gather3A_153 : vector<16xf32>
      %mul3A_155 = arith.constant 16 : i32
      %mul3A_156 = arith.muli %scan3A_96, %mul3A_155 : i32
      %add3A_157 = arith.constant 1568 : i32
      %add3A_158 = arith.addi %add3A_157, %mul3A_156 : i32
      %swap3A = arith.index_cast %add3A_158 : i32 to index
      %swap3A_159 = tpu.vector_load %arg13[%swap3A] {strides = array<i32>} : memref<3136xf32, #tpu.memory_space<vmem>>, vector<16xf32>,
      tpu.vector_store %arg13[%swap3A], %min3A_154 {strides = array<i32>} : memref<3136xf32, #tpu.memory_space<vmem>>, vector<16xf32>,
    }
    %scan3A_73 = arith.constant 49 : i32
    %dma_wait3A_74 = tpu.memref_slice %arg4[%mul3A_63] : memref<802816xi32, #tpu.memory_space<hbm>> -> memref<6272xi32, #tpu.memory_space<hbm>>
    %dma_wait3A_75 = tpu.memref_slice %arg4[%mul3A_63] : memref<802816xi32, #tpu.memory_space<hbm>> -> memref<6272xi32, #tpu.memory_space<hbm>>
    tpu.wait_dma2 semaphore(%arg19 : memref<!tpu.dma_semaphore, #tpu.memory_space<semaphore_mem>>) src(%dma_wait3A_75 : memref<6272xi32, #tpu.memory_space<hbm>>) dst(%arg15 : memref<6272xi32, #tpu.memory_space<vmem>>)
    %scan3A_76 = arith.constant 0 : i32
    %scan3A_77 = arith.constant 0 : i32
    %scan3A_78 = arith.constant 49 : i32
    %scan3A_79 = arith.addi %scan3A_77, %scan3A_78 : i32
    %scan3A_80 = arith.constant 1 : i32
    scf.for %scan3A_96 = %scan3A_77 to %scan3A_79 step %scan3A_80  : i32 {
      %mul3A_97 = arith.constant 16 : i32
      %mul3A_98 = arith.muli %scan3A_96, %mul3A_97 : i32
      %get3A = arith.index_cast %mul3A_98 : i32 to index
      %get3A_99 = tpu.vector_load %arg15[%get3A] {strides = array<i32>} : memref<6272xi32, #tpu.memory_space<vmem>>, vector<16xi32>,
      %gather3A = tpu.vector_load_idx %arg8[%get3A_99] : memref<100352xf32, #tpu.memory_space<vmem>>[vector<16xi32>], vector<16xf32>,
      %mul3A_100 = arith.constant 16 : i32
      %mul3A_101 = arith.muli %scan3A_96, %mul3A_100 : i32
      %add3A_102 = arith.constant 784 : i32
      %add3A_103 = arith.addi %add3A_102, %mul3A_101 : i32
      %get3A_104 = arith.index_cast %add3A_103 : i32 to index
      %get3A_105 = tpu.vector_load %arg15[%get3A_104] {strides = array<i32>} : memref<6272xi32, #tpu.memory_space<vmem>>, vector<16xi32>,
      %gather3A_106 = tpu.vector_load_idx %arg8[%get3A_105] : memref<100352xf32, #tpu.memory_space<vmem>>[vector<16xi32>], vector<16xf32>,
      %min3A = arith.minimumf %gather3A, %gather3A_106 : vector<16xf32>
      %mul3A_107 = arith.constant 16 : i32
      %mul3A_108 = arith.muli %scan3A_96, %mul3A_107 : i32
      %add3A_109 = arith.constant 1568 : i32
      %add3A_110 = arith.addi %add3A_109, %mul3A_108 : i32
      %get3A_111 = arith.index_cast %add3A_110 : i32 to index
      %get3A_112 = tpu.vector_load %arg15[%get3A_111] {strides = array<i32>} : memref<6272xi32, #tpu.memory_space<vmem>>, vector<16xi32>,
      %gather3A_113 = tpu.vector_load_idx %arg8[%get3A_112] : memref<100352xf32, #tpu.memory_space<vmem>>[vector<16xi32>], vector<16xf32>,
      %min3A_114 = arith.minimumf %min3A, %gather3A_113 : vector<16xf32>
      %mul3A_115 = arith.constant 16 : i32
      %mul3A_116 = arith.muli %scan3A_96, %mul3A_115 : i32
      %add3A_117 = arith.constant 2352 : i32
      %add3A_118 = arith.addi %add3A_117, %mul3A_116 : i32
      %get3A_119 = arith.index_cast %add3A_118 : i32 to index
      %get3A_120 = tpu.vector_load %arg15[%get3A_119] {strides = array<i32>} : memref<6272xi32, #tpu.memory_space<vmem>>, vector<16xi32>,
      %gather3A_121 = tpu.vector_load_idx %arg8[%get3A_120] : memref<100352xf32, #tpu.memory_space<vmem>>[vector<16xi32>], vector<16xf32>,
      %min3A_122 = arith.minimumf %min3A_114, %gather3A_121 : vector<16xf32>
      %mul3A_123 = arith.constant 16 : i32
      %mul3A_124 = arith.muli %scan3A_96, %mul3A_123 : i32
      %add3A_125 = arith.constant 3136 : i32
      %add3A_126 = arith.addi %add3A_125, %mul3A_124 : i32
      %get3A_127 = arith.index_cast %add3A_126 : i32 to index
      %get3A_128 = tpu.vector_load %arg15[%get3A_127] {strides = array<i32>} : memref<6272xi32, #tpu.memory_space<vmem>>, vector<16xi32>,
      %gather3A_129 = tpu.vector_load_idx %arg8[%get3A_128] : memref<100352xf32, #tpu.memory_space<vmem>>[vector<16xi32>], vector<16xf32>,
      %min3A_130 = arith.minimumf %min3A_122, %gather3A_129 : vector<16xf32>
      %mul3A_131 = arith.constant 16 : i32
      %mul3A_132 = arith.muli %scan3A_96, %mul3A_131 : i32
      %add3A_133 = arith.constant 3920 : i32
      %add3A_134 = arith.addi %add3A_133, %mul3A_132 : i32
      %get3A_135 = arith.index_cast %add3A_134 : i32 to index
      %get3A_136 = tpu.vector_load %arg15[%get3A_135] {strides = array<i32>} : memref<6272xi32, #tpu.memory_space<vmem>>, vector<16xi32>,
      %gather3A_137 = tpu.vector_load_idx %arg8[%get3A_136] : memref<100352xf32, #tpu.memory_space<vmem>>[vector<16xi32>], vector<16xf32>,
      %min3A_138 = arith.minimumf %min3A_130, %gather3A_137 : vector<16xf32>
      %mul3A_139 = arith.constant 16 : i32
      %mul3A_140 = arith.muli %scan3A_96, %mul3A_139 : i32
      %add3A_141 = arith.constant 4704 : i32
      %add3A_142 = arith.addi %add3A_141, %mul3A_140 : i32
      %get3A_143 = arith.index_cast %add3A_142 : i32 to index
      %get3A_144 = tpu.vector_load %arg15[%get3A_143] {strides = array<i32>} : memref<6272xi32, #tpu.memory_space<vmem>>, vector<16xi32>,
      %gather3A_145 = tpu.vector_load_idx %arg8[%get3A_144] : memref<100352xf32, #tpu.memory_space<vmem>>[vector<16xi32>], vector<16xf32>,
      %min3A_146 = arith.minimumf %min3A_138, %gather3A_145 : vector<16xf32>
      %mul3A_147 = arith.constant 16 : i32
      %mul3A_148 = arith.muli %scan3A_96, %mul3A_147 : i32
      %add3A_149 = arith.constant 5488 : i32
      %add3A_150 = arith.addi %add3A_149, %mul3A_148 : i32
      %get3A_151 = arith.index_cast %add3A_150 : i32 to index
      %get3A_152 = tpu.vector_load %arg15[%get3A_151] {strides = array<i32>} : memref<6272xi32, #tpu.memory_space<vmem>>, vector<16xi32>,
      %gather3A_153 = tpu.vector_load_idx %arg8[%get3A_152] : memref<100352xf32, #tpu.memory_space<vmem>>[vector<16xi32>], vector<16xf32>,
      %min3A_154 = arith.minimumf %min3A_146, %gather3A_153 : vector<16xf32>
      %mul3A_155 = arith.constant 16 : i32
      %mul3A_156 = arith.muli %scan3A_96, %mul3A_155 : i32
      %add3A_157 = arith.constant 2352 : i32
      %add3A_158 = arith.addi %add3A_157, %mul3A_156 : i32
      %swap3A = arith.index_cast %add3A_158 : i32 to index
      %swap3A_159 = tpu.vector_load %arg13[%swap3A] {strides = array<i32>} : memref<3136xf32, #tpu.memory_space<vmem>>, vector<16xf32>,
      tpu.vector_store %arg13[%swap3A], %min3A_154 {strides = array<i32>} : memref<3136xf32, #tpu.memory_space<vmem>>, vector<16xf32>,
    }
    %scan3A_81 = arith.constant 49 : i32
    %scan3A_82 = arith.constant 0 : i32
    %scan3A_83 = arith.constant 0 : i32
    %scan3A_84 = arith.constant 196 : i32
    %scan3A_85 = arith.addi %scan3A_83, %scan3A_84 : i32
    %scan3A_86 = arith.constant 1 : i32
    scf.for %scan3A_96 = %scan3A_83 to %scan3A_85 step %scan3A_86  : i32 {
      %mul3A_97 = arith.constant 16 : i32
      %mul3A_98 = arith.muli %scan3A_96, %mul3A_97 : i32
      %get3A = arith.index_cast %mul3A_98 : i32 to index
      %get3A_99 = tpu.vector_load %arg10[%get3A] {strides = array<i32>} : memref<3136xf32, #tpu.memory_space<vmem>>, vector<16xf32>,
      %get3A_100 = arith.index_cast %mul3A_98 : i32 to index
      %get3A_101 = tpu.vector_load %arg13[%get3A_100] {strides = array<i32>} : memref<3136xf32, #tpu.memory_space<vmem>>, vector<16xf32>,
      %lt3A = arith.cmpf olt, %get3A_99, %get3A_101 : vector<16xf32>
      %get3A_102 = arith.index_cast %mul3A_98 : i32 to index
      %get3A_103 = tpu.vector_load %arg9[%get3A_102] {strides = array<i32>} : memref<3136xf32, #tpu.memory_space<vmem>>, vector<16xf32>,
      %add3A_104 = arith.addf %get3A_103, %get3A_99 : vector<16xf32>
      %lt3A_105 = arith.constant 1.000000e+03 : f32
      %lt3A_106 = vector.broadcast %lt3A_105 : f32 to vector<16xf32>
      %lt3A_107 = arith.cmpf olt, %add3A_104, %lt3A_106 : vector<16xf32>
      %and3A = arith.andi %lt3A, %lt3A_107 : vector<16xi1>
      %jit3A = arith.constant 1.000000e+00 : f32
      %jit3A_108 = arith.constant 0.000000e+00 : f32
      %broadcast_in_dim3A = vector.broadcast %jit3A : f32 to vector<16xf32>
      %broadcast_in_dim3A_109 = vector.broadcast %jit3A_108 : f32 to vector<16xf32>
      %select_n3A = arith.select %and3A, %broadcast_in_dim3A, %broadcast_in_dim3A_109 : vector<16xi1>, vector<16xf32>
      %swap3A = arith.index_cast %mul3A_98 : i32 to index
      %swap3A_110 = tpu.vector_load %arg13[%swap3A] {strides = array<i32>} : memref<3136xf32, #tpu.memory_space<vmem>>, vector<16xf32>,
      tpu.vector_store %arg13[%swap3A], %select_n3A {strides = array<i32>} : memref<3136xf32, #tpu.memory_space<vmem>>, vector<16xf32>,
    }
    %scan3A_87 = arith.constant 196 : i32
    %dma_start3A_88 = tpu.memref_slice %arg7[%mul3A_2] : memref<100352xf32, #tpu.memory_space<hbm>> -> memref<3136xf32, #tpu.memory_space<hbm>>
    %dma_start3A_89 = tpu.memref_slice %arg7[%mul3A_2] : memref<100352xf32, #tpu.memory_space<hbm>> -> memref<3136xf32, #tpu.memory_space<hbm>>
    tpu.enqueue_dma source(%arg13 : memref<3136xf32, #tpu.memory_space<vmem>>) target(%dma_start3A_89 : memref<3136xf32, #tpu.memory_space<hbm>>) target_semaphore(%arg17 : memref<!tpu.dma_semaphore, #tpu.memory_space<semaphore_mem>>)
    %dma_wait3A_90 = tpu.memref_slice %arg5[%mul3A_2] : memref<100352xf32, #tpu.memory_space<hbm>> -> memref<3136xf32, #tpu.memory_space<hbm>>
    %dma_wait3A_91 = tpu.memref_slice %arg5[%mul3A_2] : memref<100352xf32, #tpu.memory_space<hbm>> -> memref<3136xf32, #tpu.memory_space<hbm>>
    tpu.wait_dma2 semaphore(%arg17 : memref<!tpu.dma_semaphore, #tpu.memory_space<semaphore_mem>>) src(%arg11 : memref<3136xf32, #tpu.memory_space<vmem>>) dst(%dma_wait3A_91 : memref<3136xf32, #tpu.memory_space<hbm>>)
    %dma_wait3A_92 = tpu.memref_slice %arg6[%mul3A_2] : memref<100352xf32, #tpu.memory_space<hbm>> -> memref<3136xf32, #tpu.memory_space<hbm>>
    %dma_wait3A_93 = tpu.memref_slice %arg6[%mul3A_2] : memref<100352xf32, #tpu.memory_space<hbm>> -> memref<3136xf32, #tpu.memory_space<hbm>>
    tpu.wait_dma2 semaphore(%arg17 : memref<!tpu.dma_semaphore, #tpu.memory_space<semaphore_mem>>) src(%arg12 : memref<3136xf32, #tpu.memory_space<vmem>>) dst(%dma_wait3A_93 : memref<3136xf32, #tpu.memory_space<hbm>>)
    %dma_wait3A_94 = tpu.memref_slice %arg7[%mul3A_2] : memref<100352xf32, #tpu.memory_space<hbm>> -> memref<3136xf32, #tpu.memory_space<hbm>>
    %dma_wait3A_95 = tpu.memref_slice %arg7[%mul3A_2] : memref<100352xf32, #tpu.memory_space<hbm>> -> memref<3136xf32, #tpu.memory_space<hbm>>
    tpu.wait_dma2 semaphore(%arg17 : memref<!tpu.dma_semaphore, #tpu.memory_space<semaphore_mem>>) src(%arg13 : memref<3136xf32, #tpu.memory_space<vmem>>) dst(%dma_wait3A_95 : memref<3136xf32, #tpu.memory_space<hbm>>)
    return
  }
}

</mosaic_0001>

<sc_bundles>
// kernel: kernel.11.cloned.1.call-start
scs
__scs_entry_jumppad:
0x0: {  	(pc) =	sbr.rel $0x88, $3  }
0x1: {  	(tag) =	ssettag $0x0;
	lr =	simm.s32 $0x1  }
0x2: {  	[smem:$0x3F98] =	sst lr;
	_ =	strace $0xD0000000  }
0x3: {  	_ = 	snop  }
0x4: {  	_ = 	snop  }
0x5: {  	_ = 	snop  }
0x6: {  	_ = 	snop  }
0x7: {  	_ = 	snop  }
__scs_overlays_trampoline_lowered:
0x8: {  	[smem:$0x3FA7] =	sst s0  }
0x9: {  	[smem:$0x3FA8] =	sst s1  }
0xa: {  	[smem:$0x3FA9] =	sst s2  }
0xb: {  	[smem:$0x3FAA] =	sst s3  }
0xc: {  	[smem:$0x3FAB] =	sst s4  }
0xd: {  	[smem:$0x3FAC] =	sst s5  }
0xe: {  	[smem:$0x3FAD] =	sst s6  }
0xf: {  	[smem:$0x3FAE] =	sst s7  }
0x10: {  	[smem:$0x3FAF] =	sst s8  }
0x11: {  	[smem:$0x3FB0] =	sst s9;
	s0 =	simm.s32 @!p0 $0x0  }
0x12: {  	s1 =	sld [smem:$0x3F96];
	s0 =	simm.s32 @p0 $0x1  }
0x13: {  	[smem:$0x3FB1] =	sst s0;
	s0 =	simm.s32 @!p1 $0x0  }
0x14: {  	s2 =	sld [smem:$0x3F95];
	s0 =	simm.s32 @p1 $0x1  }
0x15: {  	[smem:$0x3FB2] =	sst s0;
	s0 =	simm.s32 @!p2 $0x0  }
0x16: {  	s3 =	sld [smem:$0x3FDB];
	s0 =	simm.s32 @p2 $0x1  }
0x17: {  	s4 =	simm.s32 $0x1BF5;
	[smem:$0x3FB4] =	sst s0  }
0x18: {  	s0 =	sld [smem:$0x3F97];
	_ =	swait.ge [sflag:s4], $0x0  }
0x19: {  	s7 =	sld [smem:$0x3F98]  }
0x1a: {  	s8 =	sadd.s32 $0xFFFFE003, lr  }
0x1b: {  	s9 =	sadd.s32 $0xFFFFFEF7, lr;
	s5 =	simm.s32 $0xFFFFFFFF;
	p2 =	slt.u32 s8, $0xFFFFF086  }
0x1c: {  	p1 =	slt.u32 s9, $0xF7A;
	s5 =	simm.s32 @!p2 $0x0  }
0x1d: {  	s5 =	simm.s32 @p1 $0x1;
	p0 =	seq.s32 s7, s2  }
0x1e: {  	s7 =	smul.u32 @!p0 $0xF7A, s2;
	p2 =	seq.s32 @!p0 s5, $0x0  }
0x1f: {  	s9 =	smul.u32 $0xF7A, s1;
	s8 =	simm.s32 @!p0 $0x1BF5;
	p2 =	por !p2, p0  }
0x20: {  	[sflag:s8] =	ssyncset.s32 @!p0 $0xFFFFF086;
	s6 =	sadd.s32 @!p0 s3, s7;
	s7 =	simm.s32 @!p0 $0x108  }
0x21: {  	s3 =	sadd.s32 s3, s9;
	s6 =	sadd.s32 @!p0 $0x88, s6;
	s7 =	simm.s32 @p2 $0x1082  }
0x22: {  	[simem:s7], [sflag:s8] =	dma.local @!p0 [hbm:s6], $0xF7A  }
0x23: {  	s9 =	sor.u32 $0xD0000000, s2;
	s6 =	simm.s32 $0x108;
	_ =	swait.ge @!p0 [sflag:s8], $0x0  }
0x24: {  	s3 =	sadd.s32 $0x88, s3;
	s6 =	simm.s32 @!p1 $0x1082;
	[sflag:s4] =	ssyncset.s32 $0xFFFFF086  }
0x25: {  	[simem:s6], [sflag:s4] =	dma.local [hbm:s3], $0xF7A  }
0x26: {  	[smem:$0x3F98] =	sst s1;
	(tag) =	ssettag s2;
	_ =	strace s9  }
0x27: {  	s1 =	sld [smem:$0x3FA8]  }
0x28: {  	s2 =	sld [smem:$0x3FA9]  }
0x29: {  	s4 =	sld [smem:$0x3FAB]  }
0x2a: {  	p0 =	seq.s32 s5, $0x0;
	s5 =	sld [smem:$0x3FAC]  }
0x2b: {  	s6 =	sld [smem:$0x3FAD]  }
0x2c: {  	s7 =	sld [smem:$0x3FAE]  }
0x2d: {  	s3 =	simm.s32 $0x108;
	s8 =	sld [smem:$0x3FAF]  }
0x2e: {  	s3 =	simm.s32 @!p0 $0x1082;
	s9 =	sld [smem:$0x3FB0]  }
0x2f: {  	lr =	sadd.s32 s0, s3;
	s0 =	sld [smem:$0x3FA7]  }
0x30: {  	s3 =	sld [smem:$0x3FAA]  }
0x31: {  	[smem:$0x3FB3] =	sst s10  }
0x32: {  	s10 =	sld [smem:$0x3FB1];
	_ =	sdelay $0x3  }
0x33: {  	p0 =	seq.s32 s10, $0x1;
	s10 =	sld [smem:$0x3FB3];
	_ =	sdelay $0x3  }
0x34: {  	[smem:$0x3FB3] =	sst s10  }
0x35: {  	s10 =	sld [smem:$0x3FB2];
	_ =	sdelay $0x3  }
0x36: {  	p1 =	seq.s32 s10, $0x1;
	s10 =	sld [smem:$0x3FB3];
	_ =	sdelay $0x3  }
0x37: {  	[smem:$0x3FB3] =	sst s10  }
0x38: {  	s10 =	sld [smem:$0x3FB4]  }
0x39: {  	_ = 	snop;
	(pc) =	sbr.ind lr, $3  }
0x3a: {  	_ = 	snop  }
0x3b: {  	_ = 	snop  }
0x3c: {  	p2 =	seq.s32 s10, $0x1;
	s10 =	sld [smem:$0x3FB3]  }
0x3d: {  	_ =	shalt  }
0x3e: {  	_ =	shalt  }
0x3f: {  	_ =	shalt  }
0x40: {  	_ =	shalt  }
0x41: {  	_ =	shalt  }
0x42: {  	_ =	shalt  }
0x43: {  	_ =	shalt  }
0x44: {  	_ =	shalt  }
0x45: {  	_ =	shalt  }
0x46: {  	_ =	shalt  }
0x47: {  	_ =	shalt  }
0x48: {  	_ =	shalt  }
0x49: {  	_ =	shalt  }
0x4a: {  	_ =	shalt  }
0x4b: {  	_ =	shalt  }
0x4c: {  	_ =	shalt  }
0x4d: {  	_ =	shalt  }
0x4e: {  	_ =	shalt  }
0x4f: {  	_ =	shalt  }
0x50: {  	_ =	shalt  }
0x51: {  	_ =	shalt  }
0x52: {  	_ =	shalt  }
0x53: {  	_ =	shalt  }
0x54: {  	_ =	shalt  }
0x55: {  	_ =	shalt  }
0x56: {  	_ =	shalt  }
0x57: {  	_ =	shalt  }
0x58: {  	_ =	shalt  }
0x59: {  	_ =	shalt  }
0x5a: {  	_ =	shalt  }
0x5b: {  	_ =	shalt  }
0x5c: {  	_ =	shalt  }
0x5d: {  	_ =	shalt  }
0x5e: {  	_ =	shalt  }
0x5f: {  	_ =	shalt  }
0x60: {  	_ =	shalt  }
0x61: {  	_ =	shalt  }
0x62: {  	_ =	shalt  }
0x63: {  	_ =	shalt  }
0x64: {  	_ =	shalt  }
0x65: {  	_ =	shalt  }
0x66: {  	_ =	shalt  }
0x67: {  	_ =	shalt  }
0x68: {  	_ =	shalt  }
0x69: {  	_ =	shalt  }
0x6a: {  	_ =	shalt  }
0x6b: {  	_ =	shalt  }
0x6c: {  	_ =	shalt  }
0x6d: {  	_ =	shalt  }
0x6e: {  	_ =	shalt  }
0x6f: {  	_ =	shalt  }
0x70: {  	_ =	shalt  }
0x71: {  	_ =	shalt  }
0x72: {  	_ =	shalt  }
0x73: {  	_ =	shalt  }
0x74: {  	_ =	shalt  }
0x75: {  	_ =	shalt  }
0x76: {  	_ =	shalt  }
0x77: {  	_ =	shalt  }
0x78: {  	_ =	shalt  }
0x79: {  	_ =	shalt  }
0x7a: {  	_ =	shalt  }
0x7b: {  	_ =	shalt  }
0x7c: {  	_ =	shalt  }
0x7d: {  	_ =	shalt  }
0x7e: {  	_ =	shalt  }
0x7f: {  	_ =	shalt  }
0x80: {  	_ =	shalt  }
0x81: {  	_ =	shalt  }
0x82: {  	_ =	shalt  }
0x83: {  	_ =	shalt  }
0x84: {  	_ =	shalt  }
0x85: {  	_ =	shalt  }
0x86: {  	_ =	shalt  }
0x87: {  	_ =	shalt  }
.Lfunc_end0:
.L_simem_size_0:
called_computation.2_lowered:
.L_overlay_start_0:
0x88: {  	s2 =	sld [smem:$0x3FD9]  }
0x89: {  	s3 =	sld [smem:$0x3FFE];
	_ =	sdelay $0x1  }
0x8a: {  	s1 =	srdreg.scid  }
0x8b: {  	s0 =	sand.u32 $0x1, s1  }
0x8c: {  	s16 =	sshll.u32 s0, $0xA;
	s2 =	sadd.s32 s3, s2  }
0x8d: {  	s2 =	sadd.s32 s2, s16  }
0x8e: {  	[smem:$0x3FBF] =	sst s2  }
0x8f: {  	_ = 	snop  }
0x90: {  	(tm) =	ssettm $0x1  }
0x91: {  	s17 =	sld [smem:$0x3FFB];
	_ =	sdelay $0x3  }
0x92: {  	_ =	strace s17  }
0x93: {  	s2 =	sld [smem:$0x3FFC];
	_ =	sdelay $0x3  }
0x94: {  	_ =	strace s2  }
0x95: {  	s2 =	sld [smem:$0x3FFD];
	_ =	sdelay $0x3  }
0x96: {  	_ =	strace s2  }
0x97: {  	_ =	strace $0x8FFFFFFF  }
0x98: {  	s18 =	sld [smem:$0x3FDB];
	_ =	sdelay $0x1  }
0x99: {  	s19 =	simm.s32 $_scs_section_size  }
0x9a: {  	s4 =	simm.s32 $_size__tile_overlayer_lowered;
	s5 =	simm.s32 $_tile_overlayer_lowered  }
0x9b: {  	s22 =	simm.s32 $0x1BFF;
	s21 =	sshll.u32 s5, $0x1;
	s2 =	sadd.s32 s19, s18  }
0x9c: {  	s6 =	simm.s32 $0x0;
	s20 =	sshll.u32 s4, $0x1;
	s4 =	sadd.s32 s21, s2  }
0x9d: {  	[timem:s6], [sflag:s22] =	dma.local [hbm:s4], s20  }
0x9e: {  	_ =	swait.ge [sflag:s22], s20  }
0x9f: {  	s3 =	ssub.s32 $0x0, s20;
	[sflag:s22] =	ssyncset.done $0x0  }
0xa0: {  	[sflag:s22] =	ssyncadd.s32 s3;
	_ =	sdelay $0x1  }
0xa1: {  	s23 =	simm.s32 $0x1B8B  }
0xa2: {  	_ =	swait.ge [sflag:s23], $0x1  }
0xa3: {  	[sflag:s23] =	ssyncset.done $0x0  }
0xa4: {  	s25 =	simm.s32 $0x1B8E;
	s24 =	sld [smem:$0x3FFE];
	[sflag:s23] =	ssyncadd.s32 $0xFFFFFFFF  }
0xa5: {  	s26 =	simm.s32 $execute0_lowered;
	[smem:$0x3FD2] =	sst s25  }
0xa6: {  	s4 =	sshll.u32 s26, $0x1;
	_ =	strace $0x8000004C;
	[dreg:$0x1] =	wrdreg $0xFFFFFFFF  }
0xa7: {  	s28 =	simm.s32 $_size_execute0_lowered;
	s2 =	sadd.s32 s2, s4;
	[dreg:$0x0] =	wrdreg $0x0  }
0xa8: {  	s4 =	sshll.u32 s28, $0x1;
	[dreg:$0x2] =	wrdreg s2  }
0xa9: {  	[dreg:$0x3] =	wrdreg s4  }
0xaa: {  	[dreg:$0x4] =	wrdreg $0xC0  }
0xab: {  	_ =	task [dreg:s6], $0x5FFFF  }
0xac: {  	[dreg:$0x1] =	wrdreg $0xFFFFFFFF  }
0xad: {  	[dreg:$0x0] =	wrdreg $0x60  }
0xae: {  	[dreg:$0x2] =	wrdreg s24  }
0xaf: {  	[dreg:$0x3] =	wrdreg $0x9  }
0xb0: {  	_ =	task.clear_ibuf [dreg:s6], $0x4FFFF;
	_ =	strace $0x9000004C  }
0xb1: {  	s29 =	simm.s32 $0x9;
	_ =	strace $0x8000004E  }
0xb2: {  	_ =	swait.ge [sflag:s29], $0x1  }
0xb3: {  	[sflag:s29] =	ssyncadd.s32 $0xFFFFFFFF  }
0xb4: {  	_ =	strace $0x9000004E  }
0xb5: {  	_ =	sfence  }
0xb6: {  	s30 =	sld [smem:$0x0];
	_ =	sdelay $0x2  }
0xb7: {  	s31 =	sshll.u32 s1, $0xD;
	s1 =	sshrl.u32 s1, $0x2  }
0xb8: {  	s3 =	sand.u32 $0x4000, s31;
	s1 =	sadd.s32 s1, s30  }
0xb9: {  	s0 =	sor.u32 s3, s0;
	s1 =	sshll.u32 s1, $0x11  }
0xba: {  	s0 =	sor.u32 s1, s0  }
0xbb: {  	s0 =	sadd.s32 $0x8F2B, s0  }
0xbc: {  	[sflag:s0] =	ssyncadd.remote.s32 $0x1  }
0xbd: {  	_ =	sfence.sel $0xFFFF  }
0xbe: {  	[dreg:$0x0] =	wrdreg $0xFFFFFFFF;
	(pc) =	sbr.abs _section_cstart, $3  }
0xbf: {  	[dreg:$0x1] =	wrdreg $0xFFFFFFFF  }
0xc0: {  	_ =	task.clear_ibuf [dreg:s6], $0x2FFFF;
	_ =	strace $0x9FFFFFFF  }
0xc1: {  	(tm) =	ssettm $0x7FFFFFFF  }
tec
execute0_lowered:
.L_overlay_start_1:
0x0: {  	(tag) =	ssettag $0x1  }
0x1: {  	s4 =	rddreg [dreg:$0x0]  }
0x2: {  	s0 =	rddreg [dreg:$0x1]  }
0x3: {  	s3 =	srdreg.scid;
	s1 =	stileid.u32;
	s2 =	simm.s32 $0x0  }
0x4: {  	s12 =	simm.s32 $0x18700;
	s13 =	simm.s32 $0x1;
	s14 =	simm.s32 $0x2  }
0x5: {  	s15 =	simm.s32 $0x19F80;
	s16 =	simm.s32 $0x3;
	s17 =	simm.s32 $0x4  }
0x6: {  	s18 =	simm.s32 $0x1B800;
	s5 =	sand.u32 $0x1, s3;
	s30 =	sshll.u32 s1, $0x1  }
0x7: {  	s19 =	simm.s32 $0x5;
	s20 =	simm.s32 $0x0;
	s6 =	sor.u32 s5, s30  }
0x8: {  	[smem:$0x7FF] =	sst s2;
	s3 =	sadd.s32 $0x1800, s4;
	s7 =	smul.u32 $0x188, s6  }
0x9: {  	s9 =	sadd.s32 $0x4A00, s4;
	s5 =	ssub.s32 $0x2, s5;
	s8 =	smul.u32 $0x6200, s6  }
0xa: {  	_ =	strace $0x8000004D;
	s10 =	sshrl.u32 s5, $0x1;
	s6 =	smul.u32 $0xC40, s6  }
0xb: {  	s10 =	ssub.s32 s5, s10;
	s11 =	sadd.s32 s7, s4;
	s31 =	sshrl.u32 s8, $0x3  }
0xc: {  	s5 =	sadd.s32 s9, s6;
	s10 =	smax.u32 s10, $0x1;
	s4 =	sadd.s32 $0x20400, s11  }
0xd: {  	s8 =	sadd.s32 s9, s31;
	s9 =	sadd.s32 $0x1D200, s11;
	s11 =	simm.s32 $0x1C480  }
0xe: {  	s6 =	sadd.s32 $0x310, s8;
	s7 =	sadd.s32 $0x620, s8;
	s8 =	sadd.s32 $0x930, s8  }
.LBB2_1:
0xf: {  	[tilespmem:s2], [sflag:$0x1] =	stream.linear.gather [hbm4b:s3+s2], $0x18700, $0x38;
	[tilespmem:$0x1D100] =	vst v63  }
0x10: {  	_ = 	snop  }
0x11: {  	[tilespmem:s11], [sflag:$0x2] =	stream.linear.gather [hbm4b:s4+s2], $0xC40, $0x38;
	[tilespmem:$0x1D100] =	vst v63  }
0x12: {  	_ = 	snop  }
0x13: {  	[tilespmem:s12], [sflag:$0x3] =	stream.linear.gather [hbm4b:s5+s2], $0x1880, $0x38;
	[tilespmem:$0x1D100] =	vst v63  }
0x14: {  	_ =	swait.ge [sflag:s13], $0x18700  }
0x15: {  	[sflag:s13] =	ssyncset.done $0x0  }
0x16: {  	[sflag:s13] =	ssyncadd.s32 $0xFFFE7900  }
0x17: {  	_ =	swait.ge [sflag:s14], $0xC40  }
0x18: {  	[sflag:s14] =	ssyncset.done $0x0  }
0x19: {  	[sflag:s14] =	ssyncadd.s32 $0xFFFFF3C0  }
0x1a: {  	[tilespmem:s15], [sflag:$0x4] =	stream.linear.gather [hbm4b:s6+s2], $0x1880, $0x38;
	[tilespmem:$0x1D100] =	vst v63  }
0x1b: {  	_ =	swait.ge [sflag:s16], $0x1880  }
0x1c: {  	[sflag:s16] =	ssyncset.done $0x0  }
0x1d: {  	s21 =	simm.s32 $0x0;
	[sflag:s16] =	ssyncadd.s32 $0xFFFFE780  }
0x1e: {  	v0 =	vld [tilespmem:s21+$0x18700]  }
0x1f: {  	v4 =	vld [tilespmem:s21+$0x18A10]  }
0x20: {  	v6 =	vld [tilespmem:s21+$0x18D20]  }
0x21: {  	v9 =	vld [tilespmem:s21+$0x19030]  }
0x22: {  	v11 =	vld [tilespmem:s21+$0x19340]  }
0x23: {  	v1 =	vld [tilespmem:s21+$0x19C70];
	v5 =	vand.u32 $0x1FFFF, v0  }
0x24: {  	v3 =	vld [tilespmem:s21+$0x19650];
	v7 =	vand.u32 $0x1FFFF, v4  }
0x25: {  	v2 =	vld [tilespmem:s21+$0x19960];
	v8 =	vand.u32 $0x1FFFF, v6  }
0x26: {  	v10 =	vand.u32 $0x1FFFF, v9  }
0x27: {  	v12 =	vand.u32 $0x1FFFF, v11  }
0x28: {  	v17 =	vand.u32 $0x1FFFF, v1;
	v13 =	vld.idx.msk [tilespmem:v5+s2+$0x0], $0xffff  }
0x29: {  	v5 =	vand.u32 $0x1FFFF, v3;
	v14 =	vld.idx.msk [tilespmem:v7+s2+$0x0], $0xffff  }
0x2a: {  	v15 =	vand.u32 $0x1FFFF, v2;
	v16 =	vld.idx.msk [tilespmem:v8+s2+$0x0], $0xffff  }
0x2b: {  	v10 =	vld.idx.msk [tilespmem:v10+s2+$0x0], $0xffff  }
0x2c: {  	v8 =	vld.idx.msk [tilespmem:v12+s2+$0x0], $0xffff  }
0x2d: {  	v62 =	vshra.s32 v6, $0x11;
	v6 =	vld.idx.msk [tilespmem:v17+s2+$0x0], $0xffff  }
0x2e: {  	v0 =	vshra.s32 v0, $0x11;
	v4 =	vshra.s32 v4, $0x11;
	v7 =	vld.idx.msk [tilespmem:v5+s2+$0x0], $0xffff  }
0x2f: {  	v5 =	vld.idx.msk [tilespmem:v15+s2+$0x0], $0xffff;
	v0 =	vshrl.u32 v13, v0;
	v4 =	vshrl.u32 v14, v4  }
0x30: {  	s22 =	simm.s32 $0x10;
	v63 =	vshra.s32 v9, $0x11;
	v12 =	vshrl.u32 v16, v62;
	v13 =	vor.u32 v0, v4;
	v4 =	vld [tilespmem:s21+$0x1C480]  }
0x31: {  	s23 =	simm.s32 $0x80;
	v11 =	vshra.s32 v11, $0x11;
	v10 =	vshrl.u32 v10, v63;
	v0 =	vld [tilespmem:s22+$0x18700];
	v9 =	vor.u32 v12, v13  }
.LBB2_2:
0x32: {  	p0 =	sne.s32 s23, $0xC00;
	v12 =	vld [tilespmem:s22+$0x18A10];
	v9 =	vor.u32 v10, v9;
	v8 =	vshrl.u32 v8, v11;
	v3 =	vshra.s32 v3, $0x11  }
0x33: {  	v2 =	vshra.s32 v2, $0x11;
	v10 =	vld [tilespmem:s22+$0x18D20];
	v8 =	vor.u32 v8, v9;
	v3 =	vshrl.u32 v7, v3  }
0x34: {  	v1 =	vshra.s32 v1, $0x11;
	v2 =	vshrl.u32 v5, v2;
	v9 =	vld [tilespmem:s22+$0x19030];
	v3 =	vor.u32 v3, v8  }
0x35: {  	v1 =	vshrl.u32 v6, v1;
	v11 =	vld [tilespmem:s22+$0x19340];
	v2 =	vor.u32 v2, v3  }
0x36: {  	v5 =	vand.u32 $0x1FFFF, v0;
	v3 =	vld [tilespmem:s22+$0x19650];
	v1 =	vor.u32 v1, v2  }
0x37: {  	v6 =	vand.u32 $0x1FFFF, v12;
	v2 =	vld [tilespmem:s22+$0x19960];
	v7 =	vand.u32 $0x1, v1  }
0x38: {  	v8 =	vand.u32 $0x1FFFF, v10;
	v1 =	vld [tilespmem:s22+$0x19C70];
	vm0 =	veq.s32 v7, $0x0  }
0x39: {  	v7 =	vand.u32 $0x1FFFF, v9;
	v4 =	vsel vm0, $0x0, v4  }
0x3a: {  	v13 =	vand.u32 $0x1FFFF, v11;
	[tilespmem:s21+$0x1B800] =	vst v4;
	s21 =	smov.u32 s22  }
0x3b: {  	v4 =	vld.idx.msk [tilespmem:v5+s2+$0x0], $0xffff;
	v5 =	vand.u32 $0x1FFFF, v3  }
0x3c: {  	v6 =	vld.idx.msk [tilespmem:v6+s2+$0x0], $0xffff;
	v14 =	vand.u32 $0x1FFFF, v2  }
0x3d: {  	v15 =	vld.idx.msk [tilespmem:v8+s2+$0x0], $0xffff;
	v16 =	vand.u32 $0x1FFFF, v1  }
0x3e: {  	v17 =	vld.idx.msk [tilespmem:v7+s2+$0x0], $0xffff  }
0x3f: {  	v8 =	vld.idx.msk [tilespmem:v13+s2+$0x0], $0xffff  }
.Ltmp0:
0x40: {  	v7 =	vld.idx.msk [tilespmem:v5+s2+$0x0], $0xffff;
	(pc) =	sbr.rel @p0 .LBB2_2-.Ltmp0, $4  }
0x41: {  	v0 =	vshra.s32 v0, $0x11;
	v12 =	vshra.s32 v12, $0x11;
	v5 =	vld.idx.msk [tilespmem:v14+s2+$0x0], $0xffff  }
0x42: {  	v10 =	vshra.s32 v10, $0x11;
	v0 =	vshrl.u32 v4, v0;
	v4 =	vshrl.u32 v6, v12;
	v6 =	vld.idx.msk [tilespmem:v16+s2+$0x0], $0xffff  }
0x43: {  	s22 =	sshra.s32 s23, $0x2;
	v13 =	vshra.s32 v9, $0x11;
	v12 =	vor.u32 v0, v4;
	v10 =	vshrl.u32 v15, v10;
	v4 =	vld [tilespmem:s21+$0x1C480]  }
0x44: {  	s23 =	sadd.s32 $0x40, s23;
	v11 =	vshra.s32 v11, $0x11;
	v9 =	vor.u32 v10, v12;
	v10 =	vshrl.u32 v17, v13;
	v0 =	vld [tilespmem:s22+$0x18700]  }
0x45: {  	v12 =	vld [tilespmem:s22+$0x18A10];
	v9 =	vor.u32 v10, v9;
	v8 =	vshrl.u32 v8, v11;
	v3 =	vshra.s32 v3, $0x11  }
0x46: {  	v10 =	vld [tilespmem:s22+$0x18D20];
	v2 =	vshra.s32 v2, $0x11;
	v8 =	vor.u32 v8, v9;
	v3 =	vshrl.u32 v7, v3  }
0x47: {  	v1 =	vshra.s32 v1, $0x11;
	v7 =	vld [tilespmem:s22+$0x19030];
	v2 =	vshrl.u32 v5, v2;
	v3 =	vor.u32 v3, v8  }
0x48: {  	v5 =	vld [tilespmem:s22+$0x19340];
	v1 =	vshrl.u32 v6, v1;
	v2 =	vor.u32 v2, v3  }
0x49: {  	v6 =	vld [tilespmem:s22+$0x19650];
	v3 =	vand.u32 $0x1FFFF, v0;
	v1 =	vor.u32 v1, v2  }
0x4a: {  	v8 =	vld [tilespmem:s22+$0x19960];
	v2 =	vand.u32 $0x1FFFF, v12;
	v1 =	vand.u32 $0x1, v1  }
0x4b: {  	v11 =	vld [tilespmem:s22+$0x19C70];
	v9 =	vand.u32 $0x1FFFF, v10;
	vm0 =	veq.s32 v1, $0x0  }
0x4c: {  	v1 =	vand.u32 $0x1FFFF, v7;
	v4 =	vsel vm0, $0x0, v4  }
0x4d: {  	v13 =	vand.u32 $0x1FFFF, v5;
	[tilespmem:s21+$0x1B800] =	vst v4  }
0x4e: {  	v4 =	vand.u32 $0x1FFFF, v6;
	v3 =	vld.idx.msk [tilespmem:v3+s2+$0x0], $0xffff  }
0x4f: {  	v14 =	vand.u32 $0x1FFFF, v8;
	v2 =	vld.idx.msk [tilespmem:v2+s2+$0x0], $0xffff  }
0x50: {  	v15 =	vand.u32 $0x1FFFF, v11;
	v9 =	vld.idx.msk [tilespmem:v9+s2+$0x0], $0xffff  }
0x51: {  	v1 =	vld.idx.msk [tilespmem:v1+s2+$0x0], $0xffff  }
0x52: {  	v13 =	vld.idx.msk [tilespmem:v13+s2+$0x0], $0xffff  }
0x53: {  	v0 =	vshra.s32 v0, $0x11;
	v12 =	vshra.s32 v12, $0x11;
	v4 =	vld.idx.msk [tilespmem:v4+s2+$0x0], $0xffff  }
0x54: {  	v14 =	vld.idx.msk [tilespmem:v14+s2+$0x0], $0xffff;
	v0 =	vshrl.u32 v3, v0;
	v3 =	vshra.s32 v10, $0x11;
	v2 =	vshrl.u32 v2, v12  }
0x55: {  	v10 =	vld.idx.msk [tilespmem:v15+s2+$0x0], $0xffff;
	v0 =	vor.u32 v0, v2;
	v2 =	vshrl.u32 v9, v3;
	v3 =	vshra.s32 v7, $0x11  }
0x56: {  	v0 =	vor.u32 v2, v0;
	v1 =	vshrl.u32 v1, v3;
	v2 =	vshra.s32 v5, $0x11  }
0x57: {  	v0 =	vor.u32 v1, v0;
	v1 =	vshrl.u32 v13, v2;
	v2 =	vshra.s32 v6, $0x11  }
0x58: {  	v0 =	vor.u32 v1, v0;
	v1 =	vshrl.u32 v4, v2;
	v2 =	vshra.s32 v8, $0x11  }
0x59: {  	v3 =	vld [tilespmem:s22+$0x1C480];
	v0 =	vor.u32 v1, v0;
	v1 =	vshrl.u32 v14, v2;
	v2 =	vshra.s32 v11, $0x11  }
0x5a: {  	v0 =	vor.u32 v1, v0;
	v1 =	vshrl.u32 v10, v2  }
0x5b: {  	v0 =	vor.u32 v1, v0  }
0x5c: {  	v0 =	vand.u32 $0x1, v0  }
0x5d: {  	vm15 =	veq.s32 v0, $0x0  }
0x5e: {  	v0 =	vsel vm15, $0x0, v3  }
0x5f: {  	s31 =	simm.s32 $0x0;
	[tilespmem:s22+$0x1B800] =	vst v0  }
0x60: {  	[tilespmem:s12], [sflag:$0x3] =	stream.linear.gather [hbm4b:s7+s31], $0x1880, $0x38;
	[tilespmem:$0x1D100] =	vst v63  }
0x61: {  	_ =	swait.ge [sflag:s17], $0x1880  }
0x62: {  	[sflag:s17] =	ssyncset.done $0x0  }
0x63: {  	s21 =	simm.s32 $0x0;
	[sflag:s17] =	ssyncadd.s32 $0xFFFFE780  }
0x64: {  	v0 =	vld [tilespmem:s21+$0x19F80]  }
0x65: {  	v4 =	vld [tilespmem:s21+$0x1A290]  }
0x66: {  	v6 =	vld [tilespmem:s21+$0x1A5A0]  }
0x67: {  	v9 =	vld [tilespmem:s21+$0x1A8B0]  }
0x68: {  	v11 =	vld [tilespmem:s21+$0x1ABC0]  }
0x69: {  	v1 =	vld [tilespmem:s21+$0x1B4F0];
	v5 =	vand.u32 $0x1FFFF, v0  }
0x6a: {  	v3 =	vld [tilespmem:s21+$0x1AED0];
	v7 =	vand.u32 $0x1FFFF, v4  }
0x6b: {  	v2 =	vld [tilespmem:s21+$0x1B1E0];
	v8 =	vand.u32 $0x1FFFF, v6  }
0x6c: {  	v10 =	vand.u32 $0x1FFFF, v9  }
0x6d: {  	v58 =	vand.u32 $0x1FFFF, v11  }
0x6e: {  	v17 =	vand.u32 $0x1FFFF, v1;
	v59 =	vld.idx.msk [tilespmem:v5+s2+$0x0], $0xffff  }
0x6f: {  	v5 =	vand.u32 $0x1FFFF, v3;
	v60 =	vld.idx.msk [tilespmem:v7+s2+$0x0], $0xffff  }
0x70: {  	v61 =	vand.u32 $0x1FFFF, v2;
	v16 =	vld.idx.msk [tilespmem:v8+s2+$0x0], $0xffff  }
0x71: {  	v10 =	vld.idx.msk [tilespmem:v10+s2+$0x0], $0xffff  }
0x72: {  	v8 =	vld.idx.msk [tilespmem:v58+s2+$0x0], $0xffff  }
0x73: {  	v62 =	vshra.s32 v6, $0x11;
	v6 =	vld.idx.msk [tilespmem:v17+s2+$0x0], $0xffff  }
0x74: {  	v0 =	vshra.s32 v0, $0x11;
	v4 =	vshra.s32 v4, $0x11;
	v7 =	vld.idx.msk [tilespmem:v5+s2+$0x0], $0xffff  }
0x75: {  	v5 =	vld.idx.msk [tilespmem:v61+s2+$0x0], $0xffff;
	v0 =	vshrl.u32 v59, v0;
	v4 =	vshrl.u32 v60, v4  }
0x76: {  	s22 =	simm.s32 $0x10;
	v63 =	vshra.s32 v9, $0x11;
	v12 =	vshrl.u32 v16, v62;
	v13 =	vor.u32 v0, v4;
	v4 =	vld [tilespmem:s21+$0x1C790]  }
0x77: {  	s23 =	simm.s32 $0x80;
	v11 =	vshra.s32 v11, $0x11;
	v10 =	vshrl.u32 v10, v63;
	v0 =	vld [tilespmem:s22+$0x19F80];
	v9 =	vor.u32 v12, v13  }
.LBB2_4:
0x78: {  	p0 =	sne.s32 s23, $0xC00;
	v12 =	vld [tilespmem:s22+$0x1A290];
	v9 =	vor.u32 v10, v9;
	v8 =	vshrl.u32 v8, v11;
	v3 =	vshra.s32 v3, $0x11  }
0x79: {  	v2 =	vshra.s32 v2, $0x11;
	v10 =	vld [tilespmem:s22+$0x1A5A0];
	v8 =	vor.u32 v8, v9;
	v3 =	vshrl.u32 v7, v3  }
0x7a: {  	v1 =	vshra.s32 v1, $0x11;
	v2 =	vshrl.u32 v5, v2;
	v9 =	vld [tilespmem:s22+$0x1A8B0];
	v3 =	vor.u32 v3, v8  }
0x7b: {  	v1 =	vshrl.u32 v6, v1;
	v11 =	vld [tilespmem:s22+$0x1ABC0];
	v2 =	vor.u32 v2, v3  }
0x7c: {  	v5 =	vand.u32 $0x1FFFF, v0;
	v3 =	vld [tilespmem:s22+$0x1AED0];
	v1 =	vor.u32 v1, v2  }
0x7d: {  	v6 =	vand.u32 $0x1FFFF, v12;
	v2 =	vld [tilespmem:s22+$0x1B1E0];
	v7 =	vand.u32 $0x1, v1  }
0x7e: {  	v8 =	vand.u32 $0x1FFFF, v10;
	v1 =	vld [tilespmem:s22+$0x1B4F0];
	vm0 =	veq.s32 v7, $0x0  }
0x7f: {  	v7 =	vand.u32 $0x1FFFF, v9;
	v4 =	vsel vm0, $0x0, v4  }
0x80: {  	v13 =	vand.u32 $0x1FFFF, v11;
	[tilespmem:s21+$0x1BB10] =	vst v4;
	s21 =	smov.u32 s22  }
0x81: {  	v4 =	vld.idx.msk [tilespmem:v5+s2+$0x0], $0xffff;
	v5 =	vand.u32 $0x1FFFF, v3  }
0x82: {  	v6 =	vld.idx.msk [tilespmem:v6+s2+$0x0], $0xffff;
	v14 =	vand.u32 $0x1FFFF, v2  }
0x83: {  	v15 =	vld.idx.msk [tilespmem:v8+s2+$0x0], $0xffff;
	v16 =	vand.u32 $0x1FFFF, v1  }
0x84: {  	v17 =	vld.idx.msk [tilespmem:v7+s2+$0x0], $0xffff  }
0x85: {  	v8 =	vld.idx.msk [tilespmem:v13+s2+$0x0], $0xffff  }
.Ltmp1:
0x86: {  	v7 =	vld.idx.msk [tilespmem:v5+s2+$0x0], $0xffff;
	(pc) =	sbr.rel @p0 .LBB2_4-.Ltmp1, $4  }
0x87: {  	v0 =	vshra.s32 v0, $0x11;
	v12 =	vshra.s32 v12, $0x11;
	v5 =	vld.idx.msk [tilespmem:v14+s2+$0x0], $0xffff  }
0x88: {  	v10 =	vshra.s32 v10, $0x11;
	v0 =	vshrl.u32 v4, v0;
	v4 =	vshrl.u32 v6, v12;
	v6 =	vld.idx.msk [tilespmem:v16+s2+$0x0], $0xffff  }
0x89: {  	s22 =	sshra.s32 s23, $0x2;
	v13 =	vshra.s32 v9, $0x11;
	v12 =	vor.u32 v0, v4;
	v10 =	vshrl.u32 v15, v10;
	v4 =	vld [tilespmem:s21+$0x1C790]  }
0x8a: {  	s23 =	sadd.s32 $0x40, s23;
	v11 =	vshra.s32 v11, $0x11;
	v9 =	vor.u32 v10, v12;
	v10 =	vshrl.u32 v17, v13;
	v0 =	vld [tilespmem:s22+$0x19F80]  }
0x8b: {  	v12 =	vld [tilespmem:s22+$0x1A290];
	v9 =	vor.u32 v10, v9;
	v8 =	vshrl.u32 v8, v11;
	v3 =	vshra.s32 v3, $0x11  }
0x8c: {  	v10 =	vld [tilespmem:s22+$0x1A5A0];
	v2 =	vshra.s32 v2, $0x11;
	v8 =	vor.u32 v8, v9;
	v3 =	vshrl.u32 v7, v3  }
0x8d: {  	v1 =	vshra.s32 v1, $0x11;
	v7 =	vld [tilespmem:s22+$0x1A8B0];
	v2 =	vshrl.u32 v5, v2;
	v3 =	vor.u32 v3, v8  }
0x8e: {  	v5 =	vld [tilespmem:s22+$0x1ABC0];
	v1 =	vshrl.u32 v6, v1;
	v2 =	vor.u32 v2, v3  }
0x8f: {  	v6 =	vld [tilespmem:s22+$0x1AED0];
	v3 =	vand.u32 $0x1FFFF, v0;
	v1 =	vor.u32 v1, v2  }
0x90: {  	v8 =	vld [tilespmem:s22+$0x1B1E0];
	v2 =	vand.u32 $0x1FFFF, v12;
	v1 =	vand.u32 $0x1, v1  }
0x91: {  	v11 =	vld [tilespmem:s22+$0x1B4F0];
	v9 =	vand.u32 $0x1FFFF, v10;
	vm0 =	veq.s32 v1, $0x0  }
0x92: {  	v1 =	vand.u32 $0x1FFFF, v7;
	v4 =	vsel vm0, $0x0, v4  }
0x93: {  	v13 =	vand.u32 $0x1FFFF, v5;
	[tilespmem:s21+$0x1BB10] =	vst v4  }
0x94: {  	v4 =	vand.u32 $0x1FFFF, v6;
	v3 =	vld.idx.msk [tilespmem:v3+s2+$0x0], $0xffff  }
0x95: {  	v14 =	vand.u32 $0x1FFFF, v8;
	v2 =	vld.idx.msk [tilespmem:v2+s2+$0x0], $0xffff  }
0x96: {  	v15 =	vand.u32 $0x1FFFF, v11;
	v9 =	vld.idx.msk [tilespmem:v9+s2+$0x0], $0xffff  }
0x97: {  	v1 =	vld.idx.msk [tilespmem:v1+s2+$0x0], $0xffff  }
0x98: {  	v13 =	vld.idx.msk [tilespmem:v13+s2+$0x0], $0xffff  }
0x99: {  	v0 =	vshra.s32 v0, $0x11;
	v12 =	vshra.s32 v12, $0x11;
	v4 =	vld.idx.msk [tilespmem:v4+s2+$0x0], $0xffff  }
0x9a: {  	v14 =	vld.idx.msk [tilespmem:v14+s2+$0x0], $0xffff;
	v0 =	vshrl.u32 v3, v0;
	v3 =	vshra.s32 v10, $0x11;
	v2 =	vshrl.u32 v2, v12  }
0x9b: {  	v10 =	vld.idx.msk [tilespmem:v15+s2+$0x0], $0xffff;
	v0 =	vor.u32 v0, v2;
	v2 =	vshrl.u32 v9, v3;
	v3 =	vshra.s32 v7, $0x11  }
0x9c: {  	v0 =	vor.u32 v2, v0;
	v1 =	vshrl.u32 v1, v3;
	v2 =	vshra.s32 v5, $0x11  }
0x9d: {  	v0 =	vor.u32 v1, v0;
	v1 =	vshrl.u32 v13, v2;
	v2 =	vshra.s32 v6, $0x11  }
0x9e: {  	v0 =	vor.u32 v1, v0;
	v1 =	vshrl.u32 v4, v2;
	v2 =	vshra.s32 v8, $0x11  }
0x9f: {  	v3 =	vld [tilespmem:s22+$0x1C790];
	v0 =	vor.u32 v1, v0;
	v1 =	vshrl.u32 v14, v2;
	v2 =	vshra.s32 v11, $0x11  }
0xa0: {  	v0 =	vor.u32 v1, v0;
	v1 =	vshrl.u32 v10, v2  }
0xa1: {  	v0 =	vor.u32 v1, v0  }
0xa2: {  	v0 =	vand.u32 $0x1, v0  }
0xa3: {  	vm15 =	veq.s32 v0, $0x0  }
0xa4: {  	v0 =	vsel vm15, $0x0, v3  }
0xa5: {  	s31 =	simm.s32 $0x0;
	[tilespmem:s22+$0x1BB10] =	vst v0  }
0xa6: {  	[tilespmem:s15], [sflag:$0x4] =	stream.linear.gather [hbm4b:s8+s31], $0x1880, $0x38;
	[tilespmem:$0x1D100] =	vst v63  }
0xa7: {  	_ =	swait.ge [sflag:s16], $0x1880  }
0xa8: {  	[sflag:s16] =	ssyncset.done $0x0  }
0xa9: {  	s21 =	simm.s32 $0x0;
	[sflag:s16] =	ssyncadd.s32 $0xFFFFE780  }
0xaa: {  	v0 =	vld [tilespmem:s21+$0x18700]  }
0xab: {  	v4 =	vld [tilespmem:s21+$0x18A10]  }
0xac: {  	v6 =	vld [tilespmem:s21+$0x18D20]  }
0xad: {  	v9 =	vld [tilespmem:s21+$0x19030]  }
0xae: {  	v11 =	vld [tilespmem:s21+$0x19340]  }
0xaf: {  	v1 =	vld [tilespmem:s21+$0x19C70];
	v5 =	vand.u32 $0x1FFFF, v0  }
0xb0: {  	v3 =	vld [tilespmem:s21+$0x19650];
	v7 =	vand.u32 $0x1FFFF, v4  }
0xb1: {  	v2 =	vld [tilespmem:s21+$0x19960];
	v8 =	vand.u32 $0x1FFFF, v6  }
0xb2: {  	v10 =	vand.u32 $0x1FFFF, v9  }
0xb3: {  	v58 =	vand.u32 $0x1FFFF, v11  }
0xb4: {  	v17 =	vand.u32 $0x1FFFF, v1;
	v59 =	vld.idx.msk [tilespmem:v5+s2+$0x0], $0xffff  }
0xb5: {  	v5 =	vand.u32 $0x1FFFF, v3;
	v60 =	vld.idx.msk [tilespmem:v7+s2+$0x0], $0xffff  }
0xb6: {  	v61 =	vand.u32 $0x1FFFF, v2;
	v16 =	vld.idx.msk [tilespmem:v8+s2+$0x0], $0xffff  }
0xb7: {  	v10 =	vld.idx.msk [tilespmem:v10+s2+$0x0], $0xffff  }
0xb8: {  	v8 =	vld.idx.msk [tilespmem:v58+s2+$0x0], $0xffff  }
0xb9: {  	v62 =	vshra.s32 v6, $0x11;
	v6 =	vld.idx.msk [tilespmem:v17+s2+$0x0], $0xffff  }
0xba: {  	v0 =	vshra.s32 v0, $0x11;
	v4 =	vshra.s32 v4, $0x11;
	v7 =	vld.idx.msk [tilespmem:v5+s2+$0x0], $0xffff  }
0xbb: {  	v5 =	vld.idx.msk [tilespmem:v61+s2+$0x0], $0xffff;
	v0 =	vshrl.u32 v59, v0;
	v4 =	vshrl.u32 v60, v4  }
0xbc: {  	s22 =	simm.s32 $0x10;
	v63 =	vshra.s32 v9, $0x11;
	v12 =	vshrl.u32 v16, v62;
	v13 =	vor.u32 v0, v4;
	v4 =	vld [tilespmem:s21+$0x1CAA0]  }
0xbd: {  	s23 =	simm.s32 $0x80;
	v11 =	vshra.s32 v11, $0x11;
	v10 =	vshrl.u32 v10, v63;
	v0 =	vld [tilespmem:s22+$0x18700];
	v9 =	vor.u32 v12, v13  }
.LBB2_6:
0xbe: {  	p0 =	sne.s32 s23, $0xC00;
	v12 =	vld [tilespmem:s22+$0x18A10];
	v9 =	vor.u32 v10, v9;
	v8 =	vshrl.u32 v8, v11;
	v3 =	vshra.s32 v3, $0x11  }
0xbf: {  	v2 =	vshra.s32 v2, $0x11;
	v10 =	vld [tilespmem:s22+$0x18D20];
	v8 =	vor.u32 v8, v9;
	v3 =	vshrl.u32 v7, v3  }
0xc0: {  	v1 =	vshra.s32 v1, $0x11;
	v2 =	vshrl.u32 v5, v2;
	v9 =	vld [tilespmem:s22+$0x19030];
	v3 =	vor.u32 v3, v8  }
0xc1: {  	v1 =	vshrl.u32 v6, v1;
	v11 =	vld [tilespmem:s22+$0x19340];
	v2 =	vor.u32 v2, v3  }
0xc2: {  	v5 =	vand.u32 $0x1FFFF, v0;
	v3 =	vld [tilespmem:s22+$0x19650];
	v1 =	vor.u32 v1, v2  }
0xc3: {  	v6 =	vand.u32 $0x1FFFF, v12;
	v2 =	vld [tilespmem:s22+$0x19960];
	v7 =	vand.u32 $0x1, v1  }
0xc4: {  	v8 =	vand.u32 $0x1FFFF, v10;
	v1 =	vld [tilespmem:s22+$0x19C70];
	vm0 =	veq.s32 v7, $0x0  }
0xc5: {  	v7 =	vand.u32 $0x1FFFF, v9;
	v4 =	vsel vm0, $0x0, v4  }
0xc6: {  	v13 =	vand.u32 $0x1FFFF, v11;
	[tilespmem:s21+$0x1BE20] =	vst v4;
	s21 =	smov.u32 s22  }
0xc7: {  	v4 =	vld.idx.msk [tilespmem:v5+s2+$0x0], $0xffff;
	v5 =	vand.u32 $0x1FFFF, v3  }
0xc8: {  	v6 =	vld.idx.msk [tilespmem:v6+s2+$0x0], $0xffff;
	v14 =	vand.u32 $0x1FFFF, v2  }
0xc9: {  	v15 =	vld.idx.msk [tilespmem:v8+s2+$0x0], $0xffff;
	v16 =	vand.u32 $0x1FFFF, v1  }
0xca: {  	v17 =	vld.idx.msk [tilespmem:v7+s2+$0x0], $0xffff  }
0xcb: {  	v8 =	vld.idx.msk [tilespmem:v13+s2+$0x0], $0xffff  }
.Ltmp2:
0xcc: {  	v7 =	vld.idx.msk [tilespmem:v5+s2+$0x0], $0xffff;
	(pc) =	sbr.rel @p0 .LBB2_6-.Ltmp2, $4  }
0xcd: {  	v0 =	vshra.s32 v0, $0x11;
	v12 =	vshra.s32 v12, $0x11;
	v5 =	vld.idx.msk [tilespmem:v14+s2+$0x0], $0xffff  }
0xce: {  	v10 =	vshra.s32 v10, $0x11;
	v0 =	vshrl.u32 v4, v0;
	v4 =	vshrl.u32 v6, v12;
	v6 =	vld.idx.msk [tilespmem:v16+s2+$0x0], $0xffff  }
0xcf: {  	s22 =	sshra.s32 s23, $0x2;
	v13 =	vshra.s32 v9, $0x11;
	v12 =	vor.u32 v0, v4;
	v10 =	vshrl.u32 v15, v10;
	v4 =	vld [tilespmem:s21+$0x1CAA0]  }
0xd0: {  	s23 =	sadd.s32 $0x40, s23;
	v11 =	vshra.s32 v11, $0x11;
	v9 =	vor.u32 v10, v12;
	v10 =	vshrl.u32 v17, v13;
	v0 =	vld [tilespmem:s22+$0x18700]  }
0xd1: {  	v12 =	vld [tilespmem:s22+$0x18A10];
	v9 =	vor.u32 v10, v9;
	v8 =	vshrl.u32 v8, v11;
	v3 =	vshra.s32 v3, $0x11  }
0xd2: {  	v10 =	vld [tilespmem:s22+$0x18D20];
	v2 =	vshra.s32 v2, $0x11;
	v8 =	vor.u32 v8, v9;
	v3 =	vshrl.u32 v7, v3  }
0xd3: {  	v1 =	vshra.s32 v1, $0x11;
	v7 =	vld [tilespmem:s22+$0x19030];
	v2 =	vshrl.u32 v5, v2;
	v3 =	vor.u32 v3, v8  }
0xd4: {  	v5 =	vld [tilespmem:s22+$0x19340];
	v1 =	vshrl.u32 v6, v1;
	v2 =	vor.u32 v2, v3  }
0xd5: {  	v6 =	vld [tilespmem:s22+$0x19650];
	v3 =	vand.u32 $0x1FFFF, v0;
	v1 =	vor.u32 v1, v2  }
0xd6: {  	v8 =	vld [tilespmem:s22+$0x19960];
	v2 =	vand.u32 $0x1FFFF, v12;
	v1 =	vand.u32 $0x1, v1  }
0xd7: {  	v11 =	vld [tilespmem:s22+$0x19C70];
	v9 =	vand.u32 $0x1FFFF, v10;
	vm0 =	veq.s32 v1, $0x0  }
0xd8: {  	v1 =	vand.u32 $0x1FFFF, v7;
	v4 =	vsel vm0, $0x0, v4  }
0xd9: {  	v13 =	vand.u32 $0x1FFFF, v5;
	[tilespmem:s21+$0x1BE20] =	vst v4  }
0xda: {  	v4 =	vand.u32 $0x1FFFF, v6;
	v3 =	vld.idx.msk [tilespmem:v3+s2+$0x0], $0xffff  }
0xdb: {  	v14 =	vand.u32 $0x1FFFF, v8;
	v2 =	vld.idx.msk [tilespmem:v2+s2+$0x0], $0xffff  }
0xdc: {  	v15 =	vand.u32 $0x1FFFF, v11;
	v9 =	vld.idx.msk [tilespmem:v9+s2+$0x0], $0xffff  }
0xdd: {  	v1 =	vld.idx.msk [tilespmem:v1+s2+$0x0], $0xffff  }
0xde: {  	v13 =	vld.idx.msk [tilespmem:v13+s2+$0x0], $0xffff  }
0xdf: {  	v0 =	vshra.s32 v0, $0x11;
	v12 =	vshra.s32 v12, $0x11;
	v4 =	vld.idx.msk [tilespmem:v4+s2+$0x0], $0xffff  }
0xe0: {  	v14 =	vld.idx.msk [tilespmem:v14+s2+$0x0], $0xffff;
	v0 =	vshrl.u32 v3, v0;
	v3 =	vshra.s32 v10, $0x11;
	v2 =	vshrl.u32 v2, v12  }
0xe1: {  	v10 =	vld.idx.msk [tilespmem:v15+s2+$0x0], $0xffff;
	v0 =	vor.u32 v0, v2;
	v2 =	vshrl.u32 v9, v3;
	v3 =	vshra.s32 v7, $0x11  }
0xe2: {  	v0 =	vor.u32 v2, v0;
	v1 =	vshrl.u32 v1, v3;
	v2 =	vshra.s32 v5, $0x11  }
0xe3: {  	v0 =	vor.u32 v1, v0;
	v1 =	vshrl.u32 v13, v2;
	v2 =	vshra.s32 v6, $0x11  }
0xe4: {  	v0 =	vor.u32 v1, v0;
	v1 =	vshrl.u32 v4, v2;
	v2 =	vshra.s32 v8, $0x11  }
0xe5: {  	v3 =	vld [tilespmem:s22+$0x1CAA0];
	v0 =	vor.u32 v1, v0;
	v1 =	vshrl.u32 v14, v2;
	v2 =	vshra.s32 v11, $0x11  }
0xe6: {  	v0 =	vor.u32 v1, v0;
	v1 =	vshrl.u32 v10, v2  }
0xe7: {  	v0 =	vor.u32 v1, v0  }
0xe8: {  	v0 =	vand.u32 $0x1, v0  }
0xe9: {  	vm15 =	veq.s32 v0, $0x0  }
0xea: {  	v0 =	vsel vm15, $0x0, v3  }
0xeb: {  	[tilespmem:s22+$0x1BE20] =	vst v0  }
0xec: {  	_ =	swait.ge [sflag:s17], $0x1880  }
0xed: {  	[sflag:s17] =	ssyncset.done $0x0  }
0xee: {  	s21 =	simm.s32 $0x0;
	[sflag:s17] =	ssyncadd.s32 $0xFFFFE780  }
0xef: {  	v0 =	vld [tilespmem:s21+$0x19F80]  }
0xf0: {  	v4 =	vld [tilespmem:s21+$0x1A290]  }
0xf1: {  	v6 =	vld [tilespmem:s21+$0x1A5A0]  }
0xf2: {  	v9 =	vld [tilespmem:s21+$0x1A8B0]  }
0xf3: {  	v11 =	vld [tilespmem:s21+$0x1ABC0]  }
0xf4: {  	v1 =	vld [tilespmem:s21+$0x1B4F0];
	v5 =	vand.u32 $0x1FFFF, v0  }
0xf5: {  	v3 =	vld [tilespmem:s21+$0x1AED0];
	v7 =	vand.u32 $0x1FFFF, v4  }
0xf6: {  	v2 =	vld [tilespmem:s21+$0x1B1E0];
	v8 =	vand.u32 $0x1FFFF, v6  }
0xf7: {  	v10 =	vand.u32 $0x1FFFF, v9  }
0xf8: {  	v58 =	vand.u32 $0x1FFFF, v11  }
0xf9: {  	v17 =	vand.u32 $0x1FFFF, v1;
	v59 =	vld.idx.msk [tilespmem:v5+s2+$0x0], $0xffff  }
0xfa: {  	v5 =	vand.u32 $0x1FFFF, v3;
	v60 =	vld.idx.msk [tilespmem:v7+s2+$0x0], $0xffff  }
0xfb: {  	v61 =	vand.u32 $0x1FFFF, v2;
	v16 =	vld.idx.msk [tilespmem:v8+s2+$0x0], $0xffff  }
0xfc: {  	v10 =	vld.idx.msk [tilespmem:v10+s2+$0x0], $0xffff  }
0xfd: {  	v8 =	vld.idx.msk [tilespmem:v58+s2+$0x0], $0xffff  }
0xfe: {  	v62 =	vshra.s32 v6, $0x11;
	v6 =	vld.idx.msk [tilespmem:v17+s2+$0x0], $0xffff  }
0xff: {  	v0 =	vshra.s32 v0, $0x11;
	v4 =	vshra.s32 v4, $0x11;
	v7 =	vld.idx.msk [tilespmem:v5+s2+$0x0], $0xffff  }
0x100: {  	v5 =	vld.idx.msk [tilespmem:v61+s2+$0x0], $0xffff;
	v0 =	vshrl.u32 v59, v0;
	v4 =	vshrl.u32 v60, v4  }
0x101: {  	s22 =	simm.s32 $0x10;
	v63 =	vshra.s32 v9, $0x11;
	v12 =	vshrl.u32 v16, v62;
	v13 =	vor.u32 v0, v4;
	v4 =	vld [tilespmem:s21+$0x1CDB0]  }
0x102: {  	s23 =	simm.s32 $0x80;
	v11 =	vshra.s32 v11, $0x11;
	v10 =	vshrl.u32 v10, v63;
	v0 =	vld [tilespmem:s22+$0x19F80];
	v9 =	vor.u32 v12, v13  }
.LBB2_8:
0x103: {  	p0 =	sne.s32 s23, $0xC00;
	v12 =	vld [tilespmem:s22+$0x1A290];
	v9 =	vor.u32 v10, v9;
	v8 =	vshrl.u32 v8, v11;
	v3 =	vshra.s32 v3, $0x11  }
0x104: {  	v2 =	vshra.s32 v2, $0x11;
	v10 =	vld [tilespmem:s22+$0x1A5A0];
	v8 =	vor.u32 v8, v9;
	v3 =	vshrl.u32 v7, v3  }
0x105: {  	v1 =	vshra.s32 v1, $0x11;
	v2 =	vshrl.u32 v5, v2;
	v9 =	vld [tilespmem:s22+$0x1A8B0];
	v3 =	vor.u32 v3, v8  }
0x106: {  	v1 =	vshrl.u32 v6, v1;
	v11 =	vld [tilespmem:s22+$0x1ABC0];
	v2 =	vor.u32 v2, v3  }
0x107: {  	v5 =	vand.u32 $0x1FFFF, v0;
	v3 =	vld [tilespmem:s22+$0x1AED0];
	v1 =	vor.u32 v1, v2  }
0x108: {  	v6 =	vand.u32 $0x1FFFF, v12;
	v2 =	vld [tilespmem:s22+$0x1B1E0];
	v7 =	vand.u32 $0x1, v1  }
0x109: {  	v8 =	vand.u32 $0x1FFFF, v10;
	v1 =	vld [tilespmem:s22+$0x1B4F0];
	vm0 =	veq.s32 v7, $0x0  }
0x10a: {  	v7 =	vand.u32 $0x1FFFF, v9;
	v4 =	vsel vm0, $0x0, v4  }
0x10b: {  	v13 =	vand.u32 $0x1FFFF, v11;
	[tilespmem:s21+$0x1C130] =	vst v4;
	s21 =	smov.u32 s22  }
0x10c: {  	v4 =	vld.idx.msk [tilespmem:v5+s2+$0x0], $0xffff;
	v5 =	vand.u32 $0x1FFFF, v3  }
0x10d: {  	v6 =	vld.idx.msk [tilespmem:v6+s2+$0x0], $0xffff;
	v14 =	vand.u32 $0x1FFFF, v2  }
0x10e: {  	v15 =	vld.idx.msk [tilespmem:v8+s2+$0x0], $0xffff;
	v16 =	vand.u32 $0x1FFFF, v1  }
0x10f: {  	v17 =	vld.idx.msk [tilespmem:v7+s2+$0x0], $0xffff  }
0x110: {  	v8 =	vld.idx.msk [tilespmem:v13+s2+$0x0], $0xffff  }
.Ltmp3:
0x111: {  	v7 =	vld.idx.msk [tilespmem:v5+s2+$0x0], $0xffff;
	(pc) =	sbr.rel @p0 .LBB2_8-.Ltmp3, $4  }
0x112: {  	v0 =	vshra.s32 v0, $0x11;
	v12 =	vshra.s32 v12, $0x11;
	v5 =	vld.idx.msk [tilespmem:v14+s2+$0x0], $0xffff  }
0x113: {  	v10 =	vshra.s32 v10, $0x11;
	v0 =	vshrl.u32 v4, v0;
	v4 =	vshrl.u32 v6, v12;
	v6 =	vld.idx.msk [tilespmem:v16+s2+$0x0], $0xffff  }
0x114: {  	s22 =	sshra.s32 s23, $0x2;
	v13 =	vshra.s32 v9, $0x11;
	v12 =	vor.u32 v0, v4;
	v10 =	vshrl.u32 v15, v10;
	v4 =	vld [tilespmem:s21+$0x1CDB0]  }
0x115: {  	s23 =	sadd.s32 $0x40, s23;
	v11 =	vshra.s32 v11, $0x11;
	v9 =	vor.u32 v10, v12;
	v10 =	vshrl.u32 v17, v13;
	v0 =	vld [tilespmem:s22+$0x19F80]  }
0x116: {  	v12 =	vld [tilespmem:s22+$0x1A290];
	v9 =	vor.u32 v10, v9;
	v8 =	vshrl.u32 v8, v11;
	v3 =	vshra.s32 v3, $0x11  }
0x117: {  	v39 =	vld [tilespmem:s22+$0x1A5A0];
	v2 =	vshra.s32 v2, $0x11;
	v8 =	vor.u32 v8, v9;
	v3 =	vshrl.u32 v7, v3  }
0x118: {  	v40 =	vld [tilespmem:s22+$0x1A8B0];
	v1 =	vshra.s32 v1, $0x11;
	v2 =	vshrl.u32 v5, v2;
	v3 =	vor.u32 v3, v8  }
0x119: {  	v41 =	vld [tilespmem:s22+$0x1ABC0];
	v1 =	vshrl.u32 v6, v1;
	v2 =	vor.u32 v2, v3  }
0x11a: {  	v43 =	vld [tilespmem:s22+$0x1AED0];
	v42 =	vand.u32 $0x1FFFF, v0;
	v1 =	vor.u32 v1, v2  }
0x11b: {  	v45 =	vld [tilespmem:s22+$0x1B1E0];
	v44 =	vand.u32 $0x1FFFF, v12;
	v1 =	vand.u32 $0x1, v1  }
0x11c: {  	v47 =	vld [tilespmem:s22+$0x1B4F0];
	v46 =	vand.u32 $0x1FFFF, v39;
	vm0 =	veq.s32 v1, $0x0  }
0x11d: {  	v48 =	vand.u32 $0x1FFFF, v40;
	v4 =	vsel vm0, $0x0, v4  }
0x11e: {  	v13 =	vand.u32 $0x1FFFF, v41;
	[tilespmem:s21+$0x1C130] =	vst v4  }
0x11f: {  	v49 =	vand.u32 $0x1FFFF, v43;
	v3 =	vld.idx.msk [tilespmem:v42+s2+$0x0], $0xffff  }
0x120: {  	v14 =	vand.u32 $0x1FFFF, v45;
	v2 =	vld.idx.msk [tilespmem:v44+s2+$0x0], $0xffff  }
0x121: {  	v15 =	vand.u32 $0x1FFFF, v47;
	v9 =	vld.idx.msk [tilespmem:v46+s2+$0x0], $0xffff  }
0x122: {  	v1 =	vld.idx.msk [tilespmem:v48+s2+$0x0], $0xffff  }
0x123: {  	v13 =	vld.idx.msk [tilespmem:v13+s2+$0x0], $0xffff  }
0x124: {  	v50 =	vshra.s32 v0, $0x11;
	v12 =	vshra.s32 v12, $0x11;
	v4 =	vld.idx.msk [tilespmem:v49+s2+$0x0], $0xffff  }
0x125: {  	v51 =	vshra.s32 v39, $0x11;
	v14 =	vld.idx.msk [tilespmem:v14+s2+$0x0], $0xffff;
	v0 =	vshrl.u32 v3, v50;
	v2 =	vshrl.u32 v2, v12  }
0x126: {  	v54 =	vshra.s32 v40, $0x11;
	v52 =	vld.idx.msk [tilespmem:v15+s2+$0x0], $0xffff;
	v53 =	vshrl.u32 v9, v51;
	v0 =	vor.u32 v0, v2  }
0x127: {  	v55 =	vshra.s32 v41, $0x11;
	v1 =	vshrl.u32 v1, v54;
	v0 =	vor.u32 v53, v0  }
0x128: {  	v57 =	vshra.s32 v43, $0x11;
	v56 =	vshrl.u32 v13, v55;
	v0 =	vor.u32 v1, v0  }
0x129: {  	v59 =	vshra.s32 v45, $0x11;
	v58 =	vshrl.u32 v4, v57;
	v0 =	vor.u32 v56, v0  }
0x12a: {  	v62 =	vshra.s32 v47, $0x11;
	v60 =	vld [tilespmem:s22+$0x1CDB0];
	v61 =	vshrl.u32 v14, v59;
	v0 =	vor.u32 v58, v0  }
0x12b: {  	v63 =	vshrl.u32 v52, v62;
	v0 =	vor.u32 v61, v0  }
0x12c: {  	v0 =	vor.u32 v63, v0  }
0x12d: {  	v0 =	vand.u32 $0x1, v0  }
0x12e: {  	s20 =	sadd.s32 $0x1, s20;
	vm15 =	veq.s32 v0, $0x0  }
0x12f: {  	p0 =	sne.s32 s20, s10;
	v0 =	vsel vm15, $0x0, v60  }
.Ltmp4:
0x130: {  	[tilespmem:s22+$0x1C130] =	vst v0;
	(pc) =	sbr.rel @p0 .LBB2_1-.Ltmp4, $4  }
0x131: {  	[hbm4b:s9+s2] =	stream.linear.scatter [tilespmem:s18], [sflag:$0x5], $0xC40, $0x38;
	[tilespmem:$0x1D100] =	vst v63  }
0x132: {  	_ =	swait.ge [sflag:s19], $0xC40  }
0x133: {  	[sflag:s19] =	ssyncset.done $0x0  }
0x134: {  	[sflag:s19] =	ssyncadd.s32 $0xFFFFF3C0  }
0x135: {  	_ =	sfence.sel $0x180000  }
0x136: {  	[bflag:$0x0] =	sbarrier.arrive $0xFFFF  }
0x137: {  	p0 =	sne.s32 s1, $0x0;
	_ =	strace $0x9000004D  }
0x138: {  	s0 =	sadd.s32 @!p0 $0x100000, s0;
	[bflag:$0x2] =	sbarrier.arrive $0xFFFF  }
0x139: {  	[sflag:s0] =	ssyncadd.tile.s32 @!p0 $0x1;
	_ =	shalt  }
.Lfunc_end2:
_tile_overlayer_lowered:
.L_overlay_start_2:
0x13a: {  	(tag) =	ssettag $0x2  }
0x13b: {  	s0 =	rddreg [dreg:$0x0];
	s2 =	stileid.u32  }
0x13c: {  	s1 =	rddreg [dreg:$0x1];
	p0 =	sne.s32 s2, $0x0  }
0x13d: {  	s3 =	rddreg [dreg:$0x2];
	[bflag:$0x3] =	sbarrier.arrive $0xFFFF;
	s2 =	simm.s32 @!p0 $0x1C05  }
0x13e: {  	[timem:s3], [sflag:s2] =	dma.local @!p0 [hbm:s0], s1  }
0x13f: {  	s0 =	simm.s32 @!p0 $0x5  }
0x140: {  	_ =	swait.ge @!p0 [sflag:s0], s1  }
0x141: {  	s1 =	ssub.s32 @!p0 $0x0, s1;
	[sflag:s0] =	ssyncset.done @!p0 $0x0  }
0x142: {  	[sflag:s0] =	ssyncadd.s32 @!p0 s1  }
0x143: {  	[bflag:$0x3] =	sbarrier.arrive $0xFFFF  }
0x144: {  	_ =	shalt  }

// kernel: kernel.5.cloned.1.call-start
scs
__scs_entry_jumppad:
0x0: {  	(pc) =	sbr.rel $0x88, $3  }
0x1: {  	(tag) =	ssettag $0x0;
	lr =	simm.s32 $0x1  }
0x2: {  	[smem:$0x3F98] =	sst lr;
	_ =	strace $0xD0000000  }
0x3: {  	_ = 	snop  }
0x4: {  	_ = 	snop  }
0x5: {  	_ = 	snop  }
0x6: {  	_ = 	snop  }
0x7: {  	_ = 	snop  }
__scs_overlays_trampoline_lowered:
0x8: {  	[smem:$0x3FA7] =	sst s0  }
0x9: {  	[smem:$0x3FA8] =	sst s1  }
0xa: {  	[smem:$0x3FA9] =	sst s2  }
0xb: {  	[smem:$0x3FAA] =	sst s3  }
0xc: {  	[smem:$0x3FAB] =	sst s4  }
0xd: {  	[smem:$0x3FAC] =	sst s5  }
0xe: {  	[smem:$0x3FAD] =	sst s6  }
0xf: {  	[smem:$0x3FAE] =	sst s7  }
0x10: {  	[smem:$0x3FAF] =	sst s8  }
0x11: {  	[smem:$0x3FB0] =	sst s9;
	s0 =	simm.s32 @!p0 $0x0  }
0x12: {  	s1 =	sld [smem:$0x3F96];
	s0 =	simm.s32 @p0 $0x1  }
0x13: {  	[smem:$0x3FB1] =	sst s0;
	s0 =	simm.s32 @!p1 $0x0  }
0x14: {  	s2 =	sld [smem:$0x3F95];
	s0 =	simm.s32 @p1 $0x1  }
0x15: {  	[smem:$0x3FB2] =	sst s0;
	s0 =	simm.s32 @!p2 $0x0  }
0x16: {  	s3 =	sld [smem:$0x3FDB];
	s0 =	simm.s32 @p2 $0x1  }
0x17: {  	s4 =	simm.s32 $0x1BF5;
	[smem:$0x3FB4] =	sst s0  }
0x18: {  	s0 =	sld [smem:$0x3F97];
	_ =	swait.ge [sflag:s4], $0x0  }
0x19: {  	s7 =	sld [smem:$0x3F98]  }
0x1a: {  	s8 =	sadd.s32 $0xFFFFE003, lr  }
0x1b: {  	s9 =	sadd.s32 $0xFFFFFEF7, lr;
	s5 =	simm.s32 $0xFFFFFFFF;
	p2 =	slt.u32 s8, $0xFFFFF086  }
0x1c: {  	p1 =	slt.u32 s9, $0xF7A;
	s5 =	simm.s32 @!p2 $0x0  }
0x1d: {  	s5 =	simm.s32 @p1 $0x1;
	p0 =	seq.s32 s7, s2  }
0x1e: {  	s7 =	smul.u32 @!p0 $0xF7A, s2;
	p2 =	seq.s32 @!p0 s5, $0x0  }
0x1f: {  	s9 =	smul.u32 $0xF7A, s1;
	s8 =	simm.s32 @!p0 $0x1BF5;
	p2 =	por !p2, p0  }
0x20: {  	[sflag:s8] =	ssyncset.s32 @!p0 $0xFFFFF086;
	s6 =	sadd.s32 @!p0 s3, s7;
	s7 =	simm.s32 @!p0 $0x108  }
0x21: {  	s3 =	sadd.s32 s3, s9;
	s6 =	sadd.s32 @!p0 $0x88, s6;
	s7 =	simm.s32 @p2 $0x1082  }
0x22: {  	[simem:s7], [sflag:s8] =	dma.local @!p0 [hbm:s6], $0xF7A  }
0x23: {  	s9 =	sor.u32 $0xD0000000, s2;
	s6 =	simm.s32 $0x108;
	_ =	swait.ge @!p0 [sflag:s8], $0x0  }
0x24: {  	s3 =	sadd.s32 $0x88, s3;
	s6 =	simm.s32 @!p1 $0x1082;
	[sflag:s4] =	ssyncset.s32 $0xFFFFF086  }
0x25: {  	[simem:s6], [sflag:s4] =	dma.local [hbm:s3], $0xF7A  }
0x26: {  	[smem:$0x3F98] =	sst s1;
	(tag) =	ssettag s2;
	_ =	strace s9  }
0x27: {  	s1 =	sld [smem:$0x3FA8]  }
0x28: {  	s2 =	sld [smem:$0x3FA9]  }
0x29: {  	s4 =	sld [smem:$0x3FAB]  }
0x2a: {  	p0 =	seq.s32 s5, $0x0;
	s5 =	sld [smem:$0x3FAC]  }
0x2b: {  	s6 =	sld [smem:$0x3FAD]  }
0x2c: {  	s7 =	sld [smem:$0x3FAE]  }
0x2d: {  	s3 =	simm.s32 $0x108;
	s8 =	sld [smem:$0x3FAF]  }
0x2e: {  	s3 =	simm.s32 @!p0 $0x1082;
	s9 =	sld [smem:$0x3FB0]  }
0x2f: {  	lr =	sadd.s32 s0, s3;
	s0 =	sld [smem:$0x3FA7]  }
0x30: {  	s3 =	sld [smem:$0x3FAA]  }
0x31: {  	[smem:$0x3FB3] =	sst s10  }
0x32: {  	s10 =	sld [smem:$0x3FB1];
	_ =	sdelay $0x3  }
0x33: {  	p0 =	seq.s32 s10, $0x1;
	s10 =	sld [smem:$0x3FB3];
	_ =	sdelay $0x3  }
0x34: {  	[smem:$0x3FB3] =	sst s10  }
0x35: {  	s10 =	sld [smem:$0x3FB2];
	_ =	sdelay $0x3  }
0x36: {  	p1 =	seq.s32 s10, $0x1;
	s10 =	sld [smem:$0x3FB3];
	_ =	sdelay $0x3  }
0x37: {  	[smem:$0x3FB3] =	sst s10  }
0x38: {  	s10 =	sld [smem:$0x3FB4]  }
0x39: {  	_ = 	snop;
	(pc) =	sbr.ind lr, $3  }
0x3a: {  	_ = 	snop  }
0x3b: {  	_ = 	snop  }
0x3c: {  	p2 =	seq.s32 s10, $0x1;
	s10 =	sld [smem:$0x3FB3]  }
0x3d: {  	_ =	shalt  }
0x3e: {  	_ =	shalt  }
0x3f: {  	_ =	shalt  }
0x40: {  	_ =	shalt  }
0x41: {  	_ =	shalt  }
0x42: {  	_ =	shalt  }
0x43: {  	_ =	shalt  }
0x44: {  	_ =	shalt  }
0x45: {  	_ =	shalt  }
0x46: {  	_ =	shalt  }
0x47: {  	_ =	shalt  }
0x48: {  	_ =	shalt  }
0x49: {  	_ =	shalt  }
0x4a: {  	_ =	shalt  }
0x4b: {  	_ =	shalt  }
0x4c: {  	_ =	shalt  }
0x4d: {  	_ =	shalt  }
0x4e: {  	_ =	shalt  }
0x4f: {  	_ =	shalt  }
0x50: {  	_ =	shalt  }
0x51: {  	_ =	shalt  }
0x52: {  	_ =	shalt  }
0x53: {  	_ =	shalt  }
0x54: {  	_ =	shalt  }
0x55: {  	_ =	shalt  }
0x56: {  	_ =	shalt  }
0x57: {  	_ =	shalt  }
0x58: {  	_ =	shalt  }
0x59: {  	_ =	shalt  }
0x5a: {  	_ =	shalt  }
0x5b: {  	_ =	shalt  }
0x5c: {  	_ =	shalt  }
0x5d: {  	_ =	shalt  }
0x5e: {  	_ =	shalt  }
0x5f: {  	_ =	shalt  }
0x60: {  	_ =	shalt  }
0x61: {  	_ =	shalt  }
0x62: {  	_ =	shalt  }
0x63: {  	_ =	shalt  }
0x64: {  	_ =	shalt  }
0x65: {  	_ =	shalt  }
0x66: {  	_ =	shalt  }
0x67: {  	_ =	shalt  }
0x68: {  	_ =	shalt  }
0x69: {  	_ =	shalt  }
0x6a: {  	_ =	shalt  }
0x6b: {  	_ =	shalt  }
0x6c: {  	_ =	shalt  }
0x6d: {  	_ =	shalt  }
0x6e: {  	_ =	shalt  }
0x6f: {  	_ =	shalt  }
0x70: {  	_ =	shalt  }
0x71: {  	_ =	shalt  }
0x72: {  	_ =	shalt  }
0x73: {  	_ =	shalt  }
0x74: {  	_ =	shalt  }
0x75: {  	_ =	shalt  }
0x76: {  	_ =	shalt  }
0x77: {  	_ =	shalt  }
0x78: {  	_ =	shalt  }
0x79: {  	_ =	shalt  }
0x7a: {  	_ =	shalt  }
0x7b: {  	_ =	shalt  }
0x7c: {  	_ =	shalt  }
0x7d: {  	_ =	shalt  }
0x7e: {  	_ =	shalt  }
0x7f: {  	_ =	shalt  }
0x80: {  	_ =	shalt  }
0x81: {  	_ =	shalt  }
0x82: {  	_ =	shalt  }
0x83: {  	_ =	shalt  }
0x84: {  	_ =	shalt  }
0x85: {  	_ =	shalt  }
0x86: {  	_ =	shalt  }
0x87: {  	_ =	shalt  }
.Lfunc_end0:
.L_simem_size_0:
called_computation_lowered:
.L_overlay_start_0:
0x88: {  	s2 =	sld [smem:$0x3FD9]  }
0x89: {  	s3 =	sld [smem:$0x3FFE];
	_ =	sdelay $0x1  }
0x8a: {  	s1 =	srdreg.scid  }
0x8b: {  	s0 =	sand.u32 $0x1, s1  }
0x8c: {  	s14 =	sshll.u32 s0, $0xA;
	s2 =	sadd.s32 s3, s2  }
0x8d: {  	s2 =	sadd.s32 s2, s14  }
0x8e: {  	[smem:$0x3FBF] =	sst s2  }
0x8f: {  	_ = 	snop  }
0x90: {  	s2 =	sld [smem:$0x3FD0];
	_ =	sdelay $0x2  }
0x91: {  	s15 =	simm.s32 $0xA;
	s4 =	simm.s32 $0x10  }
0x92: {  	[smem:s4], [sflag:s15] =	dma.local [hbm:s2], $0x1  }
0x93: {  	_ =	swait.eq [sflag:s15], $0x1  }
0x94: {  	[sflag:s15] =	ssyncset.done $0x0  }
0x95: {  	s16 =	sld [smem:$0x10];
	[sflag:s15] =	ssyncadd.s32 $0xFFFFFFFF  }
0x96: {  	s17 =	sld [smem:$0x11];
	(tm) =	ssettm $0x1  }
0x97: {  	s18 =	sld [smem:$0x3FFB];
	_ =	sdelay $0x3  }
0x98: {  	_ =	strace s18  }
0x99: {  	s4 =	sld [smem:$0x3FFC];
	_ =	sdelay $0x3  }
0x9a: {  	_ =	strace s4  }
0x9b: {  	s4 =	sld [smem:$0x3FFD];
	_ =	sdelay $0x3  }
0x9c: {  	_ =	strace s4  }
0x9d: {  	_ =	strace $0x8FFFFFFF  }
0x9e: {  	s19 =	sld [smem:$0x3FDB];
	_ =	sdelay $0x1  }
0x9f: {  	s5 =	simm.s32 $_scs_section_size  }
0xa0: {  	s6 =	simm.s32 $_size__tile_overlayer_lowered;
	s7 =	simm.s32 $_tile_overlayer_lowered  }
0xa1: {  	s22 =	simm.s32 $0x1BFF;
	s21 =	sshll.u32 s7, $0x1;
	s4 =	sadd.s32 s5, s19  }
0xa2: {  	s8 =	simm.s32 $0x0;
	s20 =	sshll.u32 s6, $0x1;
	s6 =	sadd.s32 s21, s4  }
0xa3: {  	[timem:s8], [sflag:s22] =	dma.local [hbm:s6], s20  }
0xa4: {  	_ =	swait.ge [sflag:s22], s20  }
0xa5: {  	s5 =	ssub.s32 $0x0, s20;
	[sflag:s22] =	ssyncset.done $0x0  }
0xa6: {  	[sflag:s22] =	ssyncadd.s32 s5;
	_ =	sdelay $0x1  }
0xa7: {  	s23 =	simm.s32 $0x1B8B  }
0xa8: {  	_ =	swait.ge [sflag:s23], $0x1  }
0xa9: {  	[sflag:s23] =	ssyncset.done $0x0  }
0xaa: {  	s25 =	simm.s32 $0x1B8E;
	s24 =	sld [smem:$0x3FFE];
	[sflag:s23] =	ssyncadd.s32 $0xFFFFFFFF  }
0xab: {  	s26 =	simm.s32 $execute0_lowered;
	[smem:$0x3FD2] =	sst s25  }
0xac: {  	s6 =	sshll.u32 s26, $0x1;
	_ =	strace $0x80000046;
	[dreg:$0x1] =	wrdreg $0xFFFFFFFF  }
0xad: {  	s28 =	simm.s32 $_size_execute0_lowered;
	s4 =	sadd.s32 s4, s6;
	[dreg:$0x0] =	wrdreg $0x0  }
0xae: {  	s6 =	sshll.u32 s28, $0x1;
	[dreg:$0x2] =	wrdreg s4  }
0xaf: {  	[dreg:$0x3] =	wrdreg s6  }
0xb0: {  	[dreg:$0x4] =	wrdreg $0xC0  }
0xb1: {  	_ =	task [dreg:s8], $0x5FFFF  }
0xb2: {  	[dreg:$0x1] =	wrdreg $0xFFFFFFFF  }
0xb3: {  	[dreg:$0x0] =	wrdreg $0x60  }
0xb4: {  	[dreg:$0x2] =	wrdreg s16  }
0xb5: {  	[dreg:$0x3] =	wrdreg s24  }
0xb6: {  	[dreg:$0x4] =	wrdreg s17  }
0xb7: {  	[dreg:$0x5] =	wrdreg $0x9  }
0xb8: {  	_ =	task.clear_ibuf [dreg:s8], $0x6FFFF;
	_ =	strace $0x90000046  }
0xb9: {  	s29 =	simm.s32 $0x9;
	_ =	strace $0x80000048  }
0xba: {  	_ =	swait.ge [sflag:s29], $0x1  }
0xbb: {  	[sflag:s29] =	ssyncadd.s32 $0xFFFFFFFF  }
0xbc: {  	_ =	strace $0x90000048  }
0xbd: {  	_ =	sfence  }
0xbe: {  	s30 =	sld [smem:$0x0];
	_ =	sdelay $0x2  }
0xbf: {  	s31 =	sshll.u32 s1, $0xD;
	s1 =	sshrl.u32 s1, $0x2  }
0xc0: {  	s3 =	sand.u32 $0x4000, s31;
	s1 =	sadd.s32 s1, s30  }
0xc1: {  	s0 =	sor.u32 s3, s0;
	s1 =	sshll.u32 s1, $0x11  }
0xc2: {  	s0 =	sor.u32 s1, s0  }
0xc3: {  	s0 =	sadd.s32 $0x8F2B, s0  }
0xc4: {  	[sflag:s0] =	ssyncadd.remote.s32 $0x1  }
0xc5: {  	_ =	sfence.sel $0xFFFF  }
0xc6: {  	[dreg:$0x0] =	wrdreg $0xFFFFFFFF;
	(pc) =	sbr.abs _section_cstart, $3  }
0xc7: {  	[dreg:$0x1] =	wrdreg $0xFFFFFFFF  }
0xc8: {  	_ =	task.clear_ibuf [dreg:s8], $0x2FFFF;
	_ =	strace $0x9FFFFFFF  }
0xc9: {  	(tm) =	ssettm $0x7FFFFFFF  }
tec
execute0_lowered:
.L_overlay_start_1:
0x0: {  	(tag) =	ssettag $0x1  }
0x1: {  	s4 =	rddreg [dreg:$0x0]  }
0x2: {  	s5 =	rddreg [dreg:$0x1]  }
0x3: {  	s7 =	rddreg [dreg:$0x2]  }
0x4: {  	s0 =	rddreg [dreg:$0x3];
	s2 =	simm.s32 $0x0;
	s3 =	srdreg.scid  }
0x5: {  	s1 =	stileid.u32;
	s15 =	simm.s32 $0x19480;
	s16 =	simm.s32 $0x1C680  }
0x6: {  	s17 =	simm.s32 $0x2;
	s18 =	simm.s32 $0x1A100;
	s19 =	simm.s32 $0x1AD80  }
0x7: {  	s20 =	simm.s32 $0x1;
	s21 =	simm.s32 $0x1DF00;
	s22 =	simm.s32 $0x3  }
0x8: {  	s23 =	simm.s32 $0x4;
	s6 =	sand.u32 $0x1, s3;
	s28 =	sshll.u32 s1, $0x1  }
0x9: {  	s24 =	simm.s32 $0x1BA00;
	s25 =	simm.s32 $0x0;
	s8 =	sor.u32 s6, s28  }
0xa: {  	[smem:$0x7FF] =	sst s2;
	s3 =	sadd.s32 $0x1800, s5;
	s9 =	smul.u32 $0x188, s8  }
0xb: {  	s10 =	sadd.s32 $0x4A00, s5;
	s6 =	ssub.s32 $0x2, s6;
	s12 =	smul.u32 $0x6200, s8  }
0xc: {  	_ =	strace $0x80000047;
	s11 =	sshrl.u32 s6, $0x1;
	s29 =	smul.u32 $0xC40, s8  }
0xd: {  	s14 =	ssub.s32 s6, s11;
	s13 =	sadd.s32 s9, s5;
	s4 =	sadd.s32 s4, s9  }
0xe: {  	s5 =	sadd.s32 s3, s9;
	s30 =	sshrl.u32 s12, $0x3;
	s6 =	sadd.s32 s10, s29  }
0xf: {  	s7 =	sadd.s32 s7, s9;
	s31 =	sadd.s32 s10, s30;
	s8 =	sadd.s32 $0x1D200, s13  }
0x10: {  	s12 =	sadd.s32 $0x20400, s13;
	s13 =	smax.u32 s14, $0x1;
	s14 =	simm.s32 $0x18800  }
0x11: {  	v0 =	vimm.f32 $0.0e+00;
	s9 =	sadd.s32 $0x310, s31;
	s10 =	sadd.s32 $0x620, s31;
	s11 =	sadd.s32 $0x930, s31  }
.LBB2_1:
0x12: {  	[tilespmem:s2], [sflag:$0x1] =	stream.linear.gather [hbm4b:s3+s2], $0x18800, $0x38;
	[tilespmem:$0x1F780] =	vst v63  }
0x13: {  	_ = 	snop  }
0x14: {  	[tilespmem:s14], [sflag:$0x2] =	stream.linear.gather [hbm4b:s4+s2], $0xC40, $0x38;
	[tilespmem:$0x1F780] =	vst v63  }
0x15: {  	_ = 	snop  }
0x16: {  	[tilespmem:s15], [sflag:$0x2] =	stream.linear.gather [hbm4b:s5+s2], $0xC40, $0x38;
	[tilespmem:$0x1F780] =	vst v63  }
0x17: {  	_ = 	snop  }
0x18: {  	[tilespmem:s16], [sflag:$0x3] =	stream.linear.gather [hbm4b:s6+s2], $0x1880, $0x38;
	[tilespmem:$0x1F780] =	vst v63  }
0x19: {  	_ =	swait.ge [sflag:s17], $0xC40  }
0x1a: {  	[sflag:s17] =	ssyncset.done $0x0  }
0x1b: {  	[sflag:s17] =	ssyncadd.s32 $0xFFFFF3C0  }
0x1c: {  	_ =	swait.ge [sflag:s17], $0xC40  }
0x1d: {  	[sflag:s17] =	ssyncset.done $0x0  }
0x1e: {  	s26 =	simm.s32 $0x0;
	[sflag:s17] =	ssyncadd.s32 $0xFFFFF3C0  }
0x1f: {  	v1 =	vld [tilespmem:s26+$0x18800]  }
0x20: {  	v2 =	vld [tilespmem:s26+$0x19480];
	_ =	sdelay $0x2  }
0x21: {  	s28 =	simm.s32 $0x40  }
.LBB2_2:
0x22: {  	s29 =	sshra.s32 s28, $0x2;
	p0 =	sne.s32 s28, $0x30C0  }
.Ltmp0:
0x23: {  	s28 =	sadd.s32 $0x40, s28;
	v3 =	vmul.f32 $8.995769530e+03, v1;
	v1 =	vld [tilespmem:s29+$0x18800];
	v4 =	vmul.f32 $9.810000000e+03, v2;
	(pc) =	sbr.rel @p0 .LBB2_2-.Ltmp0, $3  }
0x24: {  	v2 =	vld [tilespmem:s29+$0x19480]  }
0x25: {  	[tilespmem:s26+$0x1A100] =	vst v3;
	v3 =	vadd.f32 v4, v3;
	_ =	sdelay $0x1  }
0x26: {  	[tilespmem:s26+$0x1AD80] =	vst v3;
	s26 =	smov.u32 s29  }
0x27: {  	_ = 	snop  }
0x28: {  	v1 =	vmul.f32 $8.995769530e+03, v1;
	v2 =	vmul.f32 $9.810000000e+03, v2;
	_ =	sdelay $0x1  }
0x29: {  	v2 =	vadd.f32 v2, v1  }
0x2a: {  	[tilespmem:s26+$0x1A100] =	vst v1  }
0x2b: {  	s31 =	simm.s32 $0x0;
	[tilespmem:s26+$0x1AD80] =	vst v2  }
0x2c: {  	[hbm4b:s7+s31] =	stream.linear.scatter [tilespmem:s18], [sflag:$0x2], $0xC40, $0x38;
	[tilespmem:$0x1F780] =	vst v63  }
0x2d: {  	_ = 	snop  }
0x2e: {  	[hbm4b:s8+s31] =	stream.linear.scatter [tilespmem:s19], [sflag:$0x2], $0xC40, $0x38;
	[tilespmem:$0x1F780] =	vst v63  }
0x2f: {  	_ =	swait.ge [sflag:s20], $0x18800  }
0x30: {  	[sflag:s20] =	ssyncset.done $0x0  }
0x31: {  	[sflag:s20] =	ssyncadd.s32 $0xFFFE7800  }
0x32: {  	[tilespmem:s21], [sflag:$0x4] =	stream.linear.gather [hbm4b:s9+s31], $0x1880, $0x38;
	[tilespmem:$0x1F780] =	vst v63  }
0x33: {  	_ =	swait.ge [sflag:s22], $0x1880  }
0x34: {  	[sflag:s22] =	ssyncset.done $0x0  }
0x35: {  	s26 =	simm.s32 $0x0;
	[sflag:s22] =	ssyncadd.s32 $0xFFFFE780  }
0x36: {  	v1 =	vld [tilespmem:s26+$0x1C990]  }
0x37: {  	v2 =	vld [tilespmem:s26+$0x1C680]  }
0x38: {  	v3 =	vld [tilespmem:s26+$0x1CCA0]  }
0x39: {  	v4 =	vld [tilespmem:s26+$0x1CFB0]  }
0x3a: {  	v5 =	vld [tilespmem:s26+$0x1D2C0]  }
0x3b: {  	v7 =	vld [tilespmem:s26+$0x1D5D0]  }
0x3c: {  	v8 =	vld [tilespmem:s26+$0x1D8E0]  }
0x3d: {  	v9 =	vld [tilespmem:s26+$0x1DBF0]  }
0x3e: {  	v1 =	vld.idx.msk [tilespmem:v1+s2+$0x0], $0xffff  }
0x3f: {  	v10 =	vld.idx.msk [tilespmem:v2+s2+$0x0], $0xffff  }
0x40: {  	v11 =	vld.idx.msk [tilespmem:v3+s2+$0x0], $0xffff  }
0x41: {  	v6 =	vld.idx.msk [tilespmem:v4+s2+$0x0], $0xffff  }
0x42: {  	v5 =	vld.idx.msk [tilespmem:v5+s2+$0x0], $0xffff  }
0x43: {  	v3 =	vld.idx.msk [tilespmem:v7+s2+$0x0], $0xffff  }
0x44: {  	v2 =	vld.idx.msk [tilespmem:v8+s2+$0x0], $0xffff  }
0x45: {  	s28 =	simm.s32 $0x10;
	v4 =	vld.idx.msk [tilespmem:v9+s2+$0x0], $0xffff;
	v7 =	vmin.f32 v10, v1  }
0x46: {  	s29 =	simm.s32 $0x80;
	v1 =	vld [tilespmem:s28+$0x1C990];
	v7 =	vmin.f32 v7, v11  }
.LBB2_4:
0x47: {  	p0 =	sne.s32 s29, $0xC00;
	v8 =	vld [tilespmem:s28+$0x1C680];
	v6 =	vmin.f32 v7, v6  }
0x48: {  	v7 =	vld [tilespmem:s28+$0x1CCA0];
	v5 =	vmin.f32 v6, v5  }
0x49: {  	v6 =	vld [tilespmem:s28+$0x1CFB0];
	v3 =	vmin.f32 v5, v3  }
0x4a: {  	v5 =	vld [tilespmem:s28+$0x1D2C0];
	v2 =	vmin.f32 v3, v2  }
0x4b: {  	v3 =	vld [tilespmem:s28+$0x1D5D0];
	v2 =	vmin.f32 v2, v4  }
0x4c: {  	v4 =	vld [tilespmem:s28+$0x1D8E0];
	[tilespmem:s26+$0x1BA00] =	vst v2;
	s26 =	smov.u32 s28  }
0x4d: {  	v9 =	vld [tilespmem:s26+$0x1DBF0]  }
0x4e: {  	v1 =	vld.idx.msk [tilespmem:v1+s2+$0x0], $0xffff  }
0x4f: {  	v8 =	vld.idx.msk [tilespmem:v8+s2+$0x0], $0xffff  }
0x50: {  	v7 =	vld.idx.msk [tilespmem:v7+s2+$0x0], $0xffff  }
0x51: {  	v6 =	vld.idx.msk [tilespmem:v6+s2+$0x0], $0xffff  }
.Ltmp1:
0x52: {  	v5 =	vld.idx.msk [tilespmem:v5+s2+$0x0], $0xffff;
	(pc) =	sbr.rel @p0 .LBB2_4-.Ltmp1, $4  }
0x53: {  	v3 =	vld.idx.msk [tilespmem:v3+s2+$0x0], $0xffff  }
0x54: {  	v2 =	vld.idx.msk [tilespmem:v4+s2+$0x0], $0xffff  }
0x55: {  	s28 =	sshra.s32 s29, $0x2;
	v8 =	vmin.f32 v8, v1;
	v4 =	vld.idx.msk [tilespmem:v9+s2+$0x0], $0xffff  }
0x56: {  	s29 =	sadd.s32 $0x40, s29;
	v7 =	vmin.f32 v8, v7;
	v1 =	vld [tilespmem:s28+$0x1C990]  }
0x57: {  	_ = 	snop  }
0x58: {  	v8 =	vld [tilespmem:s28+$0x1C680];
	v6 =	vmin.f32 v7, v6  }
0x59: {  	v7 =	vld [tilespmem:s28+$0x1CCA0];
	v5 =	vmin.f32 v6, v5  }
0x5a: {  	v6 =	vld [tilespmem:s28+$0x1CFB0];
	v3 =	vmin.f32 v5, v3  }
0x5b: {  	v5 =	vld [tilespmem:s28+$0x1D2C0];
	v2 =	vmin.f32 v3, v2  }
0x5c: {  	v3 =	vld [tilespmem:s28+$0x1D5D0];
	v2 =	vmin.f32 v2, v4  }
0x5d: {  	v4 =	vld [tilespmem:s28+$0x1D8E0];
	[tilespmem:s26+$0x1BA00] =	vst v2  }
0x5e: {  	v2 =	vld [tilespmem:s28+$0x1DBF0]  }
0x5f: {  	v1 =	vld.idx.msk [tilespmem:v1+s2+$0x0], $0xffff  }
0x60: {  	v8 =	vld.idx.msk [tilespmem:v8+s2+$0x0], $0xffff  }
0x61: {  	v7 =	vld.idx.msk [tilespmem:v7+s2+$0x0], $0xffff  }
0x62: {  	v6 =	vld.idx.msk [tilespmem:v6+s2+$0x0], $0xffff  }
0x63: {  	v5 =	vld.idx.msk [tilespmem:v5+s2+$0x0], $0xffff  }
0x64: {  	v3 =	vld.idx.msk [tilespmem:v3+s2+$0x0], $0xffff  }
0x65: {  	v4 =	vld.idx.msk [tilespmem:v4+s2+$0x0], $0xffff;
	v1 =	vmin.f32 v8, v1  }
0x66: {  	v2 =	vld.idx.msk [tilespmem:v2+s2+$0x0], $0xffff;
	v1 =	vmin.f32 v1, v7  }
0x67: {  	v1 =	vmin.f32 v1, v6  }
0x68: {  	v1 =	vmin.f32 v1, v5  }
0x69: {  	v1 =	vmin.f32 v1, v3  }
0x6a: {  	v1 =	vmin.f32 v1, v4  }
0x6b: {  	v1 =	vmin.f32 v1, v2  }
0x6c: {  	s31 =	simm.s32 $0x0;
	[tilespmem:s28+$0x1BA00] =	vst v1  }
0x6d: {  	[tilespmem:s16], [sflag:$0x3] =	stream.linear.gather [hbm4b:s10+s31], $0x1880, $0x38;
	[tilespmem:$0x1F780] =	vst v63  }
0x6e: {  	_ =	swait.ge [sflag:s23], $0x1880  }
0x6f: {  	[sflag:s23] =	ssyncset.done $0x0  }
0x70: {  	s26 =	simm.s32 $0x0;
	[sflag:s23] =	ssyncadd.s32 $0xFFFFE780  }
0x71: {  	v1 =	vld [tilespmem:s26+$0x1E210]  }
0x72: {  	v2 =	vld [tilespmem:s26+$0x1DF00]  }
0x73: {  	v3 =	vld [tilespmem:s26+$0x1E520]  }
0x74: {  	v4 =	vld [tilespmem:s26+$0x1E830]  }
0x75: {  	v5 =	vld [tilespmem:s26+$0x1EB40]  }
0x76: {  	v7 =	vld [tilespmem:s26+$0x1EE50]  }
0x77: {  	v8 =	vld [tilespmem:s26+$0x1F160]  }
0x78: {  	v9 =	vld [tilespmem:s26+$0x1F470]  }
0x79: {  	v1 =	vld.idx.msk [tilespmem:v1+s2+$0x0], $0xffff  }
0x7a: {  	v10 =	vld.idx.msk [tilespmem:v2+s2+$0x0], $0xffff  }
0x7b: {  	v11 =	vld.idx.msk [tilespmem:v3+s2+$0x0], $0xffff  }
0x7c: {  	v6 =	vld.idx.msk [tilespmem:v4+s2+$0x0], $0xffff  }
0x7d: {  	v5 =	vld.idx.msk [tilespmem:v5+s2+$0x0], $0xffff  }
0x7e: {  	v3 =	vld.idx.msk [tilespmem:v7+s2+$0x0], $0xffff  }
0x7f: {  	v2 =	vld.idx.msk [tilespmem:v8+s2+$0x0], $0xffff  }
0x80: {  	s28 =	simm.s32 $0x10;
	v4 =	vld.idx.msk [tilespmem:v9+s2+$0x0], $0xffff;
	v7 =	vmin.f32 v10, v1  }
0x81: {  	s29 =	simm.s32 $0x80;
	v1 =	vld [tilespmem:s28+$0x1E210];
	v7 =	vmin.f32 v7, v11  }
.LBB2_6:
0x82: {  	p0 =	sne.s32 s29, $0xC00;
	v8 =	vld [tilespmem:s28+$0x1DF00];
	v6 =	vmin.f32 v7, v6  }
0x83: {  	v7 =	vld [tilespmem:s28+$0x1E520];
	v5 =	vmin.f32 v6, v5  }
0x84: {  	v6 =	vld [tilespmem:s28+$0x1E830];
	v3 =	vmin.f32 v5, v3  }
0x85: {  	v5 =	vld [tilespmem:s28+$0x1EB40];
	v2 =	vmin.f32 v3, v2  }
0x86: {  	v3 =	vld [tilespmem:s28+$0x1EE50];
	v2 =	vmin.f32 v2, v4  }
0x87: {  	v4 =	vld [tilespmem:s28+$0x1F160];
	[tilespmem:s26+$0x1BD10] =	vst v2;
	s26 =	smov.u32 s28  }
0x88: {  	v9 =	vld [tilespmem:s26+$0x1F470]  }
0x89: {  	v1 =	vld.idx.msk [tilespmem:v1+s2+$0x0], $0xffff  }
0x8a: {  	v8 =	vld.idx.msk [tilespmem:v8+s2+$0x0], $0xffff  }
0x8b: {  	v7 =	vld.idx.msk [tilespmem:v7+s2+$0x0], $0xffff  }
0x8c: {  	v6 =	vld.idx.msk [tilespmem:v6+s2+$0x0], $0xffff  }
.Ltmp2:
0x8d: {  	v5 =	vld.idx.msk [tilespmem:v5+s2+$0x0], $0xffff;
	(pc) =	sbr.rel @p0 .LBB2_6-.Ltmp2, $4  }
0x8e: {  	v3 =	vld.idx.msk [tilespmem:v3+s2+$0x0], $0xffff  }
0x8f: {  	v2 =	vld.idx.msk [tilespmem:v4+s2+$0x0], $0xffff  }
0x90: {  	s28 =	sshra.s32 s29, $0x2;
	v8 =	vmin.f32 v8, v1;
	v4 =	vld.idx.msk [tilespmem:v9+s2+$0x0], $0xffff  }
0x91: {  	s29 =	sadd.s32 $0x40, s29;
	v7 =	vmin.f32 v8, v7;
	v1 =	vld [tilespmem:s28+$0x1E210]  }
0x92: {  	_ = 	snop  }
0x93: {  	v8 =	vld [tilespmem:s28+$0x1DF00];
	v6 =	vmin.f32 v7, v6  }
0x94: {  	v7 =	vld [tilespmem:s28+$0x1E520];
	v5 =	vmin.f32 v6, v5  }
0x95: {  	v6 =	vld [tilespmem:s28+$0x1E830];
	v3 =	vmin.f32 v5, v3  }
0x96: {  	v5 =	vld [tilespmem:s28+$0x1EB40];
	v2 =	vmin.f32 v3, v2  }
0x97: {  	v3 =	vld [tilespmem:s28+$0x1EE50];
	v2 =	vmin.f32 v2, v4  }
0x98: {  	v4 =	vld [tilespmem:s28+$0x1F160];
	[tilespmem:s26+$0x1BD10] =	vst v2  }
0x99: {  	v2 =	vld [tilespmem:s28+$0x1F470]  }
0x9a: {  	v1 =	vld.idx.msk [tilespmem:v1+s2+$0x0], $0xffff  }
0x9b: {  	v8 =	vld.idx.msk [tilespmem:v8+s2+$0x0], $0xffff  }
0x9c: {  	v7 =	vld.idx.msk [tilespmem:v7+s2+$0x0], $0xffff  }
0x9d: {  	v6 =	vld.idx.msk [tilespmem:v6+s2+$0x0], $0xffff  }
0x9e: {  	v5 =	vld.idx.msk [tilespmem:v5+s2+$0x0], $0xffff  }
0x9f: {  	v3 =	vld.idx.msk [tilespmem:v3+s2+$0x0], $0xffff  }
0xa0: {  	v4 =	vld.idx.msk [tilespmem:v4+s2+$0x0], $0xffff;
	v1 =	vmin.f32 v8, v1  }
0xa1: {  	v2 =	vld.idx.msk [tilespmem:v2+s2+$0x0], $0xffff;
	v1 =	vmin.f32 v1, v7  }
0xa2: {  	v1 =	vmin.f32 v1, v6  }
0xa3: {  	v1 =	vmin.f32 v1, v5  }
0xa4: {  	v1 =	vmin.f32 v1, v3  }
0xa5: {  	v1 =	vmin.f32 v1, v4  }
0xa6: {  	v1 =	vmin.f32 v1, v2  }
0xa7: {  	s31 =	simm.s32 $0x0;
	[tilespmem:s28+$0x1BD10] =	vst v1  }
0xa8: {  	[tilespmem:s21], [sflag:$0x4] =	stream.linear.gather [hbm4b:s11+s31], $0x1880, $0x38;
	[tilespmem:$0x1F780] =	vst v63  }
0xa9: {  	_ =	swait.ge [sflag:s22], $0x1880  }
0xaa: {  	[sflag:s22] =	ssyncset.done $0x0  }
0xab: {  	s26 =	simm.s32 $0x0;
	[sflag:s22] =	ssyncadd.s32 $0xFFFFE780  }
0xac: {  	v1 =	vld [tilespmem:s26+$0x1C990]  }
0xad: {  	v2 =	vld [tilespmem:s26+$0x1C680]  }
0xae: {  	v3 =	vld [tilespmem:s26+$0x1CCA0]  }
0xaf: {  	v4 =	vld [tilespmem:s26+$0x1CFB0]  }
0xb0: {  	v5 =	vld [tilespmem:s26+$0x1D2C0]  }
0xb1: {  	v7 =	vld [tilespmem:s26+$0x1D5D0]  }
0xb2: {  	v8 =	vld [tilespmem:s26+$0x1D8E0]  }
0xb3: {  	v9 =	vld [tilespmem:s26+$0x1DBF0]  }
0xb4: {  	v1 =	vld.idx.msk [tilespmem:v1+s2+$0x0], $0xffff  }
0xb5: {  	v10 =	vld.idx.msk [tilespmem:v2+s2+$0x0], $0xffff  }
0xb6: {  	v11 =	vld.idx.msk [tilespmem:v3+s2+$0x0], $0xffff  }
0xb7: {  	v6 =	vld.idx.msk [tilespmem:v4+s2+$0x0], $0xffff  }
0xb8: {  	v5 =	vld.idx.msk [tilespmem:v5+s2+$0x0], $0xffff  }
0xb9: {  	v3 =	vld.idx.msk [tilespmem:v7+s2+$0x0], $0xffff  }
0xba: {  	v2 =	vld.idx.msk [tilespmem:v8+s2+$0x0], $0xffff  }
0xbb: {  	s28 =	simm.s32 $0x10;
	v4 =	vld.idx.msk [tilespmem:v9+s2+$0x0], $0xffff;
	v7 =	vmin.f32 v10, v1  }
0xbc: {  	s29 =	simm.s32 $0x80;
	v1 =	vld [tilespmem:s28+$0x1C990];
	v7 =	vmin.f32 v7, v11  }
.LBB2_8:
0xbd: {  	p0 =	sne.s32 s29, $0xC00;
	v8 =	vld [tilespmem:s28+$0x1C680];
	v6 =	vmin.f32 v7, v6  }
0xbe: {  	v7 =	vld [tilespmem:s28+$0x1CCA0];
	v5 =	vmin.f32 v6, v5  }
0xbf: {  	v6 =	vld [tilespmem:s28+$0x1CFB0];
	v3 =	vmin.f32 v5, v3  }
0xc0: {  	v5 =	vld [tilespmem:s28+$0x1D2C0];
	v2 =	vmin.f32 v3, v2  }
0xc1: {  	v3 =	vld [tilespmem:s28+$0x1D5D0];
	v2 =	vmin.f32 v2, v4  }
0xc2: {  	v4 =	vld [tilespmem:s28+$0x1D8E0];
	[tilespmem:s26+$0x1C020] =	vst v2;
	s26 =	smov.u32 s28  }
0xc3: {  	v9 =	vld [tilespmem:s26+$0x1DBF0]  }
0xc4: {  	v1 =	vld.idx.msk [tilespmem:v1+s2+$0x0], $0xffff  }
0xc5: {  	v8 =	vld.idx.msk [tilespmem:v8+s2+$0x0], $0xffff  }
0xc6: {  	v7 =	vld.idx.msk [tilespmem:v7+s2+$0x0], $0xffff  }
0xc7: {  	v6 =	vld.idx.msk [tilespmem:v6+s2+$0x0], $0xffff  }
.Ltmp3:
0xc8: {  	v5 =	vld.idx.msk [tilespmem:v5+s2+$0x0], $0xffff;
	(pc) =	sbr.rel @p0 .LBB2_8-.Ltmp3, $4  }
0xc9: {  	v3 =	vld.idx.msk [tilespmem:v3+s2+$0x0], $0xffff  }
0xca: {  	v2 =	vld.idx.msk [tilespmem:v4+s2+$0x0], $0xffff  }
0xcb: {  	s28 =	sshra.s32 s29, $0x2;
	v8 =	vmin.f32 v8, v1;
	v4 =	vld.idx.msk [tilespmem:v9+s2+$0x0], $0xffff  }
0xcc: {  	s29 =	sadd.s32 $0x40, s29;
	v7 =	vmin.f32 v8, v7;
	v1 =	vld [tilespmem:s28+$0x1C990]  }
0xcd: {  	_ = 	snop  }
0xce: {  	v8 =	vld [tilespmem:s28+$0x1C680];
	v6 =	vmin.f32 v7, v6  }
0xcf: {  	v7 =	vld [tilespmem:s28+$0x1CCA0];
	v5 =	vmin.f32 v6, v5  }
0xd0: {  	v6 =	vld [tilespmem:s28+$0x1CFB0];
	v3 =	vmin.f32 v5, v3  }
0xd1: {  	v5 =	vld [tilespmem:s28+$0x1D2C0];
	v2 =	vmin.f32 v3, v2  }
0xd2: {  	v3 =	vld [tilespmem:s28+$0x1D5D0];
	v2 =	vmin.f32 v2, v4  }
0xd3: {  	v4 =	vld [tilespmem:s28+$0x1D8E0];
	[tilespmem:s26+$0x1C020] =	vst v2  }
0xd4: {  	v2 =	vld [tilespmem:s28+$0x1DBF0]  }
0xd5: {  	v1 =	vld.idx.msk [tilespmem:v1+s2+$0x0], $0xffff  }
0xd6: {  	v8 =	vld.idx.msk [tilespmem:v8+s2+$0x0], $0xffff  }
0xd7: {  	v7 =	vld.idx.msk [tilespmem:v7+s2+$0x0], $0xffff  }
0xd8: {  	v6 =	vld.idx.msk [tilespmem:v6+s2+$0x0], $0xffff  }
0xd9: {  	v5 =	vld.idx.msk [tilespmem:v5+s2+$0x0], $0xffff  }
0xda: {  	v3 =	vld.idx.msk [tilespmem:v3+s2+$0x0], $0xffff  }
0xdb: {  	v4 =	vld.idx.msk [tilespmem:v4+s2+$0x0], $0xffff;
	v1 =	vmin.f32 v8, v1  }
0xdc: {  	v2 =	vld.idx.msk [tilespmem:v2+s2+$0x0], $0xffff;
	v1 =	vmin.f32 v1, v7  }
0xdd: {  	v1 =	vmin.f32 v1, v6  }
0xde: {  	v1 =	vmin.f32 v1, v5  }
0xdf: {  	v1 =	vmin.f32 v1, v3  }
0xe0: {  	v1 =	vmin.f32 v1, v4  }
0xe1: {  	v1 =	vmin.f32 v1, v2  }
0xe2: {  	[tilespmem:s28+$0x1C020] =	vst v1  }
0xe3: {  	_ =	swait.ge [sflag:s23], $0x1880  }
0xe4: {  	[sflag:s23] =	ssyncset.done $0x0  }
0xe5: {  	s26 =	simm.s32 $0x0;
	[sflag:s23] =	ssyncadd.s32 $0xFFFFE780  }
0xe6: {  	v1 =	vld [tilespmem:s26+$0x1E210]  }
0xe7: {  	v2 =	vld [tilespmem:s26+$0x1DF00]  }
0xe8: {  	v3 =	vld [tilespmem:s26+$0x1E520]  }
0xe9: {  	v4 =	vld [tilespmem:s26+$0x1E830]  }
0xea: {  	v5 =	vld [tilespmem:s26+$0x1EB40]  }
0xeb: {  	v7 =	vld [tilespmem:s26+$0x1EE50]  }
0xec: {  	v8 =	vld [tilespmem:s26+$0x1F160]  }
0xed: {  	s28 =	simm.s32 $0x0;
	v9 =	vld [tilespmem:s26+$0x1F470]  }
0xee: {  	v1 =	vld.idx.msk [tilespmem:v1+s28+$0x0], $0xffff  }
0xef: {  	v10 =	vld.idx.msk [tilespmem:v2+s28+$0x0], $0xffff  }
0xf0: {  	v11 =	vld.idx.msk [tilespmem:v3+s28+$0x0], $0xffff  }
0xf1: {  	v6 =	vld.idx.msk [tilespmem:v4+s28+$0x0], $0xffff  }
0xf2: {  	v5 =	vld.idx.msk [tilespmem:v5+s28+$0x0], $0xffff  }
0xf3: {  	v3 =	vld.idx.msk [tilespmem:v7+s28+$0x0], $0xffff  }
0xf4: {  	v2 =	vld.idx.msk [tilespmem:v8+s28+$0x0], $0xffff  }
0xf5: {  	s29 =	simm.s32 $0x10;
	v4 =	vld.idx.msk [tilespmem:v9+s28+$0x0], $0xffff;
	v7 =	vmin.f32 v10, v1  }
0xf6: {  	s31 =	simm.s32 $0x80;
	s30 =	simm.s32 $0x0;
	v1 =	vld [tilespmem:s29+$0x1E210];
	v7 =	vmin.f32 v7, v11  }
.LBB2_10:
0xf7: {  	p0 =	sne.s32 s31, $0xC00;
	v8 =	vld [tilespmem:s29+$0x1DF00];
	v6 =	vmin.f32 v7, v6  }
0xf8: {  	v7 =	vld [tilespmem:s29+$0x1E520];
	v5 =	vmin.f32 v6, v5  }
0xf9: {  	v6 =	vld [tilespmem:s29+$0x1E830];
	v3 =	vmin.f32 v5, v3  }
0xfa: {  	v5 =	vld [tilespmem:s29+$0x1EB40];
	v2 =	vmin.f32 v3, v2  }
0xfb: {  	v3 =	vld [tilespmem:s29+$0x1EE50];
	v2 =	vmin.f32 v2, v4  }
0xfc: {  	v4 =	vld [tilespmem:s29+$0x1F160];
	[tilespmem:s30+$0x1C330] =	vst v2;
	s30 =	smov.u32 s29  }
0xfd: {  	v9 =	vld [tilespmem:s30+$0x1F470]  }
0xfe: {  	v1 =	vld.idx.msk [tilespmem:v1+s28+$0x0], $0xffff  }
0xff: {  	v8 =	vld.idx.msk [tilespmem:v8+s28+$0x0], $0xffff  }
0x100: {  	v7 =	vld.idx.msk [tilespmem:v7+s28+$0x0], $0xffff  }
0x101: {  	v6 =	vld.idx.msk [tilespmem:v6+s28+$0x0], $0xffff  }
.Ltmp4:
0x102: {  	v5 =	vld.idx.msk [tilespmem:v5+s28+$0x0], $0xffff;
	(pc) =	sbr.rel @p0 .LBB2_10-.Ltmp4, $4  }
0x103: {  	v3 =	vld.idx.msk [tilespmem:v3+s28+$0x0], $0xffff  }
0x104: {  	v2 =	vld.idx.msk [tilespmem:v4+s28+$0x0], $0xffff  }
0x105: {  	s29 =	sshra.s32 s31, $0x2;
	v8 =	vmin.f32 v8, v1;
	v4 =	vld.idx.msk [tilespmem:v9+s28+$0x0], $0xffff  }
0x106: {  	s31 =	sadd.s32 $0x40, s31;
	v7 =	vmin.f32 v8, v7;
	v1 =	vld [tilespmem:s29+$0x1E210]  }
0x107: {  	_ = 	snop  }
0x108: {  	v8 =	vld [tilespmem:s29+$0x1DF00];
	v6 =	vmin.f32 v7, v6  }
0x109: {  	v60 =	vld [tilespmem:s29+$0x1E520];
	v5 =	vmin.f32 v6, v5  }
0x10a: {  	v61 =	vld [tilespmem:s29+$0x1E830];
	v3 =	vmin.f32 v5, v3  }
0x10b: {  	v62 =	vld [tilespmem:s29+$0x1EB40];
	v2 =	vmin.f32 v3, v2  }
0x10c: {  	v3 =	vld [tilespmem:s29+$0x1EE50];
	v2 =	vmin.f32 v2, v4  }
0x10d: {  	v63 =	vld [tilespmem:s29+$0x1F160];
	[tilespmem:s30+$0x1C330] =	vst v2  }
0x10e: {  	v2 =	vld [tilespmem:s29+$0x1F470]  }
0x10f: {  	v1 =	vld.idx.msk [tilespmem:v1+s28+$0x0], $0xffff  }
0x110: {  	v8 =	vld.idx.msk [tilespmem:v8+s28+$0x0], $0xffff  }
0x111: {  	v7 =	vld.idx.msk [tilespmem:v60+s28+$0x0], $0xffff  }
0x112: {  	v6 =	vld.idx.msk [tilespmem:v61+s28+$0x0], $0xffff  }
0x113: {  	v5 =	vld.idx.msk [tilespmem:v62+s28+$0x0], $0xffff  }
0x114: {  	v3 =	vld.idx.msk [tilespmem:v3+s28+$0x0], $0xffff  }
0x115: {  	v4 =	vld.idx.msk [tilespmem:v63+s28+$0x0], $0xffff;
	v1 =	vmin.f32 v8, v1  }
0x116: {  	v2 =	vld.idx.msk [tilespmem:v2+s28+$0x0], $0xffff;
	v1 =	vmin.f32 v1, v7  }
0x117: {  	v1 =	vmin.f32 v1, v6  }
0x118: {  	v1 =	vmin.f32 v1, v5  }
0x119: {  	v1 =	vmin.f32 v1, v3  }
0x11a: {  	v1 =	vmin.f32 v1, v4  }
0x11b: {  	v1 =	vmin.f32 v1, v2  }
0x11c: {  	[tilespmem:s29+$0x1C330] =	vst v1  }
0x11d: {  	v1 =	vld [tilespmem:s26+$0x19480]  }
0x11e: {  	v2 =	vld [tilespmem:s26+$0x18800];
	_ =	sdelay $0x1  }
0x11f: {  	v3 =	vld [tilespmem:s26+$0x1BA00];
	_ =	sdelay $0x2  }
0x120: {  	v2 =	vadd.f32 v2, v1;
	_ =	sdelay $0x1  }
0x121: {  	s28 =	simm.s32 $0x10;
	vm0 =	vlt.f32 v1, v3;
	vm1 =	vlt.f32 v2, $1.000000000e+03  }
0x122: {  	s29 =	simm.s32 $0x80;
	v1 =	vld [tilespmem:s28+$0x19480];
	vm0 =	vmand vm0, vm1  }
.LBB2_12:
0x123: {  	p0 =	sne.s32 s29, $0x30C0;
	v2 =	vld [tilespmem:s28+$0x18800];
	v3 =	vsel vm0, $0x3F800000, v0  }
0x124: {  	[tilespmem:s26+$0x1BA00] =	vst v3;
	s26 =	smov.u32 s28  }
0x125: {  	v3 =	vld [tilespmem:s26+$0x1BA00];
	_ =	sdelay $0x1  }
.Ltmp5:
0x126: {  	(pc) =	sbr.rel @p0 .LBB2_12-.Ltmp5, $3  }
0x127: {  	v2 =	vadd.f32 v2, v1;
	_ =	sdelay $0x1  }
0x128: {  	s28 =	sshra.s32 s29, $0x2;
	vm0 =	vlt.f32 v1, v3;
	vm1 =	vlt.f32 v2, $1.000000000e+03  }
0x129: {  	s29 =	sadd.s32 $0x40, s29;
	v1 =	vld [tilespmem:s28+$0x19480];
	vm0 =	vmand vm0, vm1  }
0x12a: {  	v2 =	vld [tilespmem:s28+$0x18800];
	v3 =	vsel vm0, $0x3F800000, v0  }
0x12b: {  	[tilespmem:s26+$0x1BA00] =	vst v3  }
0x12c: {  	v3 =	vld [tilespmem:s28+$0x1BA00];
	_ =	sdelay $0x2  }
0x12d: {  	v2 =	vadd.f32 v2, v1;
	_ =	sdelay $0x1  }
0x12e: {  	vm15 =	vlt.f32 v1, v3;
	vm1 =	vlt.f32 v2, $1.000000000e+03  }
0x12f: {  	vm0 =	vmand vm15, vm1  }
0x130: {  	v1 =	vsel vm0, $0x3F800000, v0  }
0x131: {  	[tilespmem:s28+$0x1BA00] =	vst v1  }
0x132: {  	[hbm4b:s12+s2] =	stream.linear.scatter [tilespmem:s24], [sflag:$0x2], $0xC40, $0x38;
	[tilespmem:$0x1F780] =	vst v63  }
0x133: {  	_ =	swait.ge [sflag:s17], $0xC40  }
0x134: {  	[sflag:s17] =	ssyncset.done $0x0  }
0x135: {  	s25 =	sadd.s32 $0x1, s25;
	[sflag:s17] =	ssyncadd.s32 $0xFFFFF3C0  }
0x136: {  	p0 =	sne.s32 s25, s13;
	_ =	swait.ge [sflag:s17], $0xC40  }
.Ltmp6:
0x137: {  	[sflag:s17] =	ssyncset.done $0x0;
	(pc) =	sbr.rel @p0 .LBB2_1-.Ltmp6, $4  }
0x138: {  	[sflag:s17] =	ssyncadd.s32 $0xFFFFF3C0  }
0x139: {  	_ =	swait.ge [sflag:s17], $0xC40  }
0x13a: {  	[sflag:s17] =	ssyncset.done $0x0  }
0x13b: {  	[sflag:s17] =	ssyncadd.s32 $0xFFFFF3C0  }
0x13c: {  	_ =	sfence.sel $0x180000  }
0x13d: {  	[bflag:$0x0] =	sbarrier.arrive $0xFFFF  }
0x13e: {  	p0 =	sne.s32 s1, $0x0;
	_ =	strace $0x90000047  }
0x13f: {  	s0 =	sadd.s32 @!p0 $0x100000, s0;
	[bflag:$0x2] =	sbarrier.arrive $0xFFFF  }
0x140: {  	[sflag:s0] =	ssyncadd.tile.s32 @!p0 $0x1;
	_ =	shalt  }
.Lfunc_end2:
_tile_overlayer_lowered:
.L_overlay_start_2:
0x141: {  	(tag) =	ssettag $0x2  }
0x142: {  	s0 =	rddreg [dreg:$0x0];
	s2 =	stileid.u32  }
0x143: {  	s1 =	rddreg [dreg:$0x1];
	p0 =	sne.s32 s2, $0x0  }
0x144: {  	s3 =	rddreg [dreg:$0x2];
	[bflag:$0x3] =	sbarrier.arrive $0xFFFF;
	s2 =	simm.s32 @!p0 $0x1C05  }
0x145: {  	[timem:s3], [sflag:s2] =	dma.local @!p0 [hbm:s0], s1  }
0x146: {  	s0 =	simm.s32 @!p0 $0x5  }
0x147: {  	_ =	swait.ge @!p0 [sflag:s0], s1  }
0x148: {  	s1 =	ssub.s32 @!p0 $0x0, s1;
	[sflag:s0] =	ssyncset.done @!p0 $0x0  }
0x149: {  	[sflag:s0] =	ssyncadd.s32 @!p0 s1  }
0x14a: {  	[bflag:$0x3] =	sbarrier.arrive $0xFFFF  }
0x14b: {  	_ =	shalt  }

// kernel: kernel.8.cloned.1.call-start
scs
__scs_entry_jumppad:
0x0: {  	(pc) =	sbr.rel $0x88, $3  }
0x1: {  	(tag) =	ssettag $0x0;
	lr =	simm.s32 $0x1  }
0x2: {  	[smem:$0x3F98] =	sst lr;
	_ =	strace $0xD0000000  }
0x3: {  	_ = 	snop  }
0x4: {  	_ = 	snop  }
0x5: {  	_ = 	snop  }
0x6: {  	_ = 	snop  }
0x7: {  	_ = 	snop  }
__scs_overlays_trampoline_lowered:
0x8: {  	[smem:$0x3FA7] =	sst s0  }
0x9: {  	[smem:$0x3FA8] =	sst s1  }
0xa: {  	[smem:$0x3FA9] =	sst s2  }
0xb: {  	[smem:$0x3FAA] =	sst s3  }
0xc: {  	[smem:$0x3FAB] =	sst s4  }
0xd: {  	[smem:$0x3FAC] =	sst s5  }
0xe: {  	[smem:$0x3FAD] =	sst s6  }
0xf: {  	[smem:$0x3FAE] =	sst s7  }
0x10: {  	[smem:$0x3FAF] =	sst s8  }
0x11: {  	[smem:$0x3FB0] =	sst s9;
	s0 =	simm.s32 @!p0 $0x0  }
0x12: {  	s1 =	sld [smem:$0x3F96];
	s0 =	simm.s32 @p0 $0x1  }
0x13: {  	[smem:$0x3FB1] =	sst s0;
	s0 =	simm.s32 @!p1 $0x0  }
0x14: {  	s2 =	sld [smem:$0x3F95];
	s0 =	simm.s32 @p1 $0x1  }
0x15: {  	[smem:$0x3FB2] =	sst s0;
	s0 =	simm.s32 @!p2 $0x0  }
0x16: {  	s3 =	sld [smem:$0x3FDB];
	s0 =	simm.s32 @p2 $0x1  }
0x17: {  	s4 =	simm.s32 $0x1BF5;
	[smem:$0x3FB4] =	sst s0  }
0x18: {  	s0 =	sld [smem:$0x3F97];
	_ =	swait.ge [sflag:s4], $0x0  }
0x19: {  	s7 =	sld [smem:$0x3F98]  }
0x1a: {  	s8 =	sadd.s32 $0xFFFFE003, lr  }
0x1b: {  	s9 =	sadd.s32 $0xFFFFFEF7, lr;
	s5 =	simm.s32 $0xFFFFFFFF;
	p2 =	slt.u32 s8, $0xFFFFF086  }
0x1c: {  	p1 =	slt.u32 s9, $0xF7A;
	s5 =	simm.s32 @!p2 $0x0  }
0x1d: {  	s5 =	simm.s32 @p1 $0x1;
	p0 =	seq.s32 s7, s2  }
0x1e: {  	s7 =	smul.u32 @!p0 $0xF7A, s2;
	p2 =	seq.s32 @!p0 s5, $0x0  }
0x1f: {  	s9 =	smul.u32 $0xF7A, s1;
	s8 =	simm.s32 @!p0 $0x1BF5;
	p2 =	por !p2, p0  }
0x20: {  	[sflag:s8] =	ssyncset.s32 @!p0 $0xFFFFF086;
	s6 =	sadd.s32 @!p0 s3, s7;
	s7 =	simm.s32 @!p0 $0x108  }
0x21: {  	s3 =	sadd.s32 s3, s9;
	s6 =	sadd.s32 @!p0 $0x88, s6;
	s7 =	simm.s32 @p2 $0x1082  }
0x22: {  	[simem:s7], [sflag:s8] =	dma.local @!p0 [hbm:s6], $0xF7A  }
0x23: {  	s9 =	sor.u32 $0xD0000000, s2;
	s6 =	simm.s32 $0x108;
	_ =	swait.ge @!p0 [sflag:s8], $0x0  }
0x24: {  	s3 =	sadd.s32 $0x88, s3;
	s6 =	simm.s32 @!p1 $0x1082;
	[sflag:s4] =	ssyncset.s32 $0xFFFFF086  }
0x25: {  	[simem:s6], [sflag:s4] =	dma.local [hbm:s3], $0xF7A  }
0x26: {  	[smem:$0x3F98] =	sst s1;
	(tag) =	ssettag s2;
	_ =	strace s9  }
0x27: {  	s1 =	sld [smem:$0x3FA8]  }
0x28: {  	s2 =	sld [smem:$0x3FA9]  }
0x29: {  	s4 =	sld [smem:$0x3FAB]  }
0x2a: {  	p0 =	seq.s32 s5, $0x0;
	s5 =	sld [smem:$0x3FAC]  }
0x2b: {  	s6 =	sld [smem:$0x3FAD]  }
0x2c: {  	s7 =	sld [smem:$0x3FAE]  }
0x2d: {  	s3 =	simm.s32 $0x108;
	s8 =	sld [smem:$0x3FAF]  }
0x2e: {  	s3 =	simm.s32 @!p0 $0x1082;
	s9 =	sld [smem:$0x3FB0]  }
0x2f: {  	lr =	sadd.s32 s0, s3;
	s0 =	sld [smem:$0x3FA7]  }
0x30: {  	s3 =	sld [smem:$0x3FAA]  }
0x31: {  	[smem:$0x3FB3] =	sst s10  }
0x32: {  	s10 =	sld [smem:$0x3FB1];
	_ =	sdelay $0x3  }
0x33: {  	p0 =	seq.s32 s10, $0x1;
	s10 =	sld [smem:$0x3FB3];
	_ =	sdelay $0x3  }
0x34: {  	[smem:$0x3FB3] =	sst s10  }
0x35: {  	s10 =	sld [smem:$0x3FB2];
	_ =	sdelay $0x3  }
0x36: {  	p1 =	seq.s32 s10, $0x1;
	s10 =	sld [smem:$0x3FB3];
	_ =	sdelay $0x3  }
0x37: {  	[smem:$0x3FB3] =	sst s10  }
0x38: {  	s10 =	sld [smem:$0x3FB4]  }
0x39: {  	_ = 	snop;
	(pc) =	sbr.ind lr, $3  }
0x3a: {  	_ = 	snop  }
0x3b: {  	_ = 	snop  }
0x3c: {  	p2 =	seq.s32 s10, $0x1;
	s10 =	sld [smem:$0x3FB3]  }
0x3d: {  	_ =	shalt  }
0x3e: {  	_ =	shalt  }
0x3f: {  	_ =	shalt  }
0x40: {  	_ =	shalt  }
0x41: {  	_ =	shalt  }
0x42: {  	_ =	shalt  }
0x43: {  	_ =	shalt  }
0x44: {  	_ =	shalt  }
0x45: {  	_ =	shalt  }
0x46: {  	_ =	shalt  }
0x47: {  	_ =	shalt  }
0x48: {  	_ =	shalt  }
0x49: {  	_ =	shalt  }
0x4a: {  	_ =	shalt  }
0x4b: {  	_ =	shalt  }
0x4c: {  	_ =	shalt  }
0x4d: {  	_ =	shalt  }
0x4e: {  	_ =	shalt  }
0x4f: {  	_ =	shalt  }
0x50: {  	_ =	shalt  }
0x51: {  	_ =	shalt  }
0x52: {  	_ =	shalt  }
0x53: {  	_ =	shalt  }
0x54: {  	_ =	shalt  }
0x55: {  	_ =	shalt  }
0x56: {  	_ =	shalt  }
0x57: {  	_ =	shalt  }
0x58: {  	_ =	shalt  }
0x59: {  	_ =	shalt  }
0x5a: {  	_ =	shalt  }
0x5b: {  	_ =	shalt  }
0x5c: {  	_ =	shalt  }
0x5d: {  	_ =	shalt  }
0x5e: {  	_ =	shalt  }
0x5f: {  	_ =	shalt  }
0x60: {  	_ =	shalt  }
0x61: {  	_ =	shalt  }
0x62: {  	_ =	shalt  }
0x63: {  	_ =	shalt  }
0x64: {  	_ =	shalt  }
0x65: {  	_ =	shalt  }
0x66: {  	_ =	shalt  }
0x67: {  	_ =	shalt  }
0x68: {  	_ =	shalt  }
0x69: {  	_ =	shalt  }
0x6a: {  	_ =	shalt  }
0x6b: {  	_ =	shalt  }
0x6c: {  	_ =	shalt  }
0x6d: {  	_ =	shalt  }
0x6e: {  	_ =	shalt  }
0x6f: {  	_ =	shalt  }
0x70: {  	_ =	shalt  }
0x71: {  	_ =	shalt  }
0x72: {  	_ =	shalt  }
0x73: {  	_ =	shalt  }
0x74: {  	_ =	shalt  }
0x75: {  	_ =	shalt  }
0x76: {  	_ =	shalt  }
0x77: {  	_ =	shalt  }
0x78: {  	_ =	shalt  }
0x79: {  	_ =	shalt  }
0x7a: {  	_ =	shalt  }
0x7b: {  	_ =	shalt  }
0x7c: {  	_ =	shalt  }
0x7d: {  	_ =	shalt  }
0x7e: {  	_ =	shalt  }
0x7f: {  	_ =	shalt  }
0x80: {  	_ =	shalt  }
0x81: {  	_ =	shalt  }
0x82: {  	_ =	shalt  }
0x83: {  	_ =	shalt  }
0x84: {  	_ =	shalt  }
0x85: {  	_ =	shalt  }
0x86: {  	_ =	shalt  }
0x87: {  	_ =	shalt  }
.Lfunc_end0:
.L_simem_size_0:
called_computation.1_lowered:
.L_overlay_start_0:
0x88: {  	s2 =	sld [smem:$0x3FD9]  }
0x89: {  	s3 =	sld [smem:$0x3FFE];
	_ =	sdelay $0x1  }
0x8a: {  	s1 =	srdreg.scid  }
0x8b: {  	s0 =	sand.u32 $0x1, s1  }
0x8c: {  	s14 =	sshll.u32 s0, $0xA;
	s2 =	sadd.s32 s3, s2  }
0x8d: {  	s2 =	sadd.s32 s2, s14  }
0x8e: {  	[smem:$0x3FBF] =	sst s2  }
0x8f: {  	_ = 	snop  }
0x90: {  	s2 =	sld [smem:$0x3FC7]  }
0x91: {  	s15 =	sld [smem:$0x3FD0]  }
0x92: {  	s4 =	sld [smem:$0x3FC6]  }
0x93: {  	s5 =	sld [smem:$0x3FC5]  }
0x94: {  	s7 =	simm.s32 $0xA;
	s8 =	simm.s32 $0x10;
	s6 =	sld [smem:$0x3FC1]  }
0x95: {  	[smem:s8], [sflag:s7] =	dma.local [hbm:s15], $0x1  }
0x96: {  	_ =	swait.eq [sflag:s7], $0x1  }
0x97: {  	[sflag:s7] =	ssyncset.done $0x0  }
0x98: {  	[sflag:s7] =	ssyncadd.s32 $0xFFFFFFFF  }
0x99: {  	s16 =	sld [smem:$0x10];
	(tm) =	ssettm $0x1  }
0x9a: {  	s17 =	sld [smem:$0x3FFB];
	_ =	sdelay $0x3  }
0x9b: {  	_ =	strace s17  }
0x9c: {  	s7 =	sld [smem:$0x3FFC];
	_ =	sdelay $0x3  }
0x9d: {  	_ =	strace s7  }
0x9e: {  	s7 =	sld [smem:$0x3FFD];
	_ =	sdelay $0x3  }
0x9f: {  	_ =	strace s7  }
0xa0: {  	_ =	strace $0x8FFFFFFF  }
0xa1: {  	s18 =	sld [smem:$0x3FDB];
	_ =	sdelay $0x1  }
0xa2: {  	s19 =	simm.s32 $_scs_section_size  }
0xa3: {  	s9 =	simm.s32 $_size__tile_overlayer_lowered;
	s10 =	simm.s32 $_tile_overlayer_lowered  }
0xa4: {  	s22 =	simm.s32 $0x1BFF;
	s21 =	sshll.u32 s10, $0x1;
	s7 =	sadd.s32 s19, s18  }
0xa5: {  	s11 =	simm.s32 $0x0;
	s20 =	sshll.u32 s9, $0x1;
	s9 =	sadd.s32 s21, s7  }
0xa6: {  	[timem:s11], [sflag:s22] =	dma.local [hbm:s9], s20  }
0xa7: {  	_ =	swait.ge [sflag:s22], s20  }
0xa8: {  	s8 =	ssub.s32 $0x0, s20;
	[sflag:s22] =	ssyncset.done $0x0  }
0xa9: {  	[sflag:s22] =	ssyncadd.s32 s8;
	_ =	sdelay $0x1  }
0xaa: {  	s23 =	simm.s32 $0x1B8B  }
0xab: {  	_ =	swait.ge [sflag:s23], $0x1  }
0xac: {  	[sflag:s23] =	ssyncset.done $0x0  }
0xad: {  	s25 =	simm.s32 $0x1B8E;
	s24 =	sld [smem:$0x3FFE];
	[sflag:s23] =	ssyncadd.s32 $0xFFFFFFFF  }
0xae: {  	s26 =	simm.s32 $execute0_lowered;
	[smem:$0x3FD2] =	sst s25  }
0xaf: {  	s9 =	sshll.u32 s26, $0x1;
	_ =	strace $0x80000049;
	[dreg:$0x1] =	wrdreg $0xFFFFFFFF  }
0xb0: {  	s28 =	simm.s32 $_size_execute0_lowered;
	s7 =	sadd.s32 s7, s9;
	[dreg:$0x0] =	wrdreg $0x0  }
0xb1: {  	s9 =	sshll.u32 s28, $0x1;
	[dreg:$0x2] =	wrdreg s7  }
0xb2: {  	[dreg:$0x3] =	wrdreg s9  }
0xb3: {  	[dreg:$0x4] =	wrdreg $0xC0  }
0xb4: {  	_ =	task [dreg:s11], $0x5FFFF  }
0xb5: {  	[dreg:$0x1] =	wrdreg $0xFFFFFFFF  }
0xb6: {  	[dreg:$0x0] =	wrdreg $0x60  }
0xb7: {  	[dreg:$0x2] =	wrdreg s24  }
0xb8: {  	[dreg:$0x3] =	wrdreg s4  }
0xb9: {  	[dreg:$0x4] =	wrdreg s5  }
0xba: {  	[dreg:$0x5] =	wrdreg s2  }
0xbb: {  	[dreg:$0x6] =	wrdreg s6  }
0xbc: {  	[dreg:$0x7] =	wrdreg s16  }
0xbd: {  	[dreg:$0x8] =	wrdreg $0x9  }
0xbe: {  	_ =	task.clear_ibuf [dreg:s11], $0x9FFFF;
	_ =	strace $0x90000049  }
0xbf: {  	s29 =	simm.s32 $0x9;
	_ =	strace $0x8000004B  }
0xc0: {  	_ =	swait.ge [sflag:s29], $0x1  }
0xc1: {  	[sflag:s29] =	ssyncadd.s32 $0xFFFFFFFF  }
0xc2: {  	_ =	strace $0x9000004B  }
0xc3: {  	_ =	sfence  }
0xc4: {  	s30 =	sld [smem:$0x0];
	_ =	sdelay $0x2  }
0xc5: {  	s31 =	sshll.u32 s1, $0xD;
	s1 =	sshrl.u32 s1, $0x2  }
0xc6: {  	s3 =	sand.u32 $0x4000, s31;
	s1 =	sadd.s32 s1, s30  }
0xc7: {  	s0 =	sor.u32 s3, s0;
	s1 =	sshll.u32 s1, $0x11  }
0xc8: {  	s0 =	sor.u32 s1, s0  }
0xc9: {  	s0 =	sadd.s32 $0x8F2B, s0  }
0xca: {  	[sflag:s0] =	ssyncadd.remote.s32 $0x1  }
0xcb: {  	_ =	sfence.sel $0xFFFF  }
0xcc: {  	[dreg:$0x0] =	wrdreg $0xFFFFFFFF;
	(pc) =	sbr.abs _section_cstart, $3  }
0xcd: {  	[dreg:$0x1] =	wrdreg $0xFFFFFFFF  }
0xce: {  	_ =	task.clear_ibuf [dreg:s11], $0x2FFFF;
	_ =	strace $0x9FFFFFFF  }
0xcf: {  	(tm) =	ssettm $0x7FFFFFFF  }
tec
execute0_lowered:
.L_overlay_start_1:
0x0: {  	(tag) =	ssettag $0x1  }
0x1: {  	s2 =	rddreg [dreg:$0x1]  }
0x2: {  	s0 =	srdreg.scid;
	s17 =	stileid.u32  }
0x3: {  	s3 =	rddreg [dreg:$0x2];
	s0 =	sand.u32 $0x1, s0;
	s1 =	sshll.u32 s17, $0x1  }
0x4: {  	s4 =	rddreg [dreg:$0x3];
	s1 =	sor.u32 s0, s1  }
0x5: {  	s5 =	rddreg [dreg:$0x4];
	s6 =	smul.u32 $0xC8, s1  }
0x6: {  	s8 =	rddreg [dreg:$0x5]  }
0x7: {  	p0 =	slt.u32 s17, $0xD;
	s0 =	ssub.s32 $0x2, s0;
	s11 =	sadd.s32 s2, s6  }
0x8: {  	s7 =	sor.u32 $0x20, s1;
	s12 =	sadd.s32 s3, s6;
	[dreg:$0x7] =	wrdreg s11  }
0x9: {  	s9 =	sshrl.u32 s0, $0x1;
	s13 =	sadd.s32 s4, s6;
	[dreg:$0x8] =	wrdreg s12  }
0xa: {  	s10 =	smul.u32 $0xC8, s7;
	s14 =	sadd.s32 s5, s6;
	[dreg:$0x9] =	wrdreg s13  }
0xb: {  	s18 =	sor.u32 $0x40, s1;
	s6 =	sadd.s32 s8, s6;
	[dreg:$0xa] =	wrdreg s14  }
0xc: {  	s0 =	ssub.s32 s0, s9;
	s15 =	sadd.s32 s2, s10;
	[dreg:$0xf] =	wrdreg s6  }
0xd: {  	s20 =	smul.u32 $0xC8, s18;
	s16 =	sadd.s32 s3, s10;
	[dreg:$0xb] =	wrdreg s15  }
0xe: {  	s11 =	smul.u32 $0x32, s1;
	s19 =	sadd.s32 s4, s10;
	[dreg:$0xc] =	wrdreg s16  }
0xf: {  	s12 =	sor.u32 $0x60, s1;
	s21 =	sadd.s32 s5, s10;
	[dreg:$0xd] =	wrdreg s19  }
0x10: {  	s13 =	sor.u32 $0x80, s1;
	s22 =	sadd.s32 s8, s10;
	[dreg:$0xe] =	wrdreg s21  }
0x11: {  	s14 =	sor.u32 $0xA0, s1;
	s23 =	sadd.s32 s2, s20;
	[dreg:$0x10] =	wrdreg s22  }
0x12: {  	s25 =	sadd.s32 s3, s20;
	s26 =	sadd.s32 s4, s20;
	[dreg:$0x11] =	wrdreg s23  }
0x13: {  	s17 =	sadd.s32 s8, s20;
	s15 =	sor.u32 $0xC0, s1;
	[dreg:$0x12] =	wrdreg s25  }
0x14: {  	s16 =	sor.u32 $0xE0, s1;
	s24 =	smul.u32 $0xC8, s12;
	[dreg:$0x13] =	wrdreg s26  }
0x15: {  	[dreg:$0x15] =	wrdreg s17;
	s1 =	smov.u32 @p0 s16;
	s16 =	sadd.s32 s5, s20  }
0x16: {  	s9 =	smul.u32 $0x32, s18;
	[dreg:$0x14] =	wrdreg s16;
	s18 =	sadd.s32 s2, s24  }
0x17: {  	s19 =	sadd.s32 s3, s24;
	[dreg:$0x16] =	wrdreg s18  }
0x18: {  	s20 =	sadd.s32 s4, s24;
	[dreg:$0x17] =	wrdreg s19  }
0x19: {  	s21 =	smul.u32 $0xC8, s13;
	s22 =	sadd.s32 s5, s24;
	[dreg:$0x18] =	wrdreg s20  }
0x1a: {  	s6 =	smul.u32 $0x32, s7;
	s7 =	sadd.s32 s8, s24;
	[dreg:$0x19] =	wrdreg s22  }
0x1b: {  	s23 =	sadd.s32 s2, s21;
	[dreg:$0x1a] =	wrdreg s7  }
0x1c: {  	s24 =	sadd.s32 s3, s21;
	[dreg:$0x1b] =	wrdreg s23  }
0x1d: {  	s25 =	sadd.s32 s4, s21;
	[dreg:$0x1c] =	wrdreg s24  }
0x1e: {  	s16 =	smul.u32 $0xC8, s15;
	s26 =	sadd.s32 s5, s21;
	[dreg:$0x1d] =	wrdreg s25  }
0x1f: {  	s10 =	sadd.s32 s8, s21;
	[dreg:$0x1e] =	wrdreg s26  }
0x20: {  	[dreg:$0x1f] =	wrdreg s10;
	s20 =	sadd.s32 s2, s16  }
0x21: {  	s7 =	smul.u32 $0xC8, s14;
	s22 =	sadd.s32 s3, s16;
	[smem:$0x7EB] =	sst s20  }
0x22: {  	s18 =	smul.u32 $0xC8, s1;
	s25 =	sadd.s32 s4, s16;
	[smem:$0x7EE] =	sst s22  }
0x23: {  	s19 =	sadd.s32 s2, s7;
	[smem:$0x7F1] =	sst s25  }
0x24: {  	s2 =	sadd.s32 s2, s18;
	[smem:$0x7EA] =	sst s19  }
0x25: {  	s21 =	sadd.s32 s3, s7;
	[smem:$0x7EC] =	sst s2  }
0x26: {  	s23 =	sadd.s32 s3, s18;
	[smem:$0x7ED] =	sst s21  }
0x27: {  	s24 =	sadd.s32 s4, s7;
	[smem:$0x7EF] =	sst s23  }
0x28: {  	s28 =	simm.s32 $0x1B580;
	s26 =	sadd.s32 s4, s18;
	[smem:$0x7F0] =	sst s24  }
0x29: {  	s29 =	simm.s32 $0x1C900;
	s3 =	sadd.s32 s5, s7;
	[smem:$0x7F2] =	sst s26  }
0x2a: {  	s30 =	simm.s32 $0x1;
	s4 =	sadd.s32 s5, s16;
	[smem:$0x7F3] =	sst s3  }
0x2b: {  	s1 =	smul.u32 $0x32, s1;
	s5 =	sadd.s32 s5, s18;
	[smem:$0x7F4] =	sst s4  }
0x2c: {  	s10 =	sadd.s32 s8, s7;
	s16 =	sadd.s32 s8, s16;
	[smem:$0x7F5] =	sst s5  }
0x2d: {  	s17 =	sadd.s32 s8, s18;
	s18 =	smul.u32 $0x32, s12;
	[smem:$0x7F6] =	sst s10  }
0x2e: {  	s31 =	simm.s32 $0x4;
	s20 =	smul.u32 $0x32, s13;
	[smem:$0x7F7] =	sst s16  }
0x2f: {  	s25 =	smul.u32 $0x32, s15;
	s7 =	simm.s32 $0x1DC80;
	[smem:$0x7F8] =	sst s17  }
0x30: {  	s8 =	simm.s32 $0x1EB80;
	s12 =	simm.s32 $0x0;
	s19 =	rddreg [dreg:$0x0]  }
0x31: {  	s10 =	simm.s32 $0x0;
	s23 =	smul.u32 $0x32, s14;
	s3 =	simm.s32 $0x2  }
0x32: {  	s4 =	simm.s32 $0x1D600;
	s5 =	simm.s32 $0x1E980;
	s21 =	sadd.s32 $0x1800, s19  }
0x33: {  	[smem:$0x7FF] =	sst s10;
	s19 =	sadd.s32 $0x1D200, s19;
	s22 =	sadd.s32 s21, s11  }
0x34: {  	s6 =	sadd.s32 s21, s6;
	s24 =	sadd.s32 s21, s9;
	s2 =	sadd.s32 s21, s18  }
0x35: {  	s26 =	sadd.s32 s21, s20;
	s16 =	sadd.s32 s21, s23;
	[smem:$0x7F9] =	sst s22  }
0x36: {  	s17 =	sadd.s32 s21, s25;
	s18 =	sadd.s32 s21, s1;
	[smem:$0x7FA] =	sst s6  }
0x37: {  	s20 =	smax.u32 s0, $0x1;
	s21 =	simm.s32 $0x18800;
	[smem:$0x7FB] =	sst s24  }
0x38: {  	s23 =	simm.s32 $0x1AF00;
	s25 =	simm.s32 $0x18E80;
	[smem:$0x7FC] =	sst s2  }
0x39: {  	s1 =	simm.s32 $0x5;
	s11 =	simm.s32 $0x7;
	[smem:$0x7FD] =	sst s26  }
0x3a: {  	s22 =	simm.s32 $0x19B80;
	s24 =	simm.s32 $0x1C280;
	s26 =	simm.s32 $0x1A200  }
0x3b: {  	v0 =	vimm.s32 $0x0;
	s6 =	simm.s32 $0x3;
	s2 =	simm.s32 $0x6;
	_ =	strace $0x8000004A  }
.LBB2_1:
0x3c: {  	[tilespmem:s10], [sflag:$0x1] =	stream.linear.gather [hbm4b:s19+s10], $0x18800, $0x38;
	[tilespmem:$0x1EF80] =	vst v63  }
0x3d: {  	s0 =	rddreg [dreg:$0x7]  }
0x3e: {  	[tilespmem:s21], [sflag:$0x2] =	stream.linear.gather [hbm4b:s0+s10], $0x640, $0x38;
	[tilespmem:$0x1EF80] =	vst v63  }
0x3f: {  	s14 =	rddreg [dreg:$0x8]  }
0x40: {  	[tilespmem:s22], [sflag:$0x2] =	stream.linear.gather [hbm4b:s14+s10], $0x640, $0x38;
	[tilespmem:$0x1EF80] =	vst v63  }
0x41: {  	s15 =	rddreg [dreg:$0x9]  }
0x42: {  	[tilespmem:s23], [sflag:$0x2] =	stream.linear.gather [hbm4b:s15+s10], $0x640, $0x38;
	[tilespmem:$0x1EF80] =	vst v63  }
0x43: {  	s9 =	rddreg [dreg:$0xa]  }
0x44: {  	[tilespmem:s24], [sflag:$0x2] =	stream.linear.gather [hbm4b:s9+s10], $0x640, $0x38;
	[tilespmem:$0x1EF80] =	vst v63  }
0x45: {  	s13 =	rddreg [dreg:$0xb]  }
0x46: {  	[tilespmem:s25], [sflag:$0x3] =	stream.linear.gather [hbm4b:s13+s10], $0x640, $0x38;
	[tilespmem:$0x1EF80] =	vst v63  }
0x47: {  	s14 =	rddreg [dreg:$0xc]  }
0x48: {  	[tilespmem:s26], [sflag:$0x3] =	stream.linear.gather [hbm4b:s14+s10], $0x640, $0x38;
	[tilespmem:$0x1EF80] =	vst v63  }
0x49: {  	s15 =	rddreg [dreg:$0xd]  }
0x4a: {  	[tilespmem:s28], [sflag:$0x3] =	stream.linear.gather [hbm4b:s15+s10], $0x640, $0x38;
	[tilespmem:$0x1EF80] =	vst v63  }
0x4b: {  	s9 =	rddreg [dreg:$0xe]  }
0x4c: {  	[tilespmem:s29], [sflag:$0x3] =	stream.linear.gather [hbm4b:s9+s10], $0x640, $0x38;
	[tilespmem:$0x1EF80] =	vst v63  }
0x4d: {  	_ =	swait.ge [sflag:s30], $0x18800  }
0x4e: {  	[sflag:s30] =	ssyncset.done $0x0  }
0x4f: {  	s9 =	simm.s32 $0x19500;
	s13 =	rddreg [dreg:$0x11];
	[sflag:s30] =	ssyncadd.s32 $0xFFFE7800  }
0x50: {  	[tilespmem:s9], [sflag:$0x4] =	stream.linear.gather [hbm4b:s13+s10], $0x640, $0x38;
	[tilespmem:$0x1EF80] =	vst v63  }
0x51: {  	s15 =	simm.s32 $0x1A880;
	s14 =	rddreg [dreg:$0x12]  }
0x52: {  	[tilespmem:s15], [sflag:$0x4] =	stream.linear.gather [hbm4b:s14+s10], $0x640, $0x38;
	[tilespmem:$0x1EF80] =	vst v63  }
0x53: {  	s9 =	rddreg [dreg:$0x13];
	s13 =	simm.s32 $0x1BC00  }
0x54: {  	[tilespmem:s13], [sflag:$0x4] =	stream.linear.gather [hbm4b:s9+s10], $0x640, $0x38;
	[tilespmem:$0x1EF80] =	vst v63  }
0x55: {  	s14 =	rddreg [dreg:$0x14];
	s15 =	simm.s32 $0x1CF80  }
0x56: {  	[tilespmem:s15], [sflag:$0x4] =	stream.linear.gather [hbm4b:s14+s10], $0x640, $0x38;
	[tilespmem:$0x1EF80] =	vst v63  }
0x57: {  	_ =	swait.ge [sflag:s3], $0x640  }
0x58: {  	[sflag:s3] =	ssyncset.done $0x0  }
0x59: {  	[sflag:s3] =	ssyncadd.s32 $0xFFFFF9C0  }
0x5a: {  	_ =	swait.ge [sflag:s3], $0x640  }
0x5b: {  	[sflag:s3] =	ssyncset.done $0x0  }
0x5c: {  	[sflag:s3] =	ssyncadd.s32 $0xFFFFF9C0  }
0x5d: {  	_ =	swait.ge [sflag:s3], $0x640  }
0x5e: {  	[sflag:s3] =	ssyncset.done $0x0  }
0x5f: {  	[sflag:s3] =	ssyncadd.s32 $0xFFFFF9C0  }
0x60: {  	_ =	swait.ge [sflag:s3], $0x640  }
0x61: {  	[sflag:s3] =	ssyncset.done $0x0  }
0x62: {  	s13 =	simm.s32 $0x0;
	[sflag:s3] =	ssyncadd.s32 $0xFFFFF9C0  }
0x63: {  	v1 =	vld [tilespmem:s13+$0x18800]  }
0x64: {  	v2 =	vld [tilespmem:s13+$0x19B80]  }
0x65: {  	v3 =	vld [tilespmem:s13+$0x1AF00];
	_ =	sdelay $0x4  }
0x66: {  	(erf) = vrcp.f32 v3;
	_ =	sdelay $0x1  }
0x67: {  	v1 =	vld.idx.msk [tilespmem:v1+s10+$0x0], $0xffff  }
0x68: {  	v2 =	vld.idx.msk [tilespmem:v2+s10+$0x0], $0xffff  }
0x69: {  	v4 =	vld [tilespmem:s13+$0x1C280]  }
0x6a: {  	v5 =	vld [tilespmem:s13+$0x19B90]  }
0x6b: {  	v3 =	vld [tilespmem:s13+$0x18810]  }
0x6c: {  	v6 =	vld [tilespmem:s13+$0x1AF10]  }
0x6d: {  	v1 =	vsub.f32 v2, v1  }
0x6e: {  	v2 =	vpop (erf)  }
0x6f: {  	v1 =	vmul.f32 v2, v1  }
0x70: {  	vm0 =	veq.s32 v4, $0x0  }
0x71: {  	(erf) = vrcp.f32 v6;
	v1 =	vnsel vm0, $0x0, v1  }
0x72: {  	[tilespmem:s13+$0x1D600] =	vst v1  }
0x73: {  	v2 =	vld.idx.msk [tilespmem:v3+s10+$0x0], $0xffff  }
0x74: {  	v3 =	vld.idx.msk [tilespmem:v5+s10+$0x0], $0xffff  }
0x75: {  	v7 =	vld [tilespmem:s13+$0x1AF20]  }
0x76: {  	v4 =	vld [tilespmem:s13+$0x18820]  }
0x77: {  	v5 =	vld [tilespmem:s13+$0x1C290]  }
0x78: {  	v6 =	vld [tilespmem:s13+$0x19BA0]  }
0x79: {  	v2 =	vsub.f32 v3, v2  }
0x7a: {  	v3 =	vpop (erf)  }
0x7b: {  	v2 =	vmul.f32 v3, v2  }
0x7c: {  	vm0 =	veq.s32 v5, $0x0  }
0x7d: {  	(erf) = vrcp.f32 v7;
	v2 =	vnsel vm0, $0x0, v2  }
0x7e: {  	[tilespmem:s13+$0x1D610] =	vst v2  }
0x7f: {  	v3 =	vld.idx.msk [tilespmem:v4+s10+$0x0], $0xffff  }
0x80: {  	v4 =	vld.idx.msk [tilespmem:v6+s10+$0x0], $0xffff  }
0x81: {  	v8 =	vld [tilespmem:s13+$0x1AF30]  }
0x82: {  	v7 =	vld [tilespmem:s13+$0x1C2A0]  }
0x83: {  	v6 =	vld [tilespmem:s13+$0x18830]  }
0x84: {  	v5 =	vld [tilespmem:s13+$0x19BB0]  }
0x85: {  	v3 =	vsub.f32 v4, v3  }
0x86: {  	v4 =	vpop (erf)  }
0x87: {  	v3 =	vmul.f32 v4, v3  }
0x88: {  	vm0 =	veq.s32 v7, $0x0  }
0x89: {  	(erf) = vrcp.f32 v8;
	v3 =	vnsel vm0, $0x0, v3  }
0x8a: {  	[tilespmem:s13+$0x1D620] =	vst v3  }
0x8b: {  	v4 =	vld.idx.msk [tilespmem:v6+s10+$0x0], $0xffff  }
0x8c: {  	v5 =	vld.idx.msk [tilespmem:v5+s10+$0x0], $0xffff;
	_ =	sdelay $0x1  }
0x8d: {  	vm0 =	vlt.f32 v1, $0.0e+00;
	v6 =	vld [tilespmem:s13+$0x1C2B0]  }
0x8e: {  	vm1 =	vgt.f32 v1, $0.0e+00;
	v1 =	vsel vm0, $0x1, v0  }
0x8f: {  	vm0 =	vlt.f32 v2, $0.0e+00;
	v1 =	vsel vm1, $0x2, v1;
	vm1 =	vgt.f32 v2, $0.0e+00  }
0x90: {  	v2 =	vsel vm0, $0x100, v0;
	vm0 =	vlt.f32 v3, $0.0e+00;
	v4 =	vsub.f32 v5, v4  }
0x91: {  	v2 =	vsel vm1, $0x200, v2;
	vm1 =	vgt.f32 v3, $0.0e+00;
	v3 =	vsel vm0, $0x10000, v0;
	v5 =	vpop (erf)  }
0x92: {  	s0 =	simm.s32 $0x1E980;
	s9 =	simm.s32 $0x1E980;
	s14 =	simm.s32 $0x100;
	v3 =	vsel vm1, $0x20000, v3;
	vm0 =	veq.s32 v6, $0x0;
	v4 =	vmul.f32 v5, v4  }
.LBB2_2:
0x93: {  	p0 =	sne.s32 s14, $0x1800  }
0x94: {  	s0 =	sadd.s32 $0x10, s0;
	s15 =	smov.u32 s14;
	s14 =	sadd.s32 $0x100, s14;
	v4 =	vnsel vm0, $0x0, v4  }
0x95: {  	v1 =	vor.u32 v1, v2;
	[tilespmem:s13+$0x1D630] =	vst v4;
	vm0 =	vgt.f32 v4, $0.0e+00;
	vm1 =	vlt.f32 v4, $0.0e+00  }
0x96: {  	v1 =	vor.u32 v3, v1;
	v2 =	vsel vm1, $0x1000000, v0  }
0x97: {  	v2 =	vsel vm0, $0x2000000, v2  }
0x98: {  	s13 =	sshra.s32 s15, $0x2;
	v1 =	vor.u32 v2, v1  }
0x99: {  	[tilespmem:s9+$0x0] =	vst v1;
	s9 =	smov.u32 s0  }
0x9a: {  	v1 =	vld [tilespmem:s13+$0x18800]  }
0x9b: {  	v2 =	vld [tilespmem:s13+$0x19B80]  }
0x9c: {  	v3 =	vld [tilespmem:s13+$0x1AF00];
	_ =	sdelay $0x4  }
0x9d: {  	(erf) = vrcp.f32 v3  }
0x9e: {  	v1 =	vld.idx.msk [tilespmem:v1+s10+$0x0], $0xffff  }
0x9f: {  	v2 =	vld.idx.msk [tilespmem:v2+s10+$0x0], $0xffff;
	_ =	sdelay $0x2  }
0xa0: {  	v3 =	vld [tilespmem:s13+$0x18810]  }
0xa1: {  	v4 =	vld [tilespmem:s13+$0x1C280]  }
0xa2: {  	v5 =	vld [tilespmem:s13+$0x19B90]  }
0xa3: {  	v1 =	vsub.f32 v2, v1;
	v2 =	vld [tilespmem:s13+$0x1AF10]  }
0xa4: {  	v6 =	vpop (erf)  }
0xa5: {  	v1 =	vmul.f32 v6, v1  }
0xa6: {  	vm0 =	veq.s32 v4, $0x0  }
0xa7: {  	v1 =	vnsel vm0, $0x0, v1  }
0xa8: {  	[tilespmem:s13+$0x1D600] =	vst v1;
	vm0 =	vlt.f32 v1, $0.0e+00;
	(erf) = vrcp.f32 v2  }
0xa9: {  	vm1 =	vgt.f32 v1, $0.0e+00;
	v1 =	vsel vm0, $0x1, v0;
	v2 =	vld.idx.msk [tilespmem:v3+s10+$0x0], $0xffff  }
0xaa: {  	v1 =	vsel vm1, $0x2, v1;
	v3 =	vld.idx.msk [tilespmem:v5+s10+$0x0], $0xffff;
	_ =	sdelay $0x2  }
0xab: {  	v4 =	vld [tilespmem:s13+$0x18820]  }
0xac: {  	v5 =	vld [tilespmem:s13+$0x1C290]  }
0xad: {  	v6 =	vld [tilespmem:s13+$0x19BA0]  }
0xae: {  	v2 =	vsub.f32 v3, v2;
	v3 =	vld [tilespmem:s13+$0x1AF20]  }
0xaf: {  	v7 =	vpop (erf)  }
0xb0: {  	v2 =	vmul.f32 v7, v2  }
0xb1: {  	vm0 =	veq.s32 v5, $0x0  }
0xb2: {  	v2 =	vnsel vm0, $0x0, v2  }
0xb3: {  	[tilespmem:s13+$0x1D610] =	vst v2;
	vm0 =	vlt.f32 v2, $0.0e+00;
	(erf) = vrcp.f32 v3  }
0xb4: {  	vm1 =	vgt.f32 v2, $0.0e+00;
	v2 =	vsel vm0, $0x100, v0;
	v3 =	vld.idx.msk [tilespmem:v4+s10+$0x0], $0xffff  }
0xb5: {  	v2 =	vsel vm1, $0x200, v2;
	v4 =	vld.idx.msk [tilespmem:v6+s10+$0x0], $0xffff;
	_ =	sdelay $0x1  }
0xb6: {  	v5 =	vld [tilespmem:s13+$0x19BB0]  }
0xb7: {  	v6 =	vld [tilespmem:s13+$0x18830]  }
0xb8: {  	v7 =	vld [tilespmem:s13+$0x1C2A0]  }
0xb9: {  	v8 =	vld [tilespmem:s13+$0x1AF30]  }
0xba: {  	v3 =	vsub.f32 v4, v3  }
0xbb: {  	v4 =	vpop (erf)  }
0xbc: {  	v3 =	vmul.f32 v4, v3  }
0xbd: {  	vm0 =	veq.s32 v7, $0x0  }
0xbe: {  	v3 =	vnsel vm0, $0x0, v3;
	(erf) = vrcp.f32 v8  }
0xbf: {  	[tilespmem:s13+$0x1D620] =	vst v3;
	vm0 =	vlt.f32 v3, $0.0e+00  }
0xc0: {  	vm1 =	vgt.f32 v3, $0.0e+00;
	v3 =	vsel vm0, $0x10000, v0;
	v4 =	vld.idx.msk [tilespmem:v6+s10+$0x0], $0xffff  }
0xc1: {  	v3 =	vsel vm1, $0x20000, v3;
	v5 =	vld.idx.msk [tilespmem:v5+s10+$0x0], $0xffff;
	_ =	sdelay $0x2  }
0xc2: {  	v6 =	vld [tilespmem:s13+$0x1C2B0]  }
.Ltmp0:
0xc3: {  	(pc) =	sbr.rel @p0 .LBB2_2-.Ltmp0, $3  }
0xc4: {  	_ = 	snop  }
0xc5: {  	v4 =	vsub.f32 v5, v4;
	v5 =	vpop (erf);
	_ =	sdelay $0x1  }
0xc6: {  	v4 =	vmul.f32 v5, v4;
	vm0 =	veq.s32 v6, $0x0  }
0xc7: {  	_ = 	snop  }
0xc8: {  	v4 =	vnsel vm0, $0x0, v4  }
0xc9: {  	vm0 =	vlt.f32 v4, $0.0e+00  }
0xca: {  	v1 =	vor.u32 v1, v2;
	vm1 =	vgt.f32 v4, $0.0e+00;
	v2 =	vsel vm0, $0x1000000, v0  }
0xcb: {  	v1 =	vor.u32 v3, v1;
	v2 =	vsel vm1, $0x2000000, v2  }
0xcc: {  	s14 =	sld [smem:$0x7F9];
	[tilespmem:s13+$0x1D630] =	vst v4;
	v1 =	vor.u32 v2, v1  }
0xcd: {  	s0 =	simm.s32 $0x0;
	s13 =	rddreg [dreg:$0xf];
	[tilespmem:s9+$0x0] =	vst v1  }
0xce: {  	[hbm4b:s13+s0] =	stream.linear.scatter [tilespmem:s4], [sflag:$0x5], $0x640, $0x38;
	[tilespmem:$0x1EF80] =	vst v63  }
0xcf: {  	_ = 	snop  }
0xd0: {  	[hbm4b:s14+s0] =	stream.linear.scatter [tilespmem:s5], [sflag:$0x5], $0x190, $0x38;
	[tilespmem:$0x1EF80] =	vst v63  }
0xd1: {  	s15 =	rddreg [dreg:$0x16]  }
0xd2: {  	[tilespmem:s21], [sflag:$0x2] =	stream.linear.gather [hbm4b:s15+s0], $0x640, $0x38;
	[tilespmem:$0x1EF80] =	vst v63  }
0xd3: {  	s13 =	rddreg [dreg:$0x17]  }
0xd4: {  	[tilespmem:s22], [sflag:$0x2] =	stream.linear.gather [hbm4b:s13+s0], $0x640, $0x38;
	[tilespmem:$0x1EF80] =	vst v63  }
0xd5: {  	s14 =	rddreg [dreg:$0x18]  }
0xd6: {  	[tilespmem:s23], [sflag:$0x2] =	stream.linear.gather [hbm4b:s14+s0], $0x640, $0x38;
	[tilespmem:$0x1EF80] =	vst v63  }
0xd7: {  	s15 =	rddreg [dreg:$0x19]  }
0xd8: {  	[tilespmem:s24], [sflag:$0x2] =	stream.linear.gather [hbm4b:s15+s0], $0x640, $0x38;
	[tilespmem:$0x1EF80] =	vst v63  }
0xd9: {  	_ =	swait.ge [sflag:s6], $0x640  }
0xda: {  	[sflag:s6] =	ssyncset.done $0x0  }
0xdb: {  	[sflag:s6] =	ssyncadd.s32 $0xFFFFF9C0  }
0xdc: {  	_ =	swait.ge [sflag:s6], $0x640  }
0xdd: {  	[sflag:s6] =	ssyncset.done $0x0  }
0xde: {  	[sflag:s6] =	ssyncadd.s32 $0xFFFFF9C0  }
0xdf: {  	_ =	swait.ge [sflag:s6], $0x640  }
0xe0: {  	[sflag:s6] =	ssyncset.done $0x0  }
0xe1: {  	[sflag:s6] =	ssyncadd.s32 $0xFFFFF9C0  }
0xe2: {  	_ =	swait.ge [sflag:s6], $0x640  }
0xe3: {  	[sflag:s6] =	ssyncset.done $0x0  }
0xe4: {  	s13 =	simm.s32 $0x0;
	[sflag:s6] =	ssyncadd.s32 $0xFFFFF9C0  }
0xe5: {  	v1 =	vld [tilespmem:s13+$0x18E80]  }
0xe6: {  	v2 =	vld [tilespmem:s13+$0x1A200]  }
0xe7: {  	v3 =	vld [tilespmem:s13+$0x1B580];
	_ =	sdelay $0x4  }
0xe8: {  	(erf) = vrcp.f32 v3;
	_ =	sdelay $0x1  }
0xe9: {  	v1 =	vld.idx.msk [tilespmem:v1+s10+$0x0], $0xffff  }
0xea: {  	v2 =	vld.idx.msk [tilespmem:v2+s10+$0x0], $0xffff  }
0xeb: {  	v4 =	vld [tilespmem:s13+$0x1C900]  }
0xec: {  	v5 =	vld [tilespmem:s13+$0x1A210]  }
0xed: {  	v3 =	vld [tilespmem:s13+$0x18E90]  }
0xee: {  	v6 =	vld [tilespmem:s13+$0x1B590]  }
0xef: {  	v1 =	vsub.f32 v2, v1  }
0xf0: {  	v2 =	vpop (erf)  }
0xf1: {  	v1 =	vmul.f32 v2, v1  }
0xf2: {  	vm0 =	veq.s32 v4, $0x0  }
0xf3: {  	(erf) = vrcp.f32 v6;
	v1 =	vnsel vm0, $0x0, v1  }
0xf4: {  	[tilespmem:s13+$0x1DC80] =	vst v1  }
0xf5: {  	v2 =	vld.idx.msk [tilespmem:v3+s10+$0x0], $0xffff  }
0xf6: {  	v3 =	vld.idx.msk [tilespmem:v5+s10+$0x0], $0xffff  }
0xf7: {  	v7 =	vld [tilespmem:s13+$0x1B5A0]  }
0xf8: {  	v4 =	vld [tilespmem:s13+$0x18EA0]  }
0xf9: {  	v5 =	vld [tilespmem:s13+$0x1C910]  }
0xfa: {  	v6 =	vld [tilespmem:s13+$0x1A220]  }
0xfb: {  	v2 =	vsub.f32 v3, v2  }
0xfc: {  	v3 =	vpop (erf)  }
0xfd: {  	v2 =	vmul.f32 v3, v2  }
0xfe: {  	vm0 =	veq.s32 v5, $0x0  }
0xff: {  	(erf) = vrcp.f32 v7;
	v2 =	vnsel vm0, $0x0, v2  }
0x100: {  	[tilespmem:s13+$0x1DC90] =	vst v2  }
0x101: {  	v3 =	vld.idx.msk [tilespmem:v4+s10+$0x0], $0xffff  }
0x102: {  	v4 =	vld.idx.msk [tilespmem:v6+s10+$0x0], $0xffff  }
0x103: {  	v8 =	vld [tilespmem:s13+$0x1B5B0]  }
0x104: {  	v7 =	vld [tilespmem:s13+$0x1C920]  }
0x105: {  	v6 =	vld [tilespmem:s13+$0x18EB0]  }
0x106: {  	v5 =	vld [tilespmem:s13+$0x1A230]  }
0x107: {  	v3 =	vsub.f32 v4, v3  }
0x108: {  	v4 =	vpop (erf)  }
0x109: {  	v3 =	vmul.f32 v4, v3  }
0x10a: {  	vm0 =	veq.s32 v7, $0x0  }
0x10b: {  	(erf) = vrcp.f32 v8;
	v3 =	vnsel vm0, $0x0, v3  }
0x10c: {  	[tilespmem:s13+$0x1DCA0] =	vst v3  }
0x10d: {  	v4 =	vld.idx.msk [tilespmem:v6+s10+$0x0], $0xffff  }
0x10e: {  	v5 =	vld.idx.msk [tilespmem:v5+s10+$0x0], $0xffff;
	_ =	sdelay $0x1  }
0x10f: {  	vm0 =	vlt.f32 v1, $0.0e+00;
	v6 =	vld [tilespmem:s13+$0x1C930]  }
0x110: {  	vm1 =	vgt.f32 v1, $0.0e+00;
	v1 =	vsel vm0, $0x1, v0  }
0x111: {  	vm0 =	vlt.f32 v2, $0.0e+00;
	v1 =	vsel vm1, $0x2, v1;
	vm1 =	vgt.f32 v2, $0.0e+00  }
0x112: {  	v2 =	vsel vm0, $0x100, v0;
	vm0 =	vlt.f32 v3, $0.0e+00;
	v4 =	vsub.f32 v5, v4  }
0x113: {  	v2 =	vsel vm1, $0x200, v2;
	vm1 =	vgt.f32 v3, $0.0e+00;
	v3 =	vsel vm0, $0x10000, v0;
	v5 =	vpop (erf)  }
0x114: {  	s9 =	simm.s32 $0x1EB80;
	s14 =	simm.s32 $0x1EB80;
	s0 =	simm.s32 $0x100;
	v3 =	vsel vm1, $0x20000, v3;
	vm0 =	veq.s32 v6, $0x0;
	v4 =	vmul.f32 v5, v4  }
.LBB2_4:
0x115: {  	p0 =	sne.s32 s0, $0x1800  }
0x116: {  	s14 =	sadd.s32 $0x10, s14;
	s15 =	smov.u32 s0;
	s0 =	sadd.s32 $0x100, s0;
	v4 =	vnsel vm0, $0x0, v4  }
0x117: {  	v1 =	vor.u32 v1, v2;
	[tilespmem:s13+$0x1DCB0] =	vst v4;
	vm0 =	vgt.f32 v4, $0.0e+00;
	vm1 =	vlt.f32 v4, $0.0e+00  }
0x118: {  	v1 =	vor.u32 v3, v1;
	v2 =	vsel vm1, $0x1000000, v0  }
0x119: {  	v2 =	vsel vm0, $0x2000000, v2  }
0x11a: {  	s13 =	sshra.s32 s15, $0x2;
	v1 =	vor.u32 v2, v1  }
0x11b: {  	[tilespmem:s9+$0x0] =	vst v1;
	s9 =	smov.u32 s14  }
0x11c: {  	v1 =	vld [tilespmem:s13+$0x18E80]  }
0x11d: {  	v2 =	vld [tilespmem:s13+$0x1A200]  }
0x11e: {  	v3 =	vld [tilespmem:s13+$0x1B580];
	_ =	sdelay $0x4  }
0x11f: {  	(erf) = vrcp.f32 v3  }
0x120: {  	v1 =	vld.idx.msk [tilespmem:v1+s10+$0x0], $0xffff  }
0x121: {  	v2 =	vld.idx.msk [tilespmem:v2+s10+$0x0], $0xffff;
	_ =	sdelay $0x2  }
0x122: {  	v3 =	vld [tilespmem:s13+$0x18E90]  }
0x123: {  	v4 =	vld [tilespmem:s13+$0x1C900]  }
0x124: {  	v5 =	vld [tilespmem:s13+$0x1A210]  }
0x125: {  	v1 =	vsub.f32 v2, v1;
	v2 =	vld [tilespmem:s13+$0x1B590]  }
0x126: {  	v6 =	vpop (erf)  }
0x127: {  	v1 =	vmul.f32 v6, v1  }
0x128: {  	vm0 =	veq.s32 v4, $0x0  }
0x129: {  	v1 =	vnsel vm0, $0x0, v1  }
0x12a: {  	[tilespmem:s13+$0x1DC80] =	vst v1;
	vm0 =	vlt.f32 v1, $0.0e+00;
	(erf) = vrcp.f32 v2  }
0x12b: {  	vm1 =	vgt.f32 v1, $0.0e+00;
	v1 =	vsel vm0, $0x1, v0;
	v2 =	vld.idx.msk [tilespmem:v3+s10+$0x0], $0xffff  }
0x12c: {  	v1 =	vsel vm1, $0x2, v1;
	v3 =	vld.idx.msk [tilespmem:v5+s10+$0x0], $0xffff;
	_ =	sdelay $0x2  }
0x12d: {  	v4 =	vld [tilespmem:s13+$0x18EA0]  }
0x12e: {  	v5 =	vld [tilespmem:s13+$0x1C910]  }
0x12f: {  	v6 =	vld [tilespmem:s13+$0x1A220]  }
0x130: {  	v2 =	vsub.f32 v3, v2;
	v3 =	vld [tilespmem:s13+$0x1B5A0]  }
0x131: {  	v7 =	vpop (erf)  }
0x132: {  	v2 =	vmul.f32 v7, v2  }
0x133: {  	vm0 =	veq.s32 v5, $0x0  }
0x134: {  	v2 =	vnsel vm0, $0x0, v2  }
0x135: {  	[tilespmem:s13+$0x1DC90] =	vst v2;
	vm0 =	vlt.f32 v2, $0.0e+00;
	(erf) = vrcp.f32 v3  }
0x136: {  	vm1 =	vgt.f32 v2, $0.0e+00;
	v2 =	vsel vm0, $0x100, v0;
	v3 =	vld.idx.msk [tilespmem:v4+s10+$0x0], $0xffff  }
0x137: {  	v2 =	vsel vm1, $0x200, v2;
	v4 =	vld.idx.msk [tilespmem:v6+s10+$0x0], $0xffff;
	_ =	sdelay $0x1  }
0x138: {  	v5 =	vld [tilespmem:s13+$0x1A230]  }
0x139: {  	v6 =	vld [tilespmem:s13+$0x18EB0]  }
0x13a: {  	v7 =	vld [tilespmem:s13+$0x1C920]  }
0x13b: {  	v8 =	vld [tilespmem:s13+$0x1B5B0]  }
0x13c: {  	v3 =	vsub.f32 v4, v3  }
0x13d: {  	v4 =	vpop (erf)  }
0x13e: {  	v3 =	vmul.f32 v4, v3  }
0x13f: {  	vm0 =	veq.s32 v7, $0x0  }
0x140: {  	v3 =	vnsel vm0, $0x0, v3;
	(erf) = vrcp.f32 v8  }
0x141: {  	[tilespmem:s13+$0x1DCA0] =	vst v3;
	vm0 =	vlt.f32 v3, $0.0e+00  }
0x142: {  	vm1 =	vgt.f32 v3, $0.0e+00;
	v3 =	vsel vm0, $0x10000, v0;
	v4 =	vld.idx.msk [tilespmem:v6+s10+$0x0], $0xffff  }
0x143: {  	v3 =	vsel vm1, $0x20000, v3;
	v5 =	vld.idx.msk [tilespmem:v5+s10+$0x0], $0xffff;
	_ =	sdelay $0x2  }
0x144: {  	v6 =	vld [tilespmem:s13+$0x1C930]  }
.Ltmp1:
0x145: {  	(pc) =	sbr.rel @p0 .LBB2_4-.Ltmp1, $3  }
0x146: {  	_ = 	snop  }
0x147: {  	v4 =	vsub.f32 v5, v4;
	v5 =	vpop (erf);
	_ =	sdelay $0x1  }
0x148: {  	v4 =	vmul.f32 v5, v4;
	vm0 =	veq.s32 v6, $0x0  }
0x149: {  	_ = 	snop  }
0x14a: {  	v4 =	vnsel vm0, $0x0, v4  }
0x14b: {  	vm0 =	vlt.f32 v4, $0.0e+00  }
0x14c: {  	v1 =	vor.u32 v1, v2;
	vm1 =	vgt.f32 v4, $0.0e+00;
	v2 =	vsel vm0, $0x1000000, v0  }
0x14d: {  	v1 =	vor.u32 v3, v1;
	v2 =	vsel vm1, $0x2000000, v2  }
0x14e: {  	s14 =	sld [smem:$0x7FA];
	[tilespmem:s13+$0x1DCB0] =	vst v4;
	v1 =	vor.u32 v2, v1  }
0x14f: {  	s0 =	simm.s32 $0x0;
	s13 =	rddreg [dreg:$0x10];
	[tilespmem:s9+$0x0] =	vst v1  }
0x150: {  	[hbm4b:s13+s0] =	stream.linear.scatter [tilespmem:s7], [sflag:$0x6], $0x640, $0x38;
	[tilespmem:$0x1EF80] =	vst v63  }
0x151: {  	_ = 	snop  }
0x152: {  	[hbm4b:s14+s0] =	stream.linear.scatter [tilespmem:s8], [sflag:$0x6], $0x190, $0x38;
	[tilespmem:$0x1EF80] =	vst v63  }
0x153: {  	s15 =	rddreg [dreg:$0x1b]  }
0x154: {  	[tilespmem:s25], [sflag:$0x3] =	stream.linear.gather [hbm4b:s15+s0], $0x640, $0x38;
	[tilespmem:$0x1EF80] =	vst v63  }
0x155: {  	s13 =	rddreg [dreg:$0x1c]  }
0x156: {  	[tilespmem:s26], [sflag:$0x3] =	stream.linear.gather [hbm4b:s13+s0], $0x640, $0x38;
	[tilespmem:$0x1EF80] =	vst v63  }
0x157: {  	s14 =	rddreg [dreg:$0x1d]  }
0x158: {  	[tilespmem:s28], [sflag:$0x3] =	stream.linear.gather [hbm4b:s14+s0], $0x640, $0x38;
	[tilespmem:$0x1EF80] =	vst v63  }
0x159: {  	s15 =	rddreg [dreg:$0x1e]  }
0x15a: {  	[tilespmem:s29], [sflag:$0x3] =	stream.linear.gather [hbm4b:s15+s0], $0x640, $0x38;
	[tilespmem:$0x1EF80] =	vst v63  }
0x15b: {  	_ =	swait.ge [sflag:s31], $0x640  }
0x15c: {  	[sflag:s31] =	ssyncset.done $0x0  }
0x15d: {  	[sflag:s31] =	ssyncadd.s32 $0xFFFFF9C0  }
0x15e: {  	_ =	swait.ge [sflag:s31], $0x640  }
0x15f: {  	[sflag:s31] =	ssyncset.done $0x0  }
0x160: {  	[sflag:s31] =	ssyncadd.s32 $0xFFFFF9C0  }
0x161: {  	_ =	swait.ge [sflag:s31], $0x640  }
0x162: {  	[sflag:s31] =	ssyncset.done $0x0  }
0x163: {  	[sflag:s31] =	ssyncadd.s32 $0xFFFFF9C0  }
0x164: {  	_ =	swait.ge [sflag:s31], $0x640  }
0x165: {  	[sflag:s31] =	ssyncset.done $0x0  }
0x166: {  	s13 =	simm.s32 $0x0;
	[sflag:s31] =	ssyncadd.s32 $0xFFFFF9C0  }
0x167: {  	v1 =	vld [tilespmem:s13+$0x19500]  }
0x168: {  	v2 =	vld [tilespmem:s13+$0x1A880]  }
0x169: {  	v3 =	vld [tilespmem:s13+$0x1BC00];
	_ =	sdelay $0x4  }
0x16a: {  	(erf) = vrcp.f32 v3;
	_ =	sdelay $0x1  }
0x16b: {  	v1 =	vld.idx.msk [tilespmem:v1+s10+$0x0], $0xffff  }
0x16c: {  	v2 =	vld.idx.msk [tilespmem:v2+s10+$0x0], $0xffff  }
0x16d: {  	v4 =	vld [tilespmem:s13+$0x1CF80]  }
0x16e: {  	v5 =	vld [tilespmem:s13+$0x1A890]  }
0x16f: {  	v3 =	vld [tilespmem:s13+$0x19510]  }
0x170: {  	v6 =	vld [tilespmem:s13+$0x1BC10]  }
0x171: {  	v1 =	vsub.f32 v2, v1  }
0x172: {  	v2 =	vpop (erf)  }
0x173: {  	v1 =	vmul.f32 v2, v1  }
0x174: {  	vm0 =	veq.s32 v4, $0x0  }
0x175: {  	(erf) = vrcp.f32 v6;
	v1 =	vnsel vm0, $0x0, v1  }
0x176: {  	[tilespmem:s13+$0x1E300] =	vst v1  }
0x177: {  	v2 =	vld.idx.msk [tilespmem:v3+s10+$0x0], $0xffff  }
0x178: {  	v3 =	vld.idx.msk [tilespmem:v5+s10+$0x0], $0xffff  }
0x179: {  	v7 =	vld [tilespmem:s13+$0x1BC20]  }
0x17a: {  	v4 =	vld [tilespmem:s13+$0x19520]  }
0x17b: {  	v5 =	vld [tilespmem:s13+$0x1CF90]  }
0x17c: {  	v6 =	vld [tilespmem:s13+$0x1A8A0]  }
0x17d: {  	v2 =	vsub.f32 v3, v2  }
0x17e: {  	v3 =	vpop (erf)  }
0x17f: {  	v2 =	vmul.f32 v3, v2  }
0x180: {  	vm0 =	veq.s32 v5, $0x0  }
0x181: {  	(erf) = vrcp.f32 v7;
	v2 =	vnsel vm0, $0x0, v2  }
0x182: {  	[tilespmem:s13+$0x1E310] =	vst v2  }
0x183: {  	v3 =	vld.idx.msk [tilespmem:v4+s10+$0x0], $0xffff  }
0x184: {  	v4 =	vld.idx.msk [tilespmem:v6+s10+$0x0], $0xffff  }
0x185: {  	v8 =	vld [tilespmem:s13+$0x1BC30]  }
0x186: {  	v7 =	vld [tilespmem:s13+$0x1CFA0]  }
0x187: {  	v6 =	vld [tilespmem:s13+$0x19530]  }
0x188: {  	v5 =	vld [tilespmem:s13+$0x1A8B0]  }
0x189: {  	v3 =	vsub.f32 v4, v3  }
0x18a: {  	v4 =	vpop (erf)  }
0x18b: {  	v3 =	vmul.f32 v4, v3  }
0x18c: {  	vm0 =	veq.s32 v7, $0x0  }
0x18d: {  	(erf) = vrcp.f32 v8;
	v3 =	vnsel vm0, $0x0, v3  }
0x18e: {  	[tilespmem:s13+$0x1E320] =	vst v3  }
0x18f: {  	v4 =	vld.idx.msk [tilespmem:v6+s10+$0x0], $0xffff  }
0x190: {  	v5 =	vld.idx.msk [tilespmem:v5+s10+$0x0], $0xffff;
	_ =	sdelay $0x1  }
0x191: {  	vm0 =	vlt.f32 v1, $0.0e+00;
	v6 =	vld [tilespmem:s13+$0x1CFB0]  }
0x192: {  	vm1 =	vgt.f32 v1, $0.0e+00;
	v1 =	vsel vm0, $0x1, v0  }
0x193: {  	vm0 =	vlt.f32 v2, $0.0e+00;
	v1 =	vsel vm1, $0x2, v1;
	vm1 =	vgt.f32 v2, $0.0e+00  }
0x194: {  	v2 =	vsel vm0, $0x100, v0;
	vm0 =	vlt.f32 v3, $0.0e+00;
	v4 =	vsub.f32 v5, v4  }
0x195: {  	v2 =	vsel vm1, $0x200, v2;
	vm1 =	vgt.f32 v3, $0.0e+00;
	v3 =	vsel vm0, $0x10000, v0;
	v5 =	vpop (erf)  }
0x196: {  	s9 =	simm.s32 $0x1ED80;
	s14 =	simm.s32 $0x1ED80;
	s0 =	simm.s32 $0x100;
	v3 =	vsel vm1, $0x20000, v3;
	vm0 =	veq.s32 v6, $0x0;
	v4 =	vmul.f32 v5, v4  }
.LBB2_6:
0x197: {  	p0 =	sne.s32 s0, $0x1800  }
0x198: {  	s14 =	sadd.s32 $0x10, s14;
	s15 =	smov.u32 s0;
	s0 =	sadd.s32 $0x100, s0;
	v4 =	vnsel vm0, $0x0, v4  }
0x199: {  	v1 =	vor.u32 v1, v2;
	[tilespmem:s13+$0x1E330] =	vst v4;
	vm0 =	vgt.f32 v4, $0.0e+00;
	vm1 =	vlt.f32 v4, $0.0e+00  }
0x19a: {  	v1 =	vor.u32 v3, v1;
	v2 =	vsel vm1, $0x1000000, v0  }
0x19b: {  	v2 =	vsel vm0, $0x2000000, v2  }
0x19c: {  	s13 =	sshra.s32 s15, $0x2;
	v1 =	vor.u32 v2, v1  }
0x19d: {  	[tilespmem:s9+$0x0] =	vst v1;
	s9 =	smov.u32 s14  }
0x19e: {  	v1 =	vld [tilespmem:s13+$0x19500]  }
0x19f: {  	v2 =	vld [tilespmem:s13+$0x1A880]  }
0x1a0: {  	v3 =	vld [tilespmem:s13+$0x1BC00];
	_ =	sdelay $0x4  }
0x1a1: {  	(erf) = vrcp.f32 v3  }
0x1a2: {  	v1 =	vld.idx.msk [tilespmem:v1+s10+$0x0], $0xffff  }
0x1a3: {  	v2 =	vld.idx.msk [tilespmem:v2+s10+$0x0], $0xffff;
	_ =	sdelay $0x2  }
0x1a4: {  	v3 =	vld [tilespmem:s13+$0x19510]  }
0x1a5: {  	v4 =	vld [tilespmem:s13+$0x1CF80]  }
0x1a6: {  	v5 =	vld [tilespmem:s13+$0x1A890]  }
0x1a7: {  	v1 =	vsub.f32 v2, v1;
	v2 =	vld [tilespmem:s13+$0x1BC10]  }
0x1a8: {  	v6 =	vpop (erf)  }
0x1a9: {  	v1 =	vmul.f32 v6, v1  }
0x1aa: {  	vm0 =	veq.s32 v4, $0x0  }
0x1ab: {  	v1 =	vnsel vm0, $0x0, v1  }
0x1ac: {  	[tilespmem:s13+$0x1E300] =	vst v1;
	vm0 =	vlt.f32 v1, $0.0e+00;
	(erf) = vrcp.f32 v2  }
0x1ad: {  	vm1 =	vgt.f32 v1, $0.0e+00;
	v1 =	vsel vm0, $0x1, v0;
	v2 =	vld.idx.msk [tilespmem:v3+s10+$0x0], $0xffff  }
0x1ae: {  	v1 =	vsel vm1, $0x2, v1;
	v3 =	vld.idx.msk [tilespmem:v5+s10+$0x0], $0xffff;
	_ =	sdelay $0x2  }
0x1af: {  	v4 =	vld [tilespmem:s13+$0x19520]  }
0x1b0: {  	v5 =	vld [tilespmem:s13+$0x1CF90]  }
0x1b1: {  	v6 =	vld [tilespmem:s13+$0x1A8A0]  }
0x1b2: {  	v2 =	vsub.f32 v3, v2;
	v3 =	vld [tilespmem:s13+$0x1BC20]  }
0x1b3: {  	v7 =	vpop (erf)  }
0x1b4: {  	v2 =	vmul.f32 v7, v2  }
0x1b5: {  	vm0 =	veq.s32 v5, $0x0  }
0x1b6: {  	v2 =	vnsel vm0, $0x0, v2  }
0x1b7: {  	[tilespmem:s13+$0x1E310] =	vst v2;
	vm0 =	vlt.f32 v2, $0.0e+00;
	(erf) = vrcp.f32 v3  }
0x1b8: {  	vm1 =	vgt.f32 v2, $0.0e+00;
	v2 =	vsel vm0, $0x100, v0;
	v3 =	vld.idx.msk [tilespmem:v4+s10+$0x0], $0xffff  }
0x1b9: {  	v2 =	vsel vm1, $0x200, v2;
	v4 =	vld.idx.msk [tilespmem:v6+s10+$0x0], $0xffff;
	_ =	sdelay $0x1  }
0x1ba: {  	v5 =	vld [tilespmem:s13+$0x1A8B0]  }
0x1bb: {  	v6 =	vld [tilespmem:s13+$0x19530]  }
0x1bc: {  	v7 =	vld [tilespmem:s13+$0x1CFA0]  }
0x1bd: {  	v8 =	vld [tilespmem:s13+$0x1BC30]  }
0x1be: {  	v3 =	vsub.f32 v4, v3  }
0x1bf: {  	v4 =	vpop (erf)  }
0x1c0: {  	v3 =	vmul.f32 v4, v3  }
0x1c1: {  	vm0 =	veq.s32 v7, $0x0  }
0x1c2: {  	v3 =	vnsel vm0, $0x0, v3;
	(erf) = vrcp.f32 v8  }
0x1c3: {  	[tilespmem:s13+$0x1E320] =	vst v3;
	vm0 =	vlt.f32 v3, $0.0e+00  }
0x1c4: {  	vm1 =	vgt.f32 v3, $0.0e+00;
	v3 =	vsel vm0, $0x10000, v0;
	v4 =	vld.idx.msk [tilespmem:v6+s10+$0x0], $0xffff  }
0x1c5: {  	v3 =	vsel vm1, $0x20000, v3;
	v5 =	vld.idx.msk [tilespmem:v5+s10+$0x0], $0xffff;
	_ =	sdelay $0x2  }
0x1c6: {  	v6 =	vld [tilespmem:s13+$0x1CFB0]  }
.Ltmp2:
0x1c7: {  	(pc) =	sbr.rel @p0 .LBB2_6-.Ltmp2, $3  }
0x1c8: {  	_ = 	snop  }
0x1c9: {  	v4 =	vsub.f32 v5, v4;
	v5 =	vpop (erf);
	_ =	sdelay $0x1  }
0x1ca: {  	v4 =	vmul.f32 v5, v4;
	vm0 =	veq.s32 v6, $0x0  }
0x1cb: {  	_ = 	snop  }
0x1cc: {  	v4 =	vnsel vm0, $0x0, v4  }
0x1cd: {  	vm0 =	vlt.f32 v4, $0.0e+00  }
0x1ce: {  	v1 =	vor.u32 v1, v2;
	vm1 =	vgt.f32 v4, $0.0e+00;
	v2 =	vsel vm0, $0x1000000, v0  }
0x1cf: {  	v1 =	vor.u32 v3, v1;
	v2 =	vsel vm1, $0x2000000, v2  }
0x1d0: {  	[tilespmem:s13+$0x1E330] =	vst v4;
	v1 =	vor.u32 v2, v1  }
0x1d1: {  	s0 =	simm.s32 $0x0;
	s14 =	rddreg [dreg:$0x15];
	s15 =	simm.s32 $0x1E300;
	[tilespmem:s9+$0x0] =	vst v1  }
0x1d2: {  	[hbm4b:s14+s0] =	stream.linear.scatter [tilespmem:s15], [sflag:$0x7], $0x640, $0x38;
	[tilespmem:$0x1EF80] =	vst v63  }
0x1d3: {  	s14 =	sld [smem:$0x7FB];
	_ =	sdelay $0x1  }
0x1d4: {  	s15 =	simm.s32 $0x1ED80  }
0x1d5: {  	[hbm4b:s14+s0] =	stream.linear.scatter [tilespmem:s15], [sflag:$0x7], $0x190, $0x38;
	[tilespmem:$0x1EF80] =	vst v63  }
0x1d6: {  	s14 =	sld [smem:$0x7EA];
	_ =	sdelay $0x1  }
0x1d7: {  	s15 =	simm.s32 $0x19500  }
0x1d8: {  	[tilespmem:s15], [sflag:$0x4] =	stream.linear.gather [hbm4b:s14+s0], $0x640, $0x38;
	[tilespmem:$0x1EF80] =	vst v63  }
0x1d9: {  	s14 =	sld [smem:$0x7ED];
	_ =	sdelay $0x1  }
0x1da: {  	s15 =	simm.s32 $0x1A880  }
0x1db: {  	[tilespmem:s15], [sflag:$0x4] =	stream.linear.gather [hbm4b:s14+s0], $0x640, $0x38;
	[tilespmem:$0x1EF80] =	vst v63  }
0x1dc: {  	s14 =	sld [smem:$0x7F0];
	_ =	sdelay $0x1  }
0x1dd: {  	s15 =	simm.s32 $0x1BC00  }
0x1de: {  	[tilespmem:s15], [sflag:$0x4] =	stream.linear.gather [hbm4b:s14+s0], $0x640, $0x38;
	[tilespmem:$0x1EF80] =	vst v63  }
0x1df: {  	s14 =	sld [smem:$0x7F3];
	_ =	sdelay $0x1  }
0x1e0: {  	s15 =	simm.s32 $0x1CF80  }
0x1e1: {  	[tilespmem:s15], [sflag:$0x4] =	stream.linear.gather [hbm4b:s14+s0], $0x640, $0x38;
	[tilespmem:$0x1EF80] =	vst v63  }
0x1e2: {  	_ =	swait.ge [sflag:s3], $0x640  }
0x1e3: {  	[sflag:s3] =	ssyncset.done $0x0  }
0x1e4: {  	[sflag:s3] =	ssyncadd.s32 $0xFFFFF9C0  }
0x1e5: {  	_ =	swait.ge [sflag:s3], $0x640  }
0x1e6: {  	[sflag:s3] =	ssyncset.done $0x0  }
0x1e7: {  	[sflag:s3] =	ssyncadd.s32 $0xFFFFF9C0  }
0x1e8: {  	_ =	swait.ge [sflag:s3], $0x640  }
0x1e9: {  	[sflag:s3] =	ssyncset.done $0x0  }
0x1ea: {  	[sflag:s3] =	ssyncadd.s32 $0xFFFFF9C0  }
0x1eb: {  	_ =	swait.ge [sflag:s3], $0x640  }
0x1ec: {  	[sflag:s3] =	ssyncset.done $0x0  }
0x1ed: {  	[sflag:s3] =	ssyncadd.s32 $0xFFFFF9C0  }
0x1ee: {  	_ =	swait.ge [sflag:s1], $0x640  }
0x1ef: {  	[sflag:s1] =	ssyncset.done $0x0  }
0x1f0: {  	[sflag:s1] =	ssyncadd.s32 $0xFFFFF9C0  }
0x1f1: {  	_ =	swait.ge [sflag:s1], $0x190  }
0x1f2: {  	[sflag:s1] =	ssyncset.done $0x0  }
0x1f3: {  	s13 =	simm.s32 $0x0;
	[sflag:s1] =	ssyncadd.s32 $0xFFFFFE70  }
0x1f4: {  	v1 =	vld [tilespmem:s13+$0x18800]  }
0x1f5: {  	v2 =	vld [tilespmem:s13+$0x19B80]  }
0x1f6: {  	v3 =	vld [tilespmem:s13+$0x1AF00];
	_ =	sdelay $0x4  }
0x1f7: {  	(erf) = vrcp.f32 v3;
	_ =	sdelay $0x1  }
0x1f8: {  	v1 =	vld.idx.msk [tilespmem:v1+s10+$0x0], $0xffff  }
0x1f9: {  	v2 =	vld.idx.msk [tilespmem:v2+s10+$0x0], $0xffff  }
0x1fa: {  	v4 =	vld [tilespmem:s13+$0x1C280]  }
0x1fb: {  	v5 =	vld [tilespmem:s13+$0x19B90]  }
0x1fc: {  	v3 =	vld [tilespmem:s13+$0x18810]  }
0x1fd: {  	v6 =	vld [tilespmem:s13+$0x1AF10]  }
0x1fe: {  	v1 =	vsub.f32 v2, v1  }
0x1ff: {  	v2 =	vpop (erf)  }
0x200: {  	v1 =	vmul.f32 v2, v1  }
0x201: {  	vm0 =	veq.s32 v4, $0x0  }
0x202: {  	(erf) = vrcp.f32 v6;
	v1 =	vnsel vm0, $0x0, v1  }
0x203: {  	[tilespmem:s13+$0x1D600] =	vst v1  }
0x204: {  	v2 =	vld.idx.msk [tilespmem:v3+s10+$0x0], $0xffff  }
0x205: {  	v3 =	vld.idx.msk [tilespmem:v5+s10+$0x0], $0xffff  }
0x206: {  	v7 =	vld [tilespmem:s13+$0x1AF20]  }
0x207: {  	v4 =	vld [tilespmem:s13+$0x18820]  }
0x208: {  	v5 =	vld [tilespmem:s13+$0x1C290]  }
0x209: {  	v6 =	vld [tilespmem:s13+$0x19BA0]  }
0x20a: {  	v2 =	vsub.f32 v3, v2  }
0x20b: {  	v3 =	vpop (erf)  }
0x20c: {  	v2 =	vmul.f32 v3, v2  }
0x20d: {  	vm0 =	veq.s32 v5, $0x0  }
0x20e: {  	(erf) = vrcp.f32 v7;
	v2 =	vnsel vm0, $0x0, v2  }
0x20f: {  	[tilespmem:s13+$0x1D610] =	vst v2  }
0x210: {  	v3 =	vld.idx.msk [tilespmem:v4+s10+$0x0], $0xffff  }
0x211: {  	v4 =	vld.idx.msk [tilespmem:v6+s10+$0x0], $0xffff  }
0x212: {  	v8 =	vld [tilespmem:s13+$0x1AF30]  }
0x213: {  	v7 =	vld [tilespmem:s13+$0x1C2A0]  }
0x214: {  	v6 =	vld [tilespmem:s13+$0x18830]  }
0x215: {  	v5 =	vld [tilespmem:s13+$0x19BB0]  }
0x216: {  	v3 =	vsub.f32 v4, v3  }
0x217: {  	v4 =	vpop (erf)  }
0x218: {  	v3 =	vmul.f32 v4, v3  }
0x219: {  	vm0 =	veq.s32 v7, $0x0  }
0x21a: {  	(erf) = vrcp.f32 v8;
	v3 =	vnsel vm0, $0x0, v3  }
0x21b: {  	[tilespmem:s13+$0x1D620] =	vst v3  }
0x21c: {  	v4 =	vld.idx.msk [tilespmem:v6+s10+$0x0], $0xffff  }
0x21d: {  	v5 =	vld.idx.msk [tilespmem:v5+s10+$0x0], $0xffff;
	_ =	sdelay $0x1  }
0x21e: {  	vm0 =	vlt.f32 v1, $0.0e+00;
	v6 =	vld [tilespmem:s13+$0x1C2B0]  }
0x21f: {  	vm1 =	vgt.f32 v1, $0.0e+00;
	v1 =	vsel vm0, $0x1, v0  }
0x220: {  	vm0 =	vlt.f32 v2, $0.0e+00;
	v1 =	vsel vm1, $0x2, v1;
	vm1 =	vgt.f32 v2, $0.0e+00  }
0x221: {  	v2 =	vsel vm0, $0x100, v0;
	vm0 =	vlt.f32 v3, $0.0e+00;
	v4 =	vsub.f32 v5, v4  }
0x222: {  	v2 =	vsel vm1, $0x200, v2;
	vm1 =	vgt.f32 v3, $0.0e+00;
	v3 =	vsel vm0, $0x10000, v0;
	v5 =	vpop (erf)  }
0x223: {  	s9 =	simm.s32 $0x1E980;
	s14 =	simm.s32 $0x1E980;
	s0 =	simm.s32 $0x100;
	v3 =	vsel vm1, $0x20000, v3;
	vm0 =	veq.s32 v6, $0x0;
	v4 =	vmul.f32 v5, v4  }
.LBB2_8:
0x224: {  	p0 =	sne.s32 s0, $0x1800  }
0x225: {  	s14 =	sadd.s32 $0x10, s14;
	s15 =	smov.u32 s0;
	s0 =	sadd.s32 $0x100, s0;
	v4 =	vnsel vm0, $0x0, v4  }
0x226: {  	v1 =	vor.u32 v1, v2;
	[tilespmem:s13+$0x1D630] =	vst v4;
	vm0 =	vgt.f32 v4, $0.0e+00;
	vm1 =	vlt.f32 v4, $0.0e+00  }
0x227: {  	v1 =	vor.u32 v3, v1;
	v2 =	vsel vm1, $0x1000000, v0  }
0x228: {  	v2 =	vsel vm0, $0x2000000, v2  }
0x229: {  	s13 =	sshra.s32 s15, $0x2;
	v1 =	vor.u32 v2, v1  }
0x22a: {  	[tilespmem:s9+$0x0] =	vst v1;
	s9 =	smov.u32 s14  }
0x22b: {  	v1 =	vld [tilespmem:s13+$0x18800]  }
0x22c: {  	v2 =	vld [tilespmem:s13+$0x19B80]  }
0x22d: {  	v3 =	vld [tilespmem:s13+$0x1AF00];
	_ =	sdelay $0x4  }
0x22e: {  	(erf) = vrcp.f32 v3  }
0x22f: {  	v1 =	vld.idx.msk [tilespmem:v1+s10+$0x0], $0xffff  }
0x230: {  	v2 =	vld.idx.msk [tilespmem:v2+s10+$0x0], $0xffff;
	_ =	sdelay $0x2  }
0x231: {  	v3 =	vld [tilespmem:s13+$0x18810]  }
0x232: {  	v4 =	vld [tilespmem:s13+$0x1C280]  }
0x233: {  	v5 =	vld [tilespmem:s13+$0x19B90]  }
0x234: {  	v1 =	vsub.f32 v2, v1;
	v2 =	vld [tilespmem:s13+$0x1AF10]  }
0x235: {  	v6 =	vpop (erf)  }
0x236: {  	v1 =	vmul.f32 v6, v1  }
0x237: {  	vm0 =	veq.s32 v4, $0x0  }
0x238: {  	v1 =	vnsel vm0, $0x0, v1  }
0x239: {  	[tilespmem:s13+$0x1D600] =	vst v1;
	vm0 =	vlt.f32 v1, $0.0e+00;
	(erf) = vrcp.f32 v2  }
0x23a: {  	vm1 =	vgt.f32 v1, $0.0e+00;
	v1 =	vsel vm0, $0x1, v0;
	v2 =	vld.idx.msk [tilespmem:v3+s10+$0x0], $0xffff  }
0x23b: {  	v1 =	vsel vm1, $0x2, v1;
	v3 =	vld.idx.msk [tilespmem:v5+s10+$0x0], $0xffff;
	_ =	sdelay $0x2  }
0x23c: {  	v4 =	vld [tilespmem:s13+$0x18820]  }
0x23d: {  	v5 =	vld [tilespmem:s13+$0x1C290]  }
0x23e: {  	v6 =	vld [tilespmem:s13+$0x19BA0]  }
0x23f: {  	v2 =	vsub.f32 v3, v2;
	v3 =	vld [tilespmem:s13+$0x1AF20]  }
0x240: {  	v7 =	vpop (erf)  }
0x241: {  	v2 =	vmul.f32 v7, v2  }
0x242: {  	vm0 =	veq.s32 v5, $0x0  }
0x243: {  	v2 =	vnsel vm0, $0x0, v2  }
0x244: {  	[tilespmem:s13+$0x1D610] =	vst v2;
	vm0 =	vlt.f32 v2, $0.0e+00;
	(erf) = vrcp.f32 v3  }
0x245: {  	vm1 =	vgt.f32 v2, $0.0e+00;
	v2 =	vsel vm0, $0x100, v0;
	v3 =	vld.idx.msk [tilespmem:v4+s10+$0x0], $0xffff  }
0x246: {  	v2 =	vsel vm1, $0x200, v2;
	v4 =	vld.idx.msk [tilespmem:v6+s10+$0x0], $0xffff;
	_ =	sdelay $0x1  }
0x247: {  	v5 =	vld [tilespmem:s13+$0x19BB0]  }
0x248: {  	v6 =	vld [tilespmem:s13+$0x18830]  }
0x249: {  	v7 =	vld [tilespmem:s13+$0x1C2A0]  }
0x24a: {  	v8 =	vld [tilespmem:s13+$0x1AF30]  }
0x24b: {  	v3 =	vsub.f32 v4, v3  }
0x24c: {  	v4 =	vpop (erf)  }
0x24d: {  	v3 =	vmul.f32 v4, v3  }
0x24e: {  	vm0 =	veq.s32 v7, $0x0  }
0x24f: {  	v3 =	vnsel vm0, $0x0, v3;
	(erf) = vrcp.f32 v8  }
0x250: {  	[tilespmem:s13+$0x1D620] =	vst v3;
	vm0 =	vlt.f32 v3, $0.0e+00  }
0x251: {  	vm1 =	vgt.f32 v3, $0.0e+00;
	v3 =	vsel vm0, $0x10000, v0;
	v4 =	vld.idx.msk [tilespmem:v6+s10+$0x0], $0xffff  }
0x252: {  	v3 =	vsel vm1, $0x20000, v3;
	v5 =	vld.idx.msk [tilespmem:v5+s10+$0x0], $0xffff;
	_ =	sdelay $0x2  }
0x253: {  	v6 =	vld [tilespmem:s13+$0x1C2B0]  }
.Ltmp3:
0x254: {  	(pc) =	sbr.rel @p0 .LBB2_8-.Ltmp3, $3  }
0x255: {  	_ = 	snop  }
0x256: {  	v4 =	vsub.f32 v5, v4;
	v5 =	vpop (erf);
	_ =	sdelay $0x1  }
0x257: {  	v4 =	vmul.f32 v5, v4;
	vm0 =	veq.s32 v6, $0x0  }
0x258: {  	_ = 	snop  }
0x259: {  	v4 =	vnsel vm0, $0x0, v4  }
0x25a: {  	vm0 =	vlt.f32 v4, $0.0e+00  }
0x25b: {  	v1 =	vor.u32 v1, v2;
	vm1 =	vgt.f32 v4, $0.0e+00;
	v2 =	vsel vm0, $0x1000000, v0  }
0x25c: {  	v1 =	vor.u32 v3, v1;
	v2 =	vsel vm1, $0x2000000, v2  }
0x25d: {  	s14 =	sld [smem:$0x7FC];
	[tilespmem:s13+$0x1D630] =	vst v4;
	v1 =	vor.u32 v2, v1  }
0x25e: {  	s0 =	simm.s32 $0x0;
	s13 =	rddreg [dreg:$0x1a];
	[tilespmem:s9+$0x0] =	vst v1  }
0x25f: {  	[hbm4b:s13+s0] =	stream.linear.scatter [tilespmem:s4], [sflag:$0x5], $0x640, $0x38;
	[tilespmem:$0x1EF80] =	vst v63  }
0x260: {  	s15 =	sld [smem:$0x7EB]  }
0x261: {  	[hbm4b:s14+s0] =	stream.linear.scatter [tilespmem:s5], [sflag:$0x5], $0x190, $0x38;
	[tilespmem:$0x1EF80] =	vst v63  }
0x262: {  	s13 =	sld [smem:$0x7EE]  }
0x263: {  	[tilespmem:s21], [sflag:$0x2] =	stream.linear.gather [hbm4b:s15+s0], $0x640, $0x38;
	[tilespmem:$0x1EF80] =	vst v63  }
0x264: {  	s14 =	sld [smem:$0x7F1]  }
0x265: {  	[tilespmem:s22], [sflag:$0x2] =	stream.linear.gather [hbm4b:s13+s0], $0x640, $0x38;
	[tilespmem:$0x1EF80] =	vst v63  }
0x266: {  	s15 =	sld [smem:$0x7F4]  }
0x267: {  	[tilespmem:s23], [sflag:$0x2] =	stream.linear.gather [hbm4b:s14+s0], $0x640, $0x38;
	[tilespmem:$0x1EF80] =	vst v63  }
0x268: {  	_ = 	snop  }
0x269: {  	[tilespmem:s24], [sflag:$0x2] =	stream.linear.gather [hbm4b:s15+s0], $0x640, $0x38;
	[tilespmem:$0x1EF80] =	vst v63  }
0x26a: {  	_ =	swait.ge [sflag:s6], $0x640  }
0x26b: {  	[sflag:s6] =	ssyncset.done $0x0  }
0x26c: {  	[sflag:s6] =	ssyncadd.s32 $0xFFFFF9C0  }
0x26d: {  	_ =	swait.ge [sflag:s6], $0x640  }
0x26e: {  	[sflag:s6] =	ssyncset.done $0x0  }
0x26f: {  	[sflag:s6] =	ssyncadd.s32 $0xFFFFF9C0  }
0x270: {  	_ =	swait.ge [sflag:s6], $0x640  }
0x271: {  	[sflag:s6] =	ssyncset.done $0x0  }
0x272: {  	[sflag:s6] =	ssyncadd.s32 $0xFFFFF9C0  }
0x273: {  	_ =	swait.ge [sflag:s6], $0x640  }
0x274: {  	[sflag:s6] =	ssyncset.done $0x0  }
0x275: {  	[sflag:s6] =	ssyncadd.s32 $0xFFFFF9C0  }
0x276: {  	_ =	swait.ge [sflag:s2], $0x640  }
0x277: {  	[sflag:s2] =	ssyncset.done $0x0  }
0x278: {  	[sflag:s2] =	ssyncadd.s32 $0xFFFFF9C0  }
0x279: {  	_ =	swait.ge [sflag:s2], $0x190  }
0x27a: {  	[sflag:s2] =	ssyncset.done $0x0  }
0x27b: {  	s13 =	simm.s32 $0x0;
	[sflag:s2] =	ssyncadd.s32 $0xFFFFFE70  }
0x27c: {  	v1 =	vld [tilespmem:s13+$0x18E80]  }
0x27d: {  	v2 =	vld [tilespmem:s13+$0x1A200]  }
0x27e: {  	v3 =	vld [tilespmem:s13+$0x1B580];
	_ =	sdelay $0x4  }
0x27f: {  	(erf) = vrcp.f32 v3;
	_ =	sdelay $0x1  }
0x280: {  	v1 =	vld.idx.msk [tilespmem:v1+s10+$0x0], $0xffff  }
0x281: {  	v2 =	vld.idx.msk [tilespmem:v2+s10+$0x0], $0xffff  }
0x282: {  	v4 =	vld [tilespmem:s13+$0x1C900]  }
0x283: {  	v5 =	vld [tilespmem:s13+$0x1A210]  }
0x284: {  	v3 =	vld [tilespmem:s13+$0x18E90]  }
0x285: {  	v6 =	vld [tilespmem:s13+$0x1B590]  }
0x286: {  	v1 =	vsub.f32 v2, v1  }
0x287: {  	v2 =	vpop (erf)  }
0x288: {  	v1 =	vmul.f32 v2, v1  }
0x289: {  	vm0 =	veq.s32 v4, $0x0  }
0x28a: {  	(erf) = vrcp.f32 v6;
	v1 =	vnsel vm0, $0x0, v1  }
0x28b: {  	[tilespmem:s13+$0x1DC80] =	vst v1  }
0x28c: {  	v2 =	vld.idx.msk [tilespmem:v3+s10+$0x0], $0xffff  }
0x28d: {  	v3 =	vld.idx.msk [tilespmem:v5+s10+$0x0], $0xffff  }
0x28e: {  	v7 =	vld [tilespmem:s13+$0x1B5A0]  }
0x28f: {  	v4 =	vld [tilespmem:s13+$0x18EA0]  }
0x290: {  	v5 =	vld [tilespmem:s13+$0x1C910]  }
0x291: {  	v6 =	vld [tilespmem:s13+$0x1A220]  }
0x292: {  	v2 =	vsub.f32 v3, v2  }
0x293: {  	v3 =	vpop (erf)  }
0x294: {  	v2 =	vmul.f32 v3, v2  }
0x295: {  	vm0 =	veq.s32 v5, $0x0  }
0x296: {  	(erf) = vrcp.f32 v7;
	v2 =	vnsel vm0, $0x0, v2  }
0x297: {  	[tilespmem:s13+$0x1DC90] =	vst v2  }
0x298: {  	v3 =	vld.idx.msk [tilespmem:v4+s10+$0x0], $0xffff  }
0x299: {  	v4 =	vld.idx.msk [tilespmem:v6+s10+$0x0], $0xffff  }
0x29a: {  	v8 =	vld [tilespmem:s13+$0x1B5B0]  }
0x29b: {  	v7 =	vld [tilespmem:s13+$0x1C920]  }
0x29c: {  	v6 =	vld [tilespmem:s13+$0x18EB0]  }
0x29d: {  	v5 =	vld [tilespmem:s13+$0x1A230]  }
0x29e: {  	v3 =	vsub.f32 v4, v3  }
0x29f: {  	v4 =	vpop (erf)  }
0x2a0: {  	v3 =	vmul.f32 v4, v3  }
0x2a1: {  	vm0 =	veq.s32 v7, $0x0  }
0x2a2: {  	(erf) = vrcp.f32 v8;
	v3 =	vnsel vm0, $0x0, v3  }
0x2a3: {  	[tilespmem:s13+$0x1DCA0] =	vst v3  }
0x2a4: {  	v4 =	vld.idx.msk [tilespmem:v6+s10+$0x0], $0xffff  }
0x2a5: {  	v5 =	vld.idx.msk [tilespmem:v5+s10+$0x0], $0xffff;
	_ =	sdelay $0x1  }
0x2a6: {  	vm0 =	vlt.f32 v1, $0.0e+00;
	v6 =	vld [tilespmem:s13+$0x1C930]  }
0x2a7: {  	vm1 =	vgt.f32 v1, $0.0e+00;
	v1 =	vsel vm0, $0x1, v0  }
0x2a8: {  	vm0 =	vlt.f32 v2, $0.0e+00;
	v1 =	vsel vm1, $0x2, v1;
	vm1 =	vgt.f32 v2, $0.0e+00  }
0x2a9: {  	v2 =	vsel vm0, $0x100, v0;
	vm0 =	vlt.f32 v3, $0.0e+00;
	v4 =	vsub.f32 v5, v4  }
0x2aa: {  	v2 =	vsel vm1, $0x200, v2;
	vm1 =	vgt.f32 v3, $0.0e+00;
	v3 =	vsel vm0, $0x10000, v0;
	v5 =	vpop (erf)  }
0x2ab: {  	s9 =	simm.s32 $0x1EB80;
	s14 =	simm.s32 $0x1EB80;
	s0 =	simm.s32 $0x100;
	v3 =	vsel vm1, $0x20000, v3;
	vm0 =	veq.s32 v6, $0x0;
	v4 =	vmul.f32 v5, v4  }
.LBB2_10:
0x2ac: {  	p0 =	sne.s32 s0, $0x1800  }
0x2ad: {  	s14 =	sadd.s32 $0x10, s14;
	s15 =	smov.u32 s0;
	s0 =	sadd.s32 $0x100, s0;
	v4 =	vnsel vm0, $0x0, v4  }
0x2ae: {  	v1 =	vor.u32 v1, v2;
	[tilespmem:s13+$0x1DCB0] =	vst v4;
	vm0 =	vgt.f32 v4, $0.0e+00;
	vm1 =	vlt.f32 v4, $0.0e+00  }
0x2af: {  	v1 =	vor.u32 v3, v1;
	v2 =	vsel vm1, $0x1000000, v0  }
0x2b0: {  	v2 =	vsel vm0, $0x2000000, v2  }
0x2b1: {  	s13 =	sshra.s32 s15, $0x2;
	v1 =	vor.u32 v2, v1  }
0x2b2: {  	[tilespmem:s9+$0x0] =	vst v1;
	s9 =	smov.u32 s14  }
0x2b3: {  	v1 =	vld [tilespmem:s13+$0x18E80]  }
0x2b4: {  	v2 =	vld [tilespmem:s13+$0x1A200]  }
0x2b5: {  	v3 =	vld [tilespmem:s13+$0x1B580];
	_ =	sdelay $0x4  }
0x2b6: {  	(erf) = vrcp.f32 v3  }
0x2b7: {  	v1 =	vld.idx.msk [tilespmem:v1+s10+$0x0], $0xffff  }
0x2b8: {  	v2 =	vld.idx.msk [tilespmem:v2+s10+$0x0], $0xffff;
	_ =	sdelay $0x2  }
0x2b9: {  	v3 =	vld [tilespmem:s13+$0x18E90]  }
0x2ba: {  	v4 =	vld [tilespmem:s13+$0x1C900]  }
0x2bb: {  	v5 =	vld [tilespmem:s13+$0x1A210]  }
0x2bc: {  	v1 =	vsub.f32 v2, v1;
	v2 =	vld [tilespmem:s13+$0x1B590]  }
0x2bd: {  	v6 =	vpop (erf)  }
0x2be: {  	v1 =	vmul.f32 v6, v1  }
0x2bf: {  	vm0 =	veq.s32 v4, $0x0  }
0x2c0: {  	v1 =	vnsel vm0, $0x0, v1  }
0x2c1: {  	[tilespmem:s13+$0x1DC80] =	vst v1;
	vm0 =	vlt.f32 v1, $0.0e+00;
	(erf) = vrcp.f32 v2  }
0x2c2: {  	vm1 =	vgt.f32 v1, $0.0e+00;
	v1 =	vsel vm0, $0x1, v0;
	v2 =	vld.idx.msk [tilespmem:v3+s10+$0x0], $0xffff  }
0x2c3: {  	v1 =	vsel vm1, $0x2, v1;
	v3 =	vld.idx.msk [tilespmem:v5+s10+$0x0], $0xffff;
	_ =	sdelay $0x2  }
0x2c4: {  	v4 =	vld [tilespmem:s13+$0x18EA0]  }
0x2c5: {  	v5 =	vld [tilespmem:s13+$0x1C910]  }
0x2c6: {  	v6 =	vld [tilespmem:s13+$0x1A220]  }
0x2c7: {  	v2 =	vsub.f32 v3, v2;
	v3 =	vld [tilespmem:s13+$0x1B5A0]  }
0x2c8: {  	v7 =	vpop (erf)  }
0x2c9: {  	v2 =	vmul.f32 v7, v2  }
0x2ca: {  	vm0 =	veq.s32 v5, $0x0  }
0x2cb: {  	v2 =	vnsel vm0, $0x0, v2  }
0x2cc: {  	[tilespmem:s13+$0x1DC90] =	vst v2;
	vm0 =	vlt.f32 v2, $0.0e+00;
	(erf) = vrcp.f32 v3  }
0x2cd: {  	vm1 =	vgt.f32 v2, $0.0e+00;
	v2 =	vsel vm0, $0x100, v0;
	v3 =	vld.idx.msk [tilespmem:v4+s10+$0x0], $0xffff  }
0x2ce: {  	v2 =	vsel vm1, $0x200, v2;
	v4 =	vld.idx.msk [tilespmem:v6+s10+$0x0], $0xffff;
	_ =	sdelay $0x1  }
0x2cf: {  	v5 =	vld [tilespmem:s13+$0x1A230]  }
0x2d0: {  	v6 =	vld [tilespmem:s13+$0x18EB0]  }
0x2d1: {  	v7 =	vld [tilespmem:s13+$0x1C920]  }
0x2d2: {  	v8 =	vld [tilespmem:s13+$0x1B5B0]  }
0x2d3: {  	v3 =	vsub.f32 v4, v3  }
0x2d4: {  	v4 =	vpop (erf)  }
0x2d5: {  	v3 =	vmul.f32 v4, v3  }
0x2d6: {  	vm0 =	veq.s32 v7, $0x0  }
0x2d7: {  	v3 =	vnsel vm0, $0x0, v3;
	(erf) = vrcp.f32 v8  }
0x2d8: {  	[tilespmem:s13+$0x1DCA0] =	vst v3;
	vm0 =	vlt.f32 v3, $0.0e+00  }
0x2d9: {  	vm1 =	vgt.f32 v3, $0.0e+00;
	v3 =	vsel vm0, $0x10000, v0;
	v4 =	vld.idx.msk [tilespmem:v6+s10+$0x0], $0xffff  }
0x2da: {  	v3 =	vsel vm1, $0x20000, v3;
	v5 =	vld.idx.msk [tilespmem:v5+s10+$0x0], $0xffff;
	_ =	sdelay $0x2  }
0x2db: {  	v6 =	vld [tilespmem:s13+$0x1C930]  }
.Ltmp4:
0x2dc: {  	(pc) =	sbr.rel @p0 .LBB2_10-.Ltmp4, $3  }
0x2dd: {  	_ = 	snop  }
0x2de: {  	v4 =	vsub.f32 v5, v4;
	v5 =	vpop (erf);
	_ =	sdelay $0x1  }
0x2df: {  	v4 =	vmul.f32 v5, v4;
	vm0 =	veq.s32 v6, $0x0  }
0x2e0: {  	_ = 	snop  }
0x2e1: {  	v4 =	vnsel vm0, $0x0, v4  }
0x2e2: {  	vm0 =	vlt.f32 v4, $0.0e+00  }
0x2e3: {  	v1 =	vor.u32 v1, v2;
	vm1 =	vgt.f32 v4, $0.0e+00;
	v2 =	vsel vm0, $0x1000000, v0  }
0x2e4: {  	v1 =	vor.u32 v3, v1;
	v2 =	vsel vm1, $0x2000000, v2  }
0x2e5: {  	s14 =	sld [smem:$0x7FD];
	[tilespmem:s13+$0x1DCB0] =	vst v4;
	v1 =	vor.u32 v2, v1  }
0x2e6: {  	s0 =	simm.s32 $0x0;
	s13 =	rddreg [dreg:$0x1f];
	[tilespmem:s9+$0x0] =	vst v1  }
0x2e7: {  	[hbm4b:s13+s0] =	stream.linear.scatter [tilespmem:s7], [sflag:$0x6], $0x640, $0x38;
	[tilespmem:$0x1EF80] =	vst v63  }
0x2e8: {  	s15 =	sld [smem:$0x7EC]  }
0x2e9: {  	[hbm4b:s14+s0] =	stream.linear.scatter [tilespmem:s8], [sflag:$0x6], $0x190, $0x38;
	[tilespmem:$0x1EF80] =	vst v63  }
0x2ea: {  	s13 =	sld [smem:$0x7EF]  }
0x2eb: {  	[tilespmem:s25], [sflag:$0x3] =	stream.linear.gather [hbm4b:s15+s0], $0x640, $0x38;
	[tilespmem:$0x1EF80] =	vst v63  }
0x2ec: {  	s14 =	sld [smem:$0x7F2]  }
0x2ed: {  	[tilespmem:s26], [sflag:$0x3] =	stream.linear.gather [hbm4b:s13+s0], $0x640, $0x38;
	[tilespmem:$0x1EF80] =	vst v63  }
0x2ee: {  	s15 =	sld [smem:$0x7F5]  }
0x2ef: {  	[tilespmem:s28], [sflag:$0x3] =	stream.linear.gather [hbm4b:s14+s0], $0x640, $0x38;
	[tilespmem:$0x1EF80] =	vst v63  }
0x2f0: {  	_ = 	snop  }
0x2f1: {  	[tilespmem:s29], [sflag:$0x3] =	stream.linear.gather [hbm4b:s15+s0], $0x640, $0x38;
	[tilespmem:$0x1EF80] =	vst v63  }
0x2f2: {  	_ =	swait.ge [sflag:s31], $0x640  }
0x2f3: {  	[sflag:s31] =	ssyncset.done $0x0  }
0x2f4: {  	[sflag:s31] =	ssyncadd.s32 $0xFFFFF9C0  }
0x2f5: {  	_ =	swait.ge [sflag:s31], $0x640  }
0x2f6: {  	[sflag:s31] =	ssyncset.done $0x0  }
0x2f7: {  	[sflag:s31] =	ssyncadd.s32 $0xFFFFF9C0  }
0x2f8: {  	_ =	swait.ge [sflag:s31], $0x640  }
0x2f9: {  	[sflag:s31] =	ssyncset.done $0x0  }
0x2fa: {  	[sflag:s31] =	ssyncadd.s32 $0xFFFFF9C0  }
0x2fb: {  	_ =	swait.ge [sflag:s31], $0x640  }
0x2fc: {  	[sflag:s31] =	ssyncset.done $0x0  }
0x2fd: {  	[sflag:s31] =	ssyncadd.s32 $0xFFFFF9C0  }
0x2fe: {  	_ =	swait.ge [sflag:s11], $0x640  }
0x2ff: {  	[sflag:s11] =	ssyncset.done $0x0  }
0x300: {  	[sflag:s11] =	ssyncadd.s32 $0xFFFFF9C0  }
0x301: {  	_ =	swait.ge [sflag:s11], $0x190  }
0x302: {  	[sflag:s11] =	ssyncset.done $0x0  }
0x303: {  	s13 =	simm.s32 $0x0;
	[sflag:s11] =	ssyncadd.s32 $0xFFFFFE70  }
0x304: {  	v1 =	vld [tilespmem:s13+$0x19500]  }
0x305: {  	v2 =	vld [tilespmem:s13+$0x1A880]  }
0x306: {  	v3 =	vld [tilespmem:s13+$0x1BC00];
	_ =	sdelay $0x4  }
0x307: {  	(erf) = vrcp.f32 v3;
	_ =	sdelay $0x1  }
0x308: {  	v1 =	vld.idx.msk [tilespmem:v1+s10+$0x0], $0xffff  }
0x309: {  	v2 =	vld.idx.msk [tilespmem:v2+s10+$0x0], $0xffff  }
0x30a: {  	v4 =	vld [tilespmem:s13+$0x1CF80]  }
0x30b: {  	v5 =	vld [tilespmem:s13+$0x1A890]  }
0x30c: {  	v3 =	vld [tilespmem:s13+$0x19510]  }
0x30d: {  	v6 =	vld [tilespmem:s13+$0x1BC10]  }
0x30e: {  	v1 =	vsub.f32 v2, v1  }
0x30f: {  	v2 =	vpop (erf)  }
0x310: {  	v1 =	vmul.f32 v2, v1  }
0x311: {  	vm0 =	veq.s32 v4, $0x0  }
0x312: {  	(erf) = vrcp.f32 v6;
	v1 =	vnsel vm0, $0x0, v1  }
0x313: {  	[tilespmem:s13+$0x1E300] =	vst v1  }
0x314: {  	v2 =	vld.idx.msk [tilespmem:v3+s10+$0x0], $0xffff  }
0x315: {  	v3 =	vld.idx.msk [tilespmem:v5+s10+$0x0], $0xffff  }
0x316: {  	v7 =	vld [tilespmem:s13+$0x1BC20]  }
0x317: {  	v4 =	vld [tilespmem:s13+$0x19520]  }
0x318: {  	v5 =	vld [tilespmem:s13+$0x1CF90]  }
0x319: {  	v6 =	vld [tilespmem:s13+$0x1A8A0]  }
0x31a: {  	v2 =	vsub.f32 v3, v2  }
0x31b: {  	v3 =	vpop (erf)  }
0x31c: {  	v2 =	vmul.f32 v3, v2  }
0x31d: {  	vm0 =	veq.s32 v5, $0x0  }
0x31e: {  	(erf) = vrcp.f32 v7;
	v2 =	vnsel vm0, $0x0, v2  }
0x31f: {  	[tilespmem:s13+$0x1E310] =	vst v2  }
0x320: {  	v3 =	vld.idx.msk [tilespmem:v4+s10+$0x0], $0xffff  }
0x321: {  	v4 =	vld.idx.msk [tilespmem:v6+s10+$0x0], $0xffff  }
0x322: {  	v8 =	vld [tilespmem:s13+$0x1BC30]  }
0x323: {  	v7 =	vld [tilespmem:s13+$0x1CFA0]  }
0x324: {  	v6 =	vld [tilespmem:s13+$0x19530]  }
0x325: {  	v5 =	vld [tilespmem:s13+$0x1A8B0]  }
0x326: {  	v3 =	vsub.f32 v4, v3  }
0x327: {  	v4 =	vpop (erf)  }
0x328: {  	v3 =	vmul.f32 v4, v3  }
0x329: {  	vm0 =	veq.s32 v7, $0x0  }
0x32a: {  	(erf) = vrcp.f32 v8;
	v3 =	vnsel vm0, $0x0, v3  }
0x32b: {  	[tilespmem:s13+$0x1E320] =	vst v3  }
0x32c: {  	v4 =	vld.idx.msk [tilespmem:v6+s10+$0x0], $0xffff  }
0x32d: {  	v5 =	vld.idx.msk [tilespmem:v5+s10+$0x0], $0xffff;
	_ =	sdelay $0x1  }
0x32e: {  	vm0 =	vlt.f32 v1, $0.0e+00;
	v6 =	vld [tilespmem:s13+$0x1CFB0]  }
0x32f: {  	vm1 =	vgt.f32 v1, $0.0e+00;
	v1 =	vsel vm0, $0x1, v0  }
0x330: {  	vm0 =	vlt.f32 v2, $0.0e+00;
	v1 =	vsel vm1, $0x2, v1;
	vm1 =	vgt.f32 v2, $0.0e+00  }
0x331: {  	v2 =	vsel vm0, $0x100, v0;
	vm0 =	vlt.f32 v3, $0.0e+00;
	v4 =	vsub.f32 v5, v4  }
0x332: {  	v2 =	vsel vm1, $0x200, v2;
	vm1 =	vgt.f32 v3, $0.0e+00;
	v3 =	vsel vm0, $0x10000, v0;
	v5 =	vpop (erf)  }
0x333: {  	s9 =	simm.s32 $0x1ED80;
	s14 =	simm.s32 $0x1ED80;
	s0 =	simm.s32 $0x100;
	v3 =	vsel vm1, $0x20000, v3;
	vm0 =	veq.s32 v6, $0x0;
	v4 =	vmul.f32 v5, v4  }
.LBB2_12:
0x334: {  	p0 =	sne.s32 s0, $0x1800  }
0x335: {  	s14 =	sadd.s32 $0x10, s14;
	s15 =	smov.u32 s0;
	s0 =	sadd.s32 $0x100, s0;
	v4 =	vnsel vm0, $0x0, v4  }
0x336: {  	v1 =	vor.u32 v1, v2;
	[tilespmem:s13+$0x1E330] =	vst v4;
	vm0 =	vgt.f32 v4, $0.0e+00;
	vm1 =	vlt.f32 v4, $0.0e+00  }
0x337: {  	v1 =	vor.u32 v3, v1;
	v2 =	vsel vm1, $0x1000000, v0  }
0x338: {  	v2 =	vsel vm0, $0x2000000, v2  }
0x339: {  	s13 =	sshra.s32 s15, $0x2;
	v1 =	vor.u32 v2, v1  }
0x33a: {  	[tilespmem:s9+$0x0] =	vst v1;
	s9 =	smov.u32 s14  }
0x33b: {  	v1 =	vld [tilespmem:s13+$0x19500]  }
0x33c: {  	v2 =	vld [tilespmem:s13+$0x1A880]  }
0x33d: {  	v3 =	vld [tilespmem:s13+$0x1BC00];
	_ =	sdelay $0x4  }
0x33e: {  	(erf) = vrcp.f32 v3  }
0x33f: {  	v1 =	vld.idx.msk [tilespmem:v1+s10+$0x0], $0xffff  }
0x340: {  	v2 =	vld.idx.msk [tilespmem:v2+s10+$0x0], $0xffff;
	_ =	sdelay $0x2  }
0x341: {  	v3 =	vld [tilespmem:s13+$0x19510]  }
0x342: {  	v4 =	vld [tilespmem:s13+$0x1CF80]  }
0x343: {  	v5 =	vld [tilespmem:s13+$0x1A890]  }
0x344: {  	v1 =	vsub.f32 v2, v1;
	v2 =	vld [tilespmem:s13+$0x1BC10]  }
0x345: {  	v6 =	vpop (erf)  }
0x346: {  	v1 =	vmul.f32 v6, v1  }
0x347: {  	vm0 =	veq.s32 v4, $0x0  }
0x348: {  	v1 =	vnsel vm0, $0x0, v1  }
0x349: {  	[tilespmem:s13+$0x1E300] =	vst v1;
	vm0 =	vlt.f32 v1, $0.0e+00;
	(erf) = vrcp.f32 v2  }
0x34a: {  	vm1 =	vgt.f32 v1, $0.0e+00;
	v1 =	vsel vm0, $0x1, v0;
	v2 =	vld.idx.msk [tilespmem:v3+s10+$0x0], $0xffff  }
0x34b: {  	v1 =	vsel vm1, $0x2, v1;
	v3 =	vld.idx.msk [tilespmem:v5+s10+$0x0], $0xffff;
	_ =	sdelay $0x2  }
0x34c: {  	v4 =	vld [tilespmem:s13+$0x19520]  }
0x34d: {  	v5 =	vld [tilespmem:s13+$0x1CF90]  }
0x34e: {  	v6 =	vld [tilespmem:s13+$0x1A8A0]  }
0x34f: {  	v2 =	vsub.f32 v3, v2;
	v3 =	vld [tilespmem:s13+$0x1BC20]  }
0x350: {  	v7 =	vpop (erf)  }
0x351: {  	v2 =	vmul.f32 v7, v2  }
0x352: {  	vm0 =	veq.s32 v5, $0x0  }
0x353: {  	v2 =	vnsel vm0, $0x0, v2  }
0x354: {  	[tilespmem:s13+$0x1E310] =	vst v2;
	vm0 =	vlt.f32 v2, $0.0e+00;
	(erf) = vrcp.f32 v3  }
0x355: {  	vm1 =	vgt.f32 v2, $0.0e+00;
	v2 =	vsel vm0, $0x100, v0;
	v3 =	vld.idx.msk [tilespmem:v4+s10+$0x0], $0xffff  }
0x356: {  	v2 =	vsel vm1, $0x200, v2;
	v4 =	vld.idx.msk [tilespmem:v6+s10+$0x0], $0xffff;
	_ =	sdelay $0x1  }
0x357: {  	v5 =	vld [tilespmem:s13+$0x1A8B0]  }
0x358: {  	v6 =	vld [tilespmem:s13+$0x19530]  }
0x359: {  	v7 =	vld [tilespmem:s13+$0x1CFA0]  }
0x35a: {  	v8 =	vld [tilespmem:s13+$0x1BC30]  }
0x35b: {  	v3 =	vsub.f32 v4, v3  }
0x35c: {  	v4 =	vpop (erf)  }
0x35d: {  	v3 =	vmul.f32 v4, v3  }
0x35e: {  	vm0 =	veq.s32 v7, $0x0  }
0x35f: {  	v3 =	vnsel vm0, $0x0, v3;
	(erf) = vrcp.f32 v8  }
0x360: {  	[tilespmem:s13+$0x1E320] =	vst v3;
	vm0 =	vlt.f32 v3, $0.0e+00  }
0x361: {  	vm1 =	vgt.f32 v3, $0.0e+00;
	v3 =	vsel vm0, $0x10000, v0;
	v4 =	vld.idx.msk [tilespmem:v6+s10+$0x0], $0xffff  }
0x362: {  	v3 =	vsel vm1, $0x20000, v3;
	v5 =	vld.idx.msk [tilespmem:v5+s10+$0x0], $0xffff;
	_ =	sdelay $0x2  }
0x363: {  	v6 =	vld [tilespmem:s13+$0x1CFB0]  }
.Ltmp5:
0x364: {  	(pc) =	sbr.rel @p0 .LBB2_12-.Ltmp5, $3  }
0x365: {  	_ = 	snop  }
0x366: {  	v4 =	vsub.f32 v5, v4;
	v5 =	vpop (erf);
	_ =	sdelay $0x1  }
0x367: {  	v4 =	vmul.f32 v5, v4;
	vm0 =	veq.s32 v6, $0x0  }
0x368: {  	_ = 	snop  }
0x369: {  	v4 =	vnsel vm0, $0x0, v4  }
0x36a: {  	vm0 =	vlt.f32 v4, $0.0e+00  }
0x36b: {  	v1 =	vor.u32 v1, v2;
	vm1 =	vgt.f32 v4, $0.0e+00;
	v2 =	vsel vm0, $0x1000000, v0  }
0x36c: {  	v1 =	vor.u32 v3, v1;
	[tilespmem:s13+$0x1E330] =	vst v4;
	s13 =	sld [smem:$0x7F6];
	v2 =	vsel vm1, $0x2000000, v2  }
0x36d: {  	v1 =	vor.u32 v2, v1  }
0x36e: {  	s0 =	simm.s32 $0x0;
	s14 =	simm.s32 $0x1E300;
	[tilespmem:s9+$0x0] =	vst v1  }
0x36f: {  	[hbm4b:s13+s0] =	stream.linear.scatter [tilespmem:s14], [sflag:$0x7], $0x640, $0x38;
	[tilespmem:$0x1EF80] =	vst v63  }
0x370: {  	s15 =	simm.s32 $0x1ED80  }
0x371: {  	[hbm4b:s16+s0] =	stream.linear.scatter [tilespmem:s15], [sflag:$0x7], $0x190, $0x38;
	[tilespmem:$0x1EF80] =	vst v63  }
0x372: {  	_ =	swait.ge [sflag:s3], $0x640  }
0x373: {  	[sflag:s3] =	ssyncset.done $0x0  }
0x374: {  	[sflag:s3] =	ssyncadd.s32 $0xFFFFF9C0  }
0x375: {  	_ =	swait.ge [sflag:s3], $0x640  }
0x376: {  	[sflag:s3] =	ssyncset.done $0x0  }
0x377: {  	[sflag:s3] =	ssyncadd.s32 $0xFFFFF9C0  }
0x378: {  	_ =	swait.ge [sflag:s3], $0x640  }
0x379: {  	[sflag:s3] =	ssyncset.done $0x0  }
0x37a: {  	[sflag:s3] =	ssyncadd.s32 $0xFFFFF9C0  }
0x37b: {  	_ =	swait.ge [sflag:s3], $0x640  }
0x37c: {  	[sflag:s3] =	ssyncset.done $0x0  }
0x37d: {  	[sflag:s3] =	ssyncadd.s32 $0xFFFFF9C0  }
0x37e: {  	_ =	swait.ge [sflag:s1], $0x640  }
0x37f: {  	[sflag:s1] =	ssyncset.done $0x0  }
0x380: {  	[sflag:s1] =	ssyncadd.s32 $0xFFFFF9C0  }
0x381: {  	_ =	swait.ge [sflag:s1], $0x190  }
0x382: {  	[sflag:s1] =	ssyncset.done $0x0  }
0x383: {  	s13 =	simm.s32 $0x0;
	[sflag:s1] =	ssyncadd.s32 $0xFFFFFE70  }
0x384: {  	v1 =	vld [tilespmem:s13+$0x18800]  }
0x385: {  	v2 =	vld [tilespmem:s13+$0x19B80]  }
0x386: {  	v3 =	vld [tilespmem:s13+$0x1AF00];
	_ =	sdelay $0x4  }
0x387: {  	(erf) = vrcp.f32 v3;
	_ =	sdelay $0x1  }
0x388: {  	v1 =	vld.idx.msk [tilespmem:v1+s10+$0x0], $0xffff  }
0x389: {  	v2 =	vld.idx.msk [tilespmem:v2+s10+$0x0], $0xffff  }
0x38a: {  	v4 =	vld [tilespmem:s13+$0x1C280]  }
0x38b: {  	v5 =	vld [tilespmem:s13+$0x19B90]  }
0x38c: {  	v3 =	vld [tilespmem:s13+$0x18810]  }
0x38d: {  	v6 =	vld [tilespmem:s13+$0x1AF10]  }
0x38e: {  	v1 =	vsub.f32 v2, v1  }
0x38f: {  	v2 =	vpop (erf)  }
0x390: {  	v1 =	vmul.f32 v2, v1  }
0x391: {  	vm0 =	veq.s32 v4, $0x0  }
0x392: {  	(erf) = vrcp.f32 v6;
	v1 =	vnsel vm0, $0x0, v1  }
0x393: {  	[tilespmem:s13+$0x1D600] =	vst v1  }
0x394: {  	v2 =	vld.idx.msk [tilespmem:v3+s10+$0x0], $0xffff  }
0x395: {  	v3 =	vld.idx.msk [tilespmem:v5+s10+$0x0], $0xffff  }
0x396: {  	v7 =	vld [tilespmem:s13+$0x1AF20]  }
0x397: {  	v4 =	vld [tilespmem:s13+$0x18820]  }
0x398: {  	v5 =	vld [tilespmem:s13+$0x1C290]  }
0x399: {  	v6 =	vld [tilespmem:s13+$0x19BA0]  }
0x39a: {  	v2 =	vsub.f32 v3, v2  }
0x39b: {  	v3 =	vpop (erf)  }
0x39c: {  	v2 =	vmul.f32 v3, v2  }
0x39d: {  	vm0 =	veq.s32 v5, $0x0  }
0x39e: {  	(erf) = vrcp.f32 v7;
	v2 =	vnsel vm0, $0x0, v2  }
0x39f: {  	[tilespmem:s13+$0x1D610] =	vst v2  }
0x3a0: {  	v3 =	vld.idx.msk [tilespmem:v4+s10+$0x0], $0xffff  }
0x3a1: {  	v4 =	vld.idx.msk [tilespmem:v6+s10+$0x0], $0xffff  }
0x3a2: {  	v8 =	vld [tilespmem:s13+$0x1AF30]  }
0x3a3: {  	v7 =	vld [tilespmem:s13+$0x1C2A0]  }
0x3a4: {  	v6 =	vld [tilespmem:s13+$0x18830]  }
0x3a5: {  	v5 =	vld [tilespmem:s13+$0x19BB0]  }
0x3a6: {  	v3 =	vsub.f32 v4, v3  }
0x3a7: {  	v4 =	vpop (erf)  }
0x3a8: {  	v3 =	vmul.f32 v4, v3  }
0x3a9: {  	vm0 =	veq.s32 v7, $0x0  }
0x3aa: {  	(erf) = vrcp.f32 v8;
	v3 =	vnsel vm0, $0x0, v3  }
0x3ab: {  	[tilespmem:s13+$0x1D620] =	vst v3  }
0x3ac: {  	v4 =	vld.idx.msk [tilespmem:v6+s10+$0x0], $0xffff  }
0x3ad: {  	v5 =	vld.idx.msk [tilespmem:v5+s10+$0x0], $0xffff;
	_ =	sdelay $0x1  }
0x3ae: {  	vm0 =	vlt.f32 v1, $0.0e+00;
	v6 =	vld [tilespmem:s13+$0x1C2B0]  }
0x3af: {  	vm1 =	vgt.f32 v1, $0.0e+00;
	v1 =	vsel vm0, $0x1, v0  }
0x3b0: {  	vm0 =	vlt.f32 v2, $0.0e+00;
	v1 =	vsel vm1, $0x2, v1;
	vm1 =	vgt.f32 v2, $0.0e+00  }
0x3b1: {  	v2 =	vsel vm0, $0x100, v0;
	vm0 =	vlt.f32 v3, $0.0e+00;
	v4 =	vsub.f32 v5, v4  }
0x3b2: {  	v2 =	vsel vm1, $0x200, v2;
	vm1 =	vgt.f32 v3, $0.0e+00;
	v3 =	vsel vm0, $0x10000, v0;
	v5 =	vpop (erf)  }
0x3b3: {  	s9 =	simm.s32 $0x1E980;
	s14 =	simm.s32 $0x1E980;
	s0 =	simm.s32 $0x100;
	v3 =	vsel vm1, $0x20000, v3;
	vm0 =	veq.s32 v6, $0x0;
	v4 =	vmul.f32 v5, v4  }
.LBB2_14:
0x3b4: {  	p0 =	sne.s32 s0, $0x1800  }
0x3b5: {  	s14 =	sadd.s32 $0x10, s14;
	s15 =	smov.u32 s0;
	s0 =	sadd.s32 $0x100, s0;
	v4 =	vnsel vm0, $0x0, v4  }
0x3b6: {  	v1 =	vor.u32 v1, v2;
	[tilespmem:s13+$0x1D630] =	vst v4;
	vm0 =	vgt.f32 v4, $0.0e+00;
	vm1 =	vlt.f32 v4, $0.0e+00  }
0x3b7: {  	v1 =	vor.u32 v3, v1;
	v2 =	vsel vm1, $0x1000000, v0  }
0x3b8: {  	v2 =	vsel vm0, $0x2000000, v2  }
0x3b9: {  	s13 =	sshra.s32 s15, $0x2;
	v1 =	vor.u32 v2, v1  }
0x3ba: {  	[tilespmem:s9+$0x0] =	vst v1;
	s9 =	smov.u32 s14  }
0x3bb: {  	v1 =	vld [tilespmem:s13+$0x18800]  }
0x3bc: {  	v2 =	vld [tilespmem:s13+$0x19B80]  }
0x3bd: {  	v3 =	vld [tilespmem:s13+$0x1AF00];
	_ =	sdelay $0x4  }
0x3be: {  	(erf) = vrcp.f32 v3  }
0x3bf: {  	v1 =	vld.idx.msk [tilespmem:v1+s10+$0x0], $0xffff  }
0x3c0: {  	v2 =	vld.idx.msk [tilespmem:v2+s10+$0x0], $0xffff;
	_ =	sdelay $0x2  }
0x3c1: {  	v3 =	vld [tilespmem:s13+$0x18810]  }
0x3c2: {  	v4 =	vld [tilespmem:s13+$0x1C280]  }
0x3c3: {  	v5 =	vld [tilespmem:s13+$0x19B90]  }
0x3c4: {  	v1 =	vsub.f32 v2, v1;
	v2 =	vld [tilespmem:s13+$0x1AF10]  }
0x3c5: {  	v6 =	vpop (erf)  }
0x3c6: {  	v1 =	vmul.f32 v6, v1  }
0x3c7: {  	vm0 =	veq.s32 v4, $0x0  }
0x3c8: {  	v1 =	vnsel vm0, $0x0, v1  }
0x3c9: {  	[tilespmem:s13+$0x1D600] =	vst v1;
	vm0 =	vlt.f32 v1, $0.0e+00;
	(erf) = vrcp.f32 v2  }
0x3ca: {  	vm1 =	vgt.f32 v1, $0.0e+00;
	v1 =	vsel vm0, $0x1, v0;
	v2 =	vld.idx.msk [tilespmem:v3+s10+$0x0], $0xffff  }
0x3cb: {  	v1 =	vsel vm1, $0x2, v1;
	v3 =	vld.idx.msk [tilespmem:v5+s10+$0x0], $0xffff;
	_ =	sdelay $0x2  }
0x3cc: {  	v4 =	vld [tilespmem:s13+$0x18820]  }
0x3cd: {  	v5 =	vld [tilespmem:s13+$0x1C290]  }
0x3ce: {  	v6 =	vld [tilespmem:s13+$0x19BA0]  }
0x3cf: {  	v2 =	vsub.f32 v3, v2;
	v3 =	vld [tilespmem:s13+$0x1AF20]  }
0x3d0: {  	v7 =	vpop (erf)  }
0x3d1: {  	v2 =	vmul.f32 v7, v2  }
0x3d2: {  	vm0 =	veq.s32 v5, $0x0  }
0x3d3: {  	v2 =	vnsel vm0, $0x0, v2  }
0x3d4: {  	[tilespmem:s13+$0x1D610] =	vst v2;
	vm0 =	vlt.f32 v2, $0.0e+00;
	(erf) = vrcp.f32 v3  }
0x3d5: {  	vm1 =	vgt.f32 v2, $0.0e+00;
	v2 =	vsel vm0, $0x100, v0;
	v3 =	vld.idx.msk [tilespmem:v4+s10+$0x0], $0xffff  }
0x3d6: {  	v2 =	vsel vm1, $0x200, v2;
	v4 =	vld.idx.msk [tilespmem:v6+s10+$0x0], $0xffff;
	_ =	sdelay $0x1  }
0x3d7: {  	v5 =	vld [tilespmem:s13+$0x19BB0]  }
0x3d8: {  	v6 =	vld [tilespmem:s13+$0x18830]  }
0x3d9: {  	v7 =	vld [tilespmem:s13+$0x1C2A0]  }
0x3da: {  	v8 =	vld [tilespmem:s13+$0x1AF30]  }
0x3db: {  	v3 =	vsub.f32 v4, v3  }
0x3dc: {  	v4 =	vpop (erf)  }
0x3dd: {  	v3 =	vmul.f32 v4, v3  }
0x3de: {  	vm0 =	veq.s32 v7, $0x0  }
0x3df: {  	v3 =	vnsel vm0, $0x0, v3;
	(erf) = vrcp.f32 v8  }
0x3e0: {  	[tilespmem:s13+$0x1D620] =	vst v3;
	vm0 =	vlt.f32 v3, $0.0e+00  }
0x3e1: {  	vm1 =	vgt.f32 v3, $0.0e+00;
	v3 =	vsel vm0, $0x10000, v0;
	v4 =	vld.idx.msk [tilespmem:v6+s10+$0x0], $0xffff  }
0x3e2: {  	v3 =	vsel vm1, $0x20000, v3;
	v5 =	vld.idx.msk [tilespmem:v5+s10+$0x0], $0xffff;
	_ =	sdelay $0x2  }
0x3e3: {  	v6 =	vld [tilespmem:s13+$0x1C2B0]  }
.Ltmp6:
0x3e4: {  	(pc) =	sbr.rel @p0 .LBB2_14-.Ltmp6, $3  }
0x3e5: {  	_ = 	snop  }
0x3e6: {  	v4 =	vsub.f32 v5, v4;
	v5 =	vpop (erf);
	_ =	sdelay $0x1  }
0x3e7: {  	v4 =	vmul.f32 v5, v4;
	vm0 =	veq.s32 v6, $0x0  }
0x3e8: {  	_ = 	snop  }
0x3e9: {  	v4 =	vnsel vm0, $0x0, v4  }
0x3ea: {  	vm0 =	vlt.f32 v4, $0.0e+00  }
0x3eb: {  	v1 =	vor.u32 v1, v2;
	vm1 =	vgt.f32 v4, $0.0e+00;
	v2 =	vsel vm0, $0x1000000, v0  }
0x3ec: {  	s15 =	sld [smem:$0x7F7];
	v1 =	vor.u32 v3, v1;
	v2 =	vsel vm1, $0x2000000, v2  }
0x3ed: {  	[tilespmem:s13+$0x1D630] =	vst v4;
	v1 =	vor.u32 v2, v1  }
0x3ee: {  	s0 =	simm.s32 $0x0;
	[tilespmem:s9+$0x0] =	vst v1  }
0x3ef: {  	[hbm4b:s15+s0] =	stream.linear.scatter [tilespmem:s4], [sflag:$0x5], $0x640, $0x38;
	[tilespmem:$0x1EF80] =	vst v63  }
0x3f0: {  	_ = 	snop  }
0x3f1: {  	[hbm4b:s17+s0] =	stream.linear.scatter [tilespmem:s5], [sflag:$0x5], $0x190, $0x38;
	[tilespmem:$0x1EF80] =	vst v63  }
0x3f2: {  	_ =	swait.ge [sflag:s6], $0x640  }
0x3f3: {  	[sflag:s6] =	ssyncset.done $0x0  }
0x3f4: {  	[sflag:s6] =	ssyncadd.s32 $0xFFFFF9C0  }
0x3f5: {  	_ =	swait.ge [sflag:s6], $0x640  }
0x3f6: {  	[sflag:s6] =	ssyncset.done $0x0  }
0x3f7: {  	[sflag:s6] =	ssyncadd.s32 $0xFFFFF9C0  }
0x3f8: {  	_ =	swait.ge [sflag:s6], $0x640  }
0x3f9: {  	[sflag:s6] =	ssyncset.done $0x0  }
0x3fa: {  	[sflag:s6] =	ssyncadd.s32 $0xFFFFF9C0  }
0x3fb: {  	_ =	swait.ge [sflag:s6], $0x640  }
0x3fc: {  	[sflag:s6] =	ssyncset.done $0x0  }
0x3fd: {  	[sflag:s6] =	ssyncadd.s32 $0xFFFFF9C0  }
0x3fe: {  	_ =	swait.ge [sflag:s2], $0x640  }
0x3ff: {  	[sflag:s2] =	ssyncset.done $0x0  }
0x400: {  	[sflag:s2] =	ssyncadd.s32 $0xFFFFF9C0  }
0x401: {  	_ =	swait.ge [sflag:s2], $0x190  }
0x402: {  	[sflag:s2] =	ssyncset.done $0x0  }
0x403: {  	s13 =	simm.s32 $0x0;
	[sflag:s2] =	ssyncadd.s32 $0xFFFFFE70  }
0x404: {  	v1 =	vld [tilespmem:s13+$0x18E80]  }
0x405: {  	v2 =	vld [tilespmem:s13+$0x1A200]  }
0x406: {  	v3 =	vld [tilespmem:s13+$0x1B580];
	_ =	sdelay $0x4  }
0x407: {  	(erf) = vrcp.f32 v3;
	_ =	sdelay $0x1  }
0x408: {  	v1 =	vld.idx.msk [tilespmem:v1+s10+$0x0], $0xffff  }
0x409: {  	v2 =	vld.idx.msk [tilespmem:v2+s10+$0x0], $0xffff  }
0x40a: {  	v4 =	vld [tilespmem:s13+$0x1C900]  }
0x40b: {  	v5 =	vld [tilespmem:s13+$0x1A210]  }
0x40c: {  	v3 =	vld [tilespmem:s13+$0x18E90]  }
0x40d: {  	v6 =	vld [tilespmem:s13+$0x1B590]  }
0x40e: {  	v1 =	vsub.f32 v2, v1  }
0x40f: {  	v2 =	vpop (erf)  }
0x410: {  	v1 =	vmul.f32 v2, v1  }
0x411: {  	vm0 =	veq.s32 v4, $0x0  }
0x412: {  	(erf) = vrcp.f32 v6;
	v1 =	vnsel vm0, $0x0, v1  }
0x413: {  	[tilespmem:s13+$0x1DC80] =	vst v1  }
0x414: {  	v2 =	vld.idx.msk [tilespmem:v3+s10+$0x0], $0xffff  }
0x415: {  	v3 =	vld.idx.msk [tilespmem:v5+s10+$0x0], $0xffff  }
0x416: {  	v7 =	vld [tilespmem:s13+$0x1B5A0]  }
0x417: {  	v4 =	vld [tilespmem:s13+$0x18EA0]  }
0x418: {  	v5 =	vld [tilespmem:s13+$0x1C910]  }
0x419: {  	v6 =	vld [tilespmem:s13+$0x1A220]  }
0x41a: {  	v2 =	vsub.f32 v3, v2  }
0x41b: {  	v3 =	vpop (erf)  }
0x41c: {  	v2 =	vmul.f32 v3, v2  }
0x41d: {  	vm0 =	veq.s32 v5, $0x0  }
0x41e: {  	(erf) = vrcp.f32 v7;
	v2 =	vnsel vm0, $0x0, v2  }
0x41f: {  	[tilespmem:s13+$0x1DC90] =	vst v2  }
0x420: {  	v3 =	vld.idx.msk [tilespmem:v4+s10+$0x0], $0xffff  }
0x421: {  	v4 =	vld.idx.msk [tilespmem:v6+s10+$0x0], $0xffff  }
0x422: {  	v8 =	vld [tilespmem:s13+$0x1B5B0]  }
0x423: {  	v7 =	vld [tilespmem:s13+$0x1C920]  }
0x424: {  	v6 =	vld [tilespmem:s13+$0x18EB0]  }
0x425: {  	v5 =	vld [tilespmem:s13+$0x1A230]  }
0x426: {  	v3 =	vsub.f32 v4, v3  }
0x427: {  	v4 =	vpop (erf)  }
0x428: {  	v3 =	vmul.f32 v4, v3  }
0x429: {  	vm0 =	veq.s32 v7, $0x0  }
0x42a: {  	(erf) = vrcp.f32 v8;
	v3 =	vnsel vm0, $0x0, v3  }
0x42b: {  	[tilespmem:s13+$0x1DCA0] =	vst v3  }
0x42c: {  	v4 =	vld.idx.msk [tilespmem:v6+s10+$0x0], $0xffff  }
0x42d: {  	v5 =	vld.idx.msk [tilespmem:v5+s10+$0x0], $0xffff;
	_ =	sdelay $0x1  }
0x42e: {  	vm0 =	vlt.f32 v1, $0.0e+00;
	v6 =	vld [tilespmem:s13+$0x1C930]  }
0x42f: {  	vm1 =	vgt.f32 v1, $0.0e+00;
	v1 =	vsel vm0, $0x1, v0  }
0x430: {  	vm0 =	vlt.f32 v2, $0.0e+00;
	v1 =	vsel vm1, $0x2, v1;
	vm1 =	vgt.f32 v2, $0.0e+00  }
0x431: {  	v2 =	vsel vm0, $0x100, v0;
	vm0 =	vlt.f32 v3, $0.0e+00;
	v4 =	vsub.f32 v5, v4  }
0x432: {  	v2 =	vsel vm1, $0x200, v2;
	vm1 =	vgt.f32 v3, $0.0e+00;
	v3 =	vsel vm0, $0x10000, v0;
	v5 =	vpop (erf)  }
0x433: {  	s14 =	simm.s32 $0x1EB80;
	s9 =	simm.s32 $0x1EB80;
	s0 =	simm.s32 $0x100;
	v3 =	vsel vm1, $0x20000, v3;
	vm0 =	veq.s32 v6, $0x0;
	v4 =	vmul.f32 v5, v4  }
.LBB2_16:
0x434: {  	p0 =	sne.s32 s0, $0x1800  }
0x435: {  	s14 =	sadd.s32 $0x10, s14;
	s15 =	smov.u32 s0;
	s0 =	sadd.s32 $0x100, s0;
	v4 =	vnsel vm0, $0x0, v4  }
0x436: {  	v1 =	vor.u32 v1, v2;
	[tilespmem:s13+$0x1DCB0] =	vst v4;
	vm0 =	vgt.f32 v4, $0.0e+00;
	vm1 =	vlt.f32 v4, $0.0e+00  }
0x437: {  	v1 =	vor.u32 v3, v1;
	v2 =	vsel vm1, $0x1000000, v0  }
0x438: {  	v2 =	vsel vm0, $0x2000000, v2  }
0x439: {  	s13 =	sshra.s32 s15, $0x2;
	v1 =	vor.u32 v2, v1  }
0x43a: {  	[tilespmem:s9+$0x0] =	vst v1;
	s9 =	smov.u32 s14  }
0x43b: {  	v1 =	vld [tilespmem:s13+$0x18E80]  }
0x43c: {  	v2 =	vld [tilespmem:s13+$0x1A200]  }
0x43d: {  	v3 =	vld [tilespmem:s13+$0x1B580];
	_ =	sdelay $0x4  }
0x43e: {  	(erf) = vrcp.f32 v3  }
0x43f: {  	v1 =	vld.idx.msk [tilespmem:v1+s10+$0x0], $0xffff  }
0x440: {  	v2 =	vld.idx.msk [tilespmem:v2+s10+$0x0], $0xffff;
	_ =	sdelay $0x2  }
0x441: {  	v3 =	vld [tilespmem:s13+$0x18E90]  }
0x442: {  	v4 =	vld [tilespmem:s13+$0x1C900]  }
0x443: {  	v5 =	vld [tilespmem:s13+$0x1A210]  }
0x444: {  	v1 =	vsub.f32 v2, v1;
	v2 =	vld [tilespmem:s13+$0x1B590]  }
0x445: {  	v6 =	vpop (erf)  }
0x446: {  	v1 =	vmul.f32 v6, v1  }
0x447: {  	vm0 =	veq.s32 v4, $0x0  }
0x448: {  	v1 =	vnsel vm0, $0x0, v1  }
0x449: {  	[tilespmem:s13+$0x1DC80] =	vst v1;
	vm0 =	vlt.f32 v1, $0.0e+00;
	(erf) = vrcp.f32 v2  }
0x44a: {  	vm1 =	vgt.f32 v1, $0.0e+00;
	v1 =	vsel vm0, $0x1, v0;
	v2 =	vld.idx.msk [tilespmem:v3+s10+$0x0], $0xffff  }
0x44b: {  	v1 =	vsel vm1, $0x2, v1;
	v3 =	vld.idx.msk [tilespmem:v5+s10+$0x0], $0xffff;
	_ =	sdelay $0x2  }
0x44c: {  	v4 =	vld [tilespmem:s13+$0x18EA0]  }
0x44d: {  	v5 =	vld [tilespmem:s13+$0x1C910]  }
0x44e: {  	v6 =	vld [tilespmem:s13+$0x1A220]  }
0x44f: {  	v2 =	vsub.f32 v3, v2;
	v3 =	vld [tilespmem:s13+$0x1B5A0]  }
0x450: {  	v7 =	vpop (erf)  }
0x451: {  	v2 =	vmul.f32 v7, v2  }
0x452: {  	vm0 =	veq.s32 v5, $0x0  }
0x453: {  	v2 =	vnsel vm0, $0x0, v2  }
0x454: {  	[tilespmem:s13+$0x1DC90] =	vst v2;
	vm0 =	vlt.f32 v2, $0.0e+00;
	(erf) = vrcp.f32 v3  }
0x455: {  	vm1 =	vgt.f32 v2, $0.0e+00;
	v2 =	vsel vm0, $0x100, v0;
	v3 =	vld.idx.msk [tilespmem:v4+s10+$0x0], $0xffff  }
0x456: {  	v2 =	vsel vm1, $0x200, v2;
	v4 =	vld.idx.msk [tilespmem:v6+s10+$0x0], $0xffff;
	_ =	sdelay $0x1  }
0x457: {  	v5 =	vld [tilespmem:s13+$0x1A230]  }
0x458: {  	v6 =	vld [tilespmem:s13+$0x18EB0]  }
0x459: {  	v7 =	vld [tilespmem:s13+$0x1C920]  }
0x45a: {  	v8 =	vld [tilespmem:s13+$0x1B5B0]  }
0x45b: {  	v3 =	vsub.f32 v4, v3  }
0x45c: {  	v4 =	vpop (erf)  }
0x45d: {  	v3 =	vmul.f32 v4, v3  }
0x45e: {  	vm0 =	veq.s32 v7, $0x0  }
0x45f: {  	v3 =	vnsel vm0, $0x0, v3;
	(erf) = vrcp.f32 v8  }
0x460: {  	[tilespmem:s13+$0x1DCA0] =	vst v3;
	vm0 =	vlt.f32 v3, $0.0e+00  }
0x461: {  	vm1 =	vgt.f32 v3, $0.0e+00;
	v3 =	vsel vm0, $0x10000, v0;
	v4 =	vld.idx.msk [tilespmem:v6+s10+$0x0], $0xffff  }
0x462: {  	v3 =	vsel vm1, $0x20000, v3;
	v5 =	vld.idx.msk [tilespmem:v5+s10+$0x0], $0xffff;
	_ =	sdelay $0x2  }
0x463: {  	v6 =	vld [tilespmem:s13+$0x1C930]  }
.Ltmp7:
0x464: {  	(pc) =	sbr.rel @p0 .LBB2_16-.Ltmp7, $3  }
0x465: {  	_ = 	snop  }
0x466: {  	v4 =	vsub.f32 v5, v4;
	v5 =	vpop (erf);
	_ =	sdelay $0x1  }
0x467: {  	v4 =	vmul.f32 v5, v4;
	vm0 =	veq.s32 v6, $0x0  }
0x468: {  	_ = 	snop  }
0x469: {  	v4 =	vnsel vm0, $0x0, v4  }
0x46a: {  	vm0 =	vlt.f32 v4, $0.0e+00  }
0x46b: {  	v1 =	vor.u32 v1, v2;
	vm1 =	vgt.f32 v4, $0.0e+00;
	v2 =	vsel vm0, $0x1000000, v0  }
0x46c: {  	s0 =	sld [smem:$0x7F8];
	v1 =	vor.u32 v3, v1;
	v2 =	vsel vm1, $0x2000000, v2  }
0x46d: {  	[tilespmem:s13+$0x1DCB0] =	vst v4;
	v1 =	vor.u32 v2, v1  }
0x46e: {  	[tilespmem:s9+$0x0] =	vst v1  }
0x46f: {  	[hbm4b:s0+s10] =	stream.linear.scatter [tilespmem:s7], [sflag:$0x6], $0x640, $0x38;
	[tilespmem:$0x1EF80] =	vst v63  }
0x470: {  	_ = 	snop  }
0x471: {  	[hbm4b:s18+s10] =	stream.linear.scatter [tilespmem:s8], [sflag:$0x6], $0x190, $0x38;
	[tilespmem:$0x1EF80] =	vst v63  }
0x472: {  	_ =	swait.ge [sflag:s11], $0x640  }
0x473: {  	[sflag:s11] =	ssyncset.done $0x0  }
0x474: {  	[sflag:s11] =	ssyncadd.s32 $0xFFFFF9C0  }
0x475: {  	_ =	swait.ge [sflag:s11], $0x190  }
0x476: {  	[sflag:s11] =	ssyncset.done $0x0  }
0x477: {  	[sflag:s11] =	ssyncadd.s32 $0xFFFFFE70  }
0x478: {  	_ =	swait.ge [sflag:s1], $0x640  }
0x479: {  	[sflag:s1] =	ssyncset.done $0x0  }
0x47a: {  	[sflag:s1] =	ssyncadd.s32 $0xFFFFF9C0  }
0x47b: {  	_ =	swait.ge [sflag:s1], $0x190  }
0x47c: {  	[sflag:s1] =	ssyncset.done $0x0  }
0x47d: {  	s12 =	sadd.s32 $0x1, s12;
	[sflag:s1] =	ssyncadd.s32 $0xFFFFFE70  }
0x47e: {  	p0 =	sne.s32 s12, s20;
	_ =	swait.ge [sflag:s2], $0x640  }
.Ltmp8:
0x47f: {  	[sflag:s2] =	ssyncset.done $0x0;
	(pc) =	sbr.rel @p0 .LBB2_1-.Ltmp8, $4  }
0x480: {  	[sflag:s2] =	ssyncadd.s32 $0xFFFFF9C0  }
0x481: {  	_ =	swait.ge [sflag:s2], $0x190  }
0x482: {  	[sflag:s2] =	ssyncset.done $0x0  }
0x483: {  	[sflag:s2] =	ssyncadd.s32 $0xFFFFFE70  }
0x484: {  	_ =	sfence.sel $0x180000  }
0x485: {  	[bflag:$0x0] =	sbarrier.arrive $0xFFFF  }
0x486: {  	_ =	strace $0x9000004A  }
0x487: {  	s0 =	stileid.u32;
	[bflag:$0x2] =	sbarrier.arrive $0xFFFF  }
0x488: {  	p0 =	sne.s32 s0, $0x0;
	s0 =	rddreg [dreg:$0x6]  }
0x489: {  	s0 =	sadd.s32 @!p0 $0x100000, s0  }
0x48a: {  	[sflag:s0] =	ssyncadd.tile.s32 @!p0 $0x1;
	_ =	shalt  }
.Lfunc_end2:
_tile_overlayer_lowered:
.L_overlay_start_2:
0x48b: {  	(tag) =	ssettag $0x2  }
0x48c: {  	s0 =	rddreg [dreg:$0x0];
	s2 =	stileid.u32  }
0x48d: {  	s1 =	rddreg [dreg:$0x1];
	p0 =	sne.s32 s2, $0x0  }
0x48e: {  	s3 =	rddreg [dreg:$0x2];
	[bflag:$0x3] =	sbarrier.arrive $0xFFFF;
	s2 =	simm.s32 @!p0 $0x1C08  }
0x48f: {  	[timem:s3], [sflag:s2] =	dma.local @!p0 [hbm:s0], s1  }
0x490: {  	s0 =	simm.s32 @!p0 $0x8  }
0x491: {  	_ =	swait.ge @!p0 [sflag:s0], s1  }
0x492: {  	s1 =	ssub.s32 @!p0 $0x0, s1;
	[sflag:s0] =	ssyncset.done @!p0 $0x0  }
0x493: {  	[sflag:s0] =	ssyncadd.s32 @!p0 s1  }
0x494: {  	[bflag:$0x3] =	sbarrier.arrive $0xFFFF  }
0x495: {  	_ =	shalt  }

</sc_bundles>
